<compile_context>
chip_gen: v7x
topology: tpu7x:2x2x1
jax: 0.10.2.dev20260603
libtpu: 0.0.44.dev20260713+nightly
codegen_flags: <defaults>
</compile_context>

<pallas_src>
import functools

import jax
import jax.numpy as jnp
from jax import lax
from jax.experimental import pallas as pl
from jax.experimental.pallas import tpu as pltpu
from jax.experimental.pallas import tpu_sc as plsc

N = 10000
E = 320000
D = 128
EPS = 1e-5

NC = 2
NS = 16
NW = NC * NS
CH = 64
EP = 327680
EW_PER = EP // NW
NCH = EW_PER // CH
NP = 10240
RPT = NP // NS
DCH = 2048

_mesh = plsc.VectorSubcoreMesh(core_axis_name="c", subcore_axis_name="s")
_sc_params = pltpu.CompilerParams(needs_layout_passes=False)


@functools.partial(
    pl.kernel,
    out_type=jax.ShapeDtypeStruct((NC, NS, NP), jnp.float32),
    mesh=_mesh,
    compiler_params=_sc_params,
    scratch_types=[
        pltpu.VMEM((DCH,), jnp.int32),
        pltpu.VMEM((DCH,), jnp.float32),
        pltpu.VMEM((NP,), jnp.float32),
    ],
)
def _deg_kernel(dst_hbm, ew_hbm, out_hbm, didx, ewv, deg_t):
    c = lax.axis_index("c")
    s = lax.axis_index("s")
    wid = s * NC + c
    base = wid * EW_PER

    @pl.loop(0, NP, step=16)
    def _zero(i):
        deg_t[pl.ds(i, 16)] = jnp.zeros((16,), jnp.float32)

    @pl.loop(0, EW_PER // DCH)
    def _chunk(g):
        off = base + g * DCH
        pltpu.sync_copy(dst_hbm.at[pl.ds(off, DCH)], didx)
        pltpu.sync_copy(ew_hbm.at[pl.ds(off, DCH)], ewv)

        @pl.loop(0, DCH, step=16)
        def _grp(i):
            idx = didx[pl.ds(i, 16)]
            vals = ewv[pl.ds(i, 16)]
            plsc.addupdate_scatter(deg_t, [idx], vals)

    pltpu.sync_copy(deg_t, out_hbm.at[c, s])


def _make_agg(w):
    @functools.partial(
        pl.kernel,
        out_type=jax.ShapeDtypeStruct((NC, NP, w), jnp.float32),
        mesh=_mesh,
        compiler_params=_sc_params,
        scratch_types=[
            pltpu.VMEM((2, CH), jnp.int32),
            pltpu.VMEM((2, CH), jnp.int32),
            pltpu.VMEM((2, CH, 16), jnp.float32),
            pltpu.VMEM((2, CH, w), jnp.float32),
            pltpu.VMEM_SHARED((NP, w), jnp.float32),
            pltpu.SemaphoreType.DMA,
            pltpu.SemaphoreType.DMA,
            pltpu.SemaphoreType.DMA,
            pltpu.SemaphoreType.DMA,
            pltpu.SemaphoreType.DMA,
            pltpu.SemaphoreType.DMA,
            pltpu.SemaphoreType.DMA,
            pltpu.SemaphoreType.DMA,
        ],
    )
    def _agg(ht_hbm, src_hbm, dst_hbm, ewb_hbm, z_hbm, out_hbm,
             sidx, didx, ewm, rows, acc,
             sg0, sg1, ss0, ss1, sde0, sde1, ssx0, ssx1):
        sem_g = (sg0, sg1)
        sem_s = (ss0, ss1)
        sem_de = (sde0, sde1)
        sem_sx = (ssx0, ssx1)
        c = lax.axis_index("c")
        s = lax.axis_index("s")
        wid = s * NC + c
        base = wid * EW_PER
        pltpu.sync_copy(z_hbm.at[pl.ds(s * RPT, RPT)], acc.at[pl.ds(s * RPT, RPT)])
        plsc.subcore_barrier()

        def issue_sidx(g, b):
            pltpu.async_copy(src_hbm.at[pl.ds(base + g * CH, CH)], sidx.at[b],
                             sem_sx[b])

        def issue_de(g, b):
            pltpu.async_copy(dst_hbm.at[pl.ds(base + g * CH, CH)], didx.at[b],
                             sem_de[b])
            pltpu.async_copy(ewb_hbm.at[pl.ds(base + g * CH, CH)], ewm.at[b],
                             sem_de[b])

        def wait_small(sem, dst):
            pltpu.make_async_copy(src_hbm.at[pl.ds(0, CH)], dst, sem).wait()

        def wait_ew(sem, b):
            pltpu.make_async_copy(ewb_hbm.at[pl.ds(0, CH)], ewm.at[b], sem).wait()

        def wait_rows(sem, b):
            pltpu.make_async_copy(ht_hbm.at[pl.ds(0, CH)], rows.at[b], sem).wait()

        issue_sidx(0, 0)
        issue_de(0, 0)
        wait_small(sem_sx[0], sidx.at[0])
        pltpu.async_copy(ht_hbm.at[sidx.at[0]], rows.at[0], sem_g[0])
        issue_sidx(1, 1)

        @pl.loop(0, NCH // 2)
        def _pair(gg):
            for b0 in (0, 1):
                b1 = 1 - b0
                g = gg * 2 + b0

                @pl.when(g > 0)
                def _retire():
                    wait_rows(sem_s[b1], b1)

                @pl.when(g + 1 < NCH)
                def _prefetch():
                    issue_de(g + 1, b1)
                    wait_small(sem_sx[b1], sidx.at[b1])
                    pltpu.async_copy(ht_hbm.at[sidx.at[b1]], rows.at[b1],
                                     sem_g[b1])

                wait_rows(sem_g[b0], b0)

                @pl.when(g + 2 < NCH)
                def _prefetch_sidx():
                    issue_sidx(g + 2, b0)

                wait_small(sem_de[b0], didx.at[b0])
                wait_ew(sem_de[b0], b0)

                @pl.loop(0, CH)
                def _row(k):
                    v = ewm[b0, k, :]
                    for j in range(w // 16):
                        rows[b0, k, pl.ds(j * 16, 16)] = (
                            rows[b0, k, pl.ds(j * 16, 16)] * v)

                pltpu.async_copy(rows.at[b0], acc.at[didx.at[b0]], sem_s[b0],
                                 add=True)

        wait_rows(sem_s[(NCH - 1) % 2], (NCH - 1) % 2)
        plsc.subcore_barrier()
        pltpu.sync_copy(acc.at[pl.ds(s * RPT, RPT)], out_hbm.at[c, pl.ds(s * RPT, RPT)])

    return _agg


_agg128 = _make_agg(D)



def _tc1_body(degp_ref, x_ref, w1_ref, ht1_ref, d16_ref):
    deg = 1.0 + jnp.sum(degp_ref[:N], axis=1)
    dinv = 1.0 / jnp.sqrt(deg)
    d16_ref[...] = jnp.broadcast_to(dinv[:, None], (N, 16))
    h = jnp.dot(x_ref[...], w1_ref[...], preferred_element_type=jnp.float32)
    ht1_ref[...] = h * dinv[:, None]


def _tc_mid_body(acc_ref, ht_ref, d16_ref, b_ref, s_ref, be_ref, w_ref, out_ref):
    dv = jnp.broadcast_to(d16_ref[:, 0:1], (N, D))
    y = dv * (acc_ref[0, :N] + acc_ref[1, :N] + ht_ref[...]) + b_ref[...]
    z = jnp.maximum(s_ref[...] * y + be_ref[...], 0.0)
    h = jnp.dot(z, w_ref[...], preferred_element_type=jnp.float32)
    out_ref[...] = h * dv


def _tc3_body(acc_ref, ht_ref, d16_ref, b_ref, s_ref, be_ref, out_ref):
    dv = jnp.broadcast_to(d16_ref[:, 0:1], (N, D))
    y = dv * (acc_ref[0, :N] + acc_ref[1, :N] + ht_ref[...]) + b_ref[...]
    z = jnp.maximum(s_ref[...] * y + be_ref[...], 0.0)
    out_ref[...] = z * dv


def _tc4_body(acc_ref, zd_ref, d16_ref, w3_ref, b3_ref, out_ref):
    q = acc_ref[0, :N] + acc_ref[1, :N] + zd_ref[...]
    h3 = jnp.dot(q, w3_ref[...], preferred_element_type=jnp.float32)
    y = d16_ref[...] * h3 + b3_ref[...]
    l0 = y[:, 0:1]
    l1 = y[:, 1:2]
    m = jnp.maximum(l0, l1)
    lse = m + jnp.log(jnp.exp(l0 - m) + jnp.exp(l1 - m))
    out_ref[...] = jnp.concatenate([l0 - lse, l1 - lse], axis=1)


def kernel(x, edge_index, edge_weight, W1, b1, g1, be1, W2, b2, g2, be2, W3, b3):
    f32 = jnp.float32
    src = edge_index[0]
    dst = edge_index[1]
    pad = EP - E
    srcp = jnp.concatenate([src, jnp.zeros((pad,), src.dtype)])
    dstp = jnp.concatenate([dst, jnp.zeros((pad,), dst.dtype)])
    ewp = jnp.concatenate([edge_weight, jnp.zeros((pad,), f32)])
    ewb = jnp.broadcast_to(ewp[:, None], (EP, 16))
    z16 = jnp.zeros((NP, 16), f32)
    z128 = jnp.zeros((NP, D), f32)
    bn_s = 1.0 / jnp.sqrt(jnp.float32(1.0 + EPS))
    s1 = (g1 * bn_s).reshape(1, D)
    s2 = (g2 * bn_s).reshape(1, D)
    b1r = b1.reshape(1, D)
    b2r = b2.reshape(1, D)
    be1r = be1.reshape(1, D)
    be2r = be2.reshape(1, D)
    w3p = jnp.pad(W3, ((0, 0), (0, 14)))
    b3p = jnp.pad(b3, (0, 14)).reshape(1, 16)

    degp = _deg_kernel(dstp, ewp)
    deg_t = degp.reshape(NW, NP).T

    ht1, d16 = pl.pallas_call(
        _tc1_body,
        out_shape=(jax.ShapeDtypeStruct((N, D), f32),
                   jax.ShapeDtypeStruct((N, 16), f32)),
    )(deg_t, x, W1)

    acc1 = _agg128(ht1, srcp, dstp, ewb, z128)

    ht2 = pl.pallas_call(
        _tc_mid_body,
        out_shape=jax.ShapeDtypeStruct((N, D), f32),
    )(acc1, ht1, d16, b1r, s1, be1r, W2)

    acc2 = _agg128(ht2, srcp, dstp, ewb, z128)

    z2d = pl.pallas_call(
        _tc3_body,
        out_shape=jax.ShapeDtypeStruct((N, D), f32),
    )(acc2, ht2, d16, b2r, s2, be2r)

    acc3 = _agg128(z2d, srcp, dstp, ewb, z128)

    out = pl.pallas_call(
        _tc4_body,
        out_shape=jax.ShapeDtypeStruct((N, 2), f32),
    )(acc3, z2d, d16, w3p, b3p)
    return out

# --- scband reference (transcript-rebuilt; emitter-appended) ---
"""Pipeline reference for scband-rumor-gnn-30305289241271 (READ-ONLY COPY).

The authoritative reference and input builder live on the scoring server;
editing this copy changes nothing except your own understanding.
"""

import jax, jax.numpy as jnp
import numpy as np

N = 10000
E = 320000
D = 128
H = 128
C = 2
EPS = 1e-5


def _gcn_conv(x, edge_index, edge_weight, W, b):
    # Faithful PyG GCNConv: add self-loops, symmetric normalization, scatter-add aggregation.
    n = x.shape[0]
    src = edge_index[0]
    dst = edge_index[1]
    loop = jnp.arange(n, dtype=edge_index.dtype)
    src = jnp.concatenate([src, loop])
    dst = jnp.concatenate([dst, loop])
    ew = jnp.concatenate([edge_weight, jnp.ones((n,), dtype=x.dtype)])
    deg = jnp.zeros((n,), dtype=x.dtype).at[dst].add(ew)
    safe_deg = jnp.where(deg > 0, deg, 1.0)
    dinv = jnp.where(deg > 0, 1.0 / jnp.sqrt(safe_deg), 0.0)
    norm = dinv[src] * ew * dinv[dst]
    h = x @ W
    msg = h[src] * norm[:, None]
    out = jnp.zeros((n, W.shape[1]), dtype=x.dtype).at[dst].add(msg)
    return out + b


def _bn_eval(h, gamma, beta):
    # BatchNorm1d in eval mode with default running stats (mean=0, var=1).
    return gamma * (h / jnp.sqrt(1.0 + EPS)) + beta


def setup_inputs(seed: int = 0) -> dict:
    key = jax.random.key(seed)
    ks = jax.random.split(key, 8)
    x = jax.random.normal(ks[0], (N, D), dtype=jnp.float32)
    edge_index = jax.random.randint(ks[1], (2, E), 0, N, dtype=jnp.int32)
    edge_weight = jax.random.uniform(ks[2], (E,), dtype=jnp.float32)

    def glorot(k, fan_in, fan_out):
        s = float(np.sqrt(6.0 / (fan_in + fan_out)))
        return jax.random.uniform(k, (fan_in, fan_out), minval=-s, maxval=s, dtype=jnp.float32)

    return {
        "x": x,
        "edge_index": edge_index,
        "edge_weight": edge_weight,
        "W1": glorot(ks[3], D, H), "b1": jnp.zeros((H,), jnp.float32),
        "g1": jnp.ones((H,), jnp.float32), "be1": jnp.zeros((H,), jnp.float32),
        "W2": glorot(ks[4], H, H), "b2": jnp.zeros((H,), jnp.float32),
        "g2": jnp.ones((H,), jnp.float32), "be2": jnp.zeros((H,), jnp.float32),
        "W3": glorot(ks[5], H, C), "b3": jnp.zeros((C,), jnp.float32),
    }


def reference(x, edge_index, edge_weight, W1, b1, g1, be1, W2, b2, g2, be2, W3, b3):
    # eval mode: dropout is a no-op, BN uses running stats
    h = _gcn_conv(x, edge_index, edge_weight, W1, b1)
    h = jax.nn.relu(_bn_eval(h, g1, be1))
    h = _gcn_conv(h, edge_index, edge_weight, W2, b2)
    h = jax.nn.relu(_bn_eval(h, g2, be2))
    h = _gcn_conv(h, edge_index, edge_weight, W3, b3)
    return jax.nn.log_softmax(h, axis=1)

if __name__ == "__main__":
    import jax
    _d = setup_inputs()
    print(jax.jit(kernel)(*tuple(_d.values())))

</pallas_src>

<mosaic_0001>
#map = affine_map<(d0, d1) -> (0, 0)>
#map1 = affine_map<(d0, d1) -> (0)>
#map2 = affine_map<(d0, d1) -> (0, 0, 0)>
module attributes {stable_mosaic.version = 14 : i64} {
  func.func @_agg(%arg0: i32, %arg1: i32, %arg2: memref<10000x128xf32, #tpu.memory_space<hbm>>, %arg3: memref<327680xi32, #tpu.memory_space<hbm>>, %arg4: memref<327680xi32, #tpu.memory_space<hbm>>, %arg5: memref<327680x16xf32, #tpu.memory_space<hbm>>, %arg6: memref<10240x128xf32, #tpu.memory_space<hbm>>, %arg7: memref<2x10240x128xf32, #tpu.memory_space<hbm>>, %arg8: memref<2x64xi32, #tpu.memory_space<vmem>>, %arg9: memref<2x64xi32, #tpu.memory_space<vmem>>, %arg10: memref<2x64x16xf32, #tpu.memory_space<vmem>>, %arg11: memref<2x64x128xf32, #tpu.memory_space<vmem>>, %arg12: memref<10240x128xf32, #tpu.memory_space<vmem_shared>>, %arg13: memref<!tpu.dma_semaphore, #tpu.memory_space<semaphore_mem>>, %arg14: memref<!tpu.dma_semaphore, #tpu.memory_space<semaphore_mem>>, %arg15: memref<!tpu.dma_semaphore, #tpu.memory_space<semaphore_mem>>, %arg16: memref<!tpu.dma_semaphore, #tpu.memory_space<semaphore_mem>>, %arg17: memref<!tpu.dma_semaphore, #tpu.memory_space<semaphore_mem>>, %arg18: memref<!tpu.dma_semaphore, #tpu.memory_space<semaphore_mem>>, %arg19: memref<!tpu.dma_semaphore, #tpu.memory_space<semaphore_mem>>, %arg20: memref<!tpu.dma_semaphore, #tpu.memory_space<semaphore_mem>>) attributes {dimension_semantics = [#tpu.dimension_semantics<core_parallel>, #tpu.dimension_semantics<subcore_parallel>], iteration_bounds = array<i64: 2, 16>, scalar_prefetch = 0 : i64, scratch_operands = 13 : i64, tpu.core_type = #tpu.core_type<sc_vector_subcore>, window_params = [{transform_indices = #map}, {transform_indices = #map1}, {transform_indices = #map1}, {transform_indices = #map}, {transform_indices = #map}, {transform_indices = #map2}]} {
    %mul3A = arith.constant 2 : i32
    %mul3A_0 = arith.muli %arg1, %mul3A : i32
    %add3A = arith.addi %mul3A_0, %arg0 : i32
    %mul3A_1 = arith.constant 10240 : i32
    %mul3A_2 = arith.muli %add3A, %mul3A_1 : i32
    %mul3A_3 = arith.constant 640 : i32
    %mul3A_4 = arith.muli %arg1, %mul3A_3 : i32
    %mul3A_5 = arith.constant 640 : i32
    %mul3A_6 = arith.muli %arg1, %mul3A_5 : i32
    "tpu.region"() ({
      %run_scoped3A = tpu.sem_alloc : memref<!tpu.dma_semaphore, #tpu.memory_space<semaphore_mem>>
      %dma_start3A_100 = arith.constant 0 : i32
      %dma_start3A_101 = tpu.memref_slice %arg12[%mul3A_6, %dma_start3A_100] : memref<10240x128xf32, #tpu.memory_space<vmem_shared>> -> memref<640x128xf32, #tpu.memory_space<vmem_shared>>
      %dma_start3A_102 = arith.constant 0 : i32
      %dma_start3A_103 = tpu.memref_slice %arg6[%mul3A_4, %dma_start3A_102] : memref<10240x128xf32, #tpu.memory_space<hbm>> -> memref<640x128xf32, #tpu.memory_space<hbm>>
      tpu.enqueue_dma source(%dma_start3A_103 : memref<640x128xf32, #tpu.memory_space<hbm>>) target(%dma_start3A_101 : memref<640x128xf32, #tpu.memory_space<vmem_shared>>) target_semaphore(%run_scoped3A : memref<!tpu.dma_semaphore, #tpu.memory_space<semaphore_mem>>)
      %dma_wait3A_104 = arith.constant 0 : i32
      %dma_wait3A_105 = tpu.memref_slice %arg12[%mul3A_6, %dma_wait3A_104] : memref<10240x128xf32, #tpu.memory_space<vmem_shared>> -> memref<640x128xf32, #tpu.memory_space<vmem_shared>>
      %dma_wait3A_106 = arith.constant 0 : i32
      %dma_wait3A_107 = tpu.memref_slice %arg6[%mul3A_4, %dma_wait3A_106] : memref<10240x128xf32, #tpu.memory_space<hbm>> -> memref<640x128xf32, #tpu.memory_space<hbm>>
      tpu.wait_dma2 semaphore(%run_scoped3A : memref<!tpu.dma_semaphore, #tpu.memory_space<semaphore_mem>>) src(%dma_wait3A_107 : memref<640x128xf32, #tpu.memory_space<hbm>>) dst(%dma_wait3A_105 : memref<640x128xf32, #tpu.memory_space<vmem_shared>>)
      tpu.yield
    }) : () -> ()
    %barrier3A = arith.constant 0 : index
    tpu.barrier barrier_id(%barrier3A)
    %add3A_7 = arith.constant 0 : i32
    %add3A_8 = arith.addi %mul3A_2, %add3A_7 : i32
    %dma_start3A = arith.constant 0 : i32
    %dma_start3A_9 = arith.constant 0 : i32
    %dma_start3A_10 = tpu.memref_slice %arg8[%dma_start3A, %dma_start3A_9] : memref<2x64xi32, #tpu.memory_space<vmem>> -> memref<1x64xi32, #tpu.memory_space<vmem>>
    %dma_start3A_11 = tpu.memref_squeeze %dma_start3A_10 : memref<1x64xi32, #tpu.memory_space<vmem>> -> memref<64xi32, #tpu.memory_space<vmem>>
    %dma_start3A_12 = tpu.memref_slice %arg3[%add3A_8] : memref<327680xi32, #tpu.memory_space<hbm>> -> memref<64xi32, #tpu.memory_space<hbm>>
    %dma_start3A_13 = arith.constant 0 : i32
    %dma_start3A_14 = tpu.memref_slice %arg8[%dma_start3A, %dma_start3A_13] : memref<2x64xi32, #tpu.memory_space<vmem>> -> memref<1x64xi32, #tpu.memory_space<vmem>>
    %dma_start3A_15 = tpu.memref_squeeze %dma_start3A_14 : memref<1x64xi32, #tpu.memory_space<vmem>> -> memref<64xi32, #tpu.memory_space<vmem>>
    %dma_start3A_16 = tpu.memref_slice %arg3[%add3A_8] : memref<327680xi32, #tpu.memory_space<hbm>> -> memref<64xi32, #tpu.memory_space<hbm>>
    tpu.enqueue_dma source(%dma_start3A_16 : memref<64xi32, #tpu.memory_space<hbm>>) target(%dma_start3A_15 : memref<64xi32, #tpu.memory_space<vmem>>) target_semaphore(%arg19 : memref<!tpu.dma_semaphore, #tpu.memory_space<semaphore_mem>>)
    %add3A_17 = arith.constant 0 : i32
    %add3A_18 = arith.addi %mul3A_2, %add3A_17 : i32
    %dma_start3A_19 = arith.constant 0 : i32
    %dma_start3A_20 = arith.constant 0 : i32
    %dma_start3A_21 = tpu.memref_slice %arg9[%dma_start3A_19, %dma_start3A_20] : memref<2x64xi32, #tpu.memory_space<vmem>> -> memref<1x64xi32, #tpu.memory_space<vmem>>
    %dma_start3A_22 = tpu.memref_squeeze %dma_start3A_21 : memref<1x64xi32, #tpu.memory_space<vmem>> -> memref<64xi32, #tpu.memory_space<vmem>>
    %dma_start3A_23 = tpu.memref_slice %arg4[%add3A_18] : memref<327680xi32, #tpu.memory_space<hbm>> -> memref<64xi32, #tpu.memory_space<hbm>>
    %dma_start3A_24 = arith.constant 0 : i32
    %dma_start3A_25 = tpu.memref_slice %arg9[%dma_start3A_19, %dma_start3A_24] : memref<2x64xi32, #tpu.memory_space<vmem>> -> memref<1x64xi32, #tpu.memory_space<vmem>>
    %dma_start3A_26 = tpu.memref_squeeze %dma_start3A_25 : memref<1x64xi32, #tpu.memory_space<vmem>> -> memref<64xi32, #tpu.memory_space<vmem>>
    %dma_start3A_27 = tpu.memref_slice %arg4[%add3A_18] : memref<327680xi32, #tpu.memory_space<hbm>> -> memref<64xi32, #tpu.memory_space<hbm>>
    tpu.enqueue_dma source(%dma_start3A_27 : memref<64xi32, #tpu.memory_space<hbm>>) target(%dma_start3A_26 : memref<64xi32, #tpu.memory_space<vmem>>) target_semaphore(%arg17 : memref<!tpu.dma_semaphore, #tpu.memory_space<semaphore_mem>>)
    %add3A_28 = arith.constant 0 : i32
    %add3A_29 = arith.addi %mul3A_2, %add3A_28 : i32
    %dma_start3A_30 = arith.constant 0 : i32
    %dma_start3A_31 = arith.constant 0 : i32
    %dma_start3A_32 = arith.constant 0 : i32
    %dma_start3A_33 = tpu.memref_slice %arg10[%dma_start3A_30, %dma_start3A_31, %dma_start3A_32] : memref<2x64x16xf32, #tpu.memory_space<vmem>> -> memref<1x64x16xf32, #tpu.memory_space<vmem>>
    %dma_start3A_34 = tpu.memref_squeeze %dma_start3A_33 : memref<1x64x16xf32, #tpu.memory_space<vmem>> -> memref<64x16xf32, #tpu.memory_space<vmem>>
    %dma_start3A_35 = arith.constant 0 : i32
    %dma_start3A_36 = tpu.memref_slice %arg5[%add3A_29, %dma_start3A_35] : memref<327680x16xf32, #tpu.memory_space<hbm>> -> memref<64x16xf32, #tpu.memory_space<hbm>>
    %dma_start3A_37 = arith.constant 0 : i32
    %dma_start3A_38 = arith.constant 0 : i32
    %dma_start3A_39 = tpu.memref_slice %arg10[%dma_start3A_30, %dma_start3A_37, %dma_start3A_38] : memref<2x64x16xf32, #tpu.memory_space<vmem>> -> memref<1x64x16xf32, #tpu.memory_space<vmem>>
    %dma_start3A_40 = tpu.memref_squeeze %dma_start3A_39 : memref<1x64x16xf32, #tpu.memory_space<vmem>> -> memref<64x16xf32, #tpu.memory_space<vmem>>
    %dma_start3A_41 = arith.constant 0 : i32
    %dma_start3A_42 = tpu.memref_slice %arg5[%add3A_29, %dma_start3A_41] : memref<327680x16xf32, #tpu.memory_space<hbm>> -> memref<64x16xf32, #tpu.memory_space<hbm>>
    tpu.enqueue_dma source(%dma_start3A_42 : memref<64x16xf32, #tpu.memory_space<hbm>>) target(%dma_start3A_40 : memref<64x16xf32, #tpu.memory_space<vmem>>) target_semaphore(%arg17 : memref<!tpu.dma_semaphore, #tpu.memory_space<semaphore_mem>>)
    %dma_wait3A = arith.constant 0 : i32
    %dma_wait3A_43 = arith.constant 0 : i32
    %dma_wait3A_44 = tpu.memref_slice %arg8[%dma_wait3A, %dma_wait3A_43] : memref<2x64xi32, #tpu.memory_space<vmem>> -> memref<1x64xi32, #tpu.memory_space<vmem>>
    %dma_wait3A_45 = tpu.memref_squeeze %dma_wait3A_44 : memref<1x64xi32, #tpu.memory_space<vmem>> -> memref<64xi32, #tpu.memory_space<vmem>>
    %dma_wait3A_46 = arith.constant 0 : i32
    %dma_wait3A_47 = tpu.memref_slice %arg3[%dma_wait3A_46] : memref<327680xi32, #tpu.memory_space<hbm>> -> memref<64xi32, #tpu.memory_space<hbm>>
    %dma_wait3A_48 = arith.constant 0 : i32
    %dma_wait3A_49 = tpu.memref_slice %arg8[%dma_wait3A, %dma_wait3A_48] : memref<2x64xi32, #tpu.memory_space<vmem>> -> memref<1x64xi32, #tpu.memory_space<vmem>>
    %dma_wait3A_50 = tpu.memref_squeeze %dma_wait3A_49 : memref<1x64xi32, #tpu.memory_space<vmem>> -> memref<64xi32, #tpu.memory_space<vmem>>
    %dma_wait3A_51 = arith.constant 0 : i32
    %dma_wait3A_52 = tpu.memref_slice %arg3[%dma_wait3A_51] : memref<327680xi32, #tpu.memory_space<hbm>> -> memref<64xi32, #tpu.memory_space<hbm>>
    tpu.wait_dma2 semaphore(%arg19 : memref<!tpu.dma_semaphore, #tpu.memory_space<semaphore_mem>>) src(%dma_wait3A_52 : memref<64xi32, #tpu.memory_space<hbm>>) dst(%dma_wait3A_50 : memref<64xi32, #tpu.memory_space<vmem>>)
    %dma_start3A_53 = arith.constant 0 : i32
    %dma_start3A_54 = arith.constant 0 : i32
    %dma_start3A_55 = arith.constant 0 : i32
    %dma_start3A_56 = arith.constant 0 : i32
    %dma_start3A_57 = tpu.memref_slice %arg11[%dma_start3A_54, %dma_start3A_55, %dma_start3A_56] : memref<2x64x128xf32, #tpu.memory_space<vmem>> -> memref<1x64x128xf32, #tpu.memory_space<vmem>>
    %dma_start3A_58 = tpu.memref_squeeze %dma_start3A_57 : memref<1x64x128xf32, #tpu.memory_space<vmem>> -> memref<64x128xf32, #tpu.memory_space<vmem>>
    %dma_start3A_59 = arith.constant 0 : i32
    %dma_start3A_60 = tpu.memref_slice %arg8[%dma_start3A_53, %dma_start3A_59] : memref<2x64xi32, #tpu.memory_space<vmem>> -> memref<1x64xi32, #tpu.memory_space<vmem>>
    %dma_start3A_61 = tpu.memref_squeeze %dma_start3A_60 : memref<1x64xi32, #tpu.memory_space<vmem>> -> memref<64xi32, #tpu.memory_space<vmem>>
    %dma_start3A_62 = arith.constant 0 : i32
    %dma_start3A_63 = arith.constant 0 : i32
    %dma_start3A_64 = tpu.memref_slice %arg2[%dma_start3A_62, %dma_start3A_63] : memref<10000x128xf32, #tpu.memory_space<hbm>> -> memref<10000x128xf32, #tpu.memory_space<hbm>>
    tpu.enqueue_indirect_dma source(%dma_start3A_64 : memref<10000x128xf32, #tpu.memory_space<hbm>>) target(%dma_start3A_58 : memref<64x128xf32, #tpu.memory_space<vmem>>) offsets(%dma_start3A_61 : memref<64xi32, #tpu.memory_space<vmem>>) semaphore(%arg13 : memref<!tpu.dma_semaphore, #tpu.memory_space<semaphore_mem>>)
    %add3A_65 = arith.constant 64 : i32
    %add3A_66 = arith.addi %mul3A_2, %add3A_65 : i32
    %dma_start3A_67 = arith.constant 1 : i32
    %dma_start3A_68 = arith.constant 0 : i32
    %dma_start3A_69 = tpu.memref_slice %arg8[%dma_start3A_67, %dma_start3A_68] : memref<2x64xi32, #tpu.memory_space<vmem>> -> memref<1x64xi32, #tpu.memory_space<vmem>>
    %dma_start3A_70 = tpu.memref_squeeze %dma_start3A_69 : memref<1x64xi32, #tpu.memory_space<vmem>> -> memref<64xi32, #tpu.memory_space<vmem>>
    %dma_start3A_71 = tpu.memref_slice %arg3[%add3A_66] : memref<327680xi32, #tpu.memory_space<hbm>> -> memref<64xi32, #tpu.memory_space<hbm>>
    %dma_start3A_72 = arith.constant 0 : i32
    %dma_start3A_73 = tpu.memref_slice %arg8[%dma_start3A_67, %dma_start3A_72] : memref<2x64xi32, #tpu.memory_space<vmem>> -> memref<1x64xi32, #tpu.memory_space<vmem>>
    %dma_start3A_74 = tpu.memref_squeeze %dma_start3A_73 : memref<1x64xi32, #tpu.memory_space<vmem>> -> memref<64xi32, #tpu.memory_space<vmem>>
    %dma_start3A_75 = tpu.memref_slice %arg3[%add3A_66] : memref<327680xi32, #tpu.memory_space<hbm>> -> memref<64xi32, #tpu.memory_space<hbm>>
    tpu.enqueue_dma source(%dma_start3A_75 : memref<64xi32, #tpu.memory_space<hbm>>) target(%dma_start3A_74 : memref<64xi32, #tpu.memory_space<vmem>>) target_semaphore(%arg20 : memref<!tpu.dma_semaphore, #tpu.memory_space<semaphore_mem>>)
    %scan3A = arith.constant 0 : i32
    %scan3A_76 = arith.constant 80 : i32
    %scan3A_77 = arith.addi %scan3A, %scan3A_76 : i32
    %scan3A_78 = arith.constant 1 : i32
    scf.for %scan3A_100 = %scan3A to %scan3A_77 step %scan3A_78  : i32 {
      %mul3A_101 = arith.constant 1 : i32
      %mul3A_102 = arith.muli %scan3A_100, %mul3A_101 : i32
      %add3A_103 = arith.constant 0 : i32
      %add3A_104 = arith.addi %add3A_103, %mul3A_102 : i32
      %mul3A_105 = arith.constant 2 : i32
      %mul3A_106 = arith.muli %add3A_104, %mul3A_105 : i32
      %add3A_107 = arith.constant 0 : i32
      %add3A_108 = arith.addi %mul3A_106, %add3A_107 : i32
      %gt3A = arith.constant 0 : i32
      %gt3A_109 = arith.cmpi sgt, %add3A_108, %gt3A : i32
      %convert_element_type3A = arith.extui %gt3A_109 : i1 to i32
      %cond3A = arith.constant 0 : i32
      %cond3A_110 = arith.cmpi ne, %convert_element_type3A, %cond3A : i32
      scf.if %cond3A_110 {
        %dma_wait3A_263 = arith.constant 1 : i32
        %dma_wait3A_264 = arith.constant 0 : i32
        %dma_wait3A_265 = arith.constant 0 : i32
        %dma_wait3A_266 = tpu.memref_slice %arg11[%dma_wait3A_263, %dma_wait3A_264, %dma_wait3A_265] : memref<2x64x128xf32, #tpu.memory_space<vmem>> -> memref<1x64x128xf32, #tpu.memory_space<vmem>>
        %dma_wait3A_267 = tpu.memref_squeeze %dma_wait3A_266 : memref<1x64x128xf32, #tpu.memory_space<vmem>> -> memref<64x128xf32, #tpu.memory_space<vmem>>
        %dma_wait3A_268 = arith.constant 0 : i32
        %dma_wait3A_269 = arith.constant 0 : i32
        %dma_wait3A_270 = tpu.memref_slice %arg2[%dma_wait3A_268, %dma_wait3A_269] : memref<10000x128xf32, #tpu.memory_space<hbm>> -> memref<64x128xf32, #tpu.memory_space<hbm>>
        %dma_wait3A_271 = arith.constant 0 : i32
        %dma_wait3A_272 = arith.constant 0 : i32
        %dma_wait3A_273 = tpu.memref_slice %arg11[%dma_wait3A_263, %dma_wait3A_271, %dma_wait3A_272] : memref<2x64x128xf32, #tpu.memory_space<vmem>> -> memref<1x64x128xf32, #tpu.memory_space<vmem>>
        %dma_wait3A_274 = tpu.memref_squeeze %dma_wait3A_273 : memref<1x64x128xf32, #tpu.memory_space<vmem>> -> memref<64x128xf32, #tpu.memory_space<vmem>>
        %dma_wait3A_275 = arith.constant 0 : i32
        %dma_wait3A_276 = arith.constant 0 : i32
        %dma_wait3A_277 = tpu.memref_slice %arg2[%dma_wait3A_275, %dma_wait3A_276] : memref<10000x128xf32, #tpu.memory_space<hbm>> -> memref<64x128xf32, #tpu.memory_space<hbm>>
        tpu.wait_dma2 semaphore(%arg16 : memref<!tpu.dma_semaphore, #tpu.memory_space<semaphore_mem>>) src(%dma_wait3A_277 : memref<64x128xf32, #tpu.memory_space<hbm>>) dst(%dma_wait3A_274 : memref<64x128xf32, #tpu.memory_space<vmem>>)
      } else {
      }
      %add3A_111 = arith.constant 1 : i32
      %add3A_112 = arith.addi %add3A_108, %add3A_111 : i32
      %lt3A = arith.constant 160 : i32
      %lt3A_113 = arith.cmpi slt, %add3A_112, %lt3A : i32
      %convert_element_type3A_114 = arith.extui %lt3A_113 : i1 to i32
      %cond3A_115 = arith.constant 0 : i32
      %cond3A_116 = arith.cmpi ne, %convert_element_type3A_114, %cond3A_115 : i32
      scf.if %cond3A_116 {
        %add3A_263 = arith.constant 1 : i32
        %add3A_264 = arith.addi %add3A_108, %add3A_263 : i32
        %mul3A_265 = arith.constant 64 : i32
        %mul3A_266 = arith.muli %add3A_264, %mul3A_265 : i32
        %add3A_267 = arith.addi %mul3A_2, %mul3A_266 : i32
        %dma_start3A_268 = arith.constant 1 : i32
        %dma_start3A_269 = arith.constant 0 : i32
        %dma_start3A_270 = tpu.memref_slice %arg9[%dma_start3A_268, %dma_start3A_269] : memref<2x64xi32, #tpu.memory_space<vmem>> -> memref<1x64xi32, #tpu.memory_space<vmem>>
        %dma_start3A_271 = tpu.memref_squeeze %dma_start3A_270 : memref<1x64xi32, #tpu.memory_space<vmem>> -> memref<64xi32, #tpu.memory_space<vmem>>
        %dma_start3A_272 = tpu.memref_slice %arg4[%add3A_267] : memref<327680xi32, #tpu.memory_space<hbm>> -> memref<64xi32, #tpu.memory_space<hbm>>
        %dma_start3A_273 = arith.constant 0 : i32
        %dma_start3A_274 = tpu.memref_slice %arg9[%dma_start3A_268, %dma_start3A_273] : memref<2x64xi32, #tpu.memory_space<vmem>> -> memref<1x64xi32, #tpu.memory_space<vmem>>
        %dma_start3A_275 = tpu.memref_squeeze %dma_start3A_274 : memref<1x64xi32, #tpu.memory_space<vmem>> -> memref<64xi32, #tpu.memory_space<vmem>>
        %dma_start3A_276 = tpu.memref_slice %arg4[%add3A_267] : memref<327680xi32, #tpu.memory_space<hbm>> -> memref<64xi32, #tpu.memory_space<hbm>>
        tpu.enqueue_dma source(%dma_start3A_276 : memref<64xi32, #tpu.memory_space<hbm>>) target(%dma_start3A_275 : memref<64xi32, #tpu.memory_space<vmem>>) target_semaphore(%arg18 : memref<!tpu.dma_semaphore, #tpu.memory_space<semaphore_mem>>)
        %mul3A_277 = arith.constant 64 : i32
        %mul3A_278 = arith.muli %add3A_264, %mul3A_277 : i32
        %add3A_279 = arith.addi %mul3A_2, %mul3A_278 : i32
        %dma_start3A_280 = arith.constant 1 : i32
        %dma_start3A_281 = arith.constant 0 : i32
        %dma_start3A_282 = arith.constant 0 : i32
        %dma_start3A_283 = tpu.memref_slice %arg10[%dma_start3A_280, %dma_start3A_281, %dma_start3A_282] : memref<2x64x16xf32, #tpu.memory_space<vmem>> -> memref<1x64x16xf32, #tpu.memory_space<vmem>>
        %dma_start3A_284 = tpu.memref_squeeze %dma_start3A_283 : memref<1x64x16xf32, #tpu.memory_space<vmem>> -> memref<64x16xf32, #tpu.memory_space<vmem>>
        %dma_start3A_285 = arith.constant 0 : i32
        %dma_start3A_286 = tpu.memref_slice %arg5[%add3A_279, %dma_start3A_285] : memref<327680x16xf32, #tpu.memory_space<hbm>> -> memref<64x16xf32, #tpu.memory_space<hbm>>
        %dma_start3A_287 = arith.constant 0 : i32
        %dma_start3A_288 = arith.constant 0 : i32
        %dma_start3A_289 = tpu.memref_slice %arg10[%dma_start3A_280, %dma_start3A_287, %dma_start3A_288] : memref<2x64x16xf32, #tpu.memory_space<vmem>> -> memref<1x64x16xf32, #tpu.memory_space<vmem>>
        %dma_start3A_290 = tpu.memref_squeeze %dma_start3A_289 : memref<1x64x16xf32, #tpu.memory_space<vmem>> -> memref<64x16xf32, #tpu.memory_space<vmem>>
        %dma_start3A_291 = arith.constant 0 : i32
        %dma_start3A_292 = tpu.memref_slice %arg5[%add3A_279, %dma_start3A_291] : memref<327680x16xf32, #tpu.memory_space<hbm>> -> memref<64x16xf32, #tpu.memory_space<hbm>>
        tpu.enqueue_dma source(%dma_start3A_292 : memref<64x16xf32, #tpu.memory_space<hbm>>) target(%dma_start3A_290 : memref<64x16xf32, #tpu.memory_space<vmem>>) target_semaphore(%arg18 : memref<!tpu.dma_semaphore, #tpu.memory_space<semaphore_mem>>)
        %dma_wait3A_293 = arith.constant 1 : i32
        %dma_wait3A_294 = arith.constant 0 : i32
        %dma_wait3A_295 = tpu.memref_slice %arg8[%dma_wait3A_293, %dma_wait3A_294] : memref<2x64xi32, #tpu.memory_space<vmem>> -> memref<1x64xi32, #tpu.memory_space<vmem>>
        %dma_wait3A_296 = tpu.memref_squeeze %dma_wait3A_295 : memref<1x64xi32, #tpu.memory_space<vmem>> -> memref<64xi32, #tpu.memory_space<vmem>>
        %dma_wait3A_297 = arith.constant 0 : i32
        %dma_wait3A_298 = tpu.memref_slice %arg3[%dma_wait3A_297] : memref<327680xi32, #tpu.memory_space<hbm>> -> memref<64xi32, #tpu.memory_space<hbm>>
        %dma_wait3A_299 = arith.constant 0 : i32
        %dma_wait3A_300 = tpu.memref_slice %arg8[%dma_wait3A_293, %dma_wait3A_299] : memref<2x64xi32, #tpu.memory_space<vmem>> -> memref<1x64xi32, #tpu.memory_space<vmem>>
        %dma_wait3A_301 = tpu.memref_squeeze %dma_wait3A_300 : memref<1x64xi32, #tpu.memory_space<vmem>> -> memref<64xi32, #tpu.memory_space<vmem>>
        %dma_wait3A_302 = arith.constant 0 : i32
        %dma_wait3A_303 = tpu.memref_slice %arg3[%dma_wait3A_302] : memref<327680xi32, #tpu.memory_space<hbm>> -> memref<64xi32, #tpu.memory_space<hbm>>
        tpu.wait_dma2 semaphore(%arg20 : memref<!tpu.dma_semaphore, #tpu.memory_space<semaphore_mem>>) src(%dma_wait3A_303 : memref<64xi32, #tpu.memory_space<hbm>>) dst(%dma_wait3A_301 : memref<64xi32, #tpu.memory_space<vmem>>)
        %dma_start3A_304 = arith.constant 1 : i32
        %dma_start3A_305 = arith.constant 1 : i32
        %dma_start3A_306 = arith.constant 0 : i32
        %dma_start3A_307 = arith.constant 0 : i32
        %dma_start3A_308 = tpu.memref_slice %arg11[%dma_start3A_305, %dma_start3A_306, %dma_start3A_307] : memref<2x64x128xf32, #tpu.memory_space<vmem>> -> memref<1x64x128xf32, #tpu.memory_space<vmem>>
        %dma_start3A_309 = tpu.memref_squeeze %dma_start3A_308 : memref<1x64x128xf32, #tpu.memory_space<vmem>> -> memref<64x128xf32, #tpu.memory_space<vmem>>
        %dma_start3A_310 = arith.constant 0 : i32
        %dma_start3A_311 = tpu.memref_slice %arg8[%dma_start3A_304, %dma_start3A_310] : memref<2x64xi32, #tpu.memory_space<vmem>> -> memref<1x64xi32, #tpu.memory_space<vmem>>
        %dma_start3A_312 = tpu.memref_squeeze %dma_start3A_311 : memref<1x64xi32, #tpu.memory_space<vmem>> -> memref<64xi32, #tpu.memory_space<vmem>>
        %dma_start3A_313 = arith.constant 0 : i32
        %dma_start3A_314 = arith.constant 0 : i32
        %dma_start3A_315 = tpu.memref_slice %arg2[%dma_start3A_313, %dma_start3A_314] : memref<10000x128xf32, #tpu.memory_space<hbm>> -> memref<10000x128xf32, #tpu.memory_space<hbm>>
        tpu.enqueue_indirect_dma source(%dma_start3A_315 : memref<10000x128xf32, #tpu.memory_space<hbm>>) target(%dma_start3A_309 : memref<64x128xf32, #tpu.memory_space<vmem>>) offsets(%dma_start3A_312 : memref<64xi32, #tpu.memory_space<vmem>>) semaphore(%arg14 : memref<!tpu.dma_semaphore, #tpu.memory_space<semaphore_mem>>)
      } else {
      }
      %dma_wait3A_117 = arith.constant 0 : i32
      %dma_wait3A_118 = arith.constant 0 : i32
      %dma_wait3A_119 = arith.constant 0 : i32
      %dma_wait3A_120 = tpu.memref_slice %arg11[%dma_wait3A_117, %dma_wait3A_118, %dma_wait3A_119] : memref<2x64x128xf32, #tpu.memory_space<vmem>> -> memref<1x64x128xf32, #tpu.memory_space<vmem>>
      %dma_wait3A_121 = tpu.memref_squeeze %dma_wait3A_120 : memref<1x64x128xf32, #tpu.memory_space<vmem>> -> memref<64x128xf32, #tpu.memory_space<vmem>>
      %dma_wait3A_122 = arith.constant 0 : i32
      %dma_wait3A_123 = arith.constant 0 : i32
      %dma_wait3A_124 = tpu.memref_slice %arg2[%dma_wait3A_122, %dma_wait3A_123] : memref<10000x128xf32, #tpu.memory_space<hbm>> -> memref<64x128xf32, #tpu.memory_space<hbm>>
      %dma_wait3A_125 = arith.constant 0 : i32
      %dma_wait3A_126 = arith.constant 0 : i32
      %dma_wait3A_127 = tpu.memref_slice %arg11[%dma_wait3A_117, %dma_wait3A_125, %dma_wait3A_126] : memref<2x64x128xf32, #tpu.memory_space<vmem>> -> memref<1x64x128xf32, #tpu.memory_space<vmem>>
      %dma_wait3A_128 = tpu.memref_squeeze %dma_wait3A_127 : memref<1x64x128xf32, #tpu.memory_space<vmem>> -> memref<64x128xf32, #tpu.memory_space<vmem>>
      %dma_wait3A_129 = arith.constant 0 : i32
      %dma_wait3A_130 = arith.constant 0 : i32
      %dma_wait3A_131 = tpu.memref_slice %arg2[%dma_wait3A_129, %dma_wait3A_130] : memref<10000x128xf32, #tpu.memory_space<hbm>> -> memref<64x128xf32, #tpu.memory_space<hbm>>
      tpu.wait_dma2 semaphore(%arg13 : memref<!tpu.dma_semaphore, #tpu.memory_space<semaphore_mem>>) src(%dma_wait3A_131 : memref<64x128xf32, #tpu.memory_space<hbm>>) dst(%dma_wait3A_128 : memref<64x128xf32, #tpu.memory_space<vmem>>)
      %add3A_132 = arith.constant 2 : i32
      %add3A_133 = arith.addi %add3A_108, %add3A_132 : i32
      %lt3A_134 = arith.constant 160 : i32
      %lt3A_135 = arith.cmpi slt, %add3A_133, %lt3A_134 : i32
      %convert_element_type3A_136 = arith.extui %lt3A_135 : i1 to i32
      %cond3A_137 = arith.constant 0 : i32
      %cond3A_138 = arith.cmpi ne, %convert_element_type3A_136, %cond3A_137 : i32
      scf.if %cond3A_138 {
        %add3A_263 = arith.constant 2 : i32
        %add3A_264 = arith.addi %add3A_108, %add3A_263 : i32
        %mul3A_265 = arith.constant 64 : i32
        %mul3A_266 = arith.muli %add3A_264, %mul3A_265 : i32
        %add3A_267 = arith.addi %mul3A_2, %mul3A_266 : i32
        %dma_start3A_268 = arith.constant 0 : i32
        %dma_start3A_269 = arith.constant 0 : i32
        %dma_start3A_270 = tpu.memref_slice %arg8[%dma_start3A_268, %dma_start3A_269] : memref<2x64xi32, #tpu.memory_space<vmem>> -> memref<1x64xi32, #tpu.memory_space<vmem>>
        %dma_start3A_271 = tpu.memref_squeeze %dma_start3A_270 : memref<1x64xi32, #tpu.memory_space<vmem>> -> memref<64xi32, #tpu.memory_space<vmem>>
        %dma_start3A_272 = tpu.memref_slice %arg3[%add3A_267] : memref<327680xi32, #tpu.memory_space<hbm>> -> memref<64xi32, #tpu.memory_space<hbm>>
        %dma_start3A_273 = arith.constant 0 : i32
        %dma_start3A_274 = tpu.memref_slice %arg8[%dma_start3A_268, %dma_start3A_273] : memref<2x64xi32, #tpu.memory_space<vmem>> -> memref<1x64xi32, #tpu.memory_space<vmem>>
        %dma_start3A_275 = tpu.memref_squeeze %dma_start3A_274 : memref<1x64xi32, #tpu.memory_space<vmem>> -> memref<64xi32, #tpu.memory_space<vmem>>
        %dma_start3A_276 = tpu.memref_slice %arg3[%add3A_267] : memref<327680xi32, #tpu.memory_space<hbm>> -> memref<64xi32, #tpu.memory_space<hbm>>
        tpu.enqueue_dma source(%dma_start3A_276 : memref<64xi32, #tpu.memory_space<hbm>>) target(%dma_start3A_275 : memref<64xi32, #tpu.memory_space<vmem>>) target_semaphore(%arg19 : memref<!tpu.dma_semaphore, #tpu.memory_space<semaphore_mem>>)
      } else {
      }
      %dma_wait3A_139 = arith.constant 0 : i32
      %dma_wait3A_140 = arith.constant 0 : i32
      %dma_wait3A_141 = tpu.memref_slice %arg9[%dma_wait3A_139, %dma_wait3A_140] : memref<2x64xi32, #tpu.memory_space<vmem>> -> memref<1x64xi32, #tpu.memory_space<vmem>>
      %dma_wait3A_142 = tpu.memref_squeeze %dma_wait3A_141 : memref<1x64xi32, #tpu.memory_space<vmem>> -> memref<64xi32, #tpu.memory_space<vmem>>
      %dma_wait3A_143 = arith.constant 0 : i32
      %dma_wait3A_144 = tpu.memref_slice %arg3[%dma_wait3A_143] : memref<327680xi32, #tpu.memory_space<hbm>> -> memref<64xi32, #tpu.memory_space<hbm>>
      %dma_wait3A_145 = arith.constant 0 : i32
      %dma_wait3A_146 = tpu.memref_slice %arg9[%dma_wait3A_139, %dma_wait3A_145] : memref<2x64xi32, #tpu.memory_space<vmem>> -> memref<1x64xi32, #tpu.memory_space<vmem>>
      %dma_wait3A_147 = tpu.memref_squeeze %dma_wait3A_146 : memref<1x64xi32, #tpu.memory_space<vmem>> -> memref<64xi32, #tpu.memory_space<vmem>>
      %dma_wait3A_148 = arith.constant 0 : i32
      %dma_wait3A_149 = tpu.memref_slice %arg3[%dma_wait3A_148] : memref<327680xi32, #tpu.memory_space<hbm>> -> memref<64xi32, #tpu.memory_space<hbm>>
      tpu.wait_dma2 semaphore(%arg17 : memref<!tpu.dma_semaphore, #tpu.memory_space<semaphore_mem>>) src(%dma_wait3A_149 : memref<64xi32, #tpu.memory_space<hbm>>) dst(%dma_wait3A_147 : memref<64xi32, #tpu.memory_space<vmem>>)
      %dma_wait3A_150 = arith.constant 0 : i32
      %dma_wait3A_151 = arith.constant 0 : i32
      %dma_wait3A_152 = arith.constant 0 : i32
      %dma_wait3A_153 = tpu.memref_slice %arg10[%dma_wait3A_150, %dma_wait3A_151, %dma_wait3A_152] : memref<2x64x16xf32, #tpu.memory_space<vmem>> -> memref<1x64x16xf32, #tpu.memory_space<vmem>>
      %dma_wait3A_154 = tpu.memref_squeeze %dma_wait3A_153 : memref<1x64x16xf32, #tpu.memory_space<vmem>> -> memref<64x16xf32, #tpu.memory_space<vmem>>
      %dma_wait3A_155 = arith.constant 0 : i32
      %dma_wait3A_156 = arith.constant 0 : i32
      %dma_wait3A_157 = tpu.memref_slice %arg5[%dma_wait3A_155, %dma_wait3A_156] : memref<327680x16xf32, #tpu.memory_space<hbm>> -> memref<64x16xf32, #tpu.memory_space<hbm>>
      %dma_wait3A_158 = arith.constant 0 : i32
      %dma_wait3A_159 = arith.constant 0 : i32
      %dma_wait3A_160 = tpu.memref_slice %arg10[%dma_wait3A_150, %dma_wait3A_158, %dma_wait3A_159] : memref<2x64x16xf32, #tpu.memory_space<vmem>> -> memref<1x64x16xf32, #tpu.memory_space<vmem>>
      %dma_wait3A_161 = tpu.memref_squeeze %dma_wait3A_160 : memref<1x64x16xf32, #tpu.memory_space<vmem>> -> memref<64x16xf32, #tpu.memory_space<vmem>>
      %dma_wait3A_162 = arith.constant 0 : i32
      %dma_wait3A_163 = arith.constant 0 : i32
      %dma_wait3A_164 = tpu.memref_slice %arg5[%dma_wait3A_162, %dma_wait3A_163] : memref<327680x16xf32, #tpu.memory_space<hbm>> -> memref<64x16xf32, #tpu.memory_space<hbm>>
      tpu.wait_dma2 semaphore(%arg17 : memref<!tpu.dma_semaphore, #tpu.memory_space<semaphore_mem>>) src(%dma_wait3A_164 : memref<64x16xf32, #tpu.memory_space<hbm>>) dst(%dma_wait3A_161 : memref<64x16xf32, #tpu.memory_space<vmem>>)
      %scan3A_165 = arith.constant 0 : i32
      %scan3A_166 = arith.constant 64 : i32
      %scan3A_167 = arith.addi %scan3A_165, %scan3A_166 : i32
      %scan3A_168 = arith.constant 1 : i32
      scf.for %scan3A_263 = %scan3A_165 to %scan3A_167 step %scan3A_168  : i32 {
        %mul3A_264 = arith.constant 1 : i32
        %mul3A_265 = arith.muli %scan3A_263, %mul3A_264 : i32
        %add3A_266 = arith.constant 0 : i32
        %add3A_267 = arith.addi %add3A_266, %mul3A_265 : i32
        %get3A = arith.constant 0 : i32
        %get3A_268 = arith.index_cast %get3A : i32 to index
        %get3A_269 = arith.index_cast %add3A_267 : i32 to index
        %get3A_270 = arith.constant 0 : index
        %get3A_271 = tpu.vector_load %arg10[%get3A_268, %get3A_269, %get3A_270] {strides = array<i32>} : memref<2x64x16xf32, #tpu.memory_space<vmem>>, vector<16xf32>,
        %get3A_272 = arith.constant 0 : i32
        %get3A_273 = arith.index_cast %get3A_272 : i32 to index
        %get3A_274 = arith.index_cast %add3A_267 : i32 to index
        %get3A_275 = arith.constant 0 : index
        %get3A_276 = tpu.vector_load %arg11[%get3A_273, %get3A_274, %get3A_275] {strides = array<i32>} : memref<2x64x128xf32, #tpu.memory_space<vmem>>, vector<16xf32>,
        %mul3A_277 = arith.mulf %get3A_276, %get3A_271 : vector<16xf32>
        %swap3A = arith.constant 0 : i32
        %swap3A_278 = arith.index_cast %swap3A : i32 to index
        %swap3A_279 = arith.index_cast %add3A_267 : i32 to index
        %swap3A_280 = arith.constant 0 : index
        %swap3A_281 = tpu.vector_load %arg11[%swap3A_278, %swap3A_279, %swap3A_280] {strides = array<i32>} : memref<2x64x128xf32, #tpu.memory_space<vmem>>, vector<16xf32>,
        tpu.vector_store %arg11[%swap3A_278, %swap3A_279, %swap3A_280], %mul3A_277 {strides = array<i32>} : memref<2x64x128xf32, #tpu.memory_space<vmem>>, vector<16xf32>,
        %get3A_282 = arith.constant 0 : i32
        %get3A_283 = arith.index_cast %get3A_282 : i32 to index
        %get3A_284 = arith.index_cast %add3A_267 : i32 to index
        %get3A_285 = arith.constant 16 : index
        %get3A_286 = tpu.vector_load %arg11[%get3A_283, %get3A_284, %get3A_285] {strides = array<i32>} : memref<2x64x128xf32, #tpu.memory_space<vmem>>, vector<16xf32>,
        %mul3A_287 = arith.mulf %get3A_286, %get3A_271 : vector<16xf32>
        %swap3A_288 = arith.constant 0 : i32
        %swap3A_289 = arith.index_cast %swap3A_288 : i32 to index
        %swap3A_290 = arith.index_cast %add3A_267 : i32 to index
        %swap3A_291 = arith.constant 16 : index
        %swap3A_292 = tpu.vector_load %arg11[%swap3A_289, %swap3A_290, %swap3A_291] {strides = array<i32>} : memref<2x64x128xf32, #tpu.memory_space<vmem>>, vector<16xf32>,
        tpu.vector_store %arg11[%swap3A_289, %swap3A_290, %swap3A_291], %mul3A_287 {strides = array<i32>} : memref<2x64x128xf32, #tpu.memory_space<vmem>>, vector<16xf32>,
        %get3A_293 = arith.constant 0 : i32
        %get3A_294 = arith.index_cast %get3A_293 : i32 to index
        %get3A_295 = arith.index_cast %add3A_267 : i32 to index
        %get3A_296 = arith.constant 32 : index
        %get3A_297 = tpu.vector_load %arg11[%get3A_294, %get3A_295, %get3A_296] {strides = array<i32>} : memref<2x64x128xf32, #tpu.memory_space<vmem>>, vector<16xf32>,
        %mul3A_298 = arith.mulf %get3A_297, %get3A_271 : vector<16xf32>
        %swap3A_299 = arith.constant 0 : i32
        %swap3A_300 = arith.index_cast %swap3A_299 : i32 to index
        %swap3A_301 = arith.index_cast %add3A_267 : i32 to index
        %swap3A_302 = arith.constant 32 : index
        %swap3A_303 = tpu.vector_load %arg11[%swap3A_300, %swap3A_301, %swap3A_302] {strides = array<i32>} : memref<2x64x128xf32, #tpu.memory_space<vmem>>, vector<16xf32>,
        tpu.vector_store %arg11[%swap3A_300, %swap3A_301, %swap3A_302], %mul3A_298 {strides = array<i32>} : memref<2x64x128xf32, #tpu.memory_space<vmem>>, vector<16xf32>,
        %get3A_304 = arith.constant 0 : i32
        %get3A_305 = arith.index_cast %get3A_304 : i32 to index
        %get3A_306 = arith.index_cast %add3A_267 : i32 to index
        %get3A_307 = arith.constant 48 : index
        %get3A_308 = tpu.vector_load %arg11[%get3A_305, %get3A_306, %get3A_307] {strides = array<i32>} : memref<2x64x128xf32, #tpu.memory_space<vmem>>, vector<16xf32>,
        %mul3A_309 = arith.mulf %get3A_308, %get3A_271 : vector<16xf32>
        %swap3A_310 = arith.constant 0 : i32
        %swap3A_311 = arith.index_cast %swap3A_310 : i32 to index
        %swap3A_312 = arith.index_cast %add3A_267 : i32 to index
        %swap3A_313 = arith.constant 48 : index
        %swap3A_314 = tpu.vector_load %arg11[%swap3A_311, %swap3A_312, %swap3A_313] {strides = array<i32>} : memref<2x64x128xf32, #tpu.memory_space<vmem>>, vector<16xf32>,
        tpu.vector_store %arg11[%swap3A_311, %swap3A_312, %swap3A_313], %mul3A_309 {strides = array<i32>} : memref<2x64x128xf32, #tpu.memory_space<vmem>>, vector<16xf32>,
        %get3A_315 = arith.constant 0 : i32
        %get3A_316 = arith.index_cast %get3A_315 : i32 to index
        %get3A_317 = arith.index_cast %add3A_267 : i32 to index
        %get3A_318 = arith.constant 64 : index
        %get3A_319 = tpu.vector_load %arg11[%get3A_316, %get3A_317, %get3A_318] {strides = array<i32>} : memref<2x64x128xf32, #tpu.memory_space<vmem>>, vector<16xf32>,
        %mul3A_320 = arith.mulf %get3A_319, %get3A_271 : vector<16xf32>
        %swap3A_321 = arith.constant 0 : i32
        %swap3A_322 = arith.index_cast %swap3A_321 : i32 to index
        %swap3A_323 = arith.index_cast %add3A_267 : i32 to index
        %swap3A_324 = arith.constant 64 : index
        %swap3A_325 = tpu.vector_load %arg11[%swap3A_322, %swap3A_323, %swap3A_324] {strides = array<i32>} : memref<2x64x128xf32, #tpu.memory_space<vmem>>, vector<16xf32>,
        tpu.vector_store %arg11[%swap3A_322, %swap3A_323, %swap3A_324], %mul3A_320 {strides = array<i32>} : memref<2x64x128xf32, #tpu.memory_space<vmem>>, vector<16xf32>,
        %get3A_326 = arith.constant 0 : i32
        %get3A_327 = arith.index_cast %get3A_326 : i32 to index
        %get3A_328 = arith.index_cast %add3A_267 : i32 to index
        %get3A_329 = arith.constant 80 : index
        %get3A_330 = tpu.vector_load %arg11[%get3A_327, %get3A_328, %get3A_329] {strides = array<i32>} : memref<2x64x128xf32, #tpu.memory_space<vmem>>, vector<16xf32>,
        %mul3A_331 = arith.mulf %get3A_330, %get3A_271 : vector<16xf32>
        %swap3A_332 = arith.constant 0 : i32
        %swap3A_333 = arith.index_cast %swap3A_332 : i32 to index
        %swap3A_334 = arith.index_cast %add3A_267 : i32 to index
        %swap3A_335 = arith.constant 80 : index
        %swap3A_336 = tpu.vector_load %arg11[%swap3A_333, %swap3A_334, %swap3A_335] {strides = array<i32>} : memref<2x64x128xf32, #tpu.memory_space<vmem>>, vector<16xf32>,
        tpu.vector_store %arg11[%swap3A_333, %swap3A_334, %swap3A_335], %mul3A_331 {strides = array<i32>} : memref<2x64x128xf32, #tpu.memory_space<vmem>>, vector<16xf32>,
        %get3A_337 = arith.constant 0 : i32
        %get3A_338 = arith.index_cast %get3A_337 : i32 to index
        %get3A_339 = arith.index_cast %add3A_267 : i32 to index
        %get3A_340 = arith.constant 96 : index
        %get3A_341 = tpu.vector_load %arg11[%get3A_338, %get3A_339, %get3A_340] {strides = array<i32>} : memref<2x64x128xf32, #tpu.memory_space<vmem>>, vector<16xf32>,
        %mul3A_342 = arith.mulf %get3A_341, %get3A_271 : vector<16xf32>
        %swap3A_343 = arith.constant 0 : i32
        %swap3A_344 = arith.index_cast %swap3A_343 : i32 to index
        %swap3A_345 = arith.index_cast %add3A_267 : i32 to index
        %swap3A_346 = arith.constant 96 : index
        %swap3A_347 = tpu.vector_load %arg11[%swap3A_344, %swap3A_345, %swap3A_346] {strides = array<i32>} : memref<2x64x128xf32, #tpu.memory_space<vmem>>, vector<16xf32>,
        tpu.vector_store %arg11[%swap3A_344, %swap3A_345, %swap3A_346], %mul3A_342 {strides = array<i32>} : memref<2x64x128xf32, #tpu.memory_space<vmem>>, vector<16xf32>,
        %get3A_348 = arith.constant 0 : i32
        %get3A_349 = arith.index_cast %get3A_348 : i32 to index
        %get3A_350 = arith.index_cast %add3A_267 : i32 to index
        %get3A_351 = arith.constant 112 : index
        %get3A_352 = tpu.vector_load %arg11[%get3A_349, %get3A_350, %get3A_351] {strides = array<i32>} : memref<2x64x128xf32, #tpu.memory_space<vmem>>, vector<16xf32>,
        %mul3A_353 = arith.mulf %get3A_352, %get3A_271 : vector<16xf32>
        %swap3A_354 = arith.constant 0 : i32
        %swap3A_355 = arith.index_cast %swap3A_354 : i32 to index
        %swap3A_356 = arith.index_cast %add3A_267 : i32 to index
        %swap3A_357 = arith.constant 112 : index
        %swap3A_358 = tpu.vector_load %arg11[%swap3A_355, %swap3A_356, %swap3A_357] {strides = array<i32>} : memref<2x64x128xf32, #tpu.memory_space<vmem>>, vector<16xf32>,
        tpu.vector_store %arg11[%swap3A_355, %swap3A_356, %swap3A_357], %mul3A_353 {strides = array<i32>} : memref<2x64x128xf32, #tpu.memory_space<vmem>>, vector<16xf32>,
      }
      %scan3A_169 = arith.constant 64 : i32
      %dma_start3A_170 = arith.constant 0 : i32
      %dma_start3A_171 = arith.constant 0 : i32
      %dma_start3A_172 = arith.constant 0 : i32
      %dma_start3A_173 = arith.constant 0 : i32
      %dma_start3A_174 = tpu.memref_slice %arg11[%dma_start3A_170, %dma_start3A_172, %dma_start3A_173] : memref<2x64x128xf32, #tpu.memory_space<vmem>> -> memref<1x64x128xf32, #tpu.memory_space<vmem>>
      %dma_start3A_175 = tpu.memref_squeeze %dma_start3A_174 : memref<1x64x128xf32, #tpu.memory_space<vmem>> -> memref<64x128xf32, #tpu.memory_space<vmem>>
      %dma_start3A_176 = arith.constant 0 : i32
      %dma_start3A_177 = tpu.memref_slice %arg9[%dma_start3A_171, %dma_start3A_176] : memref<2x64xi32, #tpu.memory_space<vmem>> -> memref<1x64xi32, #tpu.memory_space<vmem>>
      %dma_start3A_178 = tpu.memref_squeeze %dma_start3A_177 : memref<1x64xi32, #tpu.memory_space<vmem>> -> memref<64xi32, #tpu.memory_space<vmem>>
      %dma_start3A_179 = arith.constant 0 : i32
      %dma_start3A_180 = arith.constant 0 : i32
      %dma_start3A_181 = tpu.memref_slice %arg12[%dma_start3A_179, %dma_start3A_180] : memref<10240x128xf32, #tpu.memory_space<vmem_shared>> -> memref<10240x128xf32, #tpu.memory_space<vmem_shared>>
      tpu.enqueue_indirect_dma source(%dma_start3A_175 : memref<64x128xf32, #tpu.memory_space<vmem>>) target(%dma_start3A_181 : memref<10240x128xf32, #tpu.memory_space<vmem_shared>>) offsets(%dma_start3A_178 : memref<64xi32, #tpu.memory_space<vmem>>) semaphore(%arg15 : memref<!tpu.dma_semaphore, #tpu.memory_space<semaphore_mem>>) {add = true}
      %mul3A_182 = arith.constant 2 : i32
      %mul3A_183 = arith.muli %add3A_104, %mul3A_182 : i32
      %add3A_184 = arith.constant 1 : i32
      %add3A_185 = arith.addi %mul3A_183, %add3A_184 : i32
      %gt3A_186 = arith.constant 0 : i32
      %gt3A_187 = arith.cmpi sgt, %add3A_185, %gt3A_186 : i32
      %convert_element_type3A_188 = arith.extui %gt3A_187 : i1 to i32
      %cond3A_189 = arith.constant 0 : i32
      %cond3A_190 = arith.cmpi ne, %convert_element_type3A_188, %cond3A_189 : i32
      scf.if %cond3A_190 {
        %dma_wait3A_263 = arith.constant 0 : i32
        %dma_wait3A_264 = arith.constant 0 : i32
        %dma_wait3A_265 = arith.constant 0 : i32
        %dma_wait3A_266 = tpu.memref_slice %arg11[%dma_wait3A_263, %dma_wait3A_264, %dma_wait3A_265] : memref<2x64x128xf32, #tpu.memory_space<vmem>> -> memref<1x64x128xf32, #tpu.memory_space<vmem>>
        %dma_wait3A_267 = tpu.memref_squeeze %dma_wait3A_266 : memref<1x64x128xf32, #tpu.memory_space<vmem>> -> memref<64x128xf32, #tpu.memory_space<vmem>>
        %dma_wait3A_268 = arith.constant 0 : i32
        %dma_wait3A_269 = arith.constant 0 : i32
        %dma_wait3A_270 = tpu.memref_slice %arg2[%dma_wait3A_268, %dma_wait3A_269] : memref<10000x128xf32, #tpu.memory_space<hbm>> -> memref<64x128xf32, #tpu.memory_space<hbm>>
        %dma_wait3A_271 = arith.constant 0 : i32
        %dma_wait3A_272 = arith.constant 0 : i32
        %dma_wait3A_273 = tpu.memref_slice %arg11[%dma_wait3A_263, %dma_wait3A_271, %dma_wait3A_272] : memref<2x64x128xf32, #tpu.memory_space<vmem>> -> memref<1x64x128xf32, #tpu.memory_space<vmem>>
        %dma_wait3A_274 = tpu.memref_squeeze %dma_wait3A_273 : memref<1x64x128xf32, #tpu.memory_space<vmem>> -> memref<64x128xf32, #tpu.memory_space<vmem>>
        %dma_wait3A_275 = arith.constant 0 : i32
        %dma_wait3A_276 = arith.constant 0 : i32
        %dma_wait3A_277 = tpu.memref_slice %arg2[%dma_wait3A_275, %dma_wait3A_276] : memref<10000x128xf32, #tpu.memory_space<hbm>> -> memref<64x128xf32, #tpu.memory_space<hbm>>
        tpu.wait_dma2 semaphore(%arg15 : memref<!tpu.dma_semaphore, #tpu.memory_space<semaphore_mem>>) src(%dma_wait3A_277 : memref<64x128xf32, #tpu.memory_space<hbm>>) dst(%dma_wait3A_274 : memref<64x128xf32, #tpu.memory_space<vmem>>)
      } else {
      }
      %add3A_191 = arith.constant 1 : i32
      %add3A_192 = arith.addi %add3A_185, %add3A_191 : i32
      %lt3A_193 = arith.constant 160 : i32
      %lt3A_194 = arith.cmpi slt, %add3A_192, %lt3A_193 : i32
      %convert_element_type3A_195 = arith.extui %lt3A_194 : i1 to i32
      %cond3A_196 = arith.constant 0 : i32
      %cond3A_197 = arith.cmpi ne, %convert_element_type3A_195, %cond3A_196 : i32
      scf.if %cond3A_197 {
        %add3A_263 = arith.constant 1 : i32
        %add3A_264 = arith.addi %add3A_185, %add3A_263 : i32
        %mul3A_265 = arith.constant 64 : i32
        %mul3A_266 = arith.muli %add3A_264, %mul3A_265 : i32
        %add3A_267 = arith.addi %mul3A_2, %mul3A_266 : i32
        %dma_start3A_268 = arith.constant 0 : i32
        %dma_start3A_269 = arith.constant 0 : i32
        %dma_start3A_270 = tpu.memref_slice %arg9[%dma_start3A_268, %dma_start3A_269] : memref<2x64xi32, #tpu.memory_space<vmem>> -> memref<1x64xi32, #tpu.memory_space<vmem>>
        %dma_start3A_271 = tpu.memref_squeeze %dma_start3A_270 : memref<1x64xi32, #tpu.memory_space<vmem>> -> memref<64xi32, #tpu.memory_space<vmem>>
        %dma_start3A_272 = tpu.memref_slice %arg4[%add3A_267] : memref<327680xi32, #tpu.memory_space<hbm>> -> memref<64xi32, #tpu.memory_space<hbm>>
        %dma_start3A_273 = arith.constant 0 : i32
        %dma_start3A_274 = tpu.memref_slice %arg9[%dma_start3A_268, %dma_start3A_273] : memref<2x64xi32, #tpu.memory_space<vmem>> -> memref<1x64xi32, #tpu.memory_space<vmem>>
        %dma_start3A_275 = tpu.memref_squeeze %dma_start3A_274 : memref<1x64xi32, #tpu.memory_space<vmem>> -> memref<64xi32, #tpu.memory_space<vmem>>
        %dma_start3A_276 = tpu.memref_slice %arg4[%add3A_267] : memref<327680xi32, #tpu.memory_space<hbm>> -> memref<64xi32, #tpu.memory_space<hbm>>
        tpu.enqueue_dma source(%dma_start3A_276 : memref<64xi32, #tpu.memory_space<hbm>>) target(%dma_start3A_275 : memref<64xi32, #tpu.memory_space<vmem>>) target_semaphore(%arg17 : memref<!tpu.dma_semaphore, #tpu.memory_space<semaphore_mem>>)
        %mul3A_277 = arith.constant 64 : i32
        %mul3A_278 = arith.muli %add3A_264, %mul3A_277 : i32
        %add3A_279 = arith.addi %mul3A_2, %mul3A_278 : i32
        %dma_start3A_280 = arith.constant 0 : i32
        %dma_start3A_281 = arith.constant 0 : i32
        %dma_start3A_282 = arith.constant 0 : i32
        %dma_start3A_283 = tpu.memref_slice %arg10[%dma_start3A_280, %dma_start3A_281, %dma_start3A_282] : memref<2x64x16xf32, #tpu.memory_space<vmem>> -> memref<1x64x16xf32, #tpu.memory_space<vmem>>
        %dma_start3A_284 = tpu.memref_squeeze %dma_start3A_283 : memref<1x64x16xf32, #tpu.memory_space<vmem>> -> memref<64x16xf32, #tpu.memory_space<vmem>>
        %dma_start3A_285 = arith.constant 0 : i32
        %dma_start3A_286 = tpu.memref_slice %arg5[%add3A_279, %dma_start3A_285] : memref<327680x16xf32, #tpu.memory_space<hbm>> -> memref<64x16xf32, #tpu.memory_space<hbm>>
        %dma_start3A_287 = arith.constant 0 : i32
        %dma_start3A_288 = arith.constant 0 : i32
        %dma_start3A_289 = tpu.memref_slice %arg10[%dma_start3A_280, %dma_start3A_287, %dma_start3A_288] : memref<2x64x16xf32, #tpu.memory_space<vmem>> -> memref<1x64x16xf32, #tpu.memory_space<vmem>>
        %dma_start3A_290 = tpu.memref_squeeze %dma_start3A_289 : memref<1x64x16xf32, #tpu.memory_space<vmem>> -> memref<64x16xf32, #tpu.memory_space<vmem>>
        %dma_start3A_291 = arith.constant 0 : i32
        %dma_start3A_292 = tpu.memref_slice %arg5[%add3A_279, %dma_start3A_291] : memref<327680x16xf32, #tpu.memory_space<hbm>> -> memref<64x16xf32, #tpu.memory_space<hbm>>
        tpu.enqueue_dma source(%dma_start3A_292 : memref<64x16xf32, #tpu.memory_space<hbm>>) target(%dma_start3A_290 : memref<64x16xf32, #tpu.memory_space<vmem>>) target_semaphore(%arg17 : memref<!tpu.dma_semaphore, #tpu.memory_space<semaphore_mem>>)
        %dma_wait3A_293 = arith.constant 0 : i32
        %dma_wait3A_294 = arith.constant 0 : i32
        %dma_wait3A_295 = tpu.memref_slice %arg8[%dma_wait3A_293, %dma_wait3A_294] : memref<2x64xi32, #tpu.memory_space<vmem>> -> memref<1x64xi32, #tpu.memory_space<vmem>>
        %dma_wait3A_296 = tpu.memref_squeeze %dma_wait3A_295 : memref<1x64xi32, #tpu.memory_space<vmem>> -> memref<64xi32, #tpu.memory_space<vmem>>
        %dma_wait3A_297 = arith.constant 0 : i32
        %dma_wait3A_298 = tpu.memref_slice %arg3[%dma_wait3A_297] : memref<327680xi32, #tpu.memory_space<hbm>> -> memref<64xi32, #tpu.memory_space<hbm>>
        %dma_wait3A_299 = arith.constant 0 : i32
        %dma_wait3A_300 = tpu.memref_slice %arg8[%dma_wait3A_293, %dma_wait3A_299] : memref<2x64xi32, #tpu.memory_space<vmem>> -> memref<1x64xi32, #tpu.memory_space<vmem>>
        %dma_wait3A_301 = tpu.memref_squeeze %dma_wait3A_300 : memref<1x64xi32, #tpu.memory_space<vmem>> -> memref<64xi32, #tpu.memory_space<vmem>>
        %dma_wait3A_302 = arith.constant 0 : i32
        %dma_wait3A_303 = tpu.memref_slice %arg3[%dma_wait3A_302] : memref<327680xi32, #tpu.memory_space<hbm>> -> memref<64xi32, #tpu.memory_space<hbm>>
        tpu.wait_dma2 semaphore(%arg19 : memref<!tpu.dma_semaphore, #tpu.memory_space<semaphore_mem>>) src(%dma_wait3A_303 : memref<64xi32, #tpu.memory_space<hbm>>) dst(%dma_wait3A_301 : memref<64xi32, #tpu.memory_space<vmem>>)
        %dma_start3A_304 = arith.constant 0 : i32
        %dma_start3A_305 = arith.constant 0 : i32
        %dma_start3A_306 = arith.constant 0 : i32
        %dma_start3A_307 = arith.constant 0 : i32
        %dma_start3A_308 = tpu.memref_slice %arg11[%dma_start3A_305, %dma_start3A_306, %dma_start3A_307] : memref<2x64x128xf32, #tpu.memory_space<vmem>> -> memref<1x64x128xf32, #tpu.memory_space<vmem>>
        %dma_start3A_309 = tpu.memref_squeeze %dma_start3A_308 : memref<1x64x128xf32, #tpu.memory_space<vmem>> -> memref<64x128xf32, #tpu.memory_space<vmem>>
        %dma_start3A_310 = arith.constant 0 : i32
        %dma_start3A_311 = tpu.memref_slice %arg8[%dma_start3A_304, %dma_start3A_310] : memref<2x64xi32, #tpu.memory_space<vmem>> -> memref<1x64xi32, #tpu.memory_space<vmem>>
        %dma_start3A_312 = tpu.memref_squeeze %dma_start3A_311 : memref<1x64xi32, #tpu.memory_space<vmem>> -> memref<64xi32, #tpu.memory_space<vmem>>
        %dma_start3A_313 = arith.constant 0 : i32
        %dma_start3A_314 = arith.constant 0 : i32
        %dma_start3A_315 = tpu.memref_slice %arg2[%dma_start3A_313, %dma_start3A_314] : memref<10000x128xf32, #tpu.memory_space<hbm>> -> memref<10000x128xf32, #tpu.memory_space<hbm>>
        tpu.enqueue_indirect_dma source(%dma_start3A_315 : memref<10000x128xf32, #tpu.memory_space<hbm>>) target(%dma_start3A_309 : memref<64x128xf32, #tpu.memory_space<vmem>>) offsets(%dma_start3A_312 : memref<64xi32, #tpu.memory_space<vmem>>) semaphore(%arg13 : memref<!tpu.dma_semaphore, #tpu.memory_space<semaphore_mem>>)
      } else {
      }
      %dma_wait3A_198 = arith.constant 1 : i32
      %dma_wait3A_199 = arith.constant 0 : i32
      %dma_wait3A_200 = arith.constant 0 : i32
      %dma_wait3A_201 = tpu.memref_slice %arg11[%dma_wait3A_198, %dma_wait3A_199, %dma_wait3A_200] : memref<2x64x128xf32, #tpu.memory_space<vmem>> -> memref<1x64x128xf32, #tpu.memory_space<vmem>>
      %dma_wait3A_202 = tpu.memref_squeeze %dma_wait3A_201 : memref<1x64x128xf32, #tpu.memory_space<vmem>> -> memref<64x128xf32, #tpu.memory_space<vmem>>
      %dma_wait3A_203 = arith.constant 0 : i32
      %dma_wait3A_204 = arith.constant 0 : i32
      %dma_wait3A_205 = tpu.memref_slice %arg2[%dma_wait3A_203, %dma_wait3A_204] : memref<10000x128xf32, #tpu.memory_space<hbm>> -> memref<64x128xf32, #tpu.memory_space<hbm>>
      %dma_wait3A_206 = arith.constant 0 : i32
      %dma_wait3A_207 = arith.constant 0 : i32
      %dma_wait3A_208 = tpu.memref_slice %arg11[%dma_wait3A_198, %dma_wait3A_206, %dma_wait3A_207] : memref<2x64x128xf32, #tpu.memory_space<vmem>> -> memref<1x64x128xf32, #tpu.memory_space<vmem>>
      %dma_wait3A_209 = tpu.memref_squeeze %dma_wait3A_208 : memref<1x64x128xf32, #tpu.memory_space<vmem>> -> memref<64x128xf32, #tpu.memory_space<vmem>>
      %dma_wait3A_210 = arith.constant 0 : i32
      %dma_wait3A_211 = arith.constant 0 : i32
      %dma_wait3A_212 = tpu.memref_slice %arg2[%dma_wait3A_210, %dma_wait3A_211] : memref<10000x128xf32, #tpu.memory_space<hbm>> -> memref<64x128xf32, #tpu.memory_space<hbm>>
      tpu.wait_dma2 semaphore(%arg14 : memref<!tpu.dma_semaphore, #tpu.memory_space<semaphore_mem>>) src(%dma_wait3A_212 : memref<64x128xf32, #tpu.memory_space<hbm>>) dst(%dma_wait3A_209 : memref<64x128xf32, #tpu.memory_space<vmem>>)
      %add3A_213 = arith.constant 2 : i32
      %add3A_214 = arith.addi %add3A_185, %add3A_213 : i32
      %lt3A_215 = arith.constant 160 : i32
      %lt3A_216 = arith.cmpi slt, %add3A_214, %lt3A_215 : i32
      %convert_element_type3A_217 = arith.extui %lt3A_216 : i1 to i32
      %cond3A_218 = arith.constant 0 : i32
      %cond3A_219 = arith.cmpi ne, %convert_element_type3A_217, %cond3A_218 : i32
      scf.if %cond3A_219 {
        %add3A_263 = arith.constant 2 : i32
        %add3A_264 = arith.addi %add3A_185, %add3A_263 : i32
        %mul3A_265 = arith.constant 64 : i32
        %mul3A_266 = arith.muli %add3A_264, %mul3A_265 : i32
        %add3A_267 = arith.addi %mul3A_2, %mul3A_266 : i32
        %dma_start3A_268 = arith.constant 1 : i32
        %dma_start3A_269 = arith.constant 0 : i32
        %dma_start3A_270 = tpu.memref_slice %arg8[%dma_start3A_268, %dma_start3A_269] : memref<2x64xi32, #tpu.memory_space<vmem>> -> memref<1x64xi32, #tpu.memory_space<vmem>>
        %dma_start3A_271 = tpu.memref_squeeze %dma_start3A_270 : memref<1x64xi32, #tpu.memory_space<vmem>> -> memref<64xi32, #tpu.memory_space<vmem>>
        %dma_start3A_272 = tpu.memref_slice %arg3[%add3A_267] : memref<327680xi32, #tpu.memory_space<hbm>> -> memref<64xi32, #tpu.memory_space<hbm>>
        %dma_start3A_273 = arith.constant 0 : i32
        %dma_start3A_274 = tpu.memref_slice %arg8[%dma_start3A_268, %dma_start3A_273] : memref<2x64xi32, #tpu.memory_space<vmem>> -> memref<1x64xi32, #tpu.memory_space<vmem>>
        %dma_start3A_275 = tpu.memref_squeeze %dma_start3A_274 : memref<1x64xi32, #tpu.memory_space<vmem>> -> memref<64xi32, #tpu.memory_space<vmem>>
        %dma_start3A_276 = tpu.memref_slice %arg3[%add3A_267] : memref<327680xi32, #tpu.memory_space<hbm>> -> memref<64xi32, #tpu.memory_space<hbm>>
        tpu.enqueue_dma source(%dma_start3A_276 : memref<64xi32, #tpu.memory_space<hbm>>) target(%dma_start3A_275 : memref<64xi32, #tpu.memory_space<vmem>>) target_semaphore(%arg20 : memref<!tpu.dma_semaphore, #tpu.memory_space<semaphore_mem>>)
      } else {
      }
      %dma_wait3A_220 = arith.constant 1 : i32
      %dma_wait3A_221 = arith.constant 0 : i32
      %dma_wait3A_222 = tpu.memref_slice %arg9[%dma_wait3A_220, %dma_wait3A_221] : memref<2x64xi32, #tpu.memory_space<vmem>> -> memref<1x64xi32, #tpu.memory_space<vmem>>
      %dma_wait3A_223 = tpu.memref_squeeze %dma_wait3A_222 : memref<1x64xi32, #tpu.memory_space<vmem>> -> memref<64xi32, #tpu.memory_space<vmem>>
      %dma_wait3A_224 = arith.constant 0 : i32
      %dma_wait3A_225 = tpu.memref_slice %arg3[%dma_wait3A_224] : memref<327680xi32, #tpu.memory_space<hbm>> -> memref<64xi32, #tpu.memory_space<hbm>>
      %dma_wait3A_226 = arith.constant 0 : i32
      %dma_wait3A_227 = tpu.memref_slice %arg9[%dma_wait3A_220, %dma_wait3A_226] : memref<2x64xi32, #tpu.memory_space<vmem>> -> memref<1x64xi32, #tpu.memory_space<vmem>>
      %dma_wait3A_228 = tpu.memref_squeeze %dma_wait3A_227 : memref<1x64xi32, #tpu.memory_space<vmem>> -> memref<64xi32, #tpu.memory_space<vmem>>
      %dma_wait3A_229 = arith.constant 0 : i32
      %dma_wait3A_230 = tpu.memref_slice %arg3[%dma_wait3A_229] : memref<327680xi32, #tpu.memory_space<hbm>> -> memref<64xi32, #tpu.memory_space<hbm>>
      tpu.wait_dma2 semaphore(%arg18 : memref<!tpu.dma_semaphore, #tpu.memory_space<semaphore_mem>>) src(%dma_wait3A_230 : memref<64xi32, #tpu.memory_space<hbm>>) dst(%dma_wait3A_228 : memref<64xi32, #tpu.memory_space<vmem>>)
      %dma_wait3A_231 = arith.constant 1 : i32
      %dma_wait3A_232 = arith.constant 0 : i32
      %dma_wait3A_233 = arith.constant 0 : i32
      %dma_wait3A_234 = tpu.memref_slice %arg10[%dma_wait3A_231, %dma_wait3A_232, %dma_wait3A_233] : memref<2x64x16xf32, #tpu.memory_space<vmem>> -> memref<1x64x16xf32, #tpu.memory_space<vmem>>
      %dma_wait3A_235 = tpu.memref_squeeze %dma_wait3A_234 : memref<1x64x16xf32, #tpu.memory_space<vmem>> -> memref<64x16xf32, #tpu.memory_space<vmem>>
      %dma_wait3A_236 = arith.constant 0 : i32
      %dma_wait3A_237 = arith.constant 0 : i32
      %dma_wait3A_238 = tpu.memref_slice %arg5[%dma_wait3A_236, %dma_wait3A_237] : memref<327680x16xf32, #tpu.memory_space<hbm>> -> memref<64x16xf32, #tpu.memory_space<hbm>>
      %dma_wait3A_239 = arith.constant 0 : i32
      %dma_wait3A_240 = arith.constant 0 : i32
      %dma_wait3A_241 = tpu.memref_slice %arg10[%dma_wait3A_231, %dma_wait3A_239, %dma_wait3A_240] : memref<2x64x16xf32, #tpu.memory_space<vmem>> -> memref<1x64x16xf32, #tpu.memory_space<vmem>>
      %dma_wait3A_242 = tpu.memref_squeeze %dma_wait3A_241 : memref<1x64x16xf32, #tpu.memory_space<vmem>> -> memref<64x16xf32, #tpu.memory_space<vmem>>
      %dma_wait3A_243 = arith.constant 0 : i32
      %dma_wait3A_244 = arith.constant 0 : i32
      %dma_wait3A_245 = tpu.memref_slice %arg5[%dma_wait3A_243, %dma_wait3A_244] : memref<327680x16xf32, #tpu.memory_space<hbm>> -> memref<64x16xf32, #tpu.memory_space<hbm>>
      tpu.wait_dma2 semaphore(%arg18 : memref<!tpu.dma_semaphore, #tpu.memory_space<semaphore_mem>>) src(%dma_wait3A_245 : memref<64x16xf32, #tpu.memory_space<hbm>>) dst(%dma_wait3A_242 : memref<64x16xf32, #tpu.memory_space<vmem>>)
      %scan3A_246 = arith.constant 0 : i32
      %scan3A_247 = arith.constant 64 : i32
      %scan3A_248 = arith.addi %scan3A_246, %scan3A_247 : i32
      %scan3A_249 = arith.constant 1 : i32
      scf.for %scan3A_263 = %scan3A_246 to %scan3A_248 step %scan3A_249  : i32 {
        %mul3A_264 = arith.constant 1 : i32
        %mul3A_265 = arith.muli %scan3A_263, %mul3A_264 : i32
        %add3A_266 = arith.constant 0 : i32
        %add3A_267 = arith.addi %add3A_266, %mul3A_265 : i32
        %get3A = arith.constant 1 : i32
        %get3A_268 = arith.index_cast %get3A : i32 to index
        %get3A_269 = arith.index_cast %add3A_267 : i32 to index
        %get3A_270 = arith.constant 0 : index
        %get3A_271 = tpu.vector_load %arg10[%get3A_268, %get3A_269, %get3A_270] {strides = array<i32>} : memref<2x64x16xf32, #tpu.memory_space<vmem>>, vector<16xf32>,
        %get3A_272 = arith.constant 1 : i32
        %get3A_273 = arith.index_cast %get3A_272 : i32 to index
        %get3A_274 = arith.index_cast %add3A_267 : i32 to index
        %get3A_275 = arith.constant 0 : index
        %get3A_276 = tpu.vector_load %arg11[%get3A_273, %get3A_274, %get3A_275] {strides = array<i32>} : memref<2x64x128xf32, #tpu.memory_space<vmem>>, vector<16xf32>,
        %mul3A_277 = arith.mulf %get3A_276, %get3A_271 : vector<16xf32>
        %swap3A = arith.constant 1 : i32
        %swap3A_278 = arith.index_cast %swap3A : i32 to index
        %swap3A_279 = arith.index_cast %add3A_267 : i32 to index
        %swap3A_280 = arith.constant 0 : index
        %swap3A_281 = tpu.vector_load %arg11[%swap3A_278, %swap3A_279, %swap3A_280] {strides = array<i32>} : memref<2x64x128xf32, #tpu.memory_space<vmem>>, vector<16xf32>,
        tpu.vector_store %arg11[%swap3A_278, %swap3A_279, %swap3A_280], %mul3A_277 {strides = array<i32>} : memref<2x64x128xf32, #tpu.memory_space<vmem>>, vector<16xf32>,
        %get3A_282 = arith.constant 1 : i32
        %get3A_283 = arith.index_cast %get3A_282 : i32 to index
        %get3A_284 = arith.index_cast %add3A_267 : i32 to index
        %get3A_285 = arith.constant 16 : index
        %get3A_286 = tpu.vector_load %arg11[%get3A_283, %get3A_284, %get3A_285] {strides = array<i32>} : memref<2x64x128xf32, #tpu.memory_space<vmem>>, vector<16xf32>,
        %mul3A_287 = arith.mulf %get3A_286, %get3A_271 : vector<16xf32>
        %swap3A_288 = arith.constant 1 : i32
        %swap3A_289 = arith.index_cast %swap3A_288 : i32 to index
        %swap3A_290 = arith.index_cast %add3A_267 : i32 to index
        %swap3A_291 = arith.constant 16 : index
        %swap3A_292 = tpu.vector_load %arg11[%swap3A_289, %swap3A_290, %swap3A_291] {strides = array<i32>} : memref<2x64x128xf32, #tpu.memory_space<vmem>>, vector<16xf32>,
        tpu.vector_store %arg11[%swap3A_289, %swap3A_290, %swap3A_291], %mul3A_287 {strides = array<i32>} : memref<2x64x128xf32, #tpu.memory_space<vmem>>, vector<16xf32>,
        %get3A_293 = arith.constant 1 : i32
        %get3A_294 = arith.index_cast %get3A_293 : i32 to index
        %get3A_295 = arith.index_cast %add3A_267 : i32 to index
        %get3A_296 = arith.constant 32 : index
        %get3A_297 = tpu.vector_load %arg11[%get3A_294, %get3A_295, %get3A_296] {strides = array<i32>} : memref<2x64x128xf32, #tpu.memory_space<vmem>>, vector<16xf32>,
        %mul3A_298 = arith.mulf %get3A_297, %get3A_271 : vector<16xf32>
        %swap3A_299 = arith.constant 1 : i32
        %swap3A_300 = arith.index_cast %swap3A_299 : i32 to index
        %swap3A_301 = arith.index_cast %add3A_267 : i32 to index
        %swap3A_302 = arith.constant 32 : index
        %swap3A_303 = tpu.vector_load %arg11[%swap3A_300, %swap3A_301, %swap3A_302] {strides = array<i32>} : memref<2x64x128xf32, #tpu.memory_space<vmem>>, vector<16xf32>,
        tpu.vector_store %arg11[%swap3A_300, %swap3A_301, %swap3A_302], %mul3A_298 {strides = array<i32>} : memref<2x64x128xf32, #tpu.memory_space<vmem>>, vector<16xf32>,
        %get3A_304 = arith.constant 1 : i32
        %get3A_305 = arith.index_cast %get3A_304 : i32 to index
        %get3A_306 = arith.index_cast %add3A_267 : i32 to index
        %get3A_307 = arith.constant 48 : index
        %get3A_308 = tpu.vector_load %arg11[%get3A_305, %get3A_306, %get3A_307] {strides = array<i32>} : memref<2x64x128xf32, #tpu.memory_space<vmem>>, vector<16xf32>,
        %mul3A_309 = arith.mulf %get3A_308, %get3A_271 : vector<16xf32>
        %swap3A_310 = arith.constant 1 : i32
        %swap3A_311 = arith.index_cast %swap3A_310 : i32 to index
        %swap3A_312 = arith.index_cast %add3A_267 : i32 to index
        %swap3A_313 = arith.constant 48 : index
        %swap3A_314 = tpu.vector_load %arg11[%swap3A_311, %swap3A_312, %swap3A_313] {strides = array<i32>} : memref<2x64x128xf32, #tpu.memory_space<vmem>>, vector<16xf32>,
        tpu.vector_store %arg11[%swap3A_311, %swap3A_312, %swap3A_313], %mul3A_309 {strides = array<i32>} : memref<2x64x128xf32, #tpu.memory_space<vmem>>, vector<16xf32>,
        %get3A_315 = arith.constant 1 : i32
        %get3A_316 = arith.index_cast %get3A_315 : i32 to index
        %get3A_317 = arith.index_cast %add3A_267 : i32 to index
        %get3A_318 = arith.constant 64 : index
        %get3A_319 = tpu.vector_load %arg11[%get3A_316, %get3A_317, %get3A_318] {strides = array<i32>} : memref<2x64x128xf32, #tpu.memory_space<vmem>>, vector<16xf32>,
        %mul3A_320 = arith.mulf %get3A_319, %get3A_271 : vector<16xf32>
        %swap3A_321 = arith.constant 1 : i32
        %swap3A_322 = arith.index_cast %swap3A_321 : i32 to index
        %swap3A_323 = arith.index_cast %add3A_267 : i32 to index
        %swap3A_324 = arith.constant 64 : index
        %swap3A_325 = tpu.vector_load %arg11[%swap3A_322, %swap3A_323, %swap3A_324] {strides = array<i32>} : memref<2x64x128xf32, #tpu.memory_space<vmem>>, vector<16xf32>,
        tpu.vector_store %arg11[%swap3A_322, %swap3A_323, %swap3A_324], %mul3A_320 {strides = array<i32>} : memref<2x64x128xf32, #tpu.memory_space<vmem>>, vector<16xf32>,
        %get3A_326 = arith.constant 1 : i32
        %get3A_327 = arith.index_cast %get3A_326 : i32 to index
        %get3A_328 = arith.index_cast %add3A_267 : i32 to index
        %get3A_329 = arith.constant 80 : index
        %get3A_330 = tpu.vector_load %arg11[%get3A_327, %get3A_328, %get3A_329] {strides = array<i32>} : memref<2x64x128xf32, #tpu.memory_space<vmem>>, vector<16xf32>,
        %mul3A_331 = arith.mulf %get3A_330, %get3A_271 : vector<16xf32>
        %swap3A_332 = arith.constant 1 : i32
        %swap3A_333 = arith.index_cast %swap3A_332 : i32 to index
        %swap3A_334 = arith.index_cast %add3A_267 : i32 to index
        %swap3A_335 = arith.constant 80 : index
        %swap3A_336 = tpu.vector_load %arg11[%swap3A_333, %swap3A_334, %swap3A_335] {strides = array<i32>} : memref<2x64x128xf32, #tpu.memory_space<vmem>>, vector<16xf32>,
        tpu.vector_store %arg11[%swap3A_333, %swap3A_334, %swap3A_335], %mul3A_331 {strides = array<i32>} : memref<2x64x128xf32, #tpu.memory_space<vmem>>, vector<16xf32>,
        %get3A_337 = arith.constant 1 : i32
        %get3A_338 = arith.index_cast %get3A_337 : i32 to index
        %get3A_339 = arith.index_cast %add3A_267 : i32 to index
        %get3A_340 = arith.constant 96 : index
        %get3A_341 = tpu.vector_load %arg11[%get3A_338, %get3A_339, %get3A_340] {strides = array<i32>} : memref<2x64x128xf32, #tpu.memory_space<vmem>>, vector<16xf32>,
        %mul3A_342 = arith.mulf %get3A_341, %get3A_271 : vector<16xf32>
        %swap3A_343 = arith.constant 1 : i32
        %swap3A_344 = arith.index_cast %swap3A_343 : i32 to index
        %swap3A_345 = arith.index_cast %add3A_267 : i32 to index
        %swap3A_346 = arith.constant 96 : index
        %swap3A_347 = tpu.vector_load %arg11[%swap3A_344, %swap3A_345, %swap3A_346] {strides = array<i32>} : memref<2x64x128xf32, #tpu.memory_space<vmem>>, vector<16xf32>,
        tpu.vector_store %arg11[%swap3A_344, %swap3A_345, %swap3A_346], %mul3A_342 {strides = array<i32>} : memref<2x64x128xf32, #tpu.memory_space<vmem>>, vector<16xf32>,
        %get3A_348 = arith.constant 1 : i32
        %get3A_349 = arith.index_cast %get3A_348 : i32 to index
        %get3A_350 = arith.index_cast %add3A_267 : i32 to index
        %get3A_351 = arith.constant 112 : index
        %get3A_352 = tpu.vector_load %arg11[%get3A_349, %get3A_350, %get3A_351] {strides = array<i32>} : memref<2x64x128xf32, #tpu.memory_space<vmem>>, vector<16xf32>,
        %mul3A_353 = arith.mulf %get3A_352, %get3A_271 : vector<16xf32>
        %swap3A_354 = arith.constant 1 : i32
        %swap3A_355 = arith.index_cast %swap3A_354 : i32 to index
        %swap3A_356 = arith.index_cast %add3A_267 : i32 to index
        %swap3A_357 = arith.constant 112 : index
        %swap3A_358 = tpu.vector_load %arg11[%swap3A_355, %swap3A_356, %swap3A_357] {strides = array<i32>} : memref<2x64x128xf32, #tpu.memory_space<vmem>>, vector<16xf32>,
        tpu.vector_store %arg11[%swap3A_355, %swap3A_356, %swap3A_357], %mul3A_353 {strides = array<i32>} : memref<2x64x128xf32, #tpu.memory_space<vmem>>, vector<16xf32>,
      }
      %scan3A_250 = arith.constant 64 : i32
      %dma_start3A_251 = arith.constant 1 : i32
      %dma_start3A_252 = arith.constant 1 : i32
      %dma_start3A_253 = arith.constant 0 : i32
      %dma_start3A_254 = arith.constant 0 : i32
      %dma_start3A_255 = tpu.memref_slice %arg11[%dma_start3A_251, %dma_start3A_253, %dma_start3A_254] : memref<2x64x128xf32, #tpu.memory_space<vmem>> -> memref<1x64x128xf32, #tpu.memory_space<vmem>>
      %dma_start3A_256 = tpu.memref_squeeze %dma_start3A_255 : memref<1x64x128xf32, #tpu.memory_space<vmem>> -> memref<64x128xf32, #tpu.memory_space<vmem>>
      %dma_start3A_257 = arith.constant 0 : i32
      %dma_start3A_258 = tpu.memref_slice %arg9[%dma_start3A_252, %dma_start3A_257] : memref<2x64xi32, #tpu.memory_space<vmem>> -> memref<1x64xi32, #tpu.memory_space<vmem>>
      %dma_start3A_259 = tpu.memref_squeeze %dma_start3A_258 : memref<1x64xi32, #tpu.memory_space<vmem>> -> memref<64xi32, #tpu.memory_space<vmem>>
      %dma_start3A_260 = arith.constant 0 : i32
      %dma_start3A_261 = arith.constant 0 : i32
      %dma_start3A_262 = tpu.memref_slice %arg12[%dma_start3A_260, %dma_start3A_261] : memref<10240x128xf32, #tpu.memory_space<vmem_shared>> -> memref<10240x128xf32, #tpu.memory_space<vmem_shared>>
      tpu.enqueue_indirect_dma source(%dma_start3A_256 : memref<64x128xf32, #tpu.memory_space<vmem>>) target(%dma_start3A_262 : memref<10240x128xf32, #tpu.memory_space<vmem_shared>>) offsets(%dma_start3A_259 : memref<64xi32, #tpu.memory_space<vmem>>) semaphore(%arg16 : memref<!tpu.dma_semaphore, #tpu.memory_space<semaphore_mem>>) {add = true}
    }
    %scan3A_79 = arith.constant 80 : i32
    %dma_wait3A_80 = arith.constant 1 : i32
    %dma_wait3A_81 = arith.constant 0 : i32
    %dma_wait3A_82 = arith.constant 0 : i32
    %dma_wait3A_83 = tpu.memref_slice %arg11[%dma_wait3A_80, %dma_wait3A_81, %dma_wait3A_82] : memref<2x64x128xf32, #tpu.memory_space<vmem>> -> memref<1x64x128xf32, #tpu.memory_space<vmem>>
    %dma_wait3A_84 = tpu.memref_squeeze %dma_wait3A_83 : memref<1x64x128xf32, #tpu.memory_space<vmem>> -> memref<64x128xf32, #tpu.memory_space<vmem>>
    %dma_wait3A_85 = arith.constant 0 : i32
    %dma_wait3A_86 = arith.constant 0 : i32
    %dma_wait3A_87 = tpu.memref_slice %arg2[%dma_wait3A_85, %dma_wait3A_86] : memref<10000x128xf32, #tpu.memory_space<hbm>> -> memref<64x128xf32, #tpu.memory_space<hbm>>
    %dma_wait3A_88 = arith.constant 0 : i32
    %dma_wait3A_89 = arith.constant 0 : i32
    %dma_wait3A_90 = tpu.memref_slice %arg11[%dma_wait3A_80, %dma_wait3A_88, %dma_wait3A_89] : memref<2x64x128xf32, #tpu.memory_space<vmem>> -> memref<1x64x128xf32, #tpu.memory_space<vmem>>
    %dma_wait3A_91 = tpu.memref_squeeze %dma_wait3A_90 : memref<1x64x128xf32, #tpu.memory_space<vmem>> -> memref<64x128xf32, #tpu.memory_space<vmem>>
    %dma_wait3A_92 = arith.constant 0 : i32
    %dma_wait3A_93 = arith.constant 0 : i32
    %dma_wait3A_94 = tpu.memref_slice %arg2[%dma_wait3A_92, %dma_wait3A_93] : memref<10000x128xf32, #tpu.memory_space<hbm>> -> memref<64x128xf32, #tpu.memory_space<hbm>>
    tpu.wait_dma2 semaphore(%arg16 : memref<!tpu.dma_semaphore, #tpu.memory_space<semaphore_mem>>) src(%dma_wait3A_94 : memref<64x128xf32, #tpu.memory_space<hbm>>) dst(%dma_wait3A_91 : memref<64x128xf32, #tpu.memory_space<vmem>>)
    %barrier3A_95 = arith.constant 0 : index
    tpu.barrier barrier_id(%barrier3A_95)
    %mul3A_96 = arith.constant 640 : i32
    %mul3A_97 = arith.muli %arg1, %mul3A_96 : i32
    %mul3A_98 = arith.constant 640 : i32
    %mul3A_99 = arith.muli %arg1, %mul3A_98 : i32
    "tpu.region"() ({
      %run_scoped3A = tpu.sem_alloc : memref<!tpu.dma_semaphore, #tpu.memory_space<semaphore_mem>>
      %dma_start3A_100 = arith.constant 0 : i32
      %dma_start3A_101 = tpu.memref_slice %arg7[%arg0, %mul3A_99, %dma_start3A_100] : memref<2x10240x128xf32, #tpu.memory_space<hbm>> -> memref<1x640x128xf32, #tpu.memory_space<hbm>>
      %dma_start3A_102 = tpu.memref_squeeze %dma_start3A_101 : memref<1x640x128xf32, #tpu.memory_space<hbm>> -> memref<640x128xf32, #tpu.memory_space<hbm>>
      %dma_start3A_103 = arith.constant 0 : i32
      %dma_start3A_104 = tpu.memref_slice %arg12[%mul3A_97, %dma_start3A_103] : memref<10240x128xf32, #tpu.memory_space<vmem_shared>> -> memref<640x128xf32, #tpu.memory_space<vmem_shared>>
      tpu.enqueue_dma source(%dma_start3A_104 : memref<640x128xf32, #tpu.memory_space<vmem_shared>>) target(%dma_start3A_102 : memref<640x128xf32, #tpu.memory_space<hbm>>) target_semaphore(%run_scoped3A : memref<!tpu.dma_semaphore, #tpu.memory_space<semaphore_mem>>)
      %dma_wait3A_105 = arith.constant 0 : i32
      %dma_wait3A_106 = tpu.memref_slice %arg7[%arg0, %mul3A_99, %dma_wait3A_105] : memref<2x10240x128xf32, #tpu.memory_space<hbm>> -> memref<1x640x128xf32, #tpu.memory_space<hbm>>
      %dma_wait3A_107 = tpu.memref_squeeze %dma_wait3A_106 : memref<1x640x128xf32, #tpu.memory_space<hbm>> -> memref<640x128xf32, #tpu.memory_space<hbm>>
      %dma_wait3A_108 = arith.constant 0 : i32
      %dma_wait3A_109 = tpu.memref_slice %arg12[%mul3A_97, %dma_wait3A_108] : memref<10240x128xf32, #tpu.memory_space<vmem_shared>> -> memref<640x128xf32, #tpu.memory_space<vmem_shared>>
      tpu.wait_dma2 semaphore(%run_scoped3A : memref<!tpu.dma_semaphore, #tpu.memory_space<semaphore_mem>>) src(%dma_wait3A_109 : memref<640x128xf32, #tpu.memory_space<vmem_shared>>) dst(%dma_wait3A_107 : memref<640x128xf32, #tpu.memory_space<hbm>>)
      tpu.yield
    }) : () -> ()
    return
  }
}

#map = affine_map<(d0, d1) -> (0, 0)>
#map1 = affine_map<(d0, d1) -> (0)>
#map2 = affine_map<(d0, d1) -> (0, 0, 0)>
module attributes {stable_mosaic.version = 14 : i64} {
  func.func @_agg(%arg0: i32, %arg1: i32, %arg2: memref<10000x128xf32, #tpu.memory_space<hbm>>, %arg3: memref<327680xi32, #tpu.memory_space<hbm>>, %arg4: memref<327680xi32, #tpu.memory_space<hbm>>, %arg5: memref<327680x16xf32, #tpu.memory_space<hbm>>, %arg6: memref<10240x128xf32, #tpu.memory_space<hbm>>, %arg7: memref<2x10240x128xf32, #tpu.memory_space<hbm>>, %arg8: memref<2x64xi32, #tpu.memory_space<vmem>>, %arg9: memref<2x64xi32, #tpu.memory_space<vmem>>, %arg10: memref<2x64x16xf32, #tpu.memory_space<vmem>>, %arg11: memref<2x64x128xf32, #tpu.memory_space<vmem>>, %arg12: memref<10240x128xf32, #tpu.memory_space<vmem_shared>>, %arg13: memref<!tpu.dma_semaphore, #tpu.memory_space<semaphore_mem>>, %arg14: memref<!tpu.dma_semaphore, #tpu.memory_space<semaphore_mem>>, %arg15: memref<!tpu.dma_semaphore, #tpu.memory_space<semaphore_mem>>, %arg16: memref<!tpu.dma_semaphore, #tpu.memory_space<semaphore_mem>>, %arg17: memref<!tpu.dma_semaphore, #tpu.memory_space<semaphore_mem>>, %arg18: memref<!tpu.dma_semaphore, #tpu.memory_space<semaphore_mem>>, %arg19: memref<!tpu.dma_semaphore, #tpu.memory_space<semaphore_mem>>, %arg20: memref<!tpu.dma_semaphore, #tpu.memory_space<semaphore_mem>>) attributes {dimension_semantics = [#tpu.dimension_semantics<core_parallel>, #tpu.dimension_semantics<subcore_parallel>], iteration_bounds = array<i64: 2, 16>, scalar_prefetch = 0 : i64, scratch_operands = 13 : i64, tpu.core_type = #tpu.core_type<sc_vector_subcore>, window_params = [{transform_indices = #map}, {transform_indices = #map1}, {transform_indices = #map1}, {transform_indices = #map}, {transform_indices = #map}, {transform_indices = #map2}]} {
    %mul3A = arith.constant 2 : i32
    %mul3A_0 = arith.muli %arg1, %mul3A : i32
    %add3A = arith.addi %mul3A_0, %arg0 : i32
    %mul3A_1 = arith.constant 10240 : i32
    %mul3A_2 = arith.muli %add3A, %mul3A_1 : i32
    %mul3A_3 = arith.constant 640 : i32
    %mul3A_4 = arith.muli %arg1, %mul3A_3 : i32
    %mul3A_5 = arith.constant 640 : i32
    %mul3A_6 = arith.muli %arg1, %mul3A_5 : i32
    "tpu.region"() ({
      %run_scoped3A = tpu.sem_alloc : memref<!tpu.dma_semaphore, #tpu.memory_space<semaphore_mem>>
      %dma_start3A_100 = arith.constant 0 : i32
      %dma_start3A_101 = tpu.memref_slice %arg12[%mul3A_6, %dma_start3A_100] : memref<10240x128xf32, #tpu.memory_space<vmem_shared>> -> memref<640x128xf32, #tpu.memory_space<vmem_shared>>
      %dma_start3A_102 = arith.constant 0 : i32
      %dma_start3A_103 = tpu.memref_slice %arg6[%mul3A_4, %dma_start3A_102] : memref<10240x128xf32, #tpu.memory_space<hbm>> -> memref<640x128xf32, #tpu.memory_space<hbm>>
      tpu.enqueue_dma source(%dma_start3A_103 : memref<640x128xf32, #tpu.memory_space<hbm>>) target(%dma_start3A_101 : memref<640x128xf32, #tpu.memory_space<vmem_shared>>) target_semaphore(%run_scoped3A : memref<!tpu.dma_semaphore, #tpu.memory_space<semaphore_mem>>)
      %dma_wait3A_104 = arith.constant 0 : i32
      %dma_wait3A_105 = tpu.memref_slice %arg12[%mul3A_6, %dma_wait3A_104] : memref<10240x128xf32, #tpu.memory_space<vmem_shared>> -> memref<640x128xf32, #tpu.memory_space<vmem_shared>>
      %dma_wait3A_106 = arith.constant 0 : i32
      %dma_wait3A_107 = tpu.memref_slice %arg6[%mul3A_4, %dma_wait3A_106] : memref<10240x128xf32, #tpu.memory_space<hbm>> -> memref<640x128xf32, #tpu.memory_space<hbm>>
      tpu.wait_dma2 semaphore(%run_scoped3A : memref<!tpu.dma_semaphore, #tpu.memory_space<semaphore_mem>>) src(%dma_wait3A_107 : memref<640x128xf32, #tpu.memory_space<hbm>>) dst(%dma_wait3A_105 : memref<640x128xf32, #tpu.memory_space<vmem_shared>>)
      tpu.yield
    }) : () -> ()
    %barrier3A = arith.constant 0 : index
    tpu.barrier barrier_id(%barrier3A)
    %add3A_7 = arith.constant 0 : i32
    %add3A_8 = arith.addi %mul3A_2, %add3A_7 : i32
    %dma_start3A = arith.constant 0 : i32
    %dma_start3A_9 = arith.constant 0 : i32
    %dma_start3A_10 = tpu.memref_slice %arg8[%dma_start3A, %dma_start3A_9] : memref<2x64xi32, #tpu.memory_space<vmem>> -> memref<1x64xi32, #tpu.memory_space<vmem>>
    %dma_start3A_11 = tpu.memref_squeeze %dma_start3A_10 : memref<1x64xi32, #tpu.memory_space<vmem>> -> memref<64xi32, #tpu.memory_space<vmem>>
    %dma_start3A_12 = tpu.memref_slice %arg3[%add3A_8] : memref<327680xi32, #tpu.memory_space<hbm>> -> memref<64xi32, #tpu.memory_space<hbm>>
    %dma_start3A_13 = arith.constant 0 : i32
    %dma_start3A_14 = tpu.memref_slice %arg8[%dma_start3A, %dma_start3A_13] : memref<2x64xi32, #tpu.memory_space<vmem>> -> memref<1x64xi32, #tpu.memory_space<vmem>>
    %dma_start3A_15 = tpu.memref_squeeze %dma_start3A_14 : memref<1x64xi32, #tpu.memory_space<vmem>> -> memref<64xi32, #tpu.memory_space<vmem>>
    %dma_start3A_16 = tpu.memref_slice %arg3[%add3A_8] : memref<327680xi32, #tpu.memory_space<hbm>> -> memref<64xi32, #tpu.memory_space<hbm>>
    tpu.enqueue_dma source(%dma_start3A_16 : memref<64xi32, #tpu.memory_space<hbm>>) target(%dma_start3A_15 : memref<64xi32, #tpu.memory_space<vmem>>) target_semaphore(%arg19 : memref<!tpu.dma_semaphore, #tpu.memory_space<semaphore_mem>>)
    %add3A_17 = arith.constant 0 : i32
    %add3A_18 = arith.addi %mul3A_2, %add3A_17 : i32
    %dma_start3A_19 = arith.constant 0 : i32
    %dma_start3A_20 = arith.constant 0 : i32
    %dma_start3A_21 = tpu.memref_slice %arg9[%dma_start3A_19, %dma_start3A_20] : memref<2x64xi32, #tpu.memory_space<vmem>> -> memref<1x64xi32, #tpu.memory_space<vmem>>
    %dma_start3A_22 = tpu.memref_squeeze %dma_start3A_21 : memref<1x64xi32, #tpu.memory_space<vmem>> -> memref<64xi32, #tpu.memory_space<vmem>>
    %dma_start3A_23 = tpu.memref_slice %arg4[%add3A_18] : memref<327680xi32, #tpu.memory_space<hbm>> -> memref<64xi32, #tpu.memory_space<hbm>>
    %dma_start3A_24 = arith.constant 0 : i32
    %dma_start3A_25 = tpu.memref_slice %arg9[%dma_start3A_19, %dma_start3A_24] : memref<2x64xi32, #tpu.memory_space<vmem>> -> memref<1x64xi32, #tpu.memory_space<vmem>>
    %dma_start3A_26 = tpu.memref_squeeze %dma_start3A_25 : memref<1x64xi32, #tpu.memory_space<vmem>> -> memref<64xi32, #tpu.memory_space<vmem>>
    %dma_start3A_27 = tpu.memref_slice %arg4[%add3A_18] : memref<327680xi32, #tpu.memory_space<hbm>> -> memref<64xi32, #tpu.memory_space<hbm>>
    tpu.enqueue_dma source(%dma_start3A_27 : memref<64xi32, #tpu.memory_space<hbm>>) target(%dma_start3A_26 : memref<64xi32, #tpu.memory_space<vmem>>) target_semaphore(%arg17 : memref<!tpu.dma_semaphore, #tpu.memory_space<semaphore_mem>>)
    %add3A_28 = arith.constant 0 : i32
    %add3A_29 = arith.addi %mul3A_2, %add3A_28 : i32
    %dma_start3A_30 = arith.constant 0 : i32
    %dma_start3A_31 = arith.constant 0 : i32
    %dma_start3A_32 = arith.constant 0 : i32
    %dma_start3A_33 = tpu.memref_slice %arg10[%dma_start3A_30, %dma_start3A_31, %dma_start3A_32] : memref<2x64x16xf32, #tpu.memory_space<vmem>> -> memref<1x64x16xf32, #tpu.memory_space<vmem>>
    %dma_start3A_34 = tpu.memref_squeeze %dma_start3A_33 : memref<1x64x16xf32, #tpu.memory_space<vmem>> -> memref<64x16xf32, #tpu.memory_space<vmem>>
    %dma_start3A_35 = arith.constant 0 : i32
    %dma_start3A_36 = tpu.memref_slice %arg5[%add3A_29, %dma_start3A_35] : memref<327680x16xf32, #tpu.memory_space<hbm>> -> memref<64x16xf32, #tpu.memory_space<hbm>>
    %dma_start3A_37 = arith.constant 0 : i32
    %dma_start3A_38 = arith.constant 0 : i32
    %dma_start3A_39 = tpu.memref_slice %arg10[%dma_start3A_30, %dma_start3A_37, %dma_start3A_38] : memref<2x64x16xf32, #tpu.memory_space<vmem>> -> memref<1x64x16xf32, #tpu.memory_space<vmem>>
    %dma_start3A_40 = tpu.memref_squeeze %dma_start3A_39 : memref<1x64x16xf32, #tpu.memory_space<vmem>> -> memref<64x16xf32, #tpu.memory_space<vmem>>
    %dma_start3A_41 = arith.constant 0 : i32
    %dma_start3A_42 = tpu.memref_slice %arg5[%add3A_29, %dma_start3A_41] : memref<327680x16xf32, #tpu.memory_space<hbm>> -> memref<64x16xf32, #tpu.memory_space<hbm>>
    tpu.enqueue_dma source(%dma_start3A_42 : memref<64x16xf32, #tpu.memory_space<hbm>>) target(%dma_start3A_40 : memref<64x16xf32, #tpu.memory_space<vmem>>) target_semaphore(%arg17 : memref<!tpu.dma_semaphore, #tpu.memory_space<semaphore_mem>>)
    %dma_wait3A = arith.constant 0 : i32
    %dma_wait3A_43 = arith.constant 0 : i32
    %dma_wait3A_44 = tpu.memref_slice %arg8[%dma_wait3A, %dma_wait3A_43] : memref<2x64xi32, #tpu.memory_space<vmem>> -> memref<1x64xi32, #tpu.memory_space<vmem>>
    %dma_wait3A_45 = tpu.memref_squeeze %dma_wait3A_44 : memref<1x64xi32, #tpu.memory_space<vmem>> -> memref<64xi32, #tpu.memory_space<vmem>>
    %dma_wait3A_46 = arith.constant 0 : i32
    %dma_wait3A_47 = tpu.memref_slice %arg3[%dma_wait3A_46] : memref<327680xi32, #tpu.memory_space<hbm>> -> memref<64xi32, #tpu.memory_space<hbm>>
    %dma_wait3A_48 = arith.constant 0 : i32
    %dma_wait3A_49 = tpu.memref_slice %arg8[%dma_wait3A, %dma_wait3A_48] : memref<2x64xi32, #tpu.memory_space<vmem>> -> memref<1x64xi32, #tpu.memory_space<vmem>>
    %dma_wait3A_50 = tpu.memref_squeeze %dma_wait3A_49 : memref<1x64xi32, #tpu.memory_space<vmem>> -> memref<64xi32, #tpu.memory_space<vmem>>
    %dma_wait3A_51 = arith.constant 0 : i32
    %dma_wait3A_52 = tpu.memref_slice %arg3[%dma_wait3A_51] : memref<327680xi32, #tpu.memory_space<hbm>> -> memref<64xi32, #tpu.memory_space<hbm>>
    tpu.wait_dma2 semaphore(%arg19 : memref<!tpu.dma_semaphore, #tpu.memory_space<semaphore_mem>>) src(%dma_wait3A_52 : memref<64xi32, #tpu.memory_space<hbm>>) dst(%dma_wait3A_50 : memref<64xi32, #tpu.memory_space<vmem>>)
    %dma_start3A_53 = arith.constant 0 : i32
    %dma_start3A_54 = arith.constant 0 : i32
    %dma_start3A_55 = arith.constant 0 : i32
    %dma_start3A_56 = arith.constant 0 : i32
    %dma_start3A_57 = tpu.memref_slice %arg11[%dma_start3A_54, %dma_start3A_55, %dma_start3A_56] : memref<2x64x128xf32, #tpu.memory_space<vmem>> -> memref<1x64x128xf32, #tpu.memory_space<vmem>>
    %dma_start3A_58 = tpu.memref_squeeze %dma_start3A_57 : memref<1x64x128xf32, #tpu.memory_space<vmem>> -> memref<64x128xf32, #tpu.memory_space<vmem>>
    %dma_start3A_59 = arith.constant 0 : i32
    %dma_start3A_60 = tpu.memref_slice %arg8[%dma_start3A_53, %dma_start3A_59] : memref<2x64xi32, #tpu.memory_space<vmem>> -> memref<1x64xi32, #tpu.memory_space<vmem>>
    %dma_start3A_61 = tpu.memref_squeeze %dma_start3A_60 : memref<1x64xi32, #tpu.memory_space<vmem>> -> memref<64xi32, #tpu.memory_space<vmem>>
    %dma_start3A_62 = arith.constant 0 : i32
    %dma_start3A_63 = arith.constant 0 : i32
    %dma_start3A_64 = tpu.memref_slice %arg2[%dma_start3A_62, %dma_start3A_63] : memref<10000x128xf32, #tpu.memory_space<hbm>> -> memref<10000x128xf32, #tpu.memory_space<hbm>>
    tpu.enqueue_indirect_dma source(%dma_start3A_64 : memref<10000x128xf32, #tpu.memory_space<hbm>>) target(%dma_start3A_58 : memref<64x128xf32, #tpu.memory_space<vmem>>) offsets(%dma_start3A_61 : memref<64xi32, #tpu.memory_space<vmem>>) semaphore(%arg13 : memref<!tpu.dma_semaphore, #tpu.memory_space<semaphore_mem>>)
    %add3A_65 = arith.constant 64 : i32
    %add3A_66 = arith.addi %mul3A_2, %add3A_65 : i32
    %dma_start3A_67 = arith.constant 1 : i32
    %dma_start3A_68 = arith.constant 0 : i32
    %dma_start3A_69 = tpu.memref_slice %arg8[%dma_start3A_67, %dma_start3A_68] : memref<2x64xi32, #tpu.memory_space<vmem>> -> memref<1x64xi32, #tpu.memory_space<vmem>>
    %dma_start3A_70 = tpu.memref_squeeze %dma_start3A_69 : memref<1x64xi32, #tpu.memory_space<vmem>> -> memref<64xi32, #tpu.memory_space<vmem>>
    %dma_start3A_71 = tpu.memref_slice %arg3[%add3A_66] : memref<327680xi32, #tpu.memory_space<hbm>> -> memref<64xi32, #tpu.memory_space<hbm>>
    %dma_start3A_72 = arith.constant 0 : i32
    %dma_start3A_73 = tpu.memref_slice %arg8[%dma_start3A_67, %dma_start3A_72] : memref<2x64xi32, #tpu.memory_space<vmem>> -> memref<1x64xi32, #tpu.memory_space<vmem>>
    %dma_start3A_74 = tpu.memref_squeeze %dma_start3A_73 : memref<1x64xi32, #tpu.memory_space<vmem>> -> memref<64xi32, #tpu.memory_space<vmem>>
    %dma_start3A_75 = tpu.memref_slice %arg3[%add3A_66] : memref<327680xi32, #tpu.memory_space<hbm>> -> memref<64xi32, #tpu.memory_space<hbm>>
    tpu.enqueue_dma source(%dma_start3A_75 : memref<64xi32, #tpu.memory_space<hbm>>) target(%dma_start3A_74 : memref<64xi32, #tpu.memory_space<vmem>>) target_semaphore(%arg20 : memref<!tpu.dma_semaphore, #tpu.memory_space<semaphore_mem>>)
    %scan3A = arith.constant 0 : i32
    %scan3A_76 = arith.constant 80 : i32
    %scan3A_77 = arith.addi %scan3A, %scan3A_76 : i32
    %scan3A_78 = arith.constant 1 : i32
    scf.for %scan3A_100 = %scan3A to %scan3A_77 step %scan3A_78  : i32 {
      %mul3A_101 = arith.constant 1 : i32
      %mul3A_102 = arith.muli %scan3A_100, %mul3A_101 : i32
      %add3A_103 = arith.constant 0 : i32
      %add3A_104 = arith.addi %add3A_103, %mul3A_102 : i32
      %mul3A_105 = arith.constant 2 : i32
      %mul3A_106 = arith.muli %add3A_104, %mul3A_105 : i32
      %add3A_107 = arith.constant 0 : i32
      %add3A_108 = arith.addi %mul3A_106, %add3A_107 : i32
      %gt3A = arith.constant 0 : i32
      %gt3A_109 = arith.cmpi sgt, %add3A_108, %gt3A : i32
      %convert_element_type3A = arith.extui %gt3A_109 : i1 to i32
      %cond3A = arith.constant 0 : i32
      %cond3A_110 = arith.cmpi ne, %convert_element_type3A, %cond3A : i32
      scf.if %cond3A_110 {
        %dma_wait3A_263 = arith.constant 1 : i32
        %dma_wait3A_264 = arith.constant 0 : i32
        %dma_wait3A_265 = arith.constant 0 : i32
        %dma_wait3A_266 = tpu.memref_slice %arg11[%dma_wait3A_263, %dma_wait3A_264, %dma_wait3A_265] : memref<2x64x128xf32, #tpu.memory_space<vmem>> -> memref<1x64x128xf32, #tpu.memory_space<vmem>>
        %dma_wait3A_267 = tpu.memref_squeeze %dma_wait3A_266 : memref<1x64x128xf32, #tpu.memory_space<vmem>> -> memref<64x128xf32, #tpu.memory_space<vmem>>
        %dma_wait3A_268 = arith.constant 0 : i32
        %dma_wait3A_269 = arith.constant 0 : i32
        %dma_wait3A_270 = tpu.memref_slice %arg2[%dma_wait3A_268, %dma_wait3A_269] : memref<10000x128xf32, #tpu.memory_space<hbm>> -> memref<64x128xf32, #tpu.memory_space<hbm>>
        %dma_wait3A_271 = arith.constant 0 : i32
        %dma_wait3A_272 = arith.constant 0 : i32
        %dma_wait3A_273 = tpu.memref_slice %arg11[%dma_wait3A_263, %dma_wait3A_271, %dma_wait3A_272] : memref<2x64x128xf32, #tpu.memory_space<vmem>> -> memref<1x64x128xf32, #tpu.memory_space<vmem>>
        %dma_wait3A_274 = tpu.memref_squeeze %dma_wait3A_273 : memref<1x64x128xf32, #tpu.memory_space<vmem>> -> memref<64x128xf32, #tpu.memory_space<vmem>>
        %dma_wait3A_275 = arith.constant 0 : i32
        %dma_wait3A_276 = arith.constant 0 : i32
        %dma_wait3A_277 = tpu.memref_slice %arg2[%dma_wait3A_275, %dma_wait3A_276] : memref<10000x128xf32, #tpu.memory_space<hbm>> -> memref<64x128xf32, #tpu.memory_space<hbm>>
        tpu.wait_dma2 semaphore(%arg16 : memref<!tpu.dma_semaphore, #tpu.memory_space<semaphore_mem>>) src(%dma_wait3A_277 : memref<64x128xf32, #tpu.memory_space<hbm>>) dst(%dma_wait3A_274 : memref<64x128xf32, #tpu.memory_space<vmem>>)
      } else {
      }
      %add3A_111 = arith.constant 1 : i32
      %add3A_112 = arith.addi %add3A_108, %add3A_111 : i32
      %lt3A = arith.constant 160 : i32
      %lt3A_113 = arith.cmpi slt, %add3A_112, %lt3A : i32
      %convert_element_type3A_114 = arith.extui %lt3A_113 : i1 to i32
      %cond3A_115 = arith.constant 0 : i32
      %cond3A_116 = arith.cmpi ne, %convert_element_type3A_114, %cond3A_115 : i32
      scf.if %cond3A_116 {
        %add3A_263 = arith.constant 1 : i32
        %add3A_264 = arith.addi %add3A_108, %add3A_263 : i32
        %mul3A_265 = arith.constant 64 : i32
        %mul3A_266 = arith.muli %add3A_264, %mul3A_265 : i32
        %add3A_267 = arith.addi %mul3A_2, %mul3A_266 : i32
        %dma_start3A_268 = arith.constant 1 : i32
        %dma_start3A_269 = arith.constant 0 : i32
        %dma_start3A_270 = tpu.memref_slice %arg9[%dma_start3A_268, %dma_start3A_269] : memref<2x64xi32, #tpu.memory_space<vmem>> -> memref<1x64xi32, #tpu.memory_space<vmem>>
        %dma_start3A_271 = tpu.memref_squeeze %dma_start3A_270 : memref<1x64xi32, #tpu.memory_space<vmem>> -> memref<64xi32, #tpu.memory_space<vmem>>
        %dma_start3A_272 = tpu.memref_slice %arg4[%add3A_267] : memref<327680xi32, #tpu.memory_space<hbm>> -> memref<64xi32, #tpu.memory_space<hbm>>
        %dma_start3A_273 = arith.constant 0 : i32
        %dma_start3A_274 = tpu.memref_slice %arg9[%dma_start3A_268, %dma_start3A_273] : memref<2x64xi32, #tpu.memory_space<vmem>> -> memref<1x64xi32, #tpu.memory_space<vmem>>
        %dma_start3A_275 = tpu.memref_squeeze %dma_start3A_274 : memref<1x64xi32, #tpu.memory_space<vmem>> -> memref<64xi32, #tpu.memory_space<vmem>>
        %dma_start3A_276 = tpu.memref_slice %arg4[%add3A_267] : memref<327680xi32, #tpu.memory_space<hbm>> -> memref<64xi32, #tpu.memory_space<hbm>>
        tpu.enqueue_dma source(%dma_start3A_276 : memref<64xi32, #tpu.memory_space<hbm>>) target(%dma_start3A_275 : memref<64xi32, #tpu.memory_space<vmem>>) target_semaphore(%arg18 : memref<!tpu.dma_semaphore, #tpu.memory_space<semaphore_mem>>)
        %mul3A_277 = arith.constant 64 : i32
        %mul3A_278 = arith.muli %add3A_264, %mul3A_277 : i32
        %add3A_279 = arith.addi %mul3A_2, %mul3A_278 : i32
        %dma_start3A_280 = arith.constant 1 : i32
        %dma_start3A_281 = arith.constant 0 : i32
        %dma_start3A_282 = arith.constant 0 : i32
        %dma_start3A_283 = tpu.memref_slice %arg10[%dma_start3A_280, %dma_start3A_281, %dma_start3A_282] : memref<2x64x16xf32, #tpu.memory_space<vmem>> -> memref<1x64x16xf32, #tpu.memory_space<vmem>>
        %dma_start3A_284 = tpu.memref_squeeze %dma_start3A_283 : memref<1x64x16xf32, #tpu.memory_space<vmem>> -> memref<64x16xf32, #tpu.memory_space<vmem>>
        %dma_start3A_285 = arith.constant 0 : i32
        %dma_start3A_286 = tpu.memref_slice %arg5[%add3A_279, %dma_start3A_285] : memref<327680x16xf32, #tpu.memory_space<hbm>> -> memref<64x16xf32, #tpu.memory_space<hbm>>
        %dma_start3A_287 = arith.constant 0 : i32
        %dma_start3A_288 = arith.constant 0 : i32
        %dma_start3A_289 = tpu.memref_slice %arg10[%dma_start3A_280, %dma_start3A_287, %dma_start3A_288] : memref<2x64x16xf32, #tpu.memory_space<vmem>> -> memref<1x64x16xf32, #tpu.memory_space<vmem>>
        %dma_start3A_290 = tpu.memref_squeeze %dma_start3A_289 : memref<1x64x16xf32, #tpu.memory_space<vmem>> -> memref<64x16xf32, #tpu.memory_space<vmem>>
        %dma_start3A_291 = arith.constant 0 : i32
        %dma_start3A_292 = tpu.memref_slice %arg5[%add3A_279, %dma_start3A_291] : memref<327680x16xf32, #tpu.memory_space<hbm>> -> memref<64x16xf32, #tpu.memory_space<hbm>>
        tpu.enqueue_dma source(%dma_start3A_292 : memref<64x16xf32, #tpu.memory_space<hbm>>) target(%dma_start3A_290 : memref<64x16xf32, #tpu.memory_space<vmem>>) target_semaphore(%arg18 : memref<!tpu.dma_semaphore, #tpu.memory_space<semaphore_mem>>)
        %dma_wait3A_293 = arith.constant 1 : i32
        %dma_wait3A_294 = arith.constant 0 : i32
        %dma_wait3A_295 = tpu.memref_slice %arg8[%dma_wait3A_293, %dma_wait3A_294] : memref<2x64xi32, #tpu.memory_space<vmem>> -> memref<1x64xi32, #tpu.memory_space<vmem>>
        %dma_wait3A_296 = tpu.memref_squeeze %dma_wait3A_295 : memref<1x64xi32, #tpu.memory_space<vmem>> -> memref<64xi32, #tpu.memory_space<vmem>>
        %dma_wait3A_297 = arith.constant 0 : i32
        %dma_wait3A_298 = tpu.memref_slice %arg3[%dma_wait3A_297] : memref<327680xi32, #tpu.memory_space<hbm>> -> memref<64xi32, #tpu.memory_space<hbm>>
        %dma_wait3A_299 = arith.constant 0 : i32
        %dma_wait3A_300 = tpu.memref_slice %arg8[%dma_wait3A_293, %dma_wait3A_299] : memref<2x64xi32, #tpu.memory_space<vmem>> -> memref<1x64xi32, #tpu.memory_space<vmem>>
        %dma_wait3A_301 = tpu.memref_squeeze %dma_wait3A_300 : memref<1x64xi32, #tpu.memory_space<vmem>> -> memref<64xi32, #tpu.memory_space<vmem>>
        %dma_wait3A_302 = arith.constant 0 : i32
        %dma_wait3A_303 = tpu.memref_slice %arg3[%dma_wait3A_302] : memref<327680xi32, #tpu.memory_space<hbm>> -> memref<64xi32, #tpu.memory_space<hbm>>
        tpu.wait_dma2 semaphore(%arg20 : memref<!tpu.dma_semaphore, #tpu.memory_space<semaphore_mem>>) src(%dma_wait3A_303 : memref<64xi32, #tpu.memory_space<hbm>>) dst(%dma_wait3A_301 : memref<64xi32, #tpu.memory_space<vmem>>)
        %dma_start3A_304 = arith.constant 1 : i32
        %dma_start3A_305 = arith.constant 1 : i32
        %dma_start3A_306 = arith.constant 0 : i32
        %dma_start3A_307 = arith.constant 0 : i32
        %dma_start3A_308 = tpu.memref_slice %arg11[%dma_start3A_305, %dma_start3A_306, %dma_start3A_307] : memref<2x64x128xf32, #tpu.memory_space<vmem>> -> memref<1x64x128xf32, #tpu.memory_space<vmem>>
        %dma_start3A_309 = tpu.memref_squeeze %dma_start3A_308 : memref<1x64x128xf32, #tpu.memory_space<vmem>> -> memref<64x128xf32, #tpu.memory_space<vmem>>
        %dma_start3A_310 = arith.constant 0 : i32
        %dma_start3A_311 = tpu.memref_slice %arg8[%dma_start3A_304, %dma_start3A_310] : memref<2x64xi32, #tpu.memory_space<vmem>> -> memref<1x64xi32, #tpu.memory_space<vmem>>
        %dma_start3A_312 = tpu.memref_squeeze %dma_start3A_311 : memref<1x64xi32, #tpu.memory_space<vmem>> -> memref<64xi32, #tpu.memory_space<vmem>>
        %dma_start3A_313 = arith.constant 0 : i32
        %dma_start3A_314 = arith.constant 0 : i32
        %dma_start3A_315 = tpu.memref_slice %arg2[%dma_start3A_313, %dma_start3A_314] : memref<10000x128xf32, #tpu.memory_space<hbm>> -> memref<10000x128xf32, #tpu.memory_space<hbm>>
        tpu.enqueue_indirect_dma source(%dma_start3A_315 : memref<10000x128xf32, #tpu.memory_space<hbm>>) target(%dma_start3A_309 : memref<64x128xf32, #tpu.memory_space<vmem>>) offsets(%dma_start3A_312 : memref<64xi32, #tpu.memory_space<vmem>>) semaphore(%arg14 : memref<!tpu.dma_semaphore, #tpu.memory_space<semaphore_mem>>)
      } else {
      }
      %dma_wait3A_117 = arith.constant 0 : i32
      %dma_wait3A_118 = arith.constant 0 : i32
      %dma_wait3A_119 = arith.constant 0 : i32
      %dma_wait3A_120 = tpu.memref_slice %arg11[%dma_wait3A_117, %dma_wait3A_118, %dma_wait3A_119] : memref<2x64x128xf32, #tpu.memory_space<vmem>> -> memref<1x64x128xf32, #tpu.memory_space<vmem>>
      %dma_wait3A_121 = tpu.memref_squeeze %dma_wait3A_120 : memref<1x64x128xf32, #tpu.memory_space<vmem>> -> memref<64x128xf32, #tpu.memory_space<vmem>>
      %dma_wait3A_122 = arith.constant 0 : i32
      %dma_wait3A_123 = arith.constant 0 : i32
      %dma_wait3A_124 = tpu.memref_slice %arg2[%dma_wait3A_122, %dma_wait3A_123] : memref<10000x128xf32, #tpu.memory_space<hbm>> -> memref<64x128xf32, #tpu.memory_space<hbm>>
      %dma_wait3A_125 = arith.constant 0 : i32
      %dma_wait3A_126 = arith.constant 0 : i32
      %dma_wait3A_127 = tpu.memref_slice %arg11[%dma_wait3A_117, %dma_wait3A_125, %dma_wait3A_126] : memref<2x64x128xf32, #tpu.memory_space<vmem>> -> memref<1x64x128xf32, #tpu.memory_space<vmem>>
      %dma_wait3A_128 = tpu.memref_squeeze %dma_wait3A_127 : memref<1x64x128xf32, #tpu.memory_space<vmem>> -> memref<64x128xf32, #tpu.memory_space<vmem>>
      %dma_wait3A_129 = arith.constant 0 : i32
      %dma_wait3A_130 = arith.constant 0 : i32
      %dma_wait3A_131 = tpu.memref_slice %arg2[%dma_wait3A_129, %dma_wait3A_130] : memref<10000x128xf32, #tpu.memory_space<hbm>> -> memref<64x128xf32, #tpu.memory_space<hbm>>
      tpu.wait_dma2 semaphore(%arg13 : memref<!tpu.dma_semaphore, #tpu.memory_space<semaphore_mem>>) src(%dma_wait3A_131 : memref<64x128xf32, #tpu.memory_space<hbm>>) dst(%dma_wait3A_128 : memref<64x128xf32, #tpu.memory_space<vmem>>)
      %add3A_132 = arith.constant 2 : i32
      %add3A_133 = arith.addi %add3A_108, %add3A_132 : i32
      %lt3A_134 = arith.constant 160 : i32
      %lt3A_135 = arith.cmpi slt, %add3A_133, %lt3A_134 : i32
      %convert_element_type3A_136 = arith.extui %lt3A_135 : i1 to i32
      %cond3A_137 = arith.constant 0 : i32
      %cond3A_138 = arith.cmpi ne, %convert_element_type3A_136, %cond3A_137 : i32
      scf.if %cond3A_138 {
        %add3A_263 = arith.constant 2 : i32
        %add3A_264 = arith.addi %add3A_108, %add3A_263 : i32
        %mul3A_265 = arith.constant 64 : i32
        %mul3A_266 = arith.muli %add3A_264, %mul3A_265 : i32
        %add3A_267 = arith.addi %mul3A_2, %mul3A_266 : i32
        %dma_start3A_268 = arith.constant 0 : i32
        %dma_start3A_269 = arith.constant 0 : i32
        %dma_start3A_270 = tpu.memref_slice %arg8[%dma_start3A_268, %dma_start3A_269] : memref<2x64xi32, #tpu.memory_space<vmem>> -> memref<1x64xi32, #tpu.memory_space<vmem>>
        %dma_start3A_271 = tpu.memref_squeeze %dma_start3A_270 : memref<1x64xi32, #tpu.memory_space<vmem>> -> memref<64xi32, #tpu.memory_space<vmem>>
        %dma_start3A_272 = tpu.memref_slice %arg3[%add3A_267] : memref<327680xi32, #tpu.memory_space<hbm>> -> memref<64xi32, #tpu.memory_space<hbm>>
        %dma_start3A_273 = arith.constant 0 : i32
        %dma_start3A_274 = tpu.memref_slice %arg8[%dma_start3A_268, %dma_start3A_273] : memref<2x64xi32, #tpu.memory_space<vmem>> -> memref<1x64xi32, #tpu.memory_space<vmem>>
        %dma_start3A_275 = tpu.memref_squeeze %dma_start3A_274 : memref<1x64xi32, #tpu.memory_space<vmem>> -> memref<64xi32, #tpu.memory_space<vmem>>
        %dma_start3A_276 = tpu.memref_slice %arg3[%add3A_267] : memref<327680xi32, #tpu.memory_space<hbm>> -> memref<64xi32, #tpu.memory_space<hbm>>
        tpu.enqueue_dma source(%dma_start3A_276 : memref<64xi32, #tpu.memory_space<hbm>>) target(%dma_start3A_275 : memref<64xi32, #tpu.memory_space<vmem>>) target_semaphore(%arg19 : memref<!tpu.dma_semaphore, #tpu.memory_space<semaphore_mem>>)
      } else {
      }
      %dma_wait3A_139 = arith.constant 0 : i32
      %dma_wait3A_140 = arith.constant 0 : i32
      %dma_wait3A_141 = tpu.memref_slice %arg9[%dma_wait3A_139, %dma_wait3A_140] : memref<2x64xi32, #tpu.memory_space<vmem>> -> memref<1x64xi32, #tpu.memory_space<vmem>>
      %dma_wait3A_142 = tpu.memref_squeeze %dma_wait3A_141 : memref<1x64xi32, #tpu.memory_space<vmem>> -> memref<64xi32, #tpu.memory_space<vmem>>
      %dma_wait3A_143 = arith.constant 0 : i32
      %dma_wait3A_144 = tpu.memref_slice %arg3[%dma_wait3A_143] : memref<327680xi32, #tpu.memory_space<hbm>> -> memref<64xi32, #tpu.memory_space<hbm>>
      %dma_wait3A_145 = arith.constant 0 : i32
      %dma_wait3A_146 = tpu.memref_slice %arg9[%dma_wait3A_139, %dma_wait3A_145] : memref<2x64xi32, #tpu.memory_space<vmem>> -> memref<1x64xi32, #tpu.memory_space<vmem>>
      %dma_wait3A_147 = tpu.memref_squeeze %dma_wait3A_146 : memref<1x64xi32, #tpu.memory_space<vmem>> -> memref<64xi32, #tpu.memory_space<vmem>>
      %dma_wait3A_148 = arith.constant 0 : i32
      %dma_wait3A_149 = tpu.memref_slice %arg3[%dma_wait3A_148] : memref<327680xi32, #tpu.memory_space<hbm>> -> memref<64xi32, #tpu.memory_space<hbm>>
      tpu.wait_dma2 semaphore(%arg17 : memref<!tpu.dma_semaphore, #tpu.memory_space<semaphore_mem>>) src(%dma_wait3A_149 : memref<64xi32, #tpu.memory_space<hbm>>) dst(%dma_wait3A_147 : memref<64xi32, #tpu.memory_space<vmem>>)
      %dma_wait3A_150 = arith.constant 0 : i32
      %dma_wait3A_151 = arith.constant 0 : i32
      %dma_wait3A_152 = arith.constant 0 : i32
      %dma_wait3A_153 = tpu.memref_slice %arg10[%dma_wait3A_150, %dma_wait3A_151, %dma_wait3A_152] : memref<2x64x16xf32, #tpu.memory_space<vmem>> -> memref<1x64x16xf32, #tpu.memory_space<vmem>>
      %dma_wait3A_154 = tpu.memref_squeeze %dma_wait3A_153 : memref<1x64x16xf32, #tpu.memory_space<vmem>> -> memref<64x16xf32, #tpu.memory_space<vmem>>
      %dma_wait3A_155 = arith.constant 0 : i32
      %dma_wait3A_156 = arith.constant 0 : i32
      %dma_wait3A_157 = tpu.memref_slice %arg5[%dma_wait3A_155, %dma_wait3A_156] : memref<327680x16xf32, #tpu.memory_space<hbm>> -> memref<64x16xf32, #tpu.memory_space<hbm>>
      %dma_wait3A_158 = arith.constant 0 : i32
      %dma_wait3A_159 = arith.constant 0 : i32
      %dma_wait3A_160 = tpu.memref_slice %arg10[%dma_wait3A_150, %dma_wait3A_158, %dma_wait3A_159] : memref<2x64x16xf32, #tpu.memory_space<vmem>> -> memref<1x64x16xf32, #tpu.memory_space<vmem>>
      %dma_wait3A_161 = tpu.memref_squeeze %dma_wait3A_160 : memref<1x64x16xf32, #tpu.memory_space<vmem>> -> memref<64x16xf32, #tpu.memory_space<vmem>>
      %dma_wait3A_162 = arith.constant 0 : i32
      %dma_wait3A_163 = arith.constant 0 : i32
      %dma_wait3A_164 = tpu.memref_slice %arg5[%dma_wait3A_162, %dma_wait3A_163] : memref<327680x16xf32, #tpu.memory_space<hbm>> -> memref<64x16xf32, #tpu.memory_space<hbm>>
      tpu.wait_dma2 semaphore(%arg17 : memref<!tpu.dma_semaphore, #tpu.memory_space<semaphore_mem>>) src(%dma_wait3A_164 : memref<64x16xf32, #tpu.memory_space<hbm>>) dst(%dma_wait3A_161 : memref<64x16xf32, #tpu.memory_space<vmem>>)
      %scan3A_165 = arith.constant 0 : i32
      %scan3A_166 = arith.constant 64 : i32
      %scan3A_167 = arith.addi %scan3A_165, %scan3A_166 : i32
      %scan3A_168 = arith.constant 1 : i32
      scf.for %scan3A_263 = %scan3A_165 to %scan3A_167 step %scan3A_168  : i32 {
        %mul3A_264 = arith.constant 1 : i32
        %mul3A_265 = arith.muli %scan3A_263, %mul3A_264 : i32
        %add3A_266 = arith.constant 0 : i32
        %add3A_267 = arith.addi %add3A_266, %mul3A_265 : i32
        %get3A = arith.constant 0 : i32
        %get3A_268 = arith.index_cast %get3A : i32 to index
        %get3A_269 = arith.index_cast %add3A_267 : i32 to index
        %get3A_270 = arith.constant 0 : index
        %get3A_271 = tpu.vector_load %arg10[%get3A_268, %get3A_269, %get3A_270] {strides = array<i32>} : memref<2x64x16xf32, #tpu.memory_space<vmem>>, vector<16xf32>,
        %get3A_272 = arith.constant 0 : i32
        %get3A_273 = arith.index_cast %get3A_272 : i32 to index
        %get3A_274 = arith.index_cast %add3A_267 : i32 to index
        %get3A_275 = arith.constant 0 : index
        %get3A_276 = tpu.vector_load %arg11[%get3A_273, %get3A_274, %get3A_275] {strides = array<i32>} : memref<2x64x128xf32, #tpu.memory_space<vmem>>, vector<16xf32>,
        %mul3A_277 = arith.mulf %get3A_276, %get3A_271 : vector<16xf32>
        %swap3A = arith.constant 0 : i32
        %swap3A_278 = arith.index_cast %swap3A : i32 to index
        %swap3A_279 = arith.index_cast %add3A_267 : i32 to index
        %swap3A_280 = arith.constant 0 : index
        %swap3A_281 = tpu.vector_load %arg11[%swap3A_278, %swap3A_279, %swap3A_280] {strides = array<i32>} : memref<2x64x128xf32, #tpu.memory_space<vmem>>, vector<16xf32>,
        tpu.vector_store %arg11[%swap3A_278, %swap3A_279, %swap3A_280], %mul3A_277 {strides = array<i32>} : memref<2x64x128xf32, #tpu.memory_space<vmem>>, vector<16xf32>,
        %get3A_282 = arith.constant 0 : i32
        %get3A_283 = arith.index_cast %get3A_282 : i32 to index
        %get3A_284 = arith.index_cast %add3A_267 : i32 to index
        %get3A_285 = arith.constant 16 : index
        %get3A_286 = tpu.vector_load %arg11[%get3A_283, %get3A_284, %get3A_285] {strides = array<i32>} : memref<2x64x128xf32, #tpu.memory_space<vmem>>, vector<16xf32>,
        %mul3A_287 = arith.mulf %get3A_286, %get3A_271 : vector<16xf32>
        %swap3A_288 = arith.constant 0 : i32
        %swap3A_289 = arith.index_cast %swap3A_288 : i32 to index
        %swap3A_290 = arith.index_cast %add3A_267 : i32 to index
        %swap3A_291 = arith.constant 16 : index
        %swap3A_292 = tpu.vector_load %arg11[%swap3A_289, %swap3A_290, %swap3A_291] {strides = array<i32>} : memref<2x64x128xf32, #tpu.memory_space<vmem>>, vector<16xf32>,
        tpu.vector_store %arg11[%swap3A_289, %swap3A_290, %swap3A_291], %mul3A_287 {strides = array<i32>} : memref<2x64x128xf32, #tpu.memory_space<vmem>>, vector<16xf32>,
        %get3A_293 = arith.constant 0 : i32
        %get3A_294 = arith.index_cast %get3A_293 : i32 to index
        %get3A_295 = arith.index_cast %add3A_267 : i32 to index
        %get3A_296 = arith.constant 32 : index
        %get3A_297 = tpu.vector_load %arg11[%get3A_294, %get3A_295, %get3A_296] {strides = array<i32>} : memref<2x64x128xf32, #tpu.memory_space<vmem>>, vector<16xf32>,
        %mul3A_298 = arith.mulf %get3A_297, %get3A_271 : vector<16xf32>
        %swap3A_299 = arith.constant 0 : i32
        %swap3A_300 = arith.index_cast %swap3A_299 : i32 to index
        %swap3A_301 = arith.index_cast %add3A_267 : i32 to index
        %swap3A_302 = arith.constant 32 : index
        %swap3A_303 = tpu.vector_load %arg11[%swap3A_300, %swap3A_301, %swap3A_302] {strides = array<i32>} : memref<2x64x128xf32, #tpu.memory_space<vmem>>, vector<16xf32>,
        tpu.vector_store %arg11[%swap3A_300, %swap3A_301, %swap3A_302], %mul3A_298 {strides = array<i32>} : memref<2x64x128xf32, #tpu.memory_space<vmem>>, vector<16xf32>,
        %get3A_304 = arith.constant 0 : i32
        %get3A_305 = arith.index_cast %get3A_304 : i32 to index
        %get3A_306 = arith.index_cast %add3A_267 : i32 to index
        %get3A_307 = arith.constant 48 : index
        %get3A_308 = tpu.vector_load %arg11[%get3A_305, %get3A_306, %get3A_307] {strides = array<i32>} : memref<2x64x128xf32, #tpu.memory_space<vmem>>, vector<16xf32>,
        %mul3A_309 = arith.mulf %get3A_308, %get3A_271 : vector<16xf32>
        %swap3A_310 = arith.constant 0 : i32
        %swap3A_311 = arith.index_cast %swap3A_310 : i32 to index
        %swap3A_312 = arith.index_cast %add3A_267 : i32 to index
        %swap3A_313 = arith.constant 48 : index
        %swap3A_314 = tpu.vector_load %arg11[%swap3A_311, %swap3A_312, %swap3A_313] {strides = array<i32>} : memref<2x64x128xf32, #tpu.memory_space<vmem>>, vector<16xf32>,
        tpu.vector_store %arg11[%swap3A_311, %swap3A_312, %swap3A_313], %mul3A_309 {strides = array<i32>} : memref<2x64x128xf32, #tpu.memory_space<vmem>>, vector<16xf32>,
        %get3A_315 = arith.constant 0 : i32
        %get3A_316 = arith.index_cast %get3A_315 : i32 to index
        %get3A_317 = arith.index_cast %add3A_267 : i32 to index
        %get3A_318 = arith.constant 64 : index
        %get3A_319 = tpu.vector_load %arg11[%get3A_316, %get3A_317, %get3A_318] {strides = array<i32>} : memref<2x64x128xf32, #tpu.memory_space<vmem>>, vector<16xf32>,
        %mul3A_320 = arith.mulf %get3A_319, %get3A_271 : vector<16xf32>
        %swap3A_321 = arith.constant 0 : i32
        %swap3A_322 = arith.index_cast %swap3A_321 : i32 to index
        %swap3A_323 = arith.index_cast %add3A_267 : i32 to index
        %swap3A_324 = arith.constant 64 : index
        %swap3A_325 = tpu.vector_load %arg11[%swap3A_322, %swap3A_323, %swap3A_324] {strides = array<i32>} : memref<2x64x128xf32, #tpu.memory_space<vmem>>, vector<16xf32>,
        tpu.vector_store %arg11[%swap3A_322, %swap3A_323, %swap3A_324], %mul3A_320 {strides = array<i32>} : memref<2x64x128xf32, #tpu.memory_space<vmem>>, vector<16xf32>,
        %get3A_326 = arith.constant 0 : i32
        %get3A_327 = arith.index_cast %get3A_326 : i32 to index
        %get3A_328 = arith.index_cast %add3A_267 : i32 to index
        %get3A_329 = arith.constant 80 : index
        %get3A_330 = tpu.vector_load %arg11[%get3A_327, %get3A_328, %get3A_329] {strides = array<i32>} : memref<2x64x128xf32, #tpu.memory_space<vmem>>, vector<16xf32>,
        %mul3A_331 = arith.mulf %get3A_330, %get3A_271 : vector<16xf32>
        %swap3A_332 = arith.constant 0 : i32
        %swap3A_333 = arith.index_cast %swap3A_332 : i32 to index
        %swap3A_334 = arith.index_cast %add3A_267 : i32 to index
        %swap3A_335 = arith.constant 80 : index
        %swap3A_336 = tpu.vector_load %arg11[%swap3A_333, %swap3A_334, %swap3A_335] {strides = array<i32>} : memref<2x64x128xf32, #tpu.memory_space<vmem>>, vector<16xf32>,
        tpu.vector_store %arg11[%swap3A_333, %swap3A_334, %swap3A_335], %mul3A_331 {strides = array<i32>} : memref<2x64x128xf32, #tpu.memory_space<vmem>>, vector<16xf32>,
        %get3A_337 = arith.constant 0 : i32
        %get3A_338 = arith.index_cast %get3A_337 : i32 to index
        %get3A_339 = arith.index_cast %add3A_267 : i32 to index
        %get3A_340 = arith.constant 96 : index
        %get3A_341 = tpu.vector_load %arg11[%get3A_338, %get3A_339, %get3A_340] {strides = array<i32>} : memref<2x64x128xf32, #tpu.memory_space<vmem>>, vector<16xf32>,
        %mul3A_342 = arith.mulf %get3A_341, %get3A_271 : vector<16xf32>
        %swap3A_343 = arith.constant 0 : i32
        %swap3A_344 = arith.index_cast %swap3A_343 : i32 to index
        %swap3A_345 = arith.index_cast %add3A_267 : i32 to index
        %swap3A_346 = arith.constant 96 : index
        %swap3A_347 = tpu.vector_load %arg11[%swap3A_344, %swap3A_345, %swap3A_346] {strides = array<i32>} : memref<2x64x128xf32, #tpu.memory_space<vmem>>, vector<16xf32>,
        tpu.vector_store %arg11[%swap3A_344, %swap3A_345, %swap3A_346], %mul3A_342 {strides = array<i32>} : memref<2x64x128xf32, #tpu.memory_space<vmem>>, vector<16xf32>,
        %get3A_348 = arith.constant 0 : i32
        %get3A_349 = arith.index_cast %get3A_348 : i32 to index
        %get3A_350 = arith.index_cast %add3A_267 : i32 to index
        %get3A_351 = arith.constant 112 : index
        %get3A_352 = tpu.vector_load %arg11[%get3A_349, %get3A_350, %get3A_351] {strides = array<i32>} : memref<2x64x128xf32, #tpu.memory_space<vmem>>, vector<16xf32>,
        %mul3A_353 = arith.mulf %get3A_352, %get3A_271 : vector<16xf32>
        %swap3A_354 = arith.constant 0 : i32
        %swap3A_355 = arith.index_cast %swap3A_354 : i32 to index
        %swap3A_356 = arith.index_cast %add3A_267 : i32 to index
        %swap3A_357 = arith.constant 112 : index
        %swap3A_358 = tpu.vector_load %arg11[%swap3A_355, %swap3A_356, %swap3A_357] {strides = array<i32>} : memref<2x64x128xf32, #tpu.memory_space<vmem>>, vector<16xf32>,
        tpu.vector_store %arg11[%swap3A_355, %swap3A_356, %swap3A_357], %mul3A_353 {strides = array<i32>} : memref<2x64x128xf32, #tpu.memory_space<vmem>>, vector<16xf32>,
      }
      %scan3A_169 = arith.constant 64 : i32
      %dma_start3A_170 = arith.constant 0 : i32
      %dma_start3A_171 = arith.constant 0 : i32
      %dma_start3A_172 = arith.constant 0 : i32
      %dma_start3A_173 = arith.constant 0 : i32
      %dma_start3A_174 = tpu.memref_slice %arg11[%dma_start3A_170, %dma_start3A_172, %dma_start3A_173] : memref<2x64x128xf32, #tpu.memory_space<vmem>> -> memref<1x64x128xf32, #tpu.memory_space<vmem>>
      %dma_start3A_175 = tpu.memref_squeeze %dma_start3A_174 : memref<1x64x128xf32, #tpu.memory_space<vmem>> -> memref<64x128xf32, #tpu.memory_space<vmem>>
      %dma_start3A_176 = arith.constant 0 : i32
      %dma_start3A_177 = tpu.memref_slice %arg9[%dma_start3A_171, %dma_start3A_176] : memref<2x64xi32, #tpu.memory_space<vmem>> -> memref<1x64xi32, #tpu.memory_space<vmem>>
      %dma_start3A_178 = tpu.memref_squeeze %dma_start3A_177 : memref<1x64xi32, #tpu.memory_space<vmem>> -> memref<64xi32, #tpu.memory_space<vmem>>
      %dma_start3A_179 = arith.constant 0 : i32
      %dma_start3A_180 = arith.constant 0 : i32
      %dma_start3A_181 = tpu.memref_slice %arg12[%dma_start3A_179, %dma_start3A_180] : memref<10240x128xf32, #tpu.memory_space<vmem_shared>> -> memref<10240x128xf32, #tpu.memory_space<vmem_shared>>
      tpu.enqueue_indirect_dma source(%dma_start3A_175 : memref<64x128xf32, #tpu.memory_space<vmem>>) target(%dma_start3A_181 : memref<10240x128xf32, #tpu.memory_space<vmem_shared>>) offsets(%dma_start3A_178 : memref<64xi32, #tpu.memory_space<vmem>>) semaphore(%arg15 : memref<!tpu.dma_semaphore, #tpu.memory_space<semaphore_mem>>) {add = true}
      %mul3A_182 = arith.constant 2 : i32
      %mul3A_183 = arith.muli %add3A_104, %mul3A_182 : i32
      %add3A_184 = arith.constant 1 : i32
      %add3A_185 = arith.addi %mul3A_183, %add3A_184 : i32
      %gt3A_186 = arith.constant 0 : i32
      %gt3A_187 = arith.cmpi sgt, %add3A_185, %gt3A_186 : i32
      %convert_element_type3A_188 = arith.extui %gt3A_187 : i1 to i32
      %cond3A_189 = arith.constant 0 : i32
      %cond3A_190 = arith.cmpi ne, %convert_element_type3A_188, %cond3A_189 : i32
      scf.if %cond3A_190 {
        %dma_wait3A_263 = arith.constant 0 : i32
        %dma_wait3A_264 = arith.constant 0 : i32
        %dma_wait3A_265 = arith.constant 0 : i32
        %dma_wait3A_266 = tpu.memref_slice %arg11[%dma_wait3A_263, %dma_wait3A_264, %dma_wait3A_265] : memref<2x64x128xf32, #tpu.memory_space<vmem>> -> memref<1x64x128xf32, #tpu.memory_space<vmem>>
        %dma_wait3A_267 = tpu.memref_squeeze %dma_wait3A_266 : memref<1x64x128xf32, #tpu.memory_space<vmem>> -> memref<64x128xf32, #tpu.memory_space<vmem>>
        %dma_wait3A_268 = arith.constant 0 : i32
        %dma_wait3A_269 = arith.constant 0 : i32
        %dma_wait3A_270 = tpu.memref_slice %arg2[%dma_wait3A_268, %dma_wait3A_269] : memref<10000x128xf32, #tpu.memory_space<hbm>> -> memref<64x128xf32, #tpu.memory_space<hbm>>
        %dma_wait3A_271 = arith.constant 0 : i32
        %dma_wait3A_272 = arith.constant 0 : i32
        %dma_wait3A_273 = tpu.memref_slice %arg11[%dma_wait3A_263, %dma_wait3A_271, %dma_wait3A_272] : memref<2x64x128xf32, #tpu.memory_space<vmem>> -> memref<1x64x128xf32, #tpu.memory_space<vmem>>
        %dma_wait3A_274 = tpu.memref_squeeze %dma_wait3A_273 : memref<1x64x128xf32, #tpu.memory_space<vmem>> -> memref<64x128xf32, #tpu.memory_space<vmem>>
        %dma_wait3A_275 = arith.constant 0 : i32
        %dma_wait3A_276 = arith.constant 0 : i32
        %dma_wait3A_277 = tpu.memref_slice %arg2[%dma_wait3A_275, %dma_wait3A_276] : memref<10000x128xf32, #tpu.memory_space<hbm>> -> memref<64x128xf32, #tpu.memory_space<hbm>>
        tpu.wait_dma2 semaphore(%arg15 : memref<!tpu.dma_semaphore, #tpu.memory_space<semaphore_mem>>) src(%dma_wait3A_277 : memref<64x128xf32, #tpu.memory_space<hbm>>) dst(%dma_wait3A_274 : memref<64x128xf32, #tpu.memory_space<vmem>>)
      } else {
      }
      %add3A_191 = arith.constant 1 : i32
      %add3A_192 = arith.addi %add3A_185, %add3A_191 : i32
      %lt3A_193 = arith.constant 160 : i32
      %lt3A_194 = arith.cmpi slt, %add3A_192, %lt3A_193 : i32
      %convert_element_type3A_195 = arith.extui %lt3A_194 : i1 to i32
      %cond3A_196 = arith.constant 0 : i32
      %cond3A_197 = arith.cmpi ne, %convert_element_type3A_195, %cond3A_196 : i32
      scf.if %cond3A_197 {
        %add3A_263 = arith.constant 1 : i32
        %add3A_264 = arith.addi %add3A_185, %add3A_263 : i32
        %mul3A_265 = arith.constant 64 : i32
        %mul3A_266 = arith.muli %add3A_264, %mul3A_265 : i32
        %add3A_267 = arith.addi %mul3A_2, %mul3A_266 : i32
        %dma_start3A_268 = arith.constant 0 : i32
        %dma_start3A_269 = arith.constant 0 : i32
        %dma_start3A_270 = tpu.memref_slice %arg9[%dma_start3A_268, %dma_start3A_269] : memref<2x64xi32, #tpu.memory_space<vmem>> -> memref<1x64xi32, #tpu.memory_space<vmem>>
        %dma_start3A_271 = tpu.memref_squeeze %dma_start3A_270 : memref<1x64xi32, #tpu.memory_space<vmem>> -> memref<64xi32, #tpu.memory_space<vmem>>
        %dma_start3A_272 = tpu.memref_slice %arg4[%add3A_267] : memref<327680xi32, #tpu.memory_space<hbm>> -> memref<64xi32, #tpu.memory_space<hbm>>
        %dma_start3A_273 = arith.constant 0 : i32
        %dma_start3A_274 = tpu.memref_slice %arg9[%dma_start3A_268, %dma_start3A_273] : memref<2x64xi32, #tpu.memory_space<vmem>> -> memref<1x64xi32, #tpu.memory_space<vmem>>
        %dma_start3A_275 = tpu.memref_squeeze %dma_start3A_274 : memref<1x64xi32, #tpu.memory_space<vmem>> -> memref<64xi32, #tpu.memory_space<vmem>>
        %dma_start3A_276 = tpu.memref_slice %arg4[%add3A_267] : memref<327680xi32, #tpu.memory_space<hbm>> -> memref<64xi32, #tpu.memory_space<hbm>>
        tpu.enqueue_dma source(%dma_start3A_276 : memref<64xi32, #tpu.memory_space<hbm>>) target(%dma_start3A_275 : memref<64xi32, #tpu.memory_space<vmem>>) target_semaphore(%arg17 : memref<!tpu.dma_semaphore, #tpu.memory_space<semaphore_mem>>)
        %mul3A_277 = arith.constant 64 : i32
        %mul3A_278 = arith.muli %add3A_264, %mul3A_277 : i32
        %add3A_279 = arith.addi %mul3A_2, %mul3A_278 : i32
        %dma_start3A_280 = arith.constant 0 : i32
        %dma_start3A_281 = arith.constant 0 : i32
        %dma_start3A_282 = arith.constant 0 : i32
        %dma_start3A_283 = tpu.memref_slice %arg10[%dma_start3A_280, %dma_start3A_281, %dma_start3A_282] : memref<2x64x16xf32, #tpu.memory_space<vmem>> -> memref<1x64x16xf32, #tpu.memory_space<vmem>>
        %dma_start3A_284 = tpu.memref_squeeze %dma_start3A_283 : memref<1x64x16xf32, #tpu.memory_space<vmem>> -> memref<64x16xf32, #tpu.memory_space<vmem>>
        %dma_start3A_285 = arith.constant 0 : i32
        %dma_start3A_286 = tpu.memref_slice %arg5[%add3A_279, %dma_start3A_285] : memref<327680x16xf32, #tpu.memory_space<hbm>> -> memref<64x16xf32, #tpu.memory_space<hbm>>
        %dma_start3A_287 = arith.constant 0 : i32
        %dma_start3A_288 = arith.constant 0 : i32
        %dma_start3A_289 = tpu.memref_slice %arg10[%dma_start3A_280, %dma_start3A_287, %dma_start3A_288] : memref<2x64x16xf32, #tpu.memory_space<vmem>> -> memref<1x64x16xf32, #tpu.memory_space<vmem>>
        %dma_start3A_290 = tpu.memref_squeeze %dma_start3A_289 : memref<1x64x16xf32, #tpu.memory_space<vmem>> -> memref<64x16xf32, #tpu.memory_space<vmem>>
        %dma_start3A_291 = arith.constant 0 : i32
        %dma_start3A_292 = tpu.memref_slice %arg5[%add3A_279, %dma_start3A_291] : memref<327680x16xf32, #tpu.memory_space<hbm>> -> memref<64x16xf32, #tpu.memory_space<hbm>>
        tpu.enqueue_dma source(%dma_start3A_292 : memref<64x16xf32, #tpu.memory_space<hbm>>) target(%dma_start3A_290 : memref<64x16xf32, #tpu.memory_space<vmem>>) target_semaphore(%arg17 : memref<!tpu.dma_semaphore, #tpu.memory_space<semaphore_mem>>)
        %dma_wait3A_293 = arith.constant 0 : i32
        %dma_wait3A_294 = arith.constant 0 : i32
        %dma_wait3A_295 = tpu.memref_slice %arg8[%dma_wait3A_293, %dma_wait3A_294] : memref<2x64xi32, #tpu.memory_space<vmem>> -> memref<1x64xi32, #tpu.memory_space<vmem>>
        %dma_wait3A_296 = tpu.memref_squeeze %dma_wait3A_295 : memref<1x64xi32, #tpu.memory_space<vmem>> -> memref<64xi32, #tpu.memory_space<vmem>>
        %dma_wait3A_297 = arith.constant 0 : i32
        %dma_wait3A_298 = tpu.memref_slice %arg3[%dma_wait3A_297] : memref<327680xi32, #tpu.memory_space<hbm>> -> memref<64xi32, #tpu.memory_space<hbm>>
        %dma_wait3A_299 = arith.constant 0 : i32
        %dma_wait3A_300 = tpu.memref_slice %arg8[%dma_wait3A_293, %dma_wait3A_299] : memref<2x64xi32, #tpu.memory_space<vmem>> -> memref<1x64xi32, #tpu.memory_space<vmem>>
        %dma_wait3A_301 = tpu.memref_squeeze %dma_wait3A_300 : memref<1x64xi32, #tpu.memory_space<vmem>> -> memref<64xi32, #tpu.memory_space<vmem>>
        %dma_wait3A_302 = arith.constant 0 : i32
        %dma_wait3A_303 = tpu.memref_slice %arg3[%dma_wait3A_302] : memref<327680xi32, #tpu.memory_space<hbm>> -> memref<64xi32, #tpu.memory_space<hbm>>
        tpu.wait_dma2 semaphore(%arg19 : memref<!tpu.dma_semaphore, #tpu.memory_space<semaphore_mem>>) src(%dma_wait3A_303 : memref<64xi32, #tpu.memory_space<hbm>>) dst(%dma_wait3A_301 : memref<64xi32, #tpu.memory_space<vmem>>)
        %dma_start3A_304 = arith.constant 0 : i32
        %dma_start3A_305 = arith.constant 0 : i32
        %dma_start3A_306 = arith.constant 0 : i32
        %dma_start3A_307 = arith.constant 0 : i32
        %dma_start3A_308 = tpu.memref_slice %arg11[%dma_start3A_305, %dma_start3A_306, %dma_start3A_307] : memref<2x64x128xf32, #tpu.memory_space<vmem>> -> memref<1x64x128xf32, #tpu.memory_space<vmem>>
        %dma_start3A_309 = tpu.memref_squeeze %dma_start3A_308 : memref<1x64x128xf32, #tpu.memory_space<vmem>> -> memref<64x128xf32, #tpu.memory_space<vmem>>
        %dma_start3A_310 = arith.constant 0 : i32
        %dma_start3A_311 = tpu.memref_slice %arg8[%dma_start3A_304, %dma_start3A_310] : memref<2x64xi32, #tpu.memory_space<vmem>> -> memref<1x64xi32, #tpu.memory_space<vmem>>
        %dma_start3A_312 = tpu.memref_squeeze %dma_start3A_311 : memref<1x64xi32, #tpu.memory_space<vmem>> -> memref<64xi32, #tpu.memory_space<vmem>>
        %dma_start3A_313 = arith.constant 0 : i32
        %dma_start3A_314 = arith.constant 0 : i32
        %dma_start3A_315 = tpu.memref_slice %arg2[%dma_start3A_313, %dma_start3A_314] : memref<10000x128xf32, #tpu.memory_space<hbm>> -> memref<10000x128xf32, #tpu.memory_space<hbm>>
        tpu.enqueue_indirect_dma source(%dma_start3A_315 : memref<10000x128xf32, #tpu.memory_space<hbm>>) target(%dma_start3A_309 : memref<64x128xf32, #tpu.memory_space<vmem>>) offsets(%dma_start3A_312 : memref<64xi32, #tpu.memory_space<vmem>>) semaphore(%arg13 : memref<!tpu.dma_semaphore, #tpu.memory_space<semaphore_mem>>)
      } else {
      }
      %dma_wait3A_198 = arith.constant 1 : i32
      %dma_wait3A_199 = arith.constant 0 : i32
      %dma_wait3A_200 = arith.constant 0 : i32
      %dma_wait3A_201 = tpu.memref_slice %arg11[%dma_wait3A_198, %dma_wait3A_199, %dma_wait3A_200] : memref<2x64x128xf32, #tpu.memory_space<vmem>> -> memref<1x64x128xf32, #tpu.memory_space<vmem>>
      %dma_wait3A_202 = tpu.memref_squeeze %dma_wait3A_201 : memref<1x64x128xf32, #tpu.memory_space<vmem>> -> memref<64x128xf32, #tpu.memory_space<vmem>>
      %dma_wait3A_203 = arith.constant 0 : i32
      %dma_wait3A_204 = arith.constant 0 : i32
      %dma_wait3A_205 = tpu.memref_slice %arg2[%dma_wait3A_203, %dma_wait3A_204] : memref<10000x128xf32, #tpu.memory_space<hbm>> -> memref<64x128xf32, #tpu.memory_space<hbm>>
      %dma_wait3A_206 = arith.constant 0 : i32
      %dma_wait3A_207 = arith.constant 0 : i32
      %dma_wait3A_208 = tpu.memref_slice %arg11[%dma_wait3A_198, %dma_wait3A_206, %dma_wait3A_207] : memref<2x64x128xf32, #tpu.memory_space<vmem>> -> memref<1x64x128xf32, #tpu.memory_space<vmem>>
      %dma_wait3A_209 = tpu.memref_squeeze %dma_wait3A_208 : memref<1x64x128xf32, #tpu.memory_space<vmem>> -> memref<64x128xf32, #tpu.memory_space<vmem>>
      %dma_wait3A_210 = arith.constant 0 : i32
      %dma_wait3A_211 = arith.constant 0 : i32
      %dma_wait3A_212 = tpu.memref_slice %arg2[%dma_wait3A_210, %dma_wait3A_211] : memref<10000x128xf32, #tpu.memory_space<hbm>> -> memref<64x128xf32, #tpu.memory_space<hbm>>
      tpu.wait_dma2 semaphore(%arg14 : memref<!tpu.dma_semaphore, #tpu.memory_space<semaphore_mem>>) src(%dma_wait3A_212 : memref<64x128xf32, #tpu.memory_space<hbm>>) dst(%dma_wait3A_209 : memref<64x128xf32, #tpu.memory_space<vmem>>)
      %add3A_213 = arith.constant 2 : i32
      %add3A_214 = arith.addi %add3A_185, %add3A_213 : i32
      %lt3A_215 = arith.constant 160 : i32
      %lt3A_216 = arith.cmpi slt, %add3A_214, %lt3A_215 : i32
      %convert_element_type3A_217 = arith.extui %lt3A_216 : i1 to i32
      %cond3A_218 = arith.constant 0 : i32
      %cond3A_219 = arith.cmpi ne, %convert_element_type3A_217, %cond3A_218 : i32
      scf.if %cond3A_219 {
        %add3A_263 = arith.constant 2 : i32
        %add3A_264 = arith.addi %add3A_185, %add3A_263 : i32
        %mul3A_265 = arith.constant 64 : i32
        %mul3A_266 = arith.muli %add3A_264, %mul3A_265 : i32
        %add3A_267 = arith.addi %mul3A_2, %mul3A_266 : i32
        %dma_start3A_268 = arith.constant 1 : i32
        %dma_start3A_269 = arith.constant 0 : i32
        %dma_start3A_270 = tpu.memref_slice %arg8[%dma_start3A_268, %dma_start3A_269] : memref<2x64xi32, #tpu.memory_space<vmem>> -> memref<1x64xi32, #tpu.memory_space<vmem>>
        %dma_start3A_271 = tpu.memref_squeeze %dma_start3A_270 : memref<1x64xi32, #tpu.memory_space<vmem>> -> memref<64xi32, #tpu.memory_space<vmem>>
        %dma_start3A_272 = tpu.memref_slice %arg3[%add3A_267] : memref<327680xi32, #tpu.memory_space<hbm>> -> memref<64xi32, #tpu.memory_space<hbm>>
        %dma_start3A_273 = arith.constant 0 : i32
        %dma_start3A_274 = tpu.memref_slice %arg8[%dma_start3A_268, %dma_start3A_273] : memref<2x64xi32, #tpu.memory_space<vmem>> -> memref<1x64xi32, #tpu.memory_space<vmem>>
        %dma_start3A_275 = tpu.memref_squeeze %dma_start3A_274 : memref<1x64xi32, #tpu.memory_space<vmem>> -> memref<64xi32, #tpu.memory_space<vmem>>
        %dma_start3A_276 = tpu.memref_slice %arg3[%add3A_267] : memref<327680xi32, #tpu.memory_space<hbm>> -> memref<64xi32, #tpu.memory_space<hbm>>
        tpu.enqueue_dma source(%dma_start3A_276 : memref<64xi32, #tpu.memory_space<hbm>>) target(%dma_start3A_275 : memref<64xi32, #tpu.memory_space<vmem>>) target_semaphore(%arg20 : memref<!tpu.dma_semaphore, #tpu.memory_space<semaphore_mem>>)
      } else {
      }
      %dma_wait3A_220 = arith.constant 1 : i32
      %dma_wait3A_221 = arith.constant 0 : i32
      %dma_wait3A_222 = tpu.memref_slice %arg9[%dma_wait3A_220, %dma_wait3A_221] : memref<2x64xi32, #tpu.memory_space<vmem>> -> memref<1x64xi32, #tpu.memory_space<vmem>>
      %dma_wait3A_223 = tpu.memref_squeeze %dma_wait3A_222 : memref<1x64xi32, #tpu.memory_space<vmem>> -> memref<64xi32, #tpu.memory_space<vmem>>
      %dma_wait3A_224 = arith.constant 0 : i32
      %dma_wait3A_225 = tpu.memref_slice %arg3[%dma_wait3A_224] : memref<327680xi32, #tpu.memory_space<hbm>> -> memref<64xi32, #tpu.memory_space<hbm>>
      %dma_wait3A_226 = arith.constant 0 : i32
      %dma_wait3A_227 = tpu.memref_slice %arg9[%dma_wait3A_220, %dma_wait3A_226] : memref<2x64xi32, #tpu.memory_space<vmem>> -> memref<1x64xi32, #tpu.memory_space<vmem>>
      %dma_wait3A_228 = tpu.memref_squeeze %dma_wait3A_227 : memref<1x64xi32, #tpu.memory_space<vmem>> -> memref<64xi32, #tpu.memory_space<vmem>>
      %dma_wait3A_229 = arith.constant 0 : i32
      %dma_wait3A_230 = tpu.memref_slice %arg3[%dma_wait3A_229] : memref<327680xi32, #tpu.memory_space<hbm>> -> memref<64xi32, #tpu.memory_space<hbm>>
      tpu.wait_dma2 semaphore(%arg18 : memref<!tpu.dma_semaphore, #tpu.memory_space<semaphore_mem>>) src(%dma_wait3A_230 : memref<64xi32, #tpu.memory_space<hbm>>) dst(%dma_wait3A_228 : memref<64xi32, #tpu.memory_space<vmem>>)
      %dma_wait3A_231 = arith.constant 1 : i32
      %dma_wait3A_232 = arith.constant 0 : i32
      %dma_wait3A_233 = arith.constant 0 : i32
      %dma_wait3A_234 = tpu.memref_slice %arg10[%dma_wait3A_231, %dma_wait3A_232, %dma_wait3A_233] : memref<2x64x16xf32, #tpu.memory_space<vmem>> -> memref<1x64x16xf32, #tpu.memory_space<vmem>>
      %dma_wait3A_235 = tpu.memref_squeeze %dma_wait3A_234 : memref<1x64x16xf32, #tpu.memory_space<vmem>> -> memref<64x16xf32, #tpu.memory_space<vmem>>
      %dma_wait3A_236 = arith.constant 0 : i32
      %dma_wait3A_237 = arith.constant 0 : i32
      %dma_wait3A_238 = tpu.memref_slice %arg5[%dma_wait3A_236, %dma_wait3A_237] : memref<327680x16xf32, #tpu.memory_space<hbm>> -> memref<64x16xf32, #tpu.memory_space<hbm>>
      %dma_wait3A_239 = arith.constant 0 : i32
      %dma_wait3A_240 = arith.constant 0 : i32
      %dma_wait3A_241 = tpu.memref_slice %arg10[%dma_wait3A_231, %dma_wait3A_239, %dma_wait3A_240] : memref<2x64x16xf32, #tpu.memory_space<vmem>> -> memref<1x64x16xf32, #tpu.memory_space<vmem>>
      %dma_wait3A_242 = tpu.memref_squeeze %dma_wait3A_241 : memref<1x64x16xf32, #tpu.memory_space<vmem>> -> memref<64x16xf32, #tpu.memory_space<vmem>>
      %dma_wait3A_243 = arith.constant 0 : i32
      %dma_wait3A_244 = arith.constant 0 : i32
      %dma_wait3A_245 = tpu.memref_slice %arg5[%dma_wait3A_243, %dma_wait3A_244] : memref<327680x16xf32, #tpu.memory_space<hbm>> -> memref<64x16xf32, #tpu.memory_space<hbm>>
      tpu.wait_dma2 semaphore(%arg18 : memref<!tpu.dma_semaphore, #tpu.memory_space<semaphore_mem>>) src(%dma_wait3A_245 : memref<64x16xf32, #tpu.memory_space<hbm>>) dst(%dma_wait3A_242 : memref<64x16xf32, #tpu.memory_space<vmem>>)
      %scan3A_246 = arith.constant 0 : i32
      %scan3A_247 = arith.constant 64 : i32
      %scan3A_248 = arith.addi %scan3A_246, %scan3A_247 : i32
      %scan3A_249 = arith.constant 1 : i32
      scf.for %scan3A_263 = %scan3A_246 to %scan3A_248 step %scan3A_249  : i32 {
        %mul3A_264 = arith.constant 1 : i32
        %mul3A_265 = arith.muli %scan3A_263, %mul3A_264 : i32
        %add3A_266 = arith.constant 0 : i32
        %add3A_267 = arith.addi %add3A_266, %mul3A_265 : i32
        %get3A = arith.constant 1 : i32
        %get3A_268 = arith.index_cast %get3A : i32 to index
        %get3A_269 = arith.index_cast %add3A_267 : i32 to index
        %get3A_270 = arith.constant 0 : index
        %get3A_271 = tpu.vector_load %arg10[%get3A_268, %get3A_269, %get3A_270] {strides = array<i32>} : memref<2x64x16xf32, #tpu.memory_space<vmem>>, vector<16xf32>,
        %get3A_272 = arith.constant 1 : i32
        %get3A_273 = arith.index_cast %get3A_272 : i32 to index
        %get3A_274 = arith.index_cast %add3A_267 : i32 to index
        %get3A_275 = arith.constant 0 : index
        %get3A_276 = tpu.vector_load %arg11[%get3A_273, %get3A_274, %get3A_275] {strides = array<i32>} : memref<2x64x128xf32, #tpu.memory_space<vmem>>, vector<16xf32>,
        %mul3A_277 = arith.mulf %get3A_276, %get3A_271 : vector<16xf32>
        %swap3A = arith.constant 1 : i32
        %swap3A_278 = arith.index_cast %swap3A : i32 to index
        %swap3A_279 = arith.index_cast %add3A_267 : i32 to index
        %swap3A_280 = arith.constant 0 : index
        %swap3A_281 = tpu.vector_load %arg11[%swap3A_278, %swap3A_279, %swap3A_280] {strides = array<i32>} : memref<2x64x128xf32, #tpu.memory_space<vmem>>, vector<16xf32>,
        tpu.vector_store %arg11[%swap3A_278, %swap3A_279, %swap3A_280], %mul3A_277 {strides = array<i32>} : memref<2x64x128xf32, #tpu.memory_space<vmem>>, vector<16xf32>,
        %get3A_282 = arith.constant 1 : i32
        %get3A_283 = arith.index_cast %get3A_282 : i32 to index
        %get3A_284 = arith.index_cast %add3A_267 : i32 to index
        %get3A_285 = arith.constant 16 : index
        %get3A_286 = tpu.vector_load %arg11[%get3A_283, %get3A_284, %get3A_285] {strides = array<i32>} : memref<2x64x128xf32, #tpu.memory_space<vmem>>, vector<16xf32>,
        %mul3A_287 = arith.mulf %get3A_286, %get3A_271 : vector<16xf32>
        %swap3A_288 = arith.constant 1 : i32
        %swap3A_289 = arith.index_cast %swap3A_288 : i32 to index
        %swap3A_290 = arith.index_cast %add3A_267 : i32 to index
        %swap3A_291 = arith.constant 16 : index
        %swap3A_292 = tpu.vector_load %arg11[%swap3A_289, %swap3A_290, %swap3A_291] {strides = array<i32>} : memref<2x64x128xf32, #tpu.memory_space<vmem>>, vector<16xf32>,
        tpu.vector_store %arg11[%swap3A_289, %swap3A_290, %swap3A_291], %mul3A_287 {strides = array<i32>} : memref<2x64x128xf32, #tpu.memory_space<vmem>>, vector<16xf32>,
        %get3A_293 = arith.constant 1 : i32
        %get3A_294 = arith.index_cast %get3A_293 : i32 to index
        %get3A_295 = arith.index_cast %add3A_267 : i32 to index
        %get3A_296 = arith.constant 32 : index
        %get3A_297 = tpu.vector_load %arg11[%get3A_294, %get3A_295, %get3A_296] {strides = array<i32>} : memref<2x64x128xf32, #tpu.memory_space<vmem>>, vector<16xf32>,
        %mul3A_298 = arith.mulf %get3A_297, %get3A_271 : vector<16xf32>
        %swap3A_299 = arith.constant 1 : i32
        %swap3A_300 = arith.index_cast %swap3A_299 : i32 to index
        %swap3A_301 = arith.index_cast %add3A_267 : i32 to index
        %swap3A_302 = arith.constant 32 : index
        %swap3A_303 = tpu.vector_load %arg11[%swap3A_300, %swap3A_301, %swap3A_302] {strides = array<i32>} : memref<2x64x128xf32, #tpu.memory_space<vmem>>, vector<16xf32>,
        tpu.vector_store %arg11[%swap3A_300, %swap3A_301, %swap3A_302], %mul3A_298 {strides = array<i32>} : memref<2x64x128xf32, #tpu.memory_space<vmem>>, vector<16xf32>,
        %get3A_304 = arith.constant 1 : i32
        %get3A_305 = arith.index_cast %get3A_304 : i32 to index
        %get3A_306 = arith.index_cast %add3A_267 : i32 to index
        %get3A_307 = arith.constant 48 : index
        %get3A_308 = tpu.vector_load %arg11[%get3A_305, %get3A_306, %get3A_307] {strides = array<i32>} : memref<2x64x128xf32, #tpu.memory_space<vmem>>, vector<16xf32>,
        %mul3A_309 = arith.mulf %get3A_308, %get3A_271 : vector<16xf32>
        %swap3A_310 = arith.constant 1 : i32
        %swap3A_311 = arith.index_cast %swap3A_310 : i32 to index
        %swap3A_312 = arith.index_cast %add3A_267 : i32 to index
        %swap3A_313 = arith.constant 48 : index
        %swap3A_314 = tpu.vector_load %arg11[%swap3A_311, %swap3A_312, %swap3A_313] {strides = array<i32>} : memref<2x64x128xf32, #tpu.memory_space<vmem>>, vector<16xf32>,
        tpu.vector_store %arg11[%swap3A_311, %swap3A_312, %swap3A_313], %mul3A_309 {strides = array<i32>} : memref<2x64x128xf32, #tpu.memory_space<vmem>>, vector<16xf32>,
        %get3A_315 = arith.constant 1 : i32
        %get3A_316 = arith.index_cast %get3A_315 : i32 to index
        %get3A_317 = arith.index_cast %add3A_267 : i32 to index
        %get3A_318 = arith.constant 64 : index
        %get3A_319 = tpu.vector_load %arg11[%get3A_316, %get3A_317, %get3A_318] {strides = array<i32>} : memref<2x64x128xf32, #tpu.memory_space<vmem>>, vector<16xf32>,
        %mul3A_320 = arith.mulf %get3A_319, %get3A_271 : vector<16xf32>
        %swap3A_321 = arith.constant 1 : i32
        %swap3A_322 = arith.index_cast %swap3A_321 : i32 to index
        %swap3A_323 = arith.index_cast %add3A_267 : i32 to index
        %swap3A_324 = arith.constant 64 : index
        %swap3A_325 = tpu.vector_load %arg11[%swap3A_322, %swap3A_323, %swap3A_324] {strides = array<i32>} : memref<2x64x128xf32, #tpu.memory_space<vmem>>, vector<16xf32>,
        tpu.vector_store %arg11[%swap3A_322, %swap3A_323, %swap3A_324], %mul3A_320 {strides = array<i32>} : memref<2x64x128xf32, #tpu.memory_space<vmem>>, vector<16xf32>,
        %get3A_326 = arith.constant 1 : i32
        %get3A_327 = arith.index_cast %get3A_326 : i32 to index
        %get3A_328 = arith.index_cast %add3A_267 : i32 to index
        %get3A_329 = arith.constant 80 : index
        %get3A_330 = tpu.vector_load %arg11[%get3A_327, %get3A_328, %get3A_329] {strides = array<i32>} : memref<2x64x128xf32, #tpu.memory_space<vmem>>, vector<16xf32>,
        %mul3A_331 = arith.mulf %get3A_330, %get3A_271 : vector<16xf32>
        %swap3A_332 = arith.constant 1 : i32
        %swap3A_333 = arith.index_cast %swap3A_332 : i32 to index
        %swap3A_334 = arith.index_cast %add3A_267 : i32 to index
        %swap3A_335 = arith.constant 80 : index
        %swap3A_336 = tpu.vector_load %arg11[%swap3A_333, %swap3A_334, %swap3A_335] {strides = array<i32>} : memref<2x64x128xf32, #tpu.memory_space<vmem>>, vector<16xf32>,
        tpu.vector_store %arg11[%swap3A_333, %swap3A_334, %swap3A_335], %mul3A_331 {strides = array<i32>} : memref<2x64x128xf32, #tpu.memory_space<vmem>>, vector<16xf32>,
        %get3A_337 = arith.constant 1 : i32
        %get3A_338 = arith.index_cast %get3A_337 : i32 to index
        %get3A_339 = arith.index_cast %add3A_267 : i32 to index
        %get3A_340 = arith.constant 96 : index
        %get3A_341 = tpu.vector_load %arg11[%get3A_338, %get3A_339, %get3A_340] {strides = array<i32>} : memref<2x64x128xf32, #tpu.memory_space<vmem>>, vector<16xf32>,
        %mul3A_342 = arith.mulf %get3A_341, %get3A_271 : vector<16xf32>
        %swap3A_343 = arith.constant 1 : i32
        %swap3A_344 = arith.index_cast %swap3A_343 : i32 to index
        %swap3A_345 = arith.index_cast %add3A_267 : i32 to index
        %swap3A_346 = arith.constant 96 : index
        %swap3A_347 = tpu.vector_load %arg11[%swap3A_344, %swap3A_345, %swap3A_346] {strides = array<i32>} : memref<2x64x128xf32, #tpu.memory_space<vmem>>, vector<16xf32>,
        tpu.vector_store %arg11[%swap3A_344, %swap3A_345, %swap3A_346], %mul3A_342 {strides = array<i32>} : memref<2x64x128xf32, #tpu.memory_space<vmem>>, vector<16xf32>,
        %get3A_348 = arith.constant 1 : i32
        %get3A_349 = arith.index_cast %get3A_348 : i32 to index
        %get3A_350 = arith.index_cast %add3A_267 : i32 to index
        %get3A_351 = arith.constant 112 : index
        %get3A_352 = tpu.vector_load %arg11[%get3A_349, %get3A_350, %get3A_351] {strides = array<i32>} : memref<2x64x128xf32, #tpu.memory_space<vmem>>, vector<16xf32>,
        %mul3A_353 = arith.mulf %get3A_352, %get3A_271 : vector<16xf32>
        %swap3A_354 = arith.constant 1 : i32
        %swap3A_355 = arith.index_cast %swap3A_354 : i32 to index
        %swap3A_356 = arith.index_cast %add3A_267 : i32 to index
        %swap3A_357 = arith.constant 112 : index
        %swap3A_358 = tpu.vector_load %arg11[%swap3A_355, %swap3A_356, %swap3A_357] {strides = array<i32>} : memref<2x64x128xf32, #tpu.memory_space<vmem>>, vector<16xf32>,
        tpu.vector_store %arg11[%swap3A_355, %swap3A_356, %swap3A_357], %mul3A_353 {strides = array<i32>} : memref<2x64x128xf32, #tpu.memory_space<vmem>>, vector<16xf32>,
      }
      %scan3A_250 = arith.constant 64 : i32
      %dma_start3A_251 = arith.constant 1 : i32
      %dma_start3A_252 = arith.constant 1 : i32
      %dma_start3A_253 = arith.constant 0 : i32
      %dma_start3A_254 = arith.constant 0 : i32
      %dma_start3A_255 = tpu.memref_slice %arg11[%dma_start3A_251, %dma_start3A_253, %dma_start3A_254] : memref<2x64x128xf32, #tpu.memory_space<vmem>> -> memref<1x64x128xf32, #tpu.memory_space<vmem>>
      %dma_start3A_256 = tpu.memref_squeeze %dma_start3A_255 : memref<1x64x128xf32, #tpu.memory_space<vmem>> -> memref<64x128xf32, #tpu.memory_space<vmem>>
      %dma_start3A_257 = arith.constant 0 : i32
      %dma_start3A_258 = tpu.memref_slice %arg9[%dma_start3A_252, %dma_start3A_257] : memref<2x64xi32, #tpu.memory_space<vmem>> -> memref<1x64xi32, #tpu.memory_space<vmem>>
      %dma_start3A_259 = tpu.memref_squeeze %dma_start3A_258 : memref<1x64xi32, #tpu.memory_space<vmem>> -> memref<64xi32, #tpu.memory_space<vmem>>
      %dma_start3A_260 = arith.constant 0 : i32
      %dma_start3A_261 = arith.constant 0 : i32
      %dma_start3A_262 = tpu.memref_slice %arg12[%dma_start3A_260, %dma_start3A_261] : memref<10240x128xf32, #tpu.memory_space<vmem_shared>> -> memref<10240x128xf32, #tpu.memory_space<vmem_shared>>
      tpu.enqueue_indirect_dma source(%dma_start3A_256 : memref<64x128xf32, #tpu.memory_space<vmem>>) target(%dma_start3A_262 : memref<10240x128xf32, #tpu.memory_space<vmem_shared>>) offsets(%dma_start3A_259 : memref<64xi32, #tpu.memory_space<vmem>>) semaphore(%arg16 : memref<!tpu.dma_semaphore, #tpu.memory_space<semaphore_mem>>) {add = true}
    }
    %scan3A_79 = arith.constant 80 : i32
    %dma_wait3A_80 = arith.constant 1 : i32
    %dma_wait3A_81 = arith.constant 0 : i32
    %dma_wait3A_82 = arith.constant 0 : i32
    %dma_wait3A_83 = tpu.memref_slice %arg11[%dma_wait3A_80, %dma_wait3A_81, %dma_wait3A_82] : memref<2x64x128xf32, #tpu.memory_space<vmem>> -> memref<1x64x128xf32, #tpu.memory_space<vmem>>
    %dma_wait3A_84 = tpu.memref_squeeze %dma_wait3A_83 : memref<1x64x128xf32, #tpu.memory_space<vmem>> -> memref<64x128xf32, #tpu.memory_space<vmem>>
    %dma_wait3A_85 = arith.constant 0 : i32
    %dma_wait3A_86 = arith.constant 0 : i32
    %dma_wait3A_87 = tpu.memref_slice %arg2[%dma_wait3A_85, %dma_wait3A_86] : memref<10000x128xf32, #tpu.memory_space<hbm>> -> memref<64x128xf32, #tpu.memory_space<hbm>>
    %dma_wait3A_88 = arith.constant 0 : i32
    %dma_wait3A_89 = arith.constant 0 : i32
    %dma_wait3A_90 = tpu.memref_slice %arg11[%dma_wait3A_80, %dma_wait3A_88, %dma_wait3A_89] : memref<2x64x128xf32, #tpu.memory_space<vmem>> -> memref<1x64x128xf32, #tpu.memory_space<vmem>>
    %dma_wait3A_91 = tpu.memref_squeeze %dma_wait3A_90 : memref<1x64x128xf32, #tpu.memory_space<vmem>> -> memref<64x128xf32, #tpu.memory_space<vmem>>
    %dma_wait3A_92 = arith.constant 0 : i32
    %dma_wait3A_93 = arith.constant 0 : i32
    %dma_wait3A_94 = tpu.memref_slice %arg2[%dma_wait3A_92, %dma_wait3A_93] : memref<10000x128xf32, #tpu.memory_space<hbm>> -> memref<64x128xf32, #tpu.memory_space<hbm>>
    tpu.wait_dma2 semaphore(%arg16 : memref<!tpu.dma_semaphore, #tpu.memory_space<semaphore_mem>>) src(%dma_wait3A_94 : memref<64x128xf32, #tpu.memory_space<hbm>>) dst(%dma_wait3A_91 : memref<64x128xf32, #tpu.memory_space<vmem>>)
    %barrier3A_95 = arith.constant 0 : index
    tpu.barrier barrier_id(%barrier3A_95)
    %mul3A_96 = arith.constant 640 : i32
    %mul3A_97 = arith.muli %arg1, %mul3A_96 : i32
    %mul3A_98 = arith.constant 640 : i32
    %mul3A_99 = arith.muli %arg1, %mul3A_98 : i32
    "tpu.region"() ({
      %run_scoped3A = tpu.sem_alloc : memref<!tpu.dma_semaphore, #tpu.memory_space<semaphore_mem>>
      %dma_start3A_100 = arith.constant 0 : i32
      %dma_start3A_101 = tpu.memref_slice %arg7[%arg0, %mul3A_99, %dma_start3A_100] : memref<2x10240x128xf32, #tpu.memory_space<hbm>> -> memref<1x640x128xf32, #tpu.memory_space<hbm>>
      %dma_start3A_102 = tpu.memref_squeeze %dma_start3A_101 : memref<1x640x128xf32, #tpu.memory_space<hbm>> -> memref<640x128xf32, #tpu.memory_space<hbm>>
      %dma_start3A_103 = arith.constant 0 : i32
      %dma_start3A_104 = tpu.memref_slice %arg12[%mul3A_97, %dma_start3A_103] : memref<10240x128xf32, #tpu.memory_space<vmem_shared>> -> memref<640x128xf32, #tpu.memory_space<vmem_shared>>
      tpu.enqueue_dma source(%dma_start3A_104 : memref<640x128xf32, #tpu.memory_space<vmem_shared>>) target(%dma_start3A_102 : memref<640x128xf32, #tpu.memory_space<hbm>>) target_semaphore(%run_scoped3A : memref<!tpu.dma_semaphore, #tpu.memory_space<semaphore_mem>>)
      %dma_wait3A_105 = arith.constant 0 : i32
      %dma_wait3A_106 = tpu.memref_slice %arg7[%arg0, %mul3A_99, %dma_wait3A_105] : memref<2x10240x128xf32, #tpu.memory_space<hbm>> -> memref<1x640x128xf32, #tpu.memory_space<hbm>>
      %dma_wait3A_107 = tpu.memref_squeeze %dma_wait3A_106 : memref<1x640x128xf32, #tpu.memory_space<hbm>> -> memref<640x128xf32, #tpu.memory_space<hbm>>
      %dma_wait3A_108 = arith.constant 0 : i32
      %dma_wait3A_109 = tpu.memref_slice %arg12[%mul3A_97, %dma_wait3A_108] : memref<10240x128xf32, #tpu.memory_space<vmem_shared>> -> memref<640x128xf32, #tpu.memory_space<vmem_shared>>
      tpu.wait_dma2 semaphore(%run_scoped3A : memref<!tpu.dma_semaphore, #tpu.memory_space<semaphore_mem>>) src(%dma_wait3A_109 : memref<640x128xf32, #tpu.memory_space<vmem_shared>>) dst(%dma_wait3A_107 : memref<640x128xf32, #tpu.memory_space<hbm>>)
      tpu.yield
    }) : () -> ()
    return
  }
}

#map = affine_map<(d0, d1) -> (0)>
#map1 = affine_map<(d0, d1) -> (0, 0, 0)>
module attributes {stable_mosaic.version = 14 : i64} {
  func.func @_deg_kernel(%arg0: i32, %arg1: i32, %arg2: memref<327680xi32, #tpu.memory_space<hbm>>, %arg3: memref<327680xf32, #tpu.memory_space<hbm>>, %arg4: memref<2x16x10240xf32, #tpu.memory_space<hbm>>, %arg5: memref<2048xi32, #tpu.memory_space<vmem>>, %arg6: memref<2048xf32, #tpu.memory_space<vmem>>, %arg7: memref<10240xf32, #tpu.memory_space<vmem>>) attributes {dimension_semantics = [#tpu.dimension_semantics<core_parallel>, #tpu.dimension_semantics<subcore_parallel>], iteration_bounds = array<i64: 2, 16>, scalar_prefetch = 0 : i64, scratch_operands = 3 : i64, tpu.core_type = #tpu.core_type<sc_vector_subcore>, window_params = [{transform_indices = #map}, {transform_indices = #map}, {transform_indices = #map1}]} {
    %mul3A = arith.constant 2 : i32
    %mul3A_0 = arith.muli %arg1, %mul3A : i32
    %add3A = arith.addi %mul3A_0, %arg0 : i32
    %mul3A_1 = arith.constant 10240 : i32
    %mul3A_2 = arith.muli %add3A, %mul3A_1 : i32
    %scan3A = arith.constant 0 : i32
    %scan3A_3 = arith.constant 640 : i32
    %scan3A_4 = arith.addi %scan3A, %scan3A_3 : i32
    %scan3A_5 = arith.constant 1 : i32
    scf.for %scan3A_12 = %scan3A to %scan3A_4 step %scan3A_5  : i32 {
      %mul3A_13 = arith.constant 16 : i32
      %mul3A_14 = arith.muli %scan3A_12, %mul3A_13 : i32
      %add3A_15 = arith.constant 0 : i32
      %add3A_16 = arith.addi %add3A_15, %mul3A_14 : i32
      %broadcast_in_dim3A = arith.constant 0.000000e+00 : f32
      %broadcast_in_dim3A_17 = vector.broadcast %broadcast_in_dim3A : f32 to vector<16xf32>
      %swap3A = arith.index_cast %add3A_16 : i32 to index
      %swap3A_18 = tpu.vector_load %arg7[%swap3A] {strides = array<i32>} : memref<10240xf32, #tpu.memory_space<vmem>>, vector<16xf32>,
      tpu.vector_store %arg7[%swap3A], %broadcast_in_dim3A_17 {strides = array<i32>} : memref<10240xf32, #tpu.memory_space<vmem>>, vector<16xf32>,
    }
    %scan3A_6 = arith.constant 640 : i32
    %scan3A_7 = arith.constant 0 : i32
    %scan3A_8 = arith.constant 5 : i32
    %scan3A_9 = arith.addi %scan3A_7, %scan3A_8 : i32
    %scan3A_10 = arith.constant 1 : i32
    scf.for %scan3A_12 = %scan3A_7 to %scan3A_9 step %scan3A_10  : i32 {
      %mul3A_13 = arith.constant 1 : i32
      %mul3A_14 = arith.muli %scan3A_12, %mul3A_13 : i32
      %add3A_15 = arith.constant 0 : i32
      %add3A_16 = arith.addi %add3A_15, %mul3A_14 : i32
      %mul3A_17 = arith.constant 2048 : i32
      %mul3A_18 = arith.muli %add3A_16, %mul3A_17 : i32
      %add3A_19 = arith.addi %mul3A_2, %mul3A_18 : i32
      "tpu.region"() ({
        %run_scoped3A = tpu.sem_alloc : memref<!tpu.dma_semaphore, #tpu.memory_space<semaphore_mem>>
        %dma_start3A = tpu.memref_slice %arg2[%add3A_19] : memref<327680xi32, #tpu.memory_space<hbm>> -> memref<2048xi32, #tpu.memory_space<hbm>>
        %dma_start3A_25 = tpu.memref_slice %arg2[%add3A_19] : memref<327680xi32, #tpu.memory_space<hbm>> -> memref<2048xi32, #tpu.memory_space<hbm>>
        tpu.enqueue_dma source(%dma_start3A_25 : memref<2048xi32, #tpu.memory_space<hbm>>) target(%arg5 : memref<2048xi32, #tpu.memory_space<vmem>>) target_semaphore(%run_scoped3A : memref<!tpu.dma_semaphore, #tpu.memory_space<semaphore_mem>>)
        %dma_wait3A = tpu.memref_slice %arg2[%add3A_19] : memref<327680xi32, #tpu.memory_space<hbm>> -> memref<2048xi32, #tpu.memory_space<hbm>>
        %dma_wait3A_26 = tpu.memref_slice %arg2[%add3A_19] : memref<327680xi32, #tpu.memory_space<hbm>> -> memref<2048xi32, #tpu.memory_space<hbm>>
        tpu.wait_dma2 semaphore(%run_scoped3A : memref<!tpu.dma_semaphore, #tpu.memory_space<semaphore_mem>>) src(%dma_wait3A_26 : memref<2048xi32, #tpu.memory_space<hbm>>) dst(%arg5 : memref<2048xi32, #tpu.memory_space<vmem>>)
        tpu.yield
      }) : () -> ()
      "tpu.region"() ({
        %run_scoped3A = tpu.sem_alloc : memref<!tpu.dma_semaphore, #tpu.memory_space<semaphore_mem>>
        %dma_start3A = tpu.memref_slice %arg3[%add3A_19] : memref<327680xf32, #tpu.memory_space<hbm>> -> memref<2048xf32, #tpu.memory_space<hbm>>
        %dma_start3A_25 = tpu.memref_slice %arg3[%add3A_19] : memref<327680xf32, #tpu.memory_space<hbm>> -> memref<2048xf32, #tpu.memory_space<hbm>>
        tpu.enqueue_dma source(%dma_start3A_25 : memref<2048xf32, #tpu.memory_space<hbm>>) target(%arg6 : memref<2048xf32, #tpu.memory_space<vmem>>) target_semaphore(%run_scoped3A : memref<!tpu.dma_semaphore, #tpu.memory_space<semaphore_mem>>)
        %dma_wait3A = tpu.memref_slice %arg3[%add3A_19] : memref<327680xf32, #tpu.memory_space<hbm>> -> memref<2048xf32, #tpu.memory_space<hbm>>
        %dma_wait3A_26 = tpu.memref_slice %arg3[%add3A_19] : memref<327680xf32, #tpu.memory_space<hbm>> -> memref<2048xf32, #tpu.memory_space<hbm>>
        tpu.wait_dma2 semaphore(%run_scoped3A : memref<!tpu.dma_semaphore, #tpu.memory_space<semaphore_mem>>) src(%dma_wait3A_26 : memref<2048xf32, #tpu.memory_space<hbm>>) dst(%arg6 : memref<2048xf32, #tpu.memory_space<vmem>>)
        tpu.yield
      }) : () -> ()
      %scan3A_20 = arith.constant 0 : i32
      %scan3A_21 = arith.constant 128 : i32
      %scan3A_22 = arith.addi %scan3A_20, %scan3A_21 : i32
      %scan3A_23 = arith.constant 1 : i32
      scf.for %scan3A_25 = %scan3A_20 to %scan3A_22 step %scan3A_23  : i32 {
        %mul3A_26 = arith.constant 16 : i32
        %mul3A_27 = arith.muli %scan3A_25, %mul3A_26 : i32
        %add3A_28 = arith.constant 0 : i32
        %add3A_29 = arith.addi %add3A_28, %mul3A_27 : i32
        %get3A = arith.index_cast %add3A_29 : i32 to index
        %get3A_30 = tpu.vector_load %arg5[%get3A] {strides = array<i32>} : memref<2048xi32, #tpu.memory_space<vmem>>, vector<16xi32>,
        %get3A_31 = arith.index_cast %add3A_29 : i32 to index
        %get3A_32 = tpu.vector_load %arg6[%get3A_31] {strides = array<i32>} : memref<2048xf32, #tpu.memory_space<vmem>>, vector<16xf32>,
        tpu.vector_store_idx %arg7[%get3A_30], %get3A_32 {add = true} : memref<10240xf32, #tpu.memory_space<vmem>>[vector<16xi32>], vector<16xf32>,
      }
      %scan3A_24 = arith.constant 128 : i32
    }
    %scan3A_11 = arith.constant 5 : i32
    "tpu.region"() ({
      %run_scoped3A = tpu.sem_alloc : memref<!tpu.dma_semaphore, #tpu.memory_space<semaphore_mem>>
      %dma_start3A = arith.constant 0 : i32
      %dma_start3A_12 = tpu.memref_slice %arg4[%arg0, %arg1, %dma_start3A] : memref<2x16x10240xf32, #tpu.memory_space<hbm>> -> memref<1x1x10240xf32, #tpu.memory_space<hbm>>
      %dma_start3A_13 = tpu.memref_squeeze %dma_start3A_12 : memref<1x1x10240xf32, #tpu.memory_space<hbm>> -> memref<10240xf32, #tpu.memory_space<hbm>>
      %dma_start3A_14 = arith.constant 0 : i32
      %dma_start3A_15 = tpu.memref_slice %arg4[%arg0, %arg1, %dma_start3A_14] : memref<2x16x10240xf32, #tpu.memory_space<hbm>> -> memref<1x1x10240xf32, #tpu.memory_space<hbm>>
      %dma_start3A_16 = tpu.memref_squeeze %dma_start3A_15 : memref<1x1x10240xf32, #tpu.memory_space<hbm>> -> memref<10240xf32, #tpu.memory_space<hbm>>
      tpu.enqueue_dma source(%arg7 : memref<10240xf32, #tpu.memory_space<vmem>>) target(%dma_start3A_16 : memref<10240xf32, #tpu.memory_space<hbm>>) target_semaphore(%run_scoped3A : memref<!tpu.dma_semaphore, #tpu.memory_space<semaphore_mem>>)
      %dma_wait3A = arith.constant 0 : i32
      %dma_wait3A_17 = tpu.memref_slice %arg4[%arg0, %arg1, %dma_wait3A] : memref<2x16x10240xf32, #tpu.memory_space<hbm>> -> memref<1x1x10240xf32, #tpu.memory_space<hbm>>
      %dma_wait3A_18 = tpu.memref_squeeze %dma_wait3A_17 : memref<1x1x10240xf32, #tpu.memory_space<hbm>> -> memref<10240xf32, #tpu.memory_space<hbm>>
      %dma_wait3A_19 = arith.constant 0 : i32
      %dma_wait3A_20 = tpu.memref_slice %arg4[%arg0, %arg1, %dma_wait3A_19] : memref<2x16x10240xf32, #tpu.memory_space<hbm>> -> memref<1x1x10240xf32, #tpu.memory_space<hbm>>
      %dma_wait3A_21 = tpu.memref_squeeze %dma_wait3A_20 : memref<1x1x10240xf32, #tpu.memory_space<hbm>> -> memref<10240xf32, #tpu.memory_space<hbm>>
      tpu.wait_dma2 semaphore(%run_scoped3A : memref<!tpu.dma_semaphore, #tpu.memory_space<semaphore_mem>>) src(%arg7 : memref<10240xf32, #tpu.memory_space<vmem>>) dst(%dma_wait3A_21 : memref<10240xf32, #tpu.memory_space<hbm>>)
      tpu.yield
    }) : () -> ()
    return
  }
}

#map = affine_map<(d0, d1) -> (0, 0)>
#map1 = affine_map<(d0, d1) -> (0)>
#map2 = affine_map<(d0, d1) -> (0, 0, 0)>
module attributes {stable_mosaic.version = 14 : i64} {
  func.func @_agg(%arg0: i32, %arg1: i32, %arg2: memref<10000x128xf32, #tpu.memory_space<hbm>>, %arg3: memref<327680xi32, #tpu.memory_space<hbm>>, %arg4: memref<327680xi32, #tpu.memory_space<hbm>>, %arg5: memref<327680x16xf32, #tpu.memory_space<hbm>>, %arg6: memref<10240x128xf32, #tpu.memory_space<hbm>>, %arg7: memref<2x10240x128xf32, #tpu.memory_space<hbm>>, %arg8: memref<2x64xi32, #tpu.memory_space<vmem>>, %arg9: memref<2x64xi32, #tpu.memory_space<vmem>>, %arg10: memref<2x64x16xf32, #tpu.memory_space<vmem>>, %arg11: memref<2x64x128xf32, #tpu.memory_space<vmem>>, %arg12: memref<10240x128xf32, #tpu.memory_space<vmem_shared>>, %arg13: memref<!tpu.dma_semaphore, #tpu.memory_space<semaphore_mem>>, %arg14: memref<!tpu.dma_semaphore, #tpu.memory_space<semaphore_mem>>, %arg15: memref<!tpu.dma_semaphore, #tpu.memory_space<semaphore_mem>>, %arg16: memref<!tpu.dma_semaphore, #tpu.memory_space<semaphore_mem>>, %arg17: memref<!tpu.dma_semaphore, #tpu.memory_space<semaphore_mem>>, %arg18: memref<!tpu.dma_semaphore, #tpu.memory_space<semaphore_mem>>, %arg19: memref<!tpu.dma_semaphore, #tpu.memory_space<semaphore_mem>>, %arg20: memref<!tpu.dma_semaphore, #tpu.memory_space<semaphore_mem>>) attributes {dimension_semantics = [#tpu.dimension_semantics<core_parallel>, #tpu.dimension_semantics<subcore_parallel>], iteration_bounds = array<i64: 2, 16>, scalar_prefetch = 0 : i64, scratch_operands = 13 : i64, tpu.core_type = #tpu.core_type<sc_vector_subcore>, window_params = [{transform_indices = #map}, {transform_indices = #map1}, {transform_indices = #map1}, {transform_indices = #map}, {transform_indices = #map}, {transform_indices = #map2}]} {
    %mul3A = arith.constant 2 : i32
    %mul3A_0 = arith.muli %arg1, %mul3A : i32
    %add3A = arith.addi %mul3A_0, %arg0 : i32
    %mul3A_1 = arith.constant 10240 : i32
    %mul3A_2 = arith.muli %add3A, %mul3A_1 : i32
    %mul3A_3 = arith.constant 640 : i32
    %mul3A_4 = arith.muli %arg1, %mul3A_3 : i32
    %mul3A_5 = arith.constant 640 : i32
    %mul3A_6 = arith.muli %arg1, %mul3A_5 : i32
    "tpu.region"() ({
      %run_scoped3A = tpu.sem_alloc : memref<!tpu.dma_semaphore, #tpu.memory_space<semaphore_mem>>
      %dma_start3A_100 = arith.constant 0 : i32
      %dma_start3A_101 = tpu.memref_slice %arg12[%mul3A_6, %dma_start3A_100] : memref<10240x128xf32, #tpu.memory_space<vmem_shared>> -> memref<640x128xf32, #tpu.memory_space<vmem_shared>>
      %dma_start3A_102 = arith.constant 0 : i32
      %dma_start3A_103 = tpu.memref_slice %arg6[%mul3A_4, %dma_start3A_102] : memref<10240x128xf32, #tpu.memory_space<hbm>> -> memref<640x128xf32, #tpu.memory_space<hbm>>
      tpu.enqueue_dma source(%dma_start3A_103 : memref<640x128xf32, #tpu.memory_space<hbm>>) target(%dma_start3A_101 : memref<640x128xf32, #tpu.memory_space<vmem_shared>>) target_semaphore(%run_scoped3A : memref<!tpu.dma_semaphore, #tpu.memory_space<semaphore_mem>>)
      %dma_wait3A_104 = arith.constant 0 : i32
      %dma_wait3A_105 = tpu.memref_slice %arg12[%mul3A_6, %dma_wait3A_104] : memref<10240x128xf32, #tpu.memory_space<vmem_shared>> -> memref<640x128xf32, #tpu.memory_space<vmem_shared>>
      %dma_wait3A_106 = arith.constant 0 : i32
      %dma_wait3A_107 = tpu.memref_slice %arg6[%mul3A_4, %dma_wait3A_106] : memref<10240x128xf32, #tpu.memory_space<hbm>> -> memref<640x128xf32, #tpu.memory_space<hbm>>
      tpu.wait_dma2 semaphore(%run_scoped3A : memref<!tpu.dma_semaphore, #tpu.memory_space<semaphore_mem>>) src(%dma_wait3A_107 : memref<640x128xf32, #tpu.memory_space<hbm>>) dst(%dma_wait3A_105 : memref<640x128xf32, #tpu.memory_space<vmem_shared>>)
      tpu.yield
    }) : () -> ()
    %barrier3A = arith.constant 0 : index
    tpu.barrier barrier_id(%barrier3A)
    %add3A_7 = arith.constant 0 : i32
    %add3A_8 = arith.addi %mul3A_2, %add3A_7 : i32
    %dma_start3A = arith.constant 0 : i32
    %dma_start3A_9 = arith.constant 0 : i32
    %dma_start3A_10 = tpu.memref_slice %arg8[%dma_start3A, %dma_start3A_9] : memref<2x64xi32, #tpu.memory_space<vmem>> -> memref<1x64xi32, #tpu.memory_space<vmem>>
    %dma_start3A_11 = tpu.memref_squeeze %dma_start3A_10 : memref<1x64xi32, #tpu.memory_space<vmem>> -> memref<64xi32, #tpu.memory_space<vmem>>
    %dma_start3A_12 = tpu.memref_slice %arg3[%add3A_8] : memref<327680xi32, #tpu.memory_space<hbm>> -> memref<64xi32, #tpu.memory_space<hbm>>
    %dma_start3A_13 = arith.constant 0 : i32
    %dma_start3A_14 = tpu.memref_slice %arg8[%dma_start3A, %dma_start3A_13] : memref<2x64xi32, #tpu.memory_space<vmem>> -> memref<1x64xi32, #tpu.memory_space<vmem>>
    %dma_start3A_15 = tpu.memref_squeeze %dma_start3A_14 : memref<1x64xi32, #tpu.memory_space<vmem>> -> memref<64xi32, #tpu.memory_space<vmem>>
    %dma_start3A_16 = tpu.memref_slice %arg3[%add3A_8] : memref<327680xi32, #tpu.memory_space<hbm>> -> memref<64xi32, #tpu.memory_space<hbm>>
    tpu.enqueue_dma source(%dma_start3A_16 : memref<64xi32, #tpu.memory_space<hbm>>) target(%dma_start3A_15 : memref<64xi32, #tpu.memory_space<vmem>>) target_semaphore(%arg19 : memref<!tpu.dma_semaphore, #tpu.memory_space<semaphore_mem>>)
    %add3A_17 = arith.constant 0 : i32
    %add3A_18 = arith.addi %mul3A_2, %add3A_17 : i32
    %dma_start3A_19 = arith.constant 0 : i32
    %dma_start3A_20 = arith.constant 0 : i32
    %dma_start3A_21 = tpu.memref_slice %arg9[%dma_start3A_19, %dma_start3A_20] : memref<2x64xi32, #tpu.memory_space<vmem>> -> memref<1x64xi32, #tpu.memory_space<vmem>>
    %dma_start3A_22 = tpu.memref_squeeze %dma_start3A_21 : memref<1x64xi32, #tpu.memory_space<vmem>> -> memref<64xi32, #tpu.memory_space<vmem>>
    %dma_start3A_23 = tpu.memref_slice %arg4[%add3A_18] : memref<327680xi32, #tpu.memory_space<hbm>> -> memref<64xi32, #tpu.memory_space<hbm>>
    %dma_start3A_24 = arith.constant 0 : i32
    %dma_start3A_25 = tpu.memref_slice %arg9[%dma_start3A_19, %dma_start3A_24] : memref<2x64xi32, #tpu.memory_space<vmem>> -> memref<1x64xi32, #tpu.memory_space<vmem>>
    %dma_start3A_26 = tpu.memref_squeeze %dma_start3A_25 : memref<1x64xi32, #tpu.memory_space<vmem>> -> memref<64xi32, #tpu.memory_space<vmem>>
    %dma_start3A_27 = tpu.memref_slice %arg4[%add3A_18] : memref<327680xi32, #tpu.memory_space<hbm>> -> memref<64xi32, #tpu.memory_space<hbm>>
    tpu.enqueue_dma source(%dma_start3A_27 : memref<64xi32, #tpu.memory_space<hbm>>) target(%dma_start3A_26 : memref<64xi32, #tpu.memory_space<vmem>>) target_semaphore(%arg17 : memref<!tpu.dma_semaphore, #tpu.memory_space<semaphore_mem>>)
    %add3A_28 = arith.constant 0 : i32
    %add3A_29 = arith.addi %mul3A_2, %add3A_28 : i32
    %dma_start3A_30 = arith.constant 0 : i32
    %dma_start3A_31 = arith.constant 0 : i32
    %dma_start3A_32 = arith.constant 0 : i32
    %dma_start3A_33 = tpu.memref_slice %arg10[%dma_start3A_30, %dma_start3A_31, %dma_start3A_32] : memref<2x64x16xf32, #tpu.memory_space<vmem>> -> memref<1x64x16xf32, #tpu.memory_space<vmem>>
    %dma_start3A_34 = tpu.memref_squeeze %dma_start3A_33 : memref<1x64x16xf32, #tpu.memory_space<vmem>> -> memref<64x16xf32, #tpu.memory_space<vmem>>
    %dma_start3A_35 = arith.constant 0 : i32
    %dma_start3A_36 = tpu.memref_slice %arg5[%add3A_29, %dma_start3A_35] : memref<327680x16xf32, #tpu.memory_space<hbm>> -> memref<64x16xf32, #tpu.memory_space<hbm>>
    %dma_start3A_37 = arith.constant 0 : i32
    %dma_start3A_38 = arith.constant 0 : i32
    %dma_start3A_39 = tpu.memref_slice %arg10[%dma_start3A_30, %dma_start3A_37, %dma_start3A_38] : memref<2x64x16xf32, #tpu.memory_space<vmem>> -> memref<1x64x16xf32, #tpu.memory_space<vmem>>
    %dma_start3A_40 = tpu.memref_squeeze %dma_start3A_39 : memref<1x64x16xf32, #tpu.memory_space<vmem>> -> memref<64x16xf32, #tpu.memory_space<vmem>>
    %dma_start3A_41 = arith.constant 0 : i32
    %dma_start3A_42 = tpu.memref_slice %arg5[%add3A_29, %dma_start3A_41] : memref<327680x16xf32, #tpu.memory_space<hbm>> -> memref<64x16xf32, #tpu.memory_space<hbm>>
    tpu.enqueue_dma source(%dma_start3A_42 : memref<64x16xf32, #tpu.memory_space<hbm>>) target(%dma_start3A_40 : memref<64x16xf32, #tpu.memory_space<vmem>>) target_semaphore(%arg17 : memref<!tpu.dma_semaphore, #tpu.memory_space<semaphore_mem>>)
    %dma_wait3A = arith.constant 0 : i32
    %dma_wait3A_43 = arith.constant 0 : i32
    %dma_wait3A_44 = tpu.memref_slice %arg8[%dma_wait3A, %dma_wait3A_43] : memref<2x64xi32, #tpu.memory_space<vmem>> -> memref<1x64xi32, #tpu.memory_space<vmem>>
    %dma_wait3A_45 = tpu.memref_squeeze %dma_wait3A_44 : memref<1x64xi32, #tpu.memory_space<vmem>> -> memref<64xi32, #tpu.memory_space<vmem>>
    %dma_wait3A_46 = arith.constant 0 : i32
    %dma_wait3A_47 = tpu.memref_slice %arg3[%dma_wait3A_46] : memref<327680xi32, #tpu.memory_space<hbm>> -> memref<64xi32, #tpu.memory_space<hbm>>
    %dma_wait3A_48 = arith.constant 0 : i32
    %dma_wait3A_49 = tpu.memref_slice %arg8[%dma_wait3A, %dma_wait3A_48] : memref<2x64xi32, #tpu.memory_space<vmem>> -> memref<1x64xi32, #tpu.memory_space<vmem>>
    %dma_wait3A_50 = tpu.memref_squeeze %dma_wait3A_49 : memref<1x64xi32, #tpu.memory_space<vmem>> -> memref<64xi32, #tpu.memory_space<vmem>>
    %dma_wait3A_51 = arith.constant 0 : i32
    %dma_wait3A_52 = tpu.memref_slice %arg3[%dma_wait3A_51] : memref<327680xi32, #tpu.memory_space<hbm>> -> memref<64xi32, #tpu.memory_space<hbm>>
    tpu.wait_dma2 semaphore(%arg19 : memref<!tpu.dma_semaphore, #tpu.memory_space<semaphore_mem>>) src(%dma_wait3A_52 : memref<64xi32, #tpu.memory_space<hbm>>) dst(%dma_wait3A_50 : memref<64xi32, #tpu.memory_space<vmem>>)
    %dma_start3A_53 = arith.constant 0 : i32
    %dma_start3A_54 = arith.constant 0 : i32
    %dma_start3A_55 = arith.constant 0 : i32
    %dma_start3A_56 = arith.constant 0 : i32
    %dma_start3A_57 = tpu.memref_slice %arg11[%dma_start3A_54, %dma_start3A_55, %dma_start3A_56] : memref<2x64x128xf32, #tpu.memory_space<vmem>> -> memref<1x64x128xf32, #tpu.memory_space<vmem>>
    %dma_start3A_58 = tpu.memref_squeeze %dma_start3A_57 : memref<1x64x128xf32, #tpu.memory_space<vmem>> -> memref<64x128xf32, #tpu.memory_space<vmem>>
    %dma_start3A_59 = arith.constant 0 : i32
    %dma_start3A_60 = tpu.memref_slice %arg8[%dma_start3A_53, %dma_start3A_59] : memref<2x64xi32, #tpu.memory_space<vmem>> -> memref<1x64xi32, #tpu.memory_space<vmem>>
    %dma_start3A_61 = tpu.memref_squeeze %dma_start3A_60 : memref<1x64xi32, #tpu.memory_space<vmem>> -> memref<64xi32, #tpu.memory_space<vmem>>
    %dma_start3A_62 = arith.constant 0 : i32
    %dma_start3A_63 = arith.constant 0 : i32
    %dma_start3A_64 = tpu.memref_slice %arg2[%dma_start3A_62, %dma_start3A_63] : memref<10000x128xf32, #tpu.memory_space<hbm>> -> memref<10000x128xf32, #tpu.memory_space<hbm>>
    tpu.enqueue_indirect_dma source(%dma_start3A_64 : memref<10000x128xf32, #tpu.memory_space<hbm>>) target(%dma_start3A_58 : memref<64x128xf32, #tpu.memory_space<vmem>>) offsets(%dma_start3A_61 : memref<64xi32, #tpu.memory_space<vmem>>) semaphore(%arg13 : memref<!tpu.dma_semaphore, #tpu.memory_space<semaphore_mem>>)
    %add3A_65 = arith.constant 64 : i32
    %add3A_66 = arith.addi %mul3A_2, %add3A_65 : i32
    %dma_start3A_67 = arith.constant 1 : i32
    %dma_start3A_68 = arith.constant 0 : i32
    %dma_start3A_69 = tpu.memref_slice %arg8[%dma_start3A_67, %dma_start3A_68] : memref<2x64xi32, #tpu.memory_space<vmem>> -> memref<1x64xi32, #tpu.memory_space<vmem>>
    %dma_start3A_70 = tpu.memref_squeeze %dma_start3A_69 : memref<1x64xi32, #tpu.memory_space<vmem>> -> memref<64xi32, #tpu.memory_space<vmem>>
    %dma_start3A_71 = tpu.memref_slice %arg3[%add3A_66] : memref<327680xi32, #tpu.memory_space<hbm>> -> memref<64xi32, #tpu.memory_space<hbm>>
    %dma_start3A_72 = arith.constant 0 : i32
    %dma_start3A_73 = tpu.memref_slice %arg8[%dma_start3A_67, %dma_start3A_72] : memref<2x64xi32, #tpu.memory_space<vmem>> -> memref<1x64xi32, #tpu.memory_space<vmem>>
    %dma_start3A_74 = tpu.memref_squeeze %dma_start3A_73 : memref<1x64xi32, #tpu.memory_space<vmem>> -> memref<64xi32, #tpu.memory_space<vmem>>
    %dma_start3A_75 = tpu.memref_slice %arg3[%add3A_66] : memref<327680xi32, #tpu.memory_space<hbm>> -> memref<64xi32, #tpu.memory_space<hbm>>
    tpu.enqueue_dma source(%dma_start3A_75 : memref<64xi32, #tpu.memory_space<hbm>>) target(%dma_start3A_74 : memref<64xi32, #tpu.memory_space<vmem>>) target_semaphore(%arg20 : memref<!tpu.dma_semaphore, #tpu.memory_space<semaphore_mem>>)
    %scan3A = arith.constant 0 : i32
    %scan3A_76 = arith.constant 80 : i32
    %scan3A_77 = arith.addi %scan3A, %scan3A_76 : i32
    %scan3A_78 = arith.constant 1 : i32
    scf.for %scan3A_100 = %scan3A to %scan3A_77 step %scan3A_78  : i32 {
      %mul3A_101 = arith.constant 1 : i32
      %mul3A_102 = arith.muli %scan3A_100, %mul3A_101 : i32
      %add3A_103 = arith.constant 0 : i32
      %add3A_104 = arith.addi %add3A_103, %mul3A_102 : i32
      %mul3A_105 = arith.constant 2 : i32
      %mul3A_106 = arith.muli %add3A_104, %mul3A_105 : i32
      %add3A_107 = arith.constant 0 : i32
      %add3A_108 = arith.addi %mul3A_106, %add3A_107 : i32
      %gt3A = arith.constant 0 : i32
      %gt3A_109 = arith.cmpi sgt, %add3A_108, %gt3A : i32
      %convert_element_type3A = arith.extui %gt3A_109 : i1 to i32
      %cond3A = arith.constant 0 : i32
      %cond3A_110 = arith.cmpi ne, %convert_element_type3A, %cond3A : i32
      scf.if %cond3A_110 {
        %dma_wait3A_263 = arith.constant 1 : i32
        %dma_wait3A_264 = arith.constant 0 : i32
        %dma_wait3A_265 = arith.constant 0 : i32
        %dma_wait3A_266 = tpu.memref_slice %arg11[%dma_wait3A_263, %dma_wait3A_264, %dma_wait3A_265] : memref<2x64x128xf32, #tpu.memory_space<vmem>> -> memref<1x64x128xf32, #tpu.memory_space<vmem>>
        %dma_wait3A_267 = tpu.memref_squeeze %dma_wait3A_266 : memref<1x64x128xf32, #tpu.memory_space<vmem>> -> memref<64x128xf32, #tpu.memory_space<vmem>>
        %dma_wait3A_268 = arith.constant 0 : i32
        %dma_wait3A_269 = arith.constant 0 : i32
        %dma_wait3A_270 = tpu.memref_slice %arg2[%dma_wait3A_268, %dma_wait3A_269] : memref<10000x128xf32, #tpu.memory_space<hbm>> -> memref<64x128xf32, #tpu.memory_space<hbm>>
        %dma_wait3A_271 = arith.constant 0 : i32
        %dma_wait3A_272 = arith.constant 0 : i32
        %dma_wait3A_273 = tpu.memref_slice %arg11[%dma_wait3A_263, %dma_wait3A_271, %dma_wait3A_272] : memref<2x64x128xf32, #tpu.memory_space<vmem>> -> memref<1x64x128xf32, #tpu.memory_space<vmem>>
        %dma_wait3A_274 = tpu.memref_squeeze %dma_wait3A_273 : memref<1x64x128xf32, #tpu.memory_space<vmem>> -> memref<64x128xf32, #tpu.memory_space<vmem>>
        %dma_wait3A_275 = arith.constant 0 : i32
        %dma_wait3A_276 = arith.constant 0 : i32
        %dma_wait3A_277 = tpu.memref_slice %arg2[%dma_wait3A_275, %dma_wait3A_276] : memref<10000x128xf32, #tpu.memory_space<hbm>> -> memref<64x128xf32, #tpu.memory_space<hbm>>
        tpu.wait_dma2 semaphore(%arg16 : memref<!tpu.dma_semaphore, #tpu.memory_space<semaphore_mem>>) src(%dma_wait3A_277 : memref<64x128xf32, #tpu.memory_space<hbm>>) dst(%dma_wait3A_274 : memref<64x128xf32, #tpu.memory_space<vmem>>)
      } else {
      }
      %add3A_111 = arith.constant 1 : i32
      %add3A_112 = arith.addi %add3A_108, %add3A_111 : i32
      %lt3A = arith.constant 160 : i32
      %lt3A_113 = arith.cmpi slt, %add3A_112, %lt3A : i32
      %convert_element_type3A_114 = arith.extui %lt3A_113 : i1 to i32
      %cond3A_115 = arith.constant 0 : i32
      %cond3A_116 = arith.cmpi ne, %convert_element_type3A_114, %cond3A_115 : i32
      scf.if %cond3A_116 {
        %add3A_263 = arith.constant 1 : i32
        %add3A_264 = arith.addi %add3A_108, %add3A_263 : i32
        %mul3A_265 = arith.constant 64 : i32
        %mul3A_266 = arith.muli %add3A_264, %mul3A_265 : i32
        %add3A_267 = arith.addi %mul3A_2, %mul3A_266 : i32
        %dma_start3A_268 = arith.constant 1 : i32
        %dma_start3A_269 = arith.constant 0 : i32
        %dma_start3A_270 = tpu.memref_slice %arg9[%dma_start3A_268, %dma_start3A_269] : memref<2x64xi32, #tpu.memory_space<vmem>> -> memref<1x64xi32, #tpu.memory_space<vmem>>
        %dma_start3A_271 = tpu.memref_squeeze %dma_start3A_270 : memref<1x64xi32, #tpu.memory_space<vmem>> -> memref<64xi32, #tpu.memory_space<vmem>>
        %dma_start3A_272 = tpu.memref_slice %arg4[%add3A_267] : memref<327680xi32, #tpu.memory_space<hbm>> -> memref<64xi32, #tpu.memory_space<hbm>>
        %dma_start3A_273 = arith.constant 0 : i32
        %dma_start3A_274 = tpu.memref_slice %arg9[%dma_start3A_268, %dma_start3A_273] : memref<2x64xi32, #tpu.memory_space<vmem>> -> memref<1x64xi32, #tpu.memory_space<vmem>>
        %dma_start3A_275 = tpu.memref_squeeze %dma_start3A_274 : memref<1x64xi32, #tpu.memory_space<vmem>> -> memref<64xi32, #tpu.memory_space<vmem>>
        %dma_start3A_276 = tpu.memref_slice %arg4[%add3A_267] : memref<327680xi32, #tpu.memory_space<hbm>> -> memref<64xi32, #tpu.memory_space<hbm>>
        tpu.enqueue_dma source(%dma_start3A_276 : memref<64xi32, #tpu.memory_space<hbm>>) target(%dma_start3A_275 : memref<64xi32, #tpu.memory_space<vmem>>) target_semaphore(%arg18 : memref<!tpu.dma_semaphore, #tpu.memory_space<semaphore_mem>>)
        %mul3A_277 = arith.constant 64 : i32
        %mul3A_278 = arith.muli %add3A_264, %mul3A_277 : i32
        %add3A_279 = arith.addi %mul3A_2, %mul3A_278 : i32
        %dma_start3A_280 = arith.constant 1 : i32
        %dma_start3A_281 = arith.constant 0 : i32
        %dma_start3A_282 = arith.constant 0 : i32
        %dma_start3A_283 = tpu.memref_slice %arg10[%dma_start3A_280, %dma_start3A_281, %dma_start3A_282] : memref<2x64x16xf32, #tpu.memory_space<vmem>> -> memref<1x64x16xf32, #tpu.memory_space<vmem>>
        %dma_start3A_284 = tpu.memref_squeeze %dma_start3A_283 : memref<1x64x16xf32, #tpu.memory_space<vmem>> -> memref<64x16xf32, #tpu.memory_space<vmem>>
        %dma_start3A_285 = arith.constant 0 : i32
        %dma_start3A_286 = tpu.memref_slice %arg5[%add3A_279, %dma_start3A_285] : memref<327680x16xf32, #tpu.memory_space<hbm>> -> memref<64x16xf32, #tpu.memory_space<hbm>>
        %dma_start3A_287 = arith.constant 0 : i32
        %dma_start3A_288 = arith.constant 0 : i32
        %dma_start3A_289 = tpu.memref_slice %arg10[%dma_start3A_280, %dma_start3A_287, %dma_start3A_288] : memref<2x64x16xf32, #tpu.memory_space<vmem>> -> memref<1x64x16xf32, #tpu.memory_space<vmem>>
        %dma_start3A_290 = tpu.memref_squeeze %dma_start3A_289 : memref<1x64x16xf32, #tpu.memory_space<vmem>> -> memref<64x16xf32, #tpu.memory_space<vmem>>
        %dma_start3A_291 = arith.constant 0 : i32
        %dma_start3A_292 = tpu.memref_slice %arg5[%add3A_279, %dma_start3A_291] : memref<327680x16xf32, #tpu.memory_space<hbm>> -> memref<64x16xf32, #tpu.memory_space<hbm>>
        tpu.enqueue_dma source(%dma_start3A_292 : memref<64x16xf32, #tpu.memory_space<hbm>>) target(%dma_start3A_290 : memref<64x16xf32, #tpu.memory_space<vmem>>) target_semaphore(%arg18 : memref<!tpu.dma_semaphore, #tpu.memory_space<semaphore_mem>>)
        %dma_wait3A_293 = arith.constant 1 : i32
        %dma_wait3A_294 = arith.constant 0 : i32
        %dma_wait3A_295 = tpu.memref_slice %arg8[%dma_wait3A_293, %dma_wait3A_294] : memref<2x64xi32, #tpu.memory_space<vmem>> -> memref<1x64xi32, #tpu.memory_space<vmem>>
        %dma_wait3A_296 = tpu.memref_squeeze %dma_wait3A_295 : memref<1x64xi32, #tpu.memory_space<vmem>> -> memref<64xi32, #tpu.memory_space<vmem>>
        %dma_wait3A_297 = arith.constant 0 : i32
        %dma_wait3A_298 = tpu.memref_slice %arg3[%dma_wait3A_297] : memref<327680xi32, #tpu.memory_space<hbm>> -> memref<64xi32, #tpu.memory_space<hbm>>
        %dma_wait3A_299 = arith.constant 0 : i32
        %dma_wait3A_300 = tpu.memref_slice %arg8[%dma_wait3A_293, %dma_wait3A_299] : memref<2x64xi32, #tpu.memory_space<vmem>> -> memref<1x64xi32, #tpu.memory_space<vmem>>
        %dma_wait3A_301 = tpu.memref_squeeze %dma_wait3A_300 : memref<1x64xi32, #tpu.memory_space<vmem>> -> memref<64xi32, #tpu.memory_space<vmem>>
        %dma_wait3A_302 = arith.constant 0 : i32
        %dma_wait3A_303 = tpu.memref_slice %arg3[%dma_wait3A_302] : memref<327680xi32, #tpu.memory_space<hbm>> -> memref<64xi32, #tpu.memory_space<hbm>>
        tpu.wait_dma2 semaphore(%arg20 : memref<!tpu.dma_semaphore, #tpu.memory_space<semaphore_mem>>) src(%dma_wait3A_303 : memref<64xi32, #tpu.memory_space<hbm>>) dst(%dma_wait3A_301 : memref<64xi32, #tpu.memory_space<vmem>>)
        %dma_start3A_304 = arith.constant 1 : i32
        %dma_start3A_305 = arith.constant 1 : i32
        %dma_start3A_306 = arith.constant 0 : i32
        %dma_start3A_307 = arith.constant 0 : i32
        %dma_start3A_308 = tpu.memref_slice %arg11[%dma_start3A_305, %dma_start3A_306, %dma_start3A_307] : memref<2x64x128xf32, #tpu.memory_space<vmem>> -> memref<1x64x128xf32, #tpu.memory_space<vmem>>
        %dma_start3A_309 = tpu.memref_squeeze %dma_start3A_308 : memref<1x64x128xf32, #tpu.memory_space<vmem>> -> memref<64x128xf32, #tpu.memory_space<vmem>>
        %dma_start3A_310 = arith.constant 0 : i32
        %dma_start3A_311 = tpu.memref_slice %arg8[%dma_start3A_304, %dma_start3A_310] : memref<2x64xi32, #tpu.memory_space<vmem>> -> memref<1x64xi32, #tpu.memory_space<vmem>>
        %dma_start3A_312 = tpu.memref_squeeze %dma_start3A_311 : memref<1x64xi32, #tpu.memory_space<vmem>> -> memref<64xi32, #tpu.memory_space<vmem>>
        %dma_start3A_313 = arith.constant 0 : i32
        %dma_start3A_314 = arith.constant 0 : i32
        %dma_start3A_315 = tpu.memref_slice %arg2[%dma_start3A_313, %dma_start3A_314] : memref<10000x128xf32, #tpu.memory_space<hbm>> -> memref<10000x128xf32, #tpu.memory_space<hbm>>
        tpu.enqueue_indirect_dma source(%dma_start3A_315 : memref<10000x128xf32, #tpu.memory_space<hbm>>) target(%dma_start3A_309 : memref<64x128xf32, #tpu.memory_space<vmem>>) offsets(%dma_start3A_312 : memref<64xi32, #tpu.memory_space<vmem>>) semaphore(%arg14 : memref<!tpu.dma_semaphore, #tpu.memory_space<semaphore_mem>>)
      } else {
      }
      %dma_wait3A_117 = arith.constant 0 : i32
      %dma_wait3A_118 = arith.constant 0 : i32
      %dma_wait3A_119 = arith.constant 0 : i32
      %dma_wait3A_120 = tpu.memref_slice %arg11[%dma_wait3A_117, %dma_wait3A_118, %dma_wait3A_119] : memref<2x64x128xf32, #tpu.memory_space<vmem>> -> memref<1x64x128xf32, #tpu.memory_space<vmem>>
      %dma_wait3A_121 = tpu.memref_squeeze %dma_wait3A_120 : memref<1x64x128xf32, #tpu.memory_space<vmem>> -> memref<64x128xf32, #tpu.memory_space<vmem>>
      %dma_wait3A_122 = arith.constant 0 : i32
      %dma_wait3A_123 = arith.constant 0 : i32
      %dma_wait3A_124 = tpu.memref_slice %arg2[%dma_wait3A_122, %dma_wait3A_123] : memref<10000x128xf32, #tpu.memory_space<hbm>> -> memref<64x128xf32, #tpu.memory_space<hbm>>
      %dma_wait3A_125 = arith.constant 0 : i32
      %dma_wait3A_126 = arith.constant 0 : i32
      %dma_wait3A_127 = tpu.memref_slice %arg11[%dma_wait3A_117, %dma_wait3A_125, %dma_wait3A_126] : memref<2x64x128xf32, #tpu.memory_space<vmem>> -> memref<1x64x128xf32, #tpu.memory_space<vmem>>
      %dma_wait3A_128 = tpu.memref_squeeze %dma_wait3A_127 : memref<1x64x128xf32, #tpu.memory_space<vmem>> -> memref<64x128xf32, #tpu.memory_space<vmem>>
      %dma_wait3A_129 = arith.constant 0 : i32
      %dma_wait3A_130 = arith.constant 0 : i32
      %dma_wait3A_131 = tpu.memref_slice %arg2[%dma_wait3A_129, %dma_wait3A_130] : memref<10000x128xf32, #tpu.memory_space<hbm>> -> memref<64x128xf32, #tpu.memory_space<hbm>>
      tpu.wait_dma2 semaphore(%arg13 : memref<!tpu.dma_semaphore, #tpu.memory_space<semaphore_mem>>) src(%dma_wait3A_131 : memref<64x128xf32, #tpu.memory_space<hbm>>) dst(%dma_wait3A_128 : memref<64x128xf32, #tpu.memory_space<vmem>>)
      %add3A_132 = arith.constant 2 : i32
      %add3A_133 = arith.addi %add3A_108, %add3A_132 : i32
      %lt3A_134 = arith.constant 160 : i32
      %lt3A_135 = arith.cmpi slt, %add3A_133, %lt3A_134 : i32
      %convert_element_type3A_136 = arith.extui %lt3A_135 : i1 to i32
      %cond3A_137 = arith.constant 0 : i32
      %cond3A_138 = arith.cmpi ne, %convert_element_type3A_136, %cond3A_137 : i32
      scf.if %cond3A_138 {
        %add3A_263 = arith.constant 2 : i32
        %add3A_264 = arith.addi %add3A_108, %add3A_263 : i32
        %mul3A_265 = arith.constant 64 : i32
        %mul3A_266 = arith.muli %add3A_264, %mul3A_265 : i32
        %add3A_267 = arith.addi %mul3A_2, %mul3A_266 : i32
        %dma_start3A_268 = arith.constant 0 : i32
        %dma_start3A_269 = arith.constant 0 : i32
        %dma_start3A_270 = tpu.memref_slice %arg8[%dma_start3A_268, %dma_start3A_269] : memref<2x64xi32, #tpu.memory_space<vmem>> -> memref<1x64xi32, #tpu.memory_space<vmem>>
        %dma_start3A_271 = tpu.memref_squeeze %dma_start3A_270 : memref<1x64xi32, #tpu.memory_space<vmem>> -> memref<64xi32, #tpu.memory_space<vmem>>
        %dma_start3A_272 = tpu.memref_slice %arg3[%add3A_267] : memref<327680xi32, #tpu.memory_space<hbm>> -> memref<64xi32, #tpu.memory_space<hbm>>
        %dma_start3A_273 = arith.constant 0 : i32
        %dma_start3A_274 = tpu.memref_slice %arg8[%dma_start3A_268, %dma_start3A_273] : memref<2x64xi32, #tpu.memory_space<vmem>> -> memref<1x64xi32, #tpu.memory_space<vmem>>
        %dma_start3A_275 = tpu.memref_squeeze %dma_start3A_274 : memref<1x64xi32, #tpu.memory_space<vmem>> -> memref<64xi32, #tpu.memory_space<vmem>>
        %dma_start3A_276 = tpu.memref_slice %arg3[%add3A_267] : memref<327680xi32, #tpu.memory_space<hbm>> -> memref<64xi32, #tpu.memory_space<hbm>>
        tpu.enqueue_dma source(%dma_start3A_276 : memref<64xi32, #tpu.memory_space<hbm>>) target(%dma_start3A_275 : memref<64xi32, #tpu.memory_space<vmem>>) target_semaphore(%arg19 : memref<!tpu.dma_semaphore, #tpu.memory_space<semaphore_mem>>)
      } else {
      }
      %dma_wait3A_139 = arith.constant 0 : i32
      %dma_wait3A_140 = arith.constant 0 : i32
      %dma_wait3A_141 = tpu.memref_slice %arg9[%dma_wait3A_139, %dma_wait3A_140] : memref<2x64xi32, #tpu.memory_space<vmem>> -> memref<1x64xi32, #tpu.memory_space<vmem>>
      %dma_wait3A_142 = tpu.memref_squeeze %dma_wait3A_141 : memref<1x64xi32, #tpu.memory_space<vmem>> -> memref<64xi32, #tpu.memory_space<vmem>>
      %dma_wait3A_143 = arith.constant 0 : i32
      %dma_wait3A_144 = tpu.memref_slice %arg3[%dma_wait3A_143] : memref<327680xi32, #tpu.memory_space<hbm>> -> memref<64xi32, #tpu.memory_space<hbm>>
      %dma_wait3A_145 = arith.constant 0 : i32
      %dma_wait3A_146 = tpu.memref_slice %arg9[%dma_wait3A_139, %dma_wait3A_145] : memref<2x64xi32, #tpu.memory_space<vmem>> -> memref<1x64xi32, #tpu.memory_space<vmem>>
      %dma_wait3A_147 = tpu.memref_squeeze %dma_wait3A_146 : memref<1x64xi32, #tpu.memory_space<vmem>> -> memref<64xi32, #tpu.memory_space<vmem>>
      %dma_wait3A_148 = arith.constant 0 : i32
      %dma_wait3A_149 = tpu.memref_slice %arg3[%dma_wait3A_148] : memref<327680xi32, #tpu.memory_space<hbm>> -> memref<64xi32, #tpu.memory_space<hbm>>
      tpu.wait_dma2 semaphore(%arg17 : memref<!tpu.dma_semaphore, #tpu.memory_space<semaphore_mem>>) src(%dma_wait3A_149 : memref<64xi32, #tpu.memory_space<hbm>>) dst(%dma_wait3A_147 : memref<64xi32, #tpu.memory_space<vmem>>)
      %dma_wait3A_150 = arith.constant 0 : i32
      %dma_wait3A_151 = arith.constant 0 : i32
      %dma_wait3A_152 = arith.constant 0 : i32
      %dma_wait3A_153 = tpu.memref_slice %arg10[%dma_wait3A_150, %dma_wait3A_151, %dma_wait3A_152] : memref<2x64x16xf32, #tpu.memory_space<vmem>> -> memref<1x64x16xf32, #tpu.memory_space<vmem>>
      %dma_wait3A_154 = tpu.memref_squeeze %dma_wait3A_153 : memref<1x64x16xf32, #tpu.memory_space<vmem>> -> memref<64x16xf32, #tpu.memory_space<vmem>>
      %dma_wait3A_155 = arith.constant 0 : i32
      %dma_wait3A_156 = arith.constant 0 : i32
      %dma_wait3A_157 = tpu.memref_slice %arg5[%dma_wait3A_155, %dma_wait3A_156] : memref<327680x16xf32, #tpu.memory_space<hbm>> -> memref<64x16xf32, #tpu.memory_space<hbm>>
      %dma_wait3A_158 = arith.constant 0 : i32
      %dma_wait3A_159 = arith.constant 0 : i32
      %dma_wait3A_160 = tpu.memref_slice %arg10[%dma_wait3A_150, %dma_wait3A_158, %dma_wait3A_159] : memref<2x64x16xf32, #tpu.memory_space<vmem>> -> memref<1x64x16xf32, #tpu.memory_space<vmem>>
      %dma_wait3A_161 = tpu.memref_squeeze %dma_wait3A_160 : memref<1x64x16xf32, #tpu.memory_space<vmem>> -> memref<64x16xf32, #tpu.memory_space<vmem>>
      %dma_wait3A_162 = arith.constant 0 : i32
      %dma_wait3A_163 = arith.constant 0 : i32
      %dma_wait3A_164 = tpu.memref_slice %arg5[%dma_wait3A_162, %dma_wait3A_163] : memref<327680x16xf32, #tpu.memory_space<hbm>> -> memref<64x16xf32, #tpu.memory_space<hbm>>
      tpu.wait_dma2 semaphore(%arg17 : memref<!tpu.dma_semaphore, #tpu.memory_space<semaphore_mem>>) src(%dma_wait3A_164 : memref<64x16xf32, #tpu.memory_space<hbm>>) dst(%dma_wait3A_161 : memref<64x16xf32, #tpu.memory_space<vmem>>)
      %scan3A_165 = arith.constant 0 : i32
      %scan3A_166 = arith.constant 64 : i32
      %scan3A_167 = arith.addi %scan3A_165, %scan3A_166 : i32
      %scan3A_168 = arith.constant 1 : i32
      scf.for %scan3A_263 = %scan3A_165 to %scan3A_167 step %scan3A_168  : i32 {
        %mul3A_264 = arith.constant 1 : i32
        %mul3A_265 = arith.muli %scan3A_263, %mul3A_264 : i32
        %add3A_266 = arith.constant 0 : i32
        %add3A_267 = arith.addi %add3A_266, %mul3A_265 : i32
        %get3A = arith.constant 0 : i32
        %get3A_268 = arith.index_cast %get3A : i32 to index
        %get3A_269 = arith.index_cast %add3A_267 : i32 to index
        %get3A_270 = arith.constant 0 : index
        %get3A_271 = tpu.vector_load %arg10[%get3A_268, %get3A_269, %get3A_270] {strides = array<i32>} : memref<2x64x16xf32, #tpu.memory_space<vmem>>, vector<16xf32>,
        %get3A_272 = arith.constant 0 : i32
        %get3A_273 = arith.index_cast %get3A_272 : i32 to index
        %get3A_274 = arith.index_cast %add3A_267 : i32 to index
        %get3A_275 = arith.constant 0 : index
        %get3A_276 = tpu.vector_load %arg11[%get3A_273, %get3A_274, %get3A_275] {strides = array<i32>} : memref<2x64x128xf32, #tpu.memory_space<vmem>>, vector<16xf32>,
        %mul3A_277 = arith.mulf %get3A_276, %get3A_271 : vector<16xf32>
        %swap3A = arith.constant 0 : i32
        %swap3A_278 = arith.index_cast %swap3A : i32 to index
        %swap3A_279 = arith.index_cast %add3A_267 : i32 to index
        %swap3A_280 = arith.constant 0 : index
        %swap3A_281 = tpu.vector_load %arg11[%swap3A_278, %swap3A_279, %swap3A_280] {strides = array<i32>} : memref<2x64x128xf32, #tpu.memory_space<vmem>>, vector<16xf32>,
        tpu.vector_store %arg11[%swap3A_278, %swap3A_279, %swap3A_280], %mul3A_277 {strides = array<i32>} : memref<2x64x128xf32, #tpu.memory_space<vmem>>, vector<16xf32>,
        %get3A_282 = arith.constant 0 : i32
        %get3A_283 = arith.index_cast %get3A_282 : i32 to index
        %get3A_284 = arith.index_cast %add3A_267 : i32 to index
        %get3A_285 = arith.constant 16 : index
        %get3A_286 = tpu.vector_load %arg11[%get3A_283, %get3A_284, %get3A_285] {strides = array<i32>} : memref<2x64x128xf32, #tpu.memory_space<vmem>>, vector<16xf32>,
        %mul3A_287 = arith.mulf %get3A_286, %get3A_271 : vector<16xf32>
        %swap3A_288 = arith.constant 0 : i32
        %swap3A_289 = arith.index_cast %swap3A_288 : i32 to index
        %swap3A_290 = arith.index_cast %add3A_267 : i32 to index
        %swap3A_291 = arith.constant 16 : index
        %swap3A_292 = tpu.vector_load %arg11[%swap3A_289, %swap3A_290, %swap3A_291] {strides = array<i32>} : memref<2x64x128xf32, #tpu.memory_space<vmem>>, vector<16xf32>,
        tpu.vector_store %arg11[%swap3A_289, %swap3A_290, %swap3A_291], %mul3A_287 {strides = array<i32>} : memref<2x64x128xf32, #tpu.memory_space<vmem>>, vector<16xf32>,
        %get3A_293 = arith.constant 0 : i32
        %get3A_294 = arith.index_cast %get3A_293 : i32 to index
        %get3A_295 = arith.index_cast %add3A_267 : i32 to index
        %get3A_296 = arith.constant 32 : index
        %get3A_297 = tpu.vector_load %arg11[%get3A_294, %get3A_295, %get3A_296] {strides = array<i32>} : memref<2x64x128xf32, #tpu.memory_space<vmem>>, vector<16xf32>,
        %mul3A_298 = arith.mulf %get3A_297, %get3A_271 : vector<16xf32>
        %swap3A_299 = arith.constant 0 : i32
        %swap3A_300 = arith.index_cast %swap3A_299 : i32 to index
        %swap3A_301 = arith.index_cast %add3A_267 : i32 to index
        %swap3A_302 = arith.constant 32 : index
        %swap3A_303 = tpu.vector_load %arg11[%swap3A_300, %swap3A_301, %swap3A_302] {strides = array<i32>} : memref<2x64x128xf32, #tpu.memory_space<vmem>>, vector<16xf32>,
        tpu.vector_store %arg11[%swap3A_300, %swap3A_301, %swap3A_302], %mul3A_298 {strides = array<i32>} : memref<2x64x128xf32, #tpu.memory_space<vmem>>, vector<16xf32>,
        %get3A_304 = arith.constant 0 : i32
        %get3A_305 = arith.index_cast %get3A_304 : i32 to index
        %get3A_306 = arith.index_cast %add3A_267 : i32 to index
        %get3A_307 = arith.constant 48 : index
        %get3A_308 = tpu.vector_load %arg11[%get3A_305, %get3A_306, %get3A_307] {strides = array<i32>} : memref<2x64x128xf32, #tpu.memory_space<vmem>>, vector<16xf32>,
        %mul3A_309 = arith.mulf %get3A_308, %get3A_271 : vector<16xf32>
        %swap3A_310 = arith.constant 0 : i32
        %swap3A_311 = arith.index_cast %swap3A_310 : i32 to index
        %swap3A_312 = arith.index_cast %add3A_267 : i32 to index
        %swap3A_313 = arith.constant 48 : index
        %swap3A_314 = tpu.vector_load %arg11[%swap3A_311, %swap3A_312, %swap3A_313] {strides = array<i32>} : memref<2x64x128xf32, #tpu.memory_space<vmem>>, vector<16xf32>,
        tpu.vector_store %arg11[%swap3A_311, %swap3A_312, %swap3A_313], %mul3A_309 {strides = array<i32>} : memref<2x64x128xf32, #tpu.memory_space<vmem>>, vector<16xf32>,
        %get3A_315 = arith.constant 0 : i32
        %get3A_316 = arith.index_cast %get3A_315 : i32 to index
        %get3A_317 = arith.index_cast %add3A_267 : i32 to index
        %get3A_318 = arith.constant 64 : index
        %get3A_319 = tpu.vector_load %arg11[%get3A_316, %get3A_317, %get3A_318] {strides = array<i32>} : memref<2x64x128xf32, #tpu.memory_space<vmem>>, vector<16xf32>,
        %mul3A_320 = arith.mulf %get3A_319, %get3A_271 : vector<16xf32>
        %swap3A_321 = arith.constant 0 : i32
        %swap3A_322 = arith.index_cast %swap3A_321 : i32 to index
        %swap3A_323 = arith.index_cast %add3A_267 : i32 to index
        %swap3A_324 = arith.constant 64 : index
        %swap3A_325 = tpu.vector_load %arg11[%swap3A_322, %swap3A_323, %swap3A_324] {strides = array<i32>} : memref<2x64x128xf32, #tpu.memory_space<vmem>>, vector<16xf32>,
        tpu.vector_store %arg11[%swap3A_322, %swap3A_323, %swap3A_324], %mul3A_320 {strides = array<i32>} : memref<2x64x128xf32, #tpu.memory_space<vmem>>, vector<16xf32>,
        %get3A_326 = arith.constant 0 : i32
        %get3A_327 = arith.index_cast %get3A_326 : i32 to index
        %get3A_328 = arith.index_cast %add3A_267 : i32 to index
        %get3A_329 = arith.constant 80 : index
        %get3A_330 = tpu.vector_load %arg11[%get3A_327, %get3A_328, %get3A_329] {strides = array<i32>} : memref<2x64x128xf32, #tpu.memory_space<vmem>>, vector<16xf32>,
        %mul3A_331 = arith.mulf %get3A_330, %get3A_271 : vector<16xf32>
        %swap3A_332 = arith.constant 0 : i32
        %swap3A_333 = arith.index_cast %swap3A_332 : i32 to index
        %swap3A_334 = arith.index_cast %add3A_267 : i32 to index
        %swap3A_335 = arith.constant 80 : index
        %swap3A_336 = tpu.vector_load %arg11[%swap3A_333, %swap3A_334, %swap3A_335] {strides = array<i32>} : memref<2x64x128xf32, #tpu.memory_space<vmem>>, vector<16xf32>,
        tpu.vector_store %arg11[%swap3A_333, %swap3A_334, %swap3A_335], %mul3A_331 {strides = array<i32>} : memref<2x64x128xf32, #tpu.memory_space<vmem>>, vector<16xf32>,
        %get3A_337 = arith.constant 0 : i32
        %get3A_338 = arith.index_cast %get3A_337 : i32 to index
        %get3A_339 = arith.index_cast %add3A_267 : i32 to index
        %get3A_340 = arith.constant 96 : index
        %get3A_341 = tpu.vector_load %arg11[%get3A_338, %get3A_339, %get3A_340] {strides = array<i32>} : memref<2x64x128xf32, #tpu.memory_space<vmem>>, vector<16xf32>,
        %mul3A_342 = arith.mulf %get3A_341, %get3A_271 : vector<16xf32>
        %swap3A_343 = arith.constant 0 : i32
        %swap3A_344 = arith.index_cast %swap3A_343 : i32 to index
        %swap3A_345 = arith.index_cast %add3A_267 : i32 to index
        %swap3A_346 = arith.constant 96 : index
        %swap3A_347 = tpu.vector_load %arg11[%swap3A_344, %swap3A_345, %swap3A_346] {strides = array<i32>} : memref<2x64x128xf32, #tpu.memory_space<vmem>>, vector<16xf32>,
        tpu.vector_store %arg11[%swap3A_344, %swap3A_345, %swap3A_346], %mul3A_342 {strides = array<i32>} : memref<2x64x128xf32, #tpu.memory_space<vmem>>, vector<16xf32>,
        %get3A_348 = arith.constant 0 : i32
        %get3A_349 = arith.index_cast %get3A_348 : i32 to index
        %get3A_350 = arith.index_cast %add3A_267 : i32 to index
        %get3A_351 = arith.constant 112 : index
        %get3A_352 = tpu.vector_load %arg11[%get3A_349, %get3A_350, %get3A_351] {strides = array<i32>} : memref<2x64x128xf32, #tpu.memory_space<vmem>>, vector<16xf32>,
        %mul3A_353 = arith.mulf %get3A_352, %get3A_271 : vector<16xf32>
        %swap3A_354 = arith.constant 0 : i32
        %swap3A_355 = arith.index_cast %swap3A_354 : i32 to index
        %swap3A_356 = arith.index_cast %add3A_267 : i32 to index
        %swap3A_357 = arith.constant 112 : index
        %swap3A_358 = tpu.vector_load %arg11[%swap3A_355, %swap3A_356, %swap3A_357] {strides = array<i32>} : memref<2x64x128xf32, #tpu.memory_space<vmem>>, vector<16xf32>,
        tpu.vector_store %arg11[%swap3A_355, %swap3A_356, %swap3A_357], %mul3A_353 {strides = array<i32>} : memref<2x64x128xf32, #tpu.memory_space<vmem>>, vector<16xf32>,
      }
      %scan3A_169 = arith.constant 64 : i32
      %dma_start3A_170 = arith.constant 0 : i32
      %dma_start3A_171 = arith.constant 0 : i32
      %dma_start3A_172 = arith.constant 0 : i32
      %dma_start3A_173 = arith.constant 0 : i32
      %dma_start3A_174 = tpu.memref_slice %arg11[%dma_start3A_170, %dma_start3A_172, %dma_start3A_173] : memref<2x64x128xf32, #tpu.memory_space<vmem>> -> memref<1x64x128xf32, #tpu.memory_space<vmem>>
      %dma_start3A_175 = tpu.memref_squeeze %dma_start3A_174 : memref<1x64x128xf32, #tpu.memory_space<vmem>> -> memref<64x128xf32, #tpu.memory_space<vmem>>
      %dma_start3A_176 = arith.constant 0 : i32
      %dma_start3A_177 = tpu.memref_slice %arg9[%dma_start3A_171, %dma_start3A_176] : memref<2x64xi32, #tpu.memory_space<vmem>> -> memref<1x64xi32, #tpu.memory_space<vmem>>
      %dma_start3A_178 = tpu.memref_squeeze %dma_start3A_177 : memref<1x64xi32, #tpu.memory_space<vmem>> -> memref<64xi32, #tpu.memory_space<vmem>>
      %dma_start3A_179 = arith.constant 0 : i32
      %dma_start3A_180 = arith.constant 0 : i32
      %dma_start3A_181 = tpu.memref_slice %arg12[%dma_start3A_179, %dma_start3A_180] : memref<10240x128xf32, #tpu.memory_space<vmem_shared>> -> memref<10240x128xf32, #tpu.memory_space<vmem_shared>>
      tpu.enqueue_indirect_dma source(%dma_start3A_175 : memref<64x128xf32, #tpu.memory_space<vmem>>) target(%dma_start3A_181 : memref<10240x128xf32, #tpu.memory_space<vmem_shared>>) offsets(%dma_start3A_178 : memref<64xi32, #tpu.memory_space<vmem>>) semaphore(%arg15 : memref<!tpu.dma_semaphore, #tpu.memory_space<semaphore_mem>>) {add = true}
      %mul3A_182 = arith.constant 2 : i32
      %mul3A_183 = arith.muli %add3A_104, %mul3A_182 : i32
      %add3A_184 = arith.constant 1 : i32
      %add3A_185 = arith.addi %mul3A_183, %add3A_184 : i32
      %gt3A_186 = arith.constant 0 : i32
      %gt3A_187 = arith.cmpi sgt, %add3A_185, %gt3A_186 : i32
      %convert_element_type3A_188 = arith.extui %gt3A_187 : i1 to i32
      %cond3A_189 = arith.constant 0 : i32
      %cond3A_190 = arith.cmpi ne, %convert_element_type3A_188, %cond3A_189 : i32
      scf.if %cond3A_190 {
        %dma_wait3A_263 = arith.constant 0 : i32
        %dma_wait3A_264 = arith.constant 0 : i32
        %dma_wait3A_265 = arith.constant 0 : i32
        %dma_wait3A_266 = tpu.memref_slice %arg11[%dma_wait3A_263, %dma_wait3A_264, %dma_wait3A_265] : memref<2x64x128xf32, #tpu.memory_space<vmem>> -> memref<1x64x128xf32, #tpu.memory_space<vmem>>
        %dma_wait3A_267 = tpu.memref_squeeze %dma_wait3A_266 : memref<1x64x128xf32, #tpu.memory_space<vmem>> -> memref<64x128xf32, #tpu.memory_space<vmem>>
        %dma_wait3A_268 = arith.constant 0 : i32
        %dma_wait3A_269 = arith.constant 0 : i32
        %dma_wait3A_270 = tpu.memref_slice %arg2[%dma_wait3A_268, %dma_wait3A_269] : memref<10000x128xf32, #tpu.memory_space<hbm>> -> memref<64x128xf32, #tpu.memory_space<hbm>>
        %dma_wait3A_271 = arith.constant 0 : i32
        %dma_wait3A_272 = arith.constant 0 : i32
        %dma_wait3A_273 = tpu.memref_slice %arg11[%dma_wait3A_263, %dma_wait3A_271, %dma_wait3A_272] : memref<2x64x128xf32, #tpu.memory_space<vmem>> -> memref<1x64x128xf32, #tpu.memory_space<vmem>>
        %dma_wait3A_274 = tpu.memref_squeeze %dma_wait3A_273 : memref<1x64x128xf32, #tpu.memory_space<vmem>> -> memref<64x128xf32, #tpu.memory_space<vmem>>
        %dma_wait3A_275 = arith.constant 0 : i32
        %dma_wait3A_276 = arith.constant 0 : i32
        %dma_wait3A_277 = tpu.memref_slice %arg2[%dma_wait3A_275, %dma_wait3A_276] : memref<10000x128xf32, #tpu.memory_space<hbm>> -> memref<64x128xf32, #tpu.memory_space<hbm>>
        tpu.wait_dma2 semaphore(%arg15 : memref<!tpu.dma_semaphore, #tpu.memory_space<semaphore_mem>>) src(%dma_wait3A_277 : memref<64x128xf32, #tpu.memory_space<hbm>>) dst(%dma_wait3A_274 : memref<64x128xf32, #tpu.memory_space<vmem>>)
      } else {
      }
      %add3A_191 = arith.constant 1 : i32
      %add3A_192 = arith.addi %add3A_185, %add3A_191 : i32
      %lt3A_193 = arith.constant 160 : i32
      %lt3A_194 = arith.cmpi slt, %add3A_192, %lt3A_193 : i32
      %convert_element_type3A_195 = arith.extui %lt3A_194 : i1 to i32
      %cond3A_196 = arith.constant 0 : i32
      %cond3A_197 = arith.cmpi ne, %convert_element_type3A_195, %cond3A_196 : i32
      scf.if %cond3A_197 {
        %add3A_263 = arith.constant 1 : i32
        %add3A_264 = arith.addi %add3A_185, %add3A_263 : i32
        %mul3A_265 = arith.constant 64 : i32
        %mul3A_266 = arith.muli %add3A_264, %mul3A_265 : i32
        %add3A_267 = arith.addi %mul3A_2, %mul3A_266 : i32
        %dma_start3A_268 = arith.constant 0 : i32
        %dma_start3A_269 = arith.constant 0 : i32
        %dma_start3A_270 = tpu.memref_slice %arg9[%dma_start3A_268, %dma_start3A_269] : memref<2x64xi32, #tpu.memory_space<vmem>> -> memref<1x64xi32, #tpu.memory_space<vmem>>
        %dma_start3A_271 = tpu.memref_squeeze %dma_start3A_270 : memref<1x64xi32, #tpu.memory_space<vmem>> -> memref<64xi32, #tpu.memory_space<vmem>>
        %dma_start3A_272 = tpu.memref_slice %arg4[%add3A_267] : memref<327680xi32, #tpu.memory_space<hbm>> -> memref<64xi32, #tpu.memory_space<hbm>>
        %dma_start3A_273 = arith.constant 0 : i32
        %dma_start3A_274 = tpu.memref_slice %arg9[%dma_start3A_268, %dma_start3A_273] : memref<2x64xi32, #tpu.memory_space<vmem>> -> memref<1x64xi32, #tpu.memory_space<vmem>>
        %dma_start3A_275 = tpu.memref_squeeze %dma_start3A_274 : memref<1x64xi32, #tpu.memory_space<vmem>> -> memref<64xi32, #tpu.memory_space<vmem>>
        %dma_start3A_276 = tpu.memref_slice %arg4[%add3A_267] : memref<327680xi32, #tpu.memory_space<hbm>> -> memref<64xi32, #tpu.memory_space<hbm>>
        tpu.enqueue_dma source(%dma_start3A_276 : memref<64xi32, #tpu.memory_space<hbm>>) target(%dma_start3A_275 : memref<64xi32, #tpu.memory_space<vmem>>) target_semaphore(%arg17 : memref<!tpu.dma_semaphore, #tpu.memory_space<semaphore_mem>>)
        %mul3A_277 = arith.constant 64 : i32
        %mul3A_278 = arith.muli %add3A_264, %mul3A_277 : i32
        %add3A_279 = arith.addi %mul3A_2, %mul3A_278 : i32
        %dma_start3A_280 = arith.constant 0 : i32
        %dma_start3A_281 = arith.constant 0 : i32
        %dma_start3A_282 = arith.constant 0 : i32
        %dma_start3A_283 = tpu.memref_slice %arg10[%dma_start3A_280, %dma_start3A_281, %dma_start3A_282] : memref<2x64x16xf32, #tpu.memory_space<vmem>> -> memref<1x64x16xf32, #tpu.memory_space<vmem>>
        %dma_start3A_284 = tpu.memref_squeeze %dma_start3A_283 : memref<1x64x16xf32, #tpu.memory_space<vmem>> -> memref<64x16xf32, #tpu.memory_space<vmem>>
        %dma_start3A_285 = arith.constant 0 : i32
        %dma_start3A_286 = tpu.memref_slice %arg5[%add3A_279, %dma_start3A_285] : memref<327680x16xf32, #tpu.memory_space<hbm>> -> memref<64x16xf32, #tpu.memory_space<hbm>>
        %dma_start3A_287 = arith.constant 0 : i32
        %dma_start3A_288 = arith.constant 0 : i32
        %dma_start3A_289 = tpu.memref_slice %arg10[%dma_start3A_280, %dma_start3A_287, %dma_start3A_288] : memref<2x64x16xf32, #tpu.memory_space<vmem>> -> memref<1x64x16xf32, #tpu.memory_space<vmem>>
        %dma_start3A_290 = tpu.memref_squeeze %dma_start3A_289 : memref<1x64x16xf32, #tpu.memory_space<vmem>> -> memref<64x16xf32, #tpu.memory_space<vmem>>
        %dma_start3A_291 = arith.constant 0 : i32
        %dma_start3A_292 = tpu.memref_slice %arg5[%add3A_279, %dma_start3A_291] : memref<327680x16xf32, #tpu.memory_space<hbm>> -> memref<64x16xf32, #tpu.memory_space<hbm>>
        tpu.enqueue_dma source(%dma_start3A_292 : memref<64x16xf32, #tpu.memory_space<hbm>>) target(%dma_start3A_290 : memref<64x16xf32, #tpu.memory_space<vmem>>) target_semaphore(%arg17 : memref<!tpu.dma_semaphore, #tpu.memory_space<semaphore_mem>>)
        %dma_wait3A_293 = arith.constant 0 : i32
        %dma_wait3A_294 = arith.constant 0 : i32
        %dma_wait3A_295 = tpu.memref_slice %arg8[%dma_wait3A_293, %dma_wait3A_294] : memref<2x64xi32, #tpu.memory_space<vmem>> -> memref<1x64xi32, #tpu.memory_space<vmem>>
        %dma_wait3A_296 = tpu.memref_squeeze %dma_wait3A_295 : memref<1x64xi32, #tpu.memory_space<vmem>> -> memref<64xi32, #tpu.memory_space<vmem>>
        %dma_wait3A_297 = arith.constant 0 : i32
        %dma_wait3A_298 = tpu.memref_slice %arg3[%dma_wait3A_297] : memref<327680xi32, #tpu.memory_space<hbm>> -> memref<64xi32, #tpu.memory_space<hbm>>
        %dma_wait3A_299 = arith.constant 0 : i32
        %dma_wait3A_300 = tpu.memref_slice %arg8[%dma_wait3A_293, %dma_wait3A_299] : memref<2x64xi32, #tpu.memory_space<vmem>> -> memref<1x64xi32, #tpu.memory_space<vmem>>
        %dma_wait3A_301 = tpu.memref_squeeze %dma_wait3A_300 : memref<1x64xi32, #tpu.memory_space<vmem>> -> memref<64xi32, #tpu.memory_space<vmem>>
        %dma_wait3A_302 = arith.constant 0 : i32
        %dma_wait3A_303 = tpu.memref_slice %arg3[%dma_wait3A_302] : memref<327680xi32, #tpu.memory_space<hbm>> -> memref<64xi32, #tpu.memory_space<hbm>>
        tpu.wait_dma2 semaphore(%arg19 : memref<!tpu.dma_semaphore, #tpu.memory_space<semaphore_mem>>) src(%dma_wait3A_303 : memref<64xi32, #tpu.memory_space<hbm>>) dst(%dma_wait3A_301 : memref<64xi32, #tpu.memory_space<vmem>>)
        %dma_start3A_304 = arith.constant 0 : i32
        %dma_start3A_305 = arith.constant 0 : i32
        %dma_start3A_306 = arith.constant 0 : i32
        %dma_start3A_307 = arith.constant 0 : i32
        %dma_start3A_308 = tpu.memref_slice %arg11[%dma_start3A_305, %dma_start3A_306, %dma_start3A_307] : memref<2x64x128xf32, #tpu.memory_space<vmem>> -> memref<1x64x128xf32, #tpu.memory_space<vmem>>
        %dma_start3A_309 = tpu.memref_squeeze %dma_start3A_308 : memref<1x64x128xf32, #tpu.memory_space<vmem>> -> memref<64x128xf32, #tpu.memory_space<vmem>>
        %dma_start3A_310 = arith.constant 0 : i32
        %dma_start3A_311 = tpu.memref_slice %arg8[%dma_start3A_304, %dma_start3A_310] : memref<2x64xi32, #tpu.memory_space<vmem>> -> memref<1x64xi32, #tpu.memory_space<vmem>>
        %dma_start3A_312 = tpu.memref_squeeze %dma_start3A_311 : memref<1x64xi32, #tpu.memory_space<vmem>> -> memref<64xi32, #tpu.memory_space<vmem>>
        %dma_start3A_313 = arith.constant 0 : i32
        %dma_start3A_314 = arith.constant 0 : i32
        %dma_start3A_315 = tpu.memref_slice %arg2[%dma_start3A_313, %dma_start3A_314] : memref<10000x128xf32, #tpu.memory_space<hbm>> -> memref<10000x128xf32, #tpu.memory_space<hbm>>
        tpu.enqueue_indirect_dma source(%dma_start3A_315 : memref<10000x128xf32, #tpu.memory_space<hbm>>) target(%dma_start3A_309 : memref<64x128xf32, #tpu.memory_space<vmem>>) offsets(%dma_start3A_312 : memref<64xi32, #tpu.memory_space<vmem>>) semaphore(%arg13 : memref<!tpu.dma_semaphore, #tpu.memory_space<semaphore_mem>>)
      } else {
      }
      %dma_wait3A_198 = arith.constant 1 : i32
      %dma_wait3A_199 = arith.constant 0 : i32
      %dma_wait3A_200 = arith.constant 0 : i32
      %dma_wait3A_201 = tpu.memref_slice %arg11[%dma_wait3A_198, %dma_wait3A_199, %dma_wait3A_200] : memref<2x64x128xf32, #tpu.memory_space<vmem>> -> memref<1x64x128xf32, #tpu.memory_space<vmem>>
      %dma_wait3A_202 = tpu.memref_squeeze %dma_wait3A_201 : memref<1x64x128xf32, #tpu.memory_space<vmem>> -> memref<64x128xf32, #tpu.memory_space<vmem>>
      %dma_wait3A_203 = arith.constant 0 : i32
      %dma_wait3A_204 = arith.constant 0 : i32
      %dma_wait3A_205 = tpu.memref_slice %arg2[%dma_wait3A_203, %dma_wait3A_204] : memref<10000x128xf32, #tpu.memory_space<hbm>> -> memref<64x128xf32, #tpu.memory_space<hbm>>
      %dma_wait3A_206 = arith.constant 0 : i32
      %dma_wait3A_207 = arith.constant 0 : i32
      %dma_wait3A_208 = tpu.memref_slice %arg11[%dma_wait3A_198, %dma_wait3A_206, %dma_wait3A_207] : memref<2x64x128xf32, #tpu.memory_space<vmem>> -> memref<1x64x128xf32, #tpu.memory_space<vmem>>
      %dma_wait3A_209 = tpu.memref_squeeze %dma_wait3A_208 : memref<1x64x128xf32, #tpu.memory_space<vmem>> -> memref<64x128xf32, #tpu.memory_space<vmem>>
      %dma_wait3A_210 = arith.constant 0 : i32
      %dma_wait3A_211 = arith.constant 0 : i32
      %dma_wait3A_212 = tpu.memref_slice %arg2[%dma_wait3A_210, %dma_wait3A_211] : memref<10000x128xf32, #tpu.memory_space<hbm>> -> memref<64x128xf32, #tpu.memory_space<hbm>>
      tpu.wait_dma2 semaphore(%arg14 : memref<!tpu.dma_semaphore, #tpu.memory_space<semaphore_mem>>) src(%dma_wait3A_212 : memref<64x128xf32, #tpu.memory_space<hbm>>) dst(%dma_wait3A_209 : memref<64x128xf32, #tpu.memory_space<vmem>>)
      %add3A_213 = arith.constant 2 : i32
      %add3A_214 = arith.addi %add3A_185, %add3A_213 : i32
      %lt3A_215 = arith.constant 160 : i32
      %lt3A_216 = arith.cmpi slt, %add3A_214, %lt3A_215 : i32
      %convert_element_type3A_217 = arith.extui %lt3A_216 : i1 to i32
      %cond3A_218 = arith.constant 0 : i32
      %cond3A_219 = arith.cmpi ne, %convert_element_type3A_217, %cond3A_218 : i32
      scf.if %cond3A_219 {
        %add3A_263 = arith.constant 2 : i32
        %add3A_264 = arith.addi %add3A_185, %add3A_263 : i32
        %mul3A_265 = arith.constant 64 : i32
        %mul3A_266 = arith.muli %add3A_264, %mul3A_265 : i32
        %add3A_267 = arith.addi %mul3A_2, %mul3A_266 : i32
        %dma_start3A_268 = arith.constant 1 : i32
        %dma_start3A_269 = arith.constant 0 : i32
        %dma_start3A_270 = tpu.memref_slice %arg8[%dma_start3A_268, %dma_start3A_269] : memref<2x64xi32, #tpu.memory_space<vmem>> -> memref<1x64xi32, #tpu.memory_space<vmem>>
        %dma_start3A_271 = tpu.memref_squeeze %dma_start3A_270 : memref<1x64xi32, #tpu.memory_space<vmem>> -> memref<64xi32, #tpu.memory_space<vmem>>
        %dma_start3A_272 = tpu.memref_slice %arg3[%add3A_267] : memref<327680xi32, #tpu.memory_space<hbm>> -> memref<64xi32, #tpu.memory_space<hbm>>
        %dma_start3A_273 = arith.constant 0 : i32
        %dma_start3A_274 = tpu.memref_slice %arg8[%dma_start3A_268, %dma_start3A_273] : memref<2x64xi32, #tpu.memory_space<vmem>> -> memref<1x64xi32, #tpu.memory_space<vmem>>
        %dma_start3A_275 = tpu.memref_squeeze %dma_start3A_274 : memref<1x64xi32, #tpu.memory_space<vmem>> -> memref<64xi32, #tpu.memory_space<vmem>>
        %dma_start3A_276 = tpu.memref_slice %arg3[%add3A_267] : memref<327680xi32, #tpu.memory_space<hbm>> -> memref<64xi32, #tpu.memory_space<hbm>>
        tpu.enqueue_dma source(%dma_start3A_276 : memref<64xi32, #tpu.memory_space<hbm>>) target(%dma_start3A_275 : memref<64xi32, #tpu.memory_space<vmem>>) target_semaphore(%arg20 : memref<!tpu.dma_semaphore, #tpu.memory_space<semaphore_mem>>)
      } else {
      }
      %dma_wait3A_220 = arith.constant 1 : i32
      %dma_wait3A_221 = arith.constant 0 : i32
      %dma_wait3A_222 = tpu.memref_slice %arg9[%dma_wait3A_220, %dma_wait3A_221] : memref<2x64xi32, #tpu.memory_space<vmem>> -> memref<1x64xi32, #tpu.memory_space<vmem>>
      %dma_wait3A_223 = tpu.memref_squeeze %dma_wait3A_222 : memref<1x64xi32, #tpu.memory_space<vmem>> -> memref<64xi32, #tpu.memory_space<vmem>>
      %dma_wait3A_224 = arith.constant 0 : i32
      %dma_wait3A_225 = tpu.memref_slice %arg3[%dma_wait3A_224] : memref<327680xi32, #tpu.memory_space<hbm>> -> memref<64xi32, #tpu.memory_space<hbm>>
      %dma_wait3A_226 = arith.constant 0 : i32
      %dma_wait3A_227 = tpu.memref_slice %arg9[%dma_wait3A_220, %dma_wait3A_226] : memref<2x64xi32, #tpu.memory_space<vmem>> -> memref<1x64xi32, #tpu.memory_space<vmem>>
      %dma_wait3A_228 = tpu.memref_squeeze %dma_wait3A_227 : memref<1x64xi32, #tpu.memory_space<vmem>> -> memref<64xi32, #tpu.memory_space<vmem>>
      %dma_wait3A_229 = arith.constant 0 : i32
      %dma_wait3A_230 = tpu.memref_slice %arg3[%dma_wait3A_229] : memref<327680xi32, #tpu.memory_space<hbm>> -> memref<64xi32, #tpu.memory_space<hbm>>
      tpu.wait_dma2 semaphore(%arg18 : memref<!tpu.dma_semaphore, #tpu.memory_space<semaphore_mem>>) src(%dma_wait3A_230 : memref<64xi32, #tpu.memory_space<hbm>>) dst(%dma_wait3A_228 : memref<64xi32, #tpu.memory_space<vmem>>)
      %dma_wait3A_231 = arith.constant 1 : i32
      %dma_wait3A_232 = arith.constant 0 : i32
      %dma_wait3A_233 = arith.constant 0 : i32
      %dma_wait3A_234 = tpu.memref_slice %arg10[%dma_wait3A_231, %dma_wait3A_232, %dma_wait3A_233] : memref<2x64x16xf32, #tpu.memory_space<vmem>> -> memref<1x64x16xf32, #tpu.memory_space<vmem>>
      %dma_wait3A_235 = tpu.memref_squeeze %dma_wait3A_234 : memref<1x64x16xf32, #tpu.memory_space<vmem>> -> memref<64x16xf32, #tpu.memory_space<vmem>>
      %dma_wait3A_236 = arith.constant 0 : i32
      %dma_wait3A_237 = arith.constant 0 : i32
      %dma_wait3A_238 = tpu.memref_slice %arg5[%dma_wait3A_236, %dma_wait3A_237] : memref<327680x16xf32, #tpu.memory_space<hbm>> -> memref<64x16xf32, #tpu.memory_space<hbm>>
      %dma_wait3A_239 = arith.constant 0 : i32
      %dma_wait3A_240 = arith.constant 0 : i32
      %dma_wait3A_241 = tpu.memref_slice %arg10[%dma_wait3A_231, %dma_wait3A_239, %dma_wait3A_240] : memref<2x64x16xf32, #tpu.memory_space<vmem>> -> memref<1x64x16xf32, #tpu.memory_space<vmem>>
      %dma_wait3A_242 = tpu.memref_squeeze %dma_wait3A_241 : memref<1x64x16xf32, #tpu.memory_space<vmem>> -> memref<64x16xf32, #tpu.memory_space<vmem>>
      %dma_wait3A_243 = arith.constant 0 : i32
      %dma_wait3A_244 = arith.constant 0 : i32
      %dma_wait3A_245 = tpu.memref_slice %arg5[%dma_wait3A_243, %dma_wait3A_244] : memref<327680x16xf32, #tpu.memory_space<hbm>> -> memref<64x16xf32, #tpu.memory_space<hbm>>
      tpu.wait_dma2 semaphore(%arg18 : memref<!tpu.dma_semaphore, #tpu.memory_space<semaphore_mem>>) src(%dma_wait3A_245 : memref<64x16xf32, #tpu.memory_space<hbm>>) dst(%dma_wait3A_242 : memref<64x16xf32, #tpu.memory_space<vmem>>)
      %scan3A_246 = arith.constant 0 : i32
      %scan3A_247 = arith.constant 64 : i32
      %scan3A_248 = arith.addi %scan3A_246, %scan3A_247 : i32
      %scan3A_249 = arith.constant 1 : i32
      scf.for %scan3A_263 = %scan3A_246 to %scan3A_248 step %scan3A_249  : i32 {
        %mul3A_264 = arith.constant 1 : i32
        %mul3A_265 = arith.muli %scan3A_263, %mul3A_264 : i32
        %add3A_266 = arith.constant 0 : i32
        %add3A_267 = arith.addi %add3A_266, %mul3A_265 : i32
        %get3A = arith.constant 1 : i32
        %get3A_268 = arith.index_cast %get3A : i32 to index
        %get3A_269 = arith.index_cast %add3A_267 : i32 to index
        %get3A_270 = arith.constant 0 : index
        %get3A_271 = tpu.vector_load %arg10[%get3A_268, %get3A_269, %get3A_270] {strides = array<i32>} : memref<2x64x16xf32, #tpu.memory_space<vmem>>, vector<16xf32>,
        %get3A_272 = arith.constant 1 : i32
        %get3A_273 = arith.index_cast %get3A_272 : i32 to index
        %get3A_274 = arith.index_cast %add3A_267 : i32 to index
        %get3A_275 = arith.constant 0 : index
        %get3A_276 = tpu.vector_load %arg11[%get3A_273, %get3A_274, %get3A_275] {strides = array<i32>} : memref<2x64x128xf32, #tpu.memory_space<vmem>>, vector<16xf32>,
        %mul3A_277 = arith.mulf %get3A_276, %get3A_271 : vector<16xf32>
        %swap3A = arith.constant 1 : i32
        %swap3A_278 = arith.index_cast %swap3A : i32 to index
        %swap3A_279 = arith.index_cast %add3A_267 : i32 to index
        %swap3A_280 = arith.constant 0 : index
        %swap3A_281 = tpu.vector_load %arg11[%swap3A_278, %swap3A_279, %swap3A_280] {strides = array<i32>} : memref<2x64x128xf32, #tpu.memory_space<vmem>>, vector<16xf32>,
        tpu.vector_store %arg11[%swap3A_278, %swap3A_279, %swap3A_280], %mul3A_277 {strides = array<i32>} : memref<2x64x128xf32, #tpu.memory_space<vmem>>, vector<16xf32>,
        %get3A_282 = arith.constant 1 : i32
        %get3A_283 = arith.index_cast %get3A_282 : i32 to index
        %get3A_284 = arith.index_cast %add3A_267 : i32 to index
        %get3A_285 = arith.constant 16 : index
        %get3A_286 = tpu.vector_load %arg11[%get3A_283, %get3A_284, %get3A_285] {strides = array<i32>} : memref<2x64x128xf32, #tpu.memory_space<vmem>>, vector<16xf32>,
        %mul3A_287 = arith.mulf %get3A_286, %get3A_271 : vector<16xf32>
        %swap3A_288 = arith.constant 1 : i32
        %swap3A_289 = arith.index_cast %swap3A_288 : i32 to index
        %swap3A_290 = arith.index_cast %add3A_267 : i32 to index
        %swap3A_291 = arith.constant 16 : index
        %swap3A_292 = tpu.vector_load %arg11[%swap3A_289, %swap3A_290, %swap3A_291] {strides = array<i32>} : memref<2x64x128xf32, #tpu.memory_space<vmem>>, vector<16xf32>,
        tpu.vector_store %arg11[%swap3A_289, %swap3A_290, %swap3A_291], %mul3A_287 {strides = array<i32>} : memref<2x64x128xf32, #tpu.memory_space<vmem>>, vector<16xf32>,
        %get3A_293 = arith.constant 1 : i32
        %get3A_294 = arith.index_cast %get3A_293 : i32 to index
        %get3A_295 = arith.index_cast %add3A_267 : i32 to index
        %get3A_296 = arith.constant 32 : index
        %get3A_297 = tpu.vector_load %arg11[%get3A_294, %get3A_295, %get3A_296] {strides = array<i32>} : memref<2x64x128xf32, #tpu.memory_space<vmem>>, vector<16xf32>,
        %mul3A_298 = arith.mulf %get3A_297, %get3A_271 : vector<16xf32>
        %swap3A_299 = arith.constant 1 : i32
        %swap3A_300 = arith.index_cast %swap3A_299 : i32 to index
        %swap3A_301 = arith.index_cast %add3A_267 : i32 to index
        %swap3A_302 = arith.constant 32 : index
        %swap3A_303 = tpu.vector_load %arg11[%swap3A_300, %swap3A_301, %swap3A_302] {strides = array<i32>} : memref<2x64x128xf32, #tpu.memory_space<vmem>>, vector<16xf32>,
        tpu.vector_store %arg11[%swap3A_300, %swap3A_301, %swap3A_302], %mul3A_298 {strides = array<i32>} : memref<2x64x128xf32, #tpu.memory_space<vmem>>, vector<16xf32>,
        %get3A_304 = arith.constant 1 : i32
        %get3A_305 = arith.index_cast %get3A_304 : i32 to index
        %get3A_306 = arith.index_cast %add3A_267 : i32 to index
        %get3A_307 = arith.constant 48 : index
        %get3A_308 = tpu.vector_load %arg11[%get3A_305, %get3A_306, %get3A_307] {strides = array<i32>} : memref<2x64x128xf32, #tpu.memory_space<vmem>>, vector<16xf32>,
        %mul3A_309 = arith.mulf %get3A_308, %get3A_271 : vector<16xf32>
        %swap3A_310 = arith.constant 1 : i32
        %swap3A_311 = arith.index_cast %swap3A_310 : i32 to index
        %swap3A_312 = arith.index_cast %add3A_267 : i32 to index
        %swap3A_313 = arith.constant 48 : index
        %swap3A_314 = tpu.vector_load %arg11[%swap3A_311, %swap3A_312, %swap3A_313] {strides = array<i32>} : memref<2x64x128xf32, #tpu.memory_space<vmem>>, vector<16xf32>,
        tpu.vector_store %arg11[%swap3A_311, %swap3A_312, %swap3A_313], %mul3A_309 {strides = array<i32>} : memref<2x64x128xf32, #tpu.memory_space<vmem>>, vector<16xf32>,
        %get3A_315 = arith.constant 1 : i32
        %get3A_316 = arith.index_cast %get3A_315 : i32 to index
        %get3A_317 = arith.index_cast %add3A_267 : i32 to index
        %get3A_318 = arith.constant 64 : index
        %get3A_319 = tpu.vector_load %arg11[%get3A_316, %get3A_317, %get3A_318] {strides = array<i32>} : memref<2x64x128xf32, #tpu.memory_space<vmem>>, vector<16xf32>,
        %mul3A_320 = arith.mulf %get3A_319, %get3A_271 : vector<16xf32>
        %swap3A_321 = arith.constant 1 : i32
        %swap3A_322 = arith.index_cast %swap3A_321 : i32 to index
        %swap3A_323 = arith.index_cast %add3A_267 : i32 to index
        %swap3A_324 = arith.constant 64 : index
        %swap3A_325 = tpu.vector_load %arg11[%swap3A_322, %swap3A_323, %swap3A_324] {strides = array<i32>} : memref<2x64x128xf32, #tpu.memory_space<vmem>>, vector<16xf32>,
        tpu.vector_store %arg11[%swap3A_322, %swap3A_323, %swap3A_324], %mul3A_320 {strides = array<i32>} : memref<2x64x128xf32, #tpu.memory_space<vmem>>, vector<16xf32>,
        %get3A_326 = arith.constant 1 : i32
        %get3A_327 = arith.index_cast %get3A_326 : i32 to index
        %get3A_328 = arith.index_cast %add3A_267 : i32 to index
        %get3A_329 = arith.constant 80 : index
        %get3A_330 = tpu.vector_load %arg11[%get3A_327, %get3A_328, %get3A_329] {strides = array<i32>} : memref<2x64x128xf32, #tpu.memory_space<vmem>>, vector<16xf32>,
        %mul3A_331 = arith.mulf %get3A_330, %get3A_271 : vector<16xf32>
        %swap3A_332 = arith.constant 1 : i32
        %swap3A_333 = arith.index_cast %swap3A_332 : i32 to index
        %swap3A_334 = arith.index_cast %add3A_267 : i32 to index
        %swap3A_335 = arith.constant 80 : index
        %swap3A_336 = tpu.vector_load %arg11[%swap3A_333, %swap3A_334, %swap3A_335] {strides = array<i32>} : memref<2x64x128xf32, #tpu.memory_space<vmem>>, vector<16xf32>,
        tpu.vector_store %arg11[%swap3A_333, %swap3A_334, %swap3A_335], %mul3A_331 {strides = array<i32>} : memref<2x64x128xf32, #tpu.memory_space<vmem>>, vector<16xf32>,
        %get3A_337 = arith.constant 1 : i32
        %get3A_338 = arith.index_cast %get3A_337 : i32 to index
        %get3A_339 = arith.index_cast %add3A_267 : i32 to index
        %get3A_340 = arith.constant 96 : index
        %get3A_341 = tpu.vector_load %arg11[%get3A_338, %get3A_339, %get3A_340] {strides = array<i32>} : memref<2x64x128xf32, #tpu.memory_space<vmem>>, vector<16xf32>,
        %mul3A_342 = arith.mulf %get3A_341, %get3A_271 : vector<16xf32>
        %swap3A_343 = arith.constant 1 : i32
        %swap3A_344 = arith.index_cast %swap3A_343 : i32 to index
        %swap3A_345 = arith.index_cast %add3A_267 : i32 to index
        %swap3A_346 = arith.constant 96 : index
        %swap3A_347 = tpu.vector_load %arg11[%swap3A_344, %swap3A_345, %swap3A_346] {strides = array<i32>} : memref<2x64x128xf32, #tpu.memory_space<vmem>>, vector<16xf32>,
        tpu.vector_store %arg11[%swap3A_344, %swap3A_345, %swap3A_346], %mul3A_342 {strides = array<i32>} : memref<2x64x128xf32, #tpu.memory_space<vmem>>, vector<16xf32>,
        %get3A_348 = arith.constant 1 : i32
        %get3A_349 = arith.index_cast %get3A_348 : i32 to index
        %get3A_350 = arith.index_cast %add3A_267 : i32 to index
        %get3A_351 = arith.constant 112 : index
        %get3A_352 = tpu.vector_load %arg11[%get3A_349, %get3A_350, %get3A_351] {strides = array<i32>} : memref<2x64x128xf32, #tpu.memory_space<vmem>>, vector<16xf32>,
        %mul3A_353 = arith.mulf %get3A_352, %get3A_271 : vector<16xf32>
        %swap3A_354 = arith.constant 1 : i32
        %swap3A_355 = arith.index_cast %swap3A_354 : i32 to index
        %swap3A_356 = arith.index_cast %add3A_267 : i32 to index
        %swap3A_357 = arith.constant 112 : index
        %swap3A_358 = tpu.vector_load %arg11[%swap3A_355, %swap3A_356, %swap3A_357] {strides = array<i32>} : memref<2x64x128xf32, #tpu.memory_space<vmem>>, vector<16xf32>,
        tpu.vector_store %arg11[%swap3A_355, %swap3A_356, %swap3A_357], %mul3A_353 {strides = array<i32>} : memref<2x64x128xf32, #tpu.memory_space<vmem>>, vector<16xf32>,
      }
      %scan3A_250 = arith.constant 64 : i32
      %dma_start3A_251 = arith.constant 1 : i32
      %dma_start3A_252 = arith.constant 1 : i32
      %dma_start3A_253 = arith.constant 0 : i32
      %dma_start3A_254 = arith.constant 0 : i32
      %dma_start3A_255 = tpu.memref_slice %arg11[%dma_start3A_251, %dma_start3A_253, %dma_start3A_254] : memref<2x64x128xf32, #tpu.memory_space<vmem>> -> memref<1x64x128xf32, #tpu.memory_space<vmem>>
      %dma_start3A_256 = tpu.memref_squeeze %dma_start3A_255 : memref<1x64x128xf32, #tpu.memory_space<vmem>> -> memref<64x128xf32, #tpu.memory_space<vmem>>
      %dma_start3A_257 = arith.constant 0 : i32
      %dma_start3A_258 = tpu.memref_slice %arg9[%dma_start3A_252, %dma_start3A_257] : memref<2x64xi32, #tpu.memory_space<vmem>> -> memref<1x64xi32, #tpu.memory_space<vmem>>
      %dma_start3A_259 = tpu.memref_squeeze %dma_start3A_258 : memref<1x64xi32, #tpu.memory_space<vmem>> -> memref<64xi32, #tpu.memory_space<vmem>>
      %dma_start3A_260 = arith.constant 0 : i32
      %dma_start3A_261 = arith.constant 0 : i32
      %dma_start3A_262 = tpu.memref_slice %arg12[%dma_start3A_260, %dma_start3A_261] : memref<10240x128xf32, #tpu.memory_space<vmem_shared>> -> memref<10240x128xf32, #tpu.memory_space<vmem_shared>>
      tpu.enqueue_indirect_dma source(%dma_start3A_256 : memref<64x128xf32, #tpu.memory_space<vmem>>) target(%dma_start3A_262 : memref<10240x128xf32, #tpu.memory_space<vmem_shared>>) offsets(%dma_start3A_259 : memref<64xi32, #tpu.memory_space<vmem>>) semaphore(%arg16 : memref<!tpu.dma_semaphore, #tpu.memory_space<semaphore_mem>>) {add = true}
    }
    %scan3A_79 = arith.constant 80 : i32
    %dma_wait3A_80 = arith.constant 1 : i32
    %dma_wait3A_81 = arith.constant 0 : i32
    %dma_wait3A_82 = arith.constant 0 : i32
    %dma_wait3A_83 = tpu.memref_slice %arg11[%dma_wait3A_80, %dma_wait3A_81, %dma_wait3A_82] : memref<2x64x128xf32, #tpu.memory_space<vmem>> -> memref<1x64x128xf32, #tpu.memory_space<vmem>>
    %dma_wait3A_84 = tpu.memref_squeeze %dma_wait3A_83 : memref<1x64x128xf32, #tpu.memory_space<vmem>> -> memref<64x128xf32, #tpu.memory_space<vmem>>
    %dma_wait3A_85 = arith.constant 0 : i32
    %dma_wait3A_86 = arith.constant 0 : i32
    %dma_wait3A_87 = tpu.memref_slice %arg2[%dma_wait3A_85, %dma_wait3A_86] : memref<10000x128xf32, #tpu.memory_space<hbm>> -> memref<64x128xf32, #tpu.memory_space<hbm>>
    %dma_wait3A_88 = arith.constant 0 : i32
    %dma_wait3A_89 = arith.constant 0 : i32
    %dma_wait3A_90 = tpu.memref_slice %arg11[%dma_wait3A_80, %dma_wait3A_88, %dma_wait3A_89] : memref<2x64x128xf32, #tpu.memory_space<vmem>> -> memref<1x64x128xf32, #tpu.memory_space<vmem>>
    %dma_wait3A_91 = tpu.memref_squeeze %dma_wait3A_90 : memref<1x64x128xf32, #tpu.memory_space<vmem>> -> memref<64x128xf32, #tpu.memory_space<vmem>>
    %dma_wait3A_92 = arith.constant 0 : i32
    %dma_wait3A_93 = arith.constant 0 : i32
    %dma_wait3A_94 = tpu.memref_slice %arg2[%dma_wait3A_92, %dma_wait3A_93] : memref<10000x128xf32, #tpu.memory_space<hbm>> -> memref<64x128xf32, #tpu.memory_space<hbm>>
    tpu.wait_dma2 semaphore(%arg16 : memref<!tpu.dma_semaphore, #tpu.memory_space<semaphore_mem>>) src(%dma_wait3A_94 : memref<64x128xf32, #tpu.memory_space<hbm>>) dst(%dma_wait3A_91 : memref<64x128xf32, #tpu.memory_space<vmem>>)
    %barrier3A_95 = arith.constant 0 : index
    tpu.barrier barrier_id(%barrier3A_95)
    %mul3A_96 = arith.constant 640 : i32
    %mul3A_97 = arith.muli %arg1, %mul3A_96 : i32
    %mul3A_98 = arith.constant 640 : i32
    %mul3A_99 = arith.muli %arg1, %mul3A_98 : i32
    "tpu.region"() ({
      %run_scoped3A = tpu.sem_alloc : memref<!tpu.dma_semaphore, #tpu.memory_space<semaphore_mem>>
      %dma_start3A_100 = arith.constant 0 : i32
      %dma_start3A_101 = tpu.memref_slice %arg7[%arg0, %mul3A_99, %dma_start3A_100] : memref<2x10240x128xf32, #tpu.memory_space<hbm>> -> memref<1x640x128xf32, #tpu.memory_space<hbm>>
      %dma_start3A_102 = tpu.memref_squeeze %dma_start3A_101 : memref<1x640x128xf32, #tpu.memory_space<hbm>> -> memref<640x128xf32, #tpu.memory_space<hbm>>
      %dma_start3A_103 = arith.constant 0 : i32
      %dma_start3A_104 = tpu.memref_slice %arg12[%mul3A_97, %dma_start3A_103] : memref<10240x128xf32, #tpu.memory_space<vmem_shared>> -> memref<640x128xf32, #tpu.memory_space<vmem_shared>>
      tpu.enqueue_dma source(%dma_start3A_104 : memref<640x128xf32, #tpu.memory_space<vmem_shared>>) target(%dma_start3A_102 : memref<640x128xf32, #tpu.memory_space<hbm>>) target_semaphore(%run_scoped3A : memref<!tpu.dma_semaphore, #tpu.memory_space<semaphore_mem>>)
      %dma_wait3A_105 = arith.constant 0 : i32
      %dma_wait3A_106 = tpu.memref_slice %arg7[%arg0, %mul3A_99, %dma_wait3A_105] : memref<2x10240x128xf32, #tpu.memory_space<hbm>> -> memref<1x640x128xf32, #tpu.memory_space<hbm>>
      %dma_wait3A_107 = tpu.memref_squeeze %dma_wait3A_106 : memref<1x640x128xf32, #tpu.memory_space<hbm>> -> memref<640x128xf32, #tpu.memory_space<hbm>>
      %dma_wait3A_108 = arith.constant 0 : i32
      %dma_wait3A_109 = tpu.memref_slice %arg12[%mul3A_97, %dma_wait3A_108] : memref<10240x128xf32, #tpu.memory_space<vmem_shared>> -> memref<640x128xf32, #tpu.memory_space<vmem_shared>>
      tpu.wait_dma2 semaphore(%run_scoped3A : memref<!tpu.dma_semaphore, #tpu.memory_space<semaphore_mem>>) src(%dma_wait3A_109 : memref<640x128xf32, #tpu.memory_space<vmem_shared>>) dst(%dma_wait3A_107 : memref<640x128xf32, #tpu.memory_space<hbm>>)
      tpu.yield
    }) : () -> ()
    return
  }
}

module attributes {stable_mosaic.version = 14 : i64} {
  func.func @_tc1_body(%arg0: memref<10240x32xf32, #tpu.memory_space<vmem>>, %arg1: memref<10000x128xf32, #tpu.memory_space<vmem>>, %arg2: memref<128x128xf32, #tpu.memory_space<vmem>>, %arg3: memref<10000x128xf32, #tpu.memory_space<vmem>>, %arg4: memref<10000x16xf32, #tpu.memory_space<vmem>>) attributes {dimension_semantics = [], scalar_prefetch = 0 : i64, scratch_operands = 0 : i64, tpu.core_type = #tpu.core_type<tc>} {
    %get3A = arith.constant 0 : index
    %get3A_0 = arith.constant 0 : index
    %get3A_1 = vector.load %arg0[%get3A, %get3A_0] : memref<10240x32xf32, #tpu.memory_space<vmem>>, vector<10000x32xf32>
    %reduce_sum3A = arith.constant dense<0.000000e+00> : vector<10000xf32>
    %reduce_sum3A_2 = vector.multi_reduction <add>, %get3A_1, %reduce_sum3A [1] : vector<10000x32xf32> to vector<10000xf32>
    %add3A = arith.constant 1.000000e+00 : f32
    %add3A_3 = vector.broadcast %add3A : f32 to vector<10000xf32>
    %add3A_4 = arith.addf %add3A_3, %reduce_sum3A_2 : vector<10000xf32>
    %sqrt3A = math.sqrt %add3A_4 : vector<10000xf32>
    %div3A = arith.constant 1.000000e+00 : f32
    %div3A_5 = vector.broadcast %div3A : f32 to vector<10000xf32>
    %div3A_6 = arith.divf %div3A_5, %sqrt3A : vector<10000xf32>
    %broadcast_in_dim3A = vector.shape_cast %div3A_6 : vector<10000xf32> to vector<10000x1xf32>
    %broadcast_in_dim3A_7 = vector.shape_cast %broadcast_in_dim3A : vector<10000x1xf32> to vector<10000x1xf32>
    %broadcast_in_dim3A_8 = vector.broadcast %broadcast_in_dim3A_7 : vector<10000x1xf32> to vector<10000x16xf32>
    %swap3A = arith.constant 0 : index
    %swap3A_9 = arith.constant 0 : index
    %swap3A_10 = vector.load %arg4[%swap3A, %swap3A_9] : memref<10000x16xf32, #tpu.memory_space<vmem>>, vector<10000x16xf32>
    tpu.vector_store %arg4[%swap3A, %swap3A_9], %broadcast_in_dim3A_8 {strides = array<i32>} : memref<10000x16xf32, #tpu.memory_space<vmem>>, vector<10000x16xf32>,
    %get3A_11 = arith.constant 0 : index
    %get3A_12 = arith.constant 0 : index
    %get3A_13 = vector.load %arg1[%get3A_11, %get3A_12] : memref<10000x128xf32, #tpu.memory_space<vmem>>, vector<10000x128xf32>
    %get3A_14 = arith.constant 0 : index
    %get3A_15 = arith.constant 0 : index
    %get3A_16 = vector.load %arg2[%get3A_14, %get3A_15] : memref<128x128xf32, #tpu.memory_space<vmem>>, vector<128x128xf32>
    %dot_general3A = arith.constant dense<0.000000e+00> : vector<10000x128xf32>
    %dot_general3A_17 = tpu.matmul %get3A_13, %get3A_16, %dot_general3A {dimension_numbers = #tpu.dot_dimension_numbers<[1], [0], [0], [1], [0, 0, 1, 1], [], []>, transpose_lhs_hint = false} : vector<10000x128xf32>, vector<128x128xf32>, vector<10000x128xf32> -> vector<10000x128xf32>
    %broadcast_in_dim3A_18 = vector.shape_cast %div3A_6 : vector<10000xf32> to vector<10000x1xf32>
    %mul3A = vector.broadcast %broadcast_in_dim3A_18 : vector<10000x1xf32> to vector<10000x128xf32>
    %mul3A_19 = arith.mulf %dot_general3A_17, %mul3A : vector<10000x128xf32>
    %swap3A_20 = arith.constant 0 : index
    %swap3A_21 = arith.constant 0 : index
    %swap3A_22 = vector.load %arg3[%swap3A_20, %swap3A_21] : memref<10000x128xf32, #tpu.memory_space<vmem>>, vector<10000x128xf32>
    tpu.vector_store %arg3[%swap3A_20, %swap3A_21], %mul3A_19 {strides = array<i32>} : memref<10000x128xf32, #tpu.memory_space<vmem>>, vector<10000x128xf32>,
    return
  }
}

module attributes {stable_mosaic.version = 14 : i64} {
  func.func @_tc_mid_body(%arg0: memref<2x10240x128xf32, #tpu.memory_space<vmem>>, %arg1: memref<10000x128xf32, #tpu.memory_space<vmem>>, %arg2: memref<10000x16xf32, #tpu.memory_space<vmem>>, %arg3: memref<1x128xf32, #tpu.memory_space<vmem>>, %arg4: memref<1x128xf32, #tpu.memory_space<vmem>>, %arg5: memref<1x128xf32, #tpu.memory_space<vmem>>, %arg6: memref<128x128xf32, #tpu.memory_space<vmem>>, %arg7: memref<10000x128xf32, #tpu.memory_space<vmem>>) attributes {dimension_semantics = [], scalar_prefetch = 0 : i64, scratch_operands = 0 : i64, tpu.core_type = #tpu.core_type<tc>} {
    %get3A = arith.constant 0 : index
    %get3A_0 = arith.constant 0 : index
    %get3A_1 = vector.load %arg2[%get3A, %get3A_0] : memref<10000x16xf32, #tpu.memory_space<vmem>>, vector<10000x1xf32>
    %broadcast_in_dim3A = vector.shape_cast %get3A_1 : vector<10000x1xf32> to vector<10000x1xf32>
    %broadcast_in_dim3A_2 = vector.broadcast %broadcast_in_dim3A : vector<10000x1xf32> to vector<10000x128xf32>
    %get3A_3 = arith.constant 0 : index
    %get3A_4 = arith.constant 0 : index
    %get3A_5 = arith.constant 0 : index
    %get3A_6 = vector.load %arg0[%get3A_3, %get3A_4, %get3A_5] : memref<2x10240x128xf32, #tpu.memory_space<vmem>>, vector<1x10000x128xf32>
    %get3A_7 = vector.shape_cast %get3A_6 : vector<1x10000x128xf32> to vector<10000x128xf32>
    %get3A_8 = arith.constant 1 : index
    %get3A_9 = arith.constant 0 : index
    %get3A_10 = arith.constant 0 : index
    %get3A_11 = vector.load %arg0[%get3A_8, %get3A_9, %get3A_10] : memref<2x10240x128xf32, #tpu.memory_space<vmem>>, vector<1x10000x128xf32>
    %get3A_12 = vector.shape_cast %get3A_11 : vector<1x10000x128xf32> to vector<10000x128xf32>
    %add3A = arith.addf %get3A_7, %get3A_12 : vector<10000x128xf32>
    %get3A_13 = arith.constant 0 : index
    %get3A_14 = arith.constant 0 : index
    %get3A_15 = vector.load %arg1[%get3A_13, %get3A_14] : memref<10000x128xf32, #tpu.memory_space<vmem>>, vector<10000x128xf32>
    %add3A_16 = arith.addf %add3A, %get3A_15 : vector<10000x128xf32>
    %mul3A = arith.mulf %broadcast_in_dim3A_2, %add3A_16 : vector<10000x128xf32>
    %get3A_17 = arith.constant 0 : index
    %get3A_18 = arith.constant 0 : index
    %get3A_19 = vector.load %arg3[%get3A_17, %get3A_18] : memref<1x128xf32, #tpu.memory_space<vmem>>, vector<1x128xf32>
    %add3A_20 = vector.broadcast %get3A_19 : vector<1x128xf32> to vector<10000x128xf32>
    %add3A_21 = arith.addf %mul3A, %add3A_20 : vector<10000x128xf32>
    %get3A_22 = arith.constant 0 : index
    %get3A_23 = arith.constant 0 : index
    %get3A_24 = vector.load %arg4[%get3A_22, %get3A_23] : memref<1x128xf32, #tpu.memory_space<vmem>>, vector<1x128xf32>
    %mul3A_25 = vector.broadcast %get3A_24 : vector<1x128xf32> to vector<10000x128xf32>
    %mul3A_26 = arith.mulf %mul3A_25, %add3A_21 : vector<10000x128xf32>
    %get3A_27 = arith.constant 0 : index
    %get3A_28 = arith.constant 0 : index
    %get3A_29 = vector.load %arg5[%get3A_27, %get3A_28] : memref<1x128xf32, #tpu.memory_space<vmem>>, vector<1x128xf32>
    %add3A_30 = vector.broadcast %get3A_29 : vector<1x128xf32> to vector<10000x128xf32>
    %add3A_31 = arith.addf %mul3A_26, %add3A_30 : vector<10000x128xf32>
    %max3A = arith.constant 0.000000e+00 : f32
    %max3A_32 = vector.broadcast %max3A : f32 to vector<10000x128xf32>
    %max3A_33 = arith.maximumf %add3A_31, %max3A_32 : vector<10000x128xf32>
    %get3A_34 = arith.constant 0 : index
    %get3A_35 = arith.constant 0 : index
    %get3A_36 = vector.load %arg6[%get3A_34, %get3A_35] : memref<128x128xf32, #tpu.memory_space<vmem>>, vector<128x128xf32>
    %dot_general3A = arith.constant dense<0.000000e+00> : vector<10000x128xf32>
    %dot_general3A_37 = tpu.matmul %max3A_33, %get3A_36, %dot_general3A {dimension_numbers = #tpu.dot_dimension_numbers<[1], [0], [0], [1], [0, 0, 1, 1], [], []>, transpose_lhs_hint = false} : vector<10000x128xf32>, vector<128x128xf32>, vector<10000x128xf32> -> vector<10000x128xf32>
    %mul3A_38 = arith.mulf %dot_general3A_37, %broadcast_in_dim3A_2 : vector<10000x128xf32>
    %swap3A = arith.constant 0 : index
    %swap3A_39 = arith.constant 0 : index
    %swap3A_40 = vector.load %arg7[%swap3A, %swap3A_39] : memref<10000x128xf32, #tpu.memory_space<vmem>>, vector<10000x128xf32>
    tpu.vector_store %arg7[%swap3A, %swap3A_39], %mul3A_38 {strides = array<i32>} : memref<10000x128xf32, #tpu.memory_space<vmem>>, vector<10000x128xf32>,
    return
  }
}

module attributes {stable_mosaic.version = 14 : i64} {
  func.func @_tc3_body(%arg0: memref<2x10240x128xf32, #tpu.memory_space<vmem>>, %arg1: memref<10000x128xf32, #tpu.memory_space<vmem>>, %arg2: memref<10000x16xf32, #tpu.memory_space<vmem>>, %arg3: memref<1x128xf32, #tpu.memory_space<vmem>>, %arg4: memref<1x128xf32, #tpu.memory_space<vmem>>, %arg5: memref<1x128xf32, #tpu.memory_space<vmem>>, %arg6: memref<10000x128xf32, #tpu.memory_space<vmem>>) attributes {dimension_semantics = [], scalar_prefetch = 0 : i64, scratch_operands = 0 : i64, tpu.core_type = #tpu.core_type<tc>} {
    %get3A = arith.constant 0 : index
    %get3A_0 = arith.constant 0 : index
    %get3A_1 = vector.load %arg2[%get3A, %get3A_0] : memref<10000x16xf32, #tpu.memory_space<vmem>>, vector<10000x1xf32>
    %broadcast_in_dim3A = vector.shape_cast %get3A_1 : vector<10000x1xf32> to vector<10000x1xf32>
    %broadcast_in_dim3A_2 = vector.broadcast %broadcast_in_dim3A : vector<10000x1xf32> to vector<10000x128xf32>
    %get3A_3 = arith.constant 0 : index
    %get3A_4 = arith.constant 0 : index
    %get3A_5 = arith.constant 0 : index
    %get3A_6 = vector.load %arg0[%get3A_3, %get3A_4, %get3A_5] : memref<2x10240x128xf32, #tpu.memory_space<vmem>>, vector<1x10000x128xf32>
    %get3A_7 = vector.shape_cast %get3A_6 : vector<1x10000x128xf32> to vector<10000x128xf32>
    %get3A_8 = arith.constant 1 : index
    %get3A_9 = arith.constant 0 : index
    %get3A_10 = arith.constant 0 : index
    %get3A_11 = vector.load %arg0[%get3A_8, %get3A_9, %get3A_10] : memref<2x10240x128xf32, #tpu.memory_space<vmem>>, vector<1x10000x128xf32>
    %get3A_12 = vector.shape_cast %get3A_11 : vector<1x10000x128xf32> to vector<10000x128xf32>
    %add3A = arith.addf %get3A_7, %get3A_12 : vector<10000x128xf32>
    %get3A_13 = arith.constant 0 : index
    %get3A_14 = arith.constant 0 : index
    %get3A_15 = vector.load %arg1[%get3A_13, %get3A_14] : memref<10000x128xf32, #tpu.memory_space<vmem>>, vector<10000x128xf32>
    %add3A_16 = arith.addf %add3A, %get3A_15 : vector<10000x128xf32>
    %mul3A = arith.mulf %broadcast_in_dim3A_2, %add3A_16 : vector<10000x128xf32>
    %get3A_17 = arith.constant 0 : index
    %get3A_18 = arith.constant 0 : index
    %get3A_19 = vector.load %arg3[%get3A_17, %get3A_18] : memref<1x128xf32, #tpu.memory_space<vmem>>, vector<1x128xf32>
    %add3A_20 = vector.broadcast %get3A_19 : vector<1x128xf32> to vector<10000x128xf32>
    %add3A_21 = arith.addf %mul3A, %add3A_20 : vector<10000x128xf32>
    %get3A_22 = arith.constant 0 : index
    %get3A_23 = arith.constant 0 : index
    %get3A_24 = vector.load %arg4[%get3A_22, %get3A_23] : memref<1x128xf32, #tpu.memory_space<vmem>>, vector<1x128xf32>
    %mul3A_25 = vector.broadcast %get3A_24 : vector<1x128xf32> to vector<10000x128xf32>
    %mul3A_26 = arith.mulf %mul3A_25, %add3A_21 : vector<10000x128xf32>
    %get3A_27 = arith.constant 0 : index
    %get3A_28 = arith.constant 0 : index
    %get3A_29 = vector.load %arg5[%get3A_27, %get3A_28] : memref<1x128xf32, #tpu.memory_space<vmem>>, vector<1x128xf32>
    %add3A_30 = vector.broadcast %get3A_29 : vector<1x128xf32> to vector<10000x128xf32>
    %add3A_31 = arith.addf %mul3A_26, %add3A_30 : vector<10000x128xf32>
    %max3A = arith.constant 0.000000e+00 : f32
    %max3A_32 = vector.broadcast %max3A : f32 to vector<10000x128xf32>
    %max3A_33 = arith.maximumf %add3A_31, %max3A_32 : vector<10000x128xf32>
    %mul3A_34 = arith.mulf %max3A_33, %broadcast_in_dim3A_2 : vector<10000x128xf32>
    %swap3A = arith.constant 0 : index
    %swap3A_35 = arith.constant 0 : index
    %swap3A_36 = vector.load %arg6[%swap3A, %swap3A_35] : memref<10000x128xf32, #tpu.memory_space<vmem>>, vector<10000x128xf32>
    tpu.vector_store %arg6[%swap3A, %swap3A_35], %mul3A_34 {strides = array<i32>} : memref<10000x128xf32, #tpu.memory_space<vmem>>, vector<10000x128xf32>,
    return
  }
}

module attributes {stable_mosaic.version = 14 : i64} {
  func.func @_tc4_body(%arg0: memref<2x10240x128xf32, #tpu.memory_space<vmem>>, %arg1: memref<10000x128xf32, #tpu.memory_space<vmem>>, %arg2: memref<10000x16xf32, #tpu.memory_space<vmem>>, %arg3: memref<128x16xf32, #tpu.memory_space<vmem>>, %arg4: memref<1x16xf32, #tpu.memory_space<vmem>>, %arg5: memref<10000x2xf32, #tpu.memory_space<vmem>>) attributes {dimension_semantics = [], scalar_prefetch = 0 : i64, scratch_operands = 0 : i64, tpu.core_type = #tpu.core_type<tc>} {
    %get3A = arith.constant 0 : index
    %get3A_0 = arith.constant 0 : index
    %get3A_1 = arith.constant 0 : index
    %get3A_2 = vector.load %arg0[%get3A, %get3A_0, %get3A_1] : memref<2x10240x128xf32, #tpu.memory_space<vmem>>, vector<1x10000x128xf32>
    %get3A_3 = vector.shape_cast %get3A_2 : vector<1x10000x128xf32> to vector<10000x128xf32>
    %get3A_4 = arith.constant 1 : index
    %get3A_5 = arith.constant 0 : index
    %get3A_6 = arith.constant 0 : index
    %get3A_7 = vector.load %arg0[%get3A_4, %get3A_5, %get3A_6] : memref<2x10240x128xf32, #tpu.memory_space<vmem>>, vector<1x10000x128xf32>
    %get3A_8 = vector.shape_cast %get3A_7 : vector<1x10000x128xf32> to vector<10000x128xf32>
    %add3A = arith.addf %get3A_3, %get3A_8 : vector<10000x128xf32>
    %get3A_9 = arith.constant 0 : index
    %get3A_10 = arith.constant 0 : index
    %get3A_11 = vector.load %arg1[%get3A_9, %get3A_10] : memref<10000x128xf32, #tpu.memory_space<vmem>>, vector<10000x128xf32>
    %add3A_12 = arith.addf %add3A, %get3A_11 : vector<10000x128xf32>
    %get3A_13 = arith.constant 0 : index
    %get3A_14 = arith.constant 0 : index
    %get3A_15 = vector.load %arg3[%get3A_13, %get3A_14] : memref<128x16xf32, #tpu.memory_space<vmem>>, vector<128x16xf32>
    %dot_general3A = arith.constant dense<0.000000e+00> : vector<10000x16xf32>
    %dot_general3A_16 = tpu.matmul %add3A_12, %get3A_15, %dot_general3A {dimension_numbers = #tpu.dot_dimension_numbers<[1], [0], [0], [1], [0, 0, 1, 1], [], []>, transpose_lhs_hint = false} : vector<10000x128xf32>, vector<128x16xf32>, vector<10000x16xf32> -> vector<10000x16xf32>
    %get3A_17 = arith.constant 0 : index
    %get3A_18 = arith.constant 0 : index
    %get3A_19 = vector.load %arg2[%get3A_17, %get3A_18] : memref<10000x16xf32, #tpu.memory_space<vmem>>, vector<10000x16xf32>
    %mul3A = arith.mulf %get3A_19, %dot_general3A_16 : vector<10000x16xf32>
    %get3A_20 = arith.constant 0 : index
    %get3A_21 = arith.constant 0 : index
    %get3A_22 = vector.load %arg4[%get3A_20, %get3A_21] : memref<1x16xf32, #tpu.memory_space<vmem>>, vector<1x16xf32>
    %add3A_23 = vector.broadcast %get3A_22 : vector<1x16xf32> to vector<10000x16xf32>
    %add3A_24 = arith.addf %mul3A, %add3A_23 : vector<10000x16xf32>
    %slice3A = vector.extract_strided_slice %add3A_24 {offsets = [0, 0], sizes = [10000, 1], strides = [1, 1]} : vector<10000x16xf32> to vector<10000x1xf32>
    %slice3A_25 = vector.extract_strided_slice %add3A_24 {offsets = [0, 1], sizes = [10000, 1], strides = [1, 1]} : vector<10000x16xf32> to vector<10000x1xf32>
    %max3A = arith.maximumf %slice3A, %slice3A_25 : vector<10000x1xf32>
    %sub3A = arith.subf %slice3A, %max3A : vector<10000x1xf32>
    %exp3A = math.exp %sub3A : vector<10000x1xf32>
    %sub3A_26 = arith.subf %slice3A_25, %max3A : vector<10000x1xf32>
    %exp3A_27 = math.exp %sub3A_26 : vector<10000x1xf32>
    %add3A_28 = arith.addf %exp3A, %exp3A_27 : vector<10000x1xf32>
    %log3A = math.log %add3A_28 : vector<10000x1xf32>
    %add3A_29 = arith.addf %max3A, %log3A : vector<10000x1xf32>
    %sub3A_30 = arith.subf %slice3A, %add3A_29 : vector<10000x1xf32>
    %sub3A_31 = arith.subf %slice3A_25, %add3A_29 : vector<10000x1xf32>
    %concatenate3A = tpu.concatenate %sub3A_30, %sub3A_31 in 1 : vector<10000x1xf32>, vector<10000x1xf32> -> vector<10000x2xf32>
    %swap3A = arith.constant 0 : index
    %swap3A_32 = arith.constant 0 : index
    %swap3A_33 = vector.load %arg5[%swap3A, %swap3A_32] : memref<10000x2xf32, #tpu.memory_space<vmem>>, vector<10000x2xf32>
    tpu.vector_store %arg5[%swap3A, %swap3A_32], %concatenate3A {strides = array<i32>} : memref<10000x2xf32, #tpu.memory_space<vmem>>, vector<10000x2xf32>,
    return
  }
}

</mosaic_0001>

<sc_bundles>
// kernel: kernel.10.cloned.1.call-start
scs
__scs_entry_jumppad:
0x0: {  	(pc) =	sbr.rel $0x88, $3  }
0x1: {  	(tag) =	ssettag $0x0;
	lr =	simm.s32 $0x1  }
0x2: {  	[smem:$0x3F94] =	sst lr;
	_ =	strace $0xD0000000  }
0x3: {  	_ = 	snop  }
0x4: {  	_ = 	snop  }
0x5: {  	_ = 	snop  }
0x6: {  	_ = 	snop  }
0x7: {  	_ = 	snop  }
__scs_overlays_trampoline_lowered:
0x8: {  	[smem:$0x3FA3] =	sst s0  }
0x9: {  	[smem:$0x3FA4] =	sst s1  }
0xa: {  	[smem:$0x3FA5] =	sst s2  }
0xb: {  	[smem:$0x3FA6] =	sst s3  }
0xc: {  	[smem:$0x3FA7] =	sst s4  }
0xd: {  	[smem:$0x3FA8] =	sst s5  }
0xe: {  	[smem:$0x3FA9] =	sst s6  }
0xf: {  	[smem:$0x3FAA] =	sst s7  }
0x10: {  	[smem:$0x3FAB] =	sst s8  }
0x11: {  	[smem:$0x3FAC] =	sst s9;
	s0 =	simm.s32 @!p0 $0x0  }
0x12: {  	s1 =	sld [smem:$0x3F92];
	s0 =	simm.s32 @p0 $0x1  }
0x13: {  	[smem:$0x3FAD] =	sst s0;
	s0 =	simm.s32 @!p1 $0x0  }
0x14: {  	s2 =	sld [smem:$0x3F91];
	s0 =	simm.s32 @p1 $0x1  }
0x15: {  	[smem:$0x3FAE] =	sst s0;
	s0 =	simm.s32 @!p2 $0x0  }
0x16: {  	s3 =	sld [smem:$0x3FDB];
	s0 =	simm.s32 @p2 $0x1  }
0x17: {  	s4 =	simm.s32 $0x1BF5;
	[smem:$0x3FB0] =	sst s0  }
0x18: {  	s0 =	sld [smem:$0x3F93];
	_ =	swait.ge [sflag:s4], $0x0  }
0x19: {  	s7 =	sld [smem:$0x3F94]  }
0x1a: {  	s8 =	sadd.s32 $0xFFFFE003, lr  }
0x1b: {  	s9 =	sadd.s32 $0xFFFFFEF7, lr;
	s5 =	simm.s32 $0xFFFFFFFF;
	p2 =	slt.u32 s8, $0xFFFFF086  }
0x1c: {  	p1 =	slt.u32 s9, $0xF7A;
	s5 =	simm.s32 @!p2 $0x0  }
0x1d: {  	s5 =	simm.s32 @p1 $0x1;
	p0 =	seq.s32 s7, s2  }
0x1e: {  	s7 =	smul.u32 @!p0 $0xF7A, s2;
	p2 =	seq.s32 @!p0 s5, $0x0  }
0x1f: {  	s9 =	smul.u32 $0xF7A, s1;
	s8 =	simm.s32 @!p0 $0x1BF5;
	p2 =	por !p2, p0  }
0x20: {  	[sflag:s8] =	ssyncset.s32 @!p0 $0xFFFFF086;
	s6 =	sadd.s32 @!p0 s3, s7;
	s7 =	simm.s32 @!p0 $0x108  }
0x21: {  	s3 =	sadd.s32 s3, s9;
	s6 =	sadd.s32 @!p0 $0x88, s6;
	s7 =	simm.s32 @p2 $0x1082  }
0x22: {  	[simem:s7], [sflag:s8] =	dma.local @!p0 [hbm:s6], $0xF7A  }
0x23: {  	s9 =	sor.u32 $0xD0000000, s2;
	s6 =	simm.s32 $0x108;
	_ =	swait.ge @!p0 [sflag:s8], $0x0  }
0x24: {  	s3 =	sadd.s32 $0x88, s3;
	s6 =	simm.s32 @!p1 $0x1082;
	[sflag:s4] =	ssyncset.s32 $0xFFFFF086  }
0x25: {  	[simem:s6], [sflag:s4] =	dma.local [hbm:s3], $0xF7A  }
0x26: {  	[smem:$0x3F94] =	sst s1;
	(tag) =	ssettag s2;
	_ =	strace s9  }
0x27: {  	s1 =	sld [smem:$0x3FA4]  }
0x28: {  	s2 =	sld [smem:$0x3FA5]  }
0x29: {  	s4 =	sld [smem:$0x3FA7]  }
0x2a: {  	p0 =	seq.s32 s5, $0x0;
	s5 =	sld [smem:$0x3FA8]  }
0x2b: {  	s6 =	sld [smem:$0x3FA9]  }
0x2c: {  	s7 =	sld [smem:$0x3FAA]  }
0x2d: {  	s3 =	simm.s32 $0x108;
	s8 =	sld [smem:$0x3FAB]  }
0x2e: {  	s3 =	simm.s32 @!p0 $0x1082;
	s9 =	sld [smem:$0x3FAC]  }
0x2f: {  	lr =	sadd.s32 s0, s3;
	s0 =	sld [smem:$0x3FA3]  }
0x30: {  	s3 =	sld [smem:$0x3FA6]  }
0x31: {  	[smem:$0x3FAF] =	sst s10  }
0x32: {  	s10 =	sld [smem:$0x3FAD];
	_ =	sdelay $0x3  }
0x33: {  	p0 =	seq.s32 s10, $0x1;
	s10 =	sld [smem:$0x3FAF];
	_ =	sdelay $0x3  }
0x34: {  	[smem:$0x3FAF] =	sst s10  }
0x35: {  	s10 =	sld [smem:$0x3FAE];
	_ =	sdelay $0x3  }
0x36: {  	p1 =	seq.s32 s10, $0x1;
	s10 =	sld [smem:$0x3FAF];
	_ =	sdelay $0x3  }
0x37: {  	[smem:$0x3FAF] =	sst s10  }
0x38: {  	s10 =	sld [smem:$0x3FB0]  }
0x39: {  	_ = 	snop;
	(pc) =	sbr.ind lr, $3  }
0x3a: {  	_ = 	snop  }
0x3b: {  	_ = 	snop  }
0x3c: {  	p2 =	seq.s32 s10, $0x1;
	s10 =	sld [smem:$0x3FAF]  }
0x3d: {  	_ =	shalt  }
0x3e: {  	_ =	shalt  }
0x3f: {  	_ =	shalt  }
0x40: {  	_ =	shalt  }
0x41: {  	_ =	shalt  }
0x42: {  	_ =	shalt  }
0x43: {  	_ =	shalt  }
0x44: {  	_ =	shalt  }
0x45: {  	_ =	shalt  }
0x46: {  	_ =	shalt  }
0x47: {  	_ =	shalt  }
0x48: {  	_ =	shalt  }
0x49: {  	_ =	shalt  }
0x4a: {  	_ =	shalt  }
0x4b: {  	_ =	shalt  }
0x4c: {  	_ =	shalt  }
0x4d: {  	_ =	shalt  }
0x4e: {  	_ =	shalt  }
0x4f: {  	_ =	shalt  }
0x50: {  	_ =	shalt  }
0x51: {  	_ =	shalt  }
0x52: {  	_ =	shalt  }
0x53: {  	_ =	shalt  }
0x54: {  	_ =	shalt  }
0x55: {  	_ =	shalt  }
0x56: {  	_ =	shalt  }
0x57: {  	_ =	shalt  }
0x58: {  	_ =	shalt  }
0x59: {  	_ =	shalt  }
0x5a: {  	_ =	shalt  }
0x5b: {  	_ =	shalt  }
0x5c: {  	_ =	shalt  }
0x5d: {  	_ =	shalt  }
0x5e: {  	_ =	shalt  }
0x5f: {  	_ =	shalt  }
0x60: {  	_ =	shalt  }
0x61: {  	_ =	shalt  }
0x62: {  	_ =	shalt  }
0x63: {  	_ =	shalt  }
0x64: {  	_ =	shalt  }
0x65: {  	_ =	shalt  }
0x66: {  	_ =	shalt  }
0x67: {  	_ =	shalt  }
0x68: {  	_ =	shalt  }
0x69: {  	_ =	shalt  }
0x6a: {  	_ =	shalt  }
0x6b: {  	_ =	shalt  }
0x6c: {  	_ =	shalt  }
0x6d: {  	_ =	shalt  }
0x6e: {  	_ =	shalt  }
0x6f: {  	_ =	shalt  }
0x70: {  	_ =	shalt  }
0x71: {  	_ =	shalt  }
0x72: {  	_ =	shalt  }
0x73: {  	_ =	shalt  }
0x74: {  	_ =	shalt  }
0x75: {  	_ =	shalt  }
0x76: {  	_ =	shalt  }
0x77: {  	_ =	shalt  }
0x78: {  	_ =	shalt  }
0x79: {  	_ =	shalt  }
0x7a: {  	_ =	shalt  }
0x7b: {  	_ =	shalt  }
0x7c: {  	_ =	shalt  }
0x7d: {  	_ =	shalt  }
0x7e: {  	_ =	shalt  }
0x7f: {  	_ =	shalt  }
0x80: {  	_ =	shalt  }
0x81: {  	_ =	shalt  }
0x82: {  	_ =	shalt  }
0x83: {  	_ =	shalt  }
0x84: {  	_ =	shalt  }
0x85: {  	_ =	shalt  }
0x86: {  	_ =	shalt  }
0x87: {  	_ =	shalt  }
.Lfunc_end0:
.L_simem_size_0:
called_computation_lowered:
.L_overlay_start_0:
0x88: {  	s2 =	sld [smem:$0x3FD9]  }
0x89: {  	s3 =	sld [smem:$0x3FFE];
	_ =	sdelay $0x1  }
0x8a: {  	s1 =	srdreg.scid  }
0x8b: {  	s0 =	sand.u32 $0x1, s1  }
0x8c: {  	s16 =	sshll.u32 s0, $0xA;
	s2 =	sadd.s32 s3, s2  }
0x8d: {  	s2 =	sadd.s32 s2, s16  }
0x8e: {  	[smem:$0x3FBB] =	sst s2  }
0x8f: {  	_ = 	snop  }
0x90: {  	(tm) =	ssettm $0x1  }
0x91: {  	s17 =	sld [smem:$0x3FFB];
	_ =	sdelay $0x3  }
0x92: {  	_ =	strace s17  }
0x93: {  	s2 =	sld [smem:$0x3FFC];
	_ =	sdelay $0x3  }
0x94: {  	_ =	strace s2  }
0x95: {  	s2 =	sld [smem:$0x3FFD];
	_ =	sdelay $0x3  }
0x96: {  	_ =	strace s2  }
0x97: {  	_ =	strace $0x8FFFFFFF  }
0x98: {  	s18 =	sld [smem:$0x3FDB];
	_ =	sdelay $0x1  }
0x99: {  	s19 =	simm.s32 $_scs_section_size  }
0x9a: {  	s4 =	simm.s32 $_size__tile_overlayer_lowered;
	s5 =	simm.s32 $_tile_overlayer_lowered  }
0x9b: {  	s22 =	simm.s32 $0x1BFF;
	s21 =	sshll.u32 s5, $0x1;
	s2 =	sadd.s32 s19, s18  }
0x9c: {  	s6 =	simm.s32 $0x0;
	s20 =	sshll.u32 s4, $0x1;
	s4 =	sadd.s32 s21, s2  }
0x9d: {  	[timem:s6], [sflag:s22] =	dma.local [hbm:s4], s20  }
0x9e: {  	_ =	swait.ge [sflag:s22], s20  }
0x9f: {  	s3 =	ssub.s32 $0x0, s20;
	[sflag:s22] =	ssyncset.done $0x0  }
0xa0: {  	[sflag:s22] =	ssyncadd.s32 s3;
	_ =	sdelay $0x1  }
0xa1: {  	s23 =	simm.s32 $0x1B8B  }
0xa2: {  	_ =	swait.ge [sflag:s23], $0x1  }
0xa3: {  	[sflag:s23] =	ssyncset.done $0x0  }
0xa4: {  	s25 =	simm.s32 $0x1B8E;
	s24 =	sld [smem:$0x3FFE];
	[sflag:s23] =	ssyncadd.s32 $0xFFFFFFFF  }
0xa5: {  	s26 =	simm.s32 $execute0_lowered;
	[smem:$0x3FD2] =	sst s25  }
0xa6: {  	s4 =	sshll.u32 s26, $0x1;
	_ =	strace $0x80000046;
	[dreg:$0x1] =	wrdreg $0xFFFFFFFF  }
0xa7: {  	s28 =	simm.s32 $_size_execute0_lowered;
	s2 =	sadd.s32 s2, s4;
	[dreg:$0x0] =	wrdreg $0x0  }
0xa8: {  	s4 =	sshll.u32 s28, $0x1;
	[dreg:$0x2] =	wrdreg s2  }
0xa9: {  	[dreg:$0x3] =	wrdreg s4  }
0xaa: {  	[dreg:$0x4] =	wrdreg $0xC0  }
0xab: {  	_ =	task [dreg:s6], $0x5FFFF  }
0xac: {  	[dreg:$0x1] =	wrdreg $0xFFFFFFFF  }
0xad: {  	[dreg:$0x0] =	wrdreg $0x60  }
0xae: {  	[dreg:$0x2] =	wrdreg s24  }
0xaf: {  	[dreg:$0x3] =	wrdreg $0x9  }
0xb0: {  	_ =	task.clear_ibuf [dreg:s6], $0x4FFFF;
	_ =	strace $0x90000046  }
0xb1: {  	s29 =	simm.s32 $0x9;
	_ =	strace $0x80000048  }
0xb2: {  	_ =	swait.ge [sflag:s29], $0x1  }
0xb3: {  	[sflag:s29] =	ssyncadd.s32 $0xFFFFFFFF  }
0xb4: {  	_ =	strace $0x90000048  }
0xb5: {  	_ =	sfence  }
0xb6: {  	s30 =	sld [smem:$0x0];
	_ =	sdelay $0x2  }
0xb7: {  	s31 =	sshll.u32 s1, $0xD;
	s1 =	sshrl.u32 s1, $0x2  }
0xb8: {  	s3 =	sand.u32 $0x4000, s31;
	s1 =	sadd.s32 s1, s30  }
0xb9: {  	s0 =	sor.u32 s3, s0;
	s1 =	sshll.u32 s1, $0x11  }
0xba: {  	s0 =	sor.u32 s1, s0  }
0xbb: {  	s0 =	sadd.s32 $0x8F2B, s0  }
0xbc: {  	[sflag:s0] =	ssyncadd.remote.s32 $0x1  }
0xbd: {  	_ =	sfence.sel $0xFFFF  }
0xbe: {  	[dreg:$0x0] =	wrdreg $0xFFFFFFFF;
	(pc) =	sbr.abs _section_cstart, $3  }
0xbf: {  	[dreg:$0x1] =	wrdreg $0xFFFFFFFF  }
0xc0: {  	_ =	task.clear_ibuf [dreg:s6], $0x2FFFF;
	_ =	strace $0x9FFFFFFF  }
0xc1: {  	(tm) =	ssettm $0x7FFFFFFF  }
tec
execute0_lowered:
.L_overlay_start_1:
0x0: {  	(tag) =	ssettag $0x1  }
0x1: {  	s1 =	srdreg.scid;
	s0 =	stileid.u32  }
0x2: {  	s6 =	rddreg [dreg:$0x0];
	s2 =	simm.s32 $0x0;
	s10 =	simm.s32 $0x1000  }
0x3: {  	s11 =	simm.s32 $0x80;
	s12 =	simm.s32 $0x400;
	s5 =	sand.u32 $0x1, s1  }
0x4: {  	s4 =	sshrl.u32 s0, $0x3;
	s1 =	rddreg [dreg:$0x1];
	s3 =	smul.u32 $0x28000, s5  }
0x5: {  	[smem:$0x7FF] =	sst s2;
	s7 =	sshll.u32 s0, $0x7;
	s4 =	smul.u32 $0x14000, s4  }
0x6: {  	s9 =	sshll.u32 s0, $0x1;
	_ =	strace $0x80000047;
	s7 =	sand.u32 $0x380, s7  }
0x7: {  	s30 =	ssub.s32 $0x2, s5;
	s5 =	sor.u32 s5, s9;
	s8 =	sadd.s32 s3, s4  }
0x8: {  	s9 =	simm.s32 $0x800;
	s31 =	sshrl.u32 s30, $0x1;
	s7 =	sor.u32 s7, s8  }
0x9: {  	s5 =	smul.u32 $0x2800, s5;
	s3 =	sadd.s32 $0x3E00, s6;
	s7 =	sshrl.u32 s7, $0x3  }
0xa: {  	s4 =	sadd.s32 $0xDE00, s6;
	s6 =	sadd.s32 s7, s6;
	s7 =	ssub.s32 s30, s31  }
0xb: {  	v0 =	vimm.f32 $0.0e+00;
	s8 =	simm.s32 $0x1;
	s6 =	sadd.s32 $0x17E00, s6;
	s7 =	smax.u32 s7, $0x1  }
.LBB2_1:
0xc: {  	s13 =	simm.s32 $0x40;
	s14 =	simm.s32 $0x0  }
.LBB2_2:
0xd: {  	p0 =	sne.s32 s13, $0x9FC0;
	[tilespmem:s14+$0x1000] =	vst v0;
	s14 =	smov.u32 s13;
	s13 =	sadd.s32 $0x40, s13  }
.Ltmp0:
0xe: {  	(pc) =	sbr.rel @p0 .LBB2_2-.Ltmp0, $2  }
0xf: {  	_ =	sdelay $0x2  }
0x10: {  	s14 =	sshra.s32 s14, $0x2  }
0x11: {  	[tilespmem:s14+$0x1000] =	vst v0;
	s13 =	simm.s32 $0x0;
	s14 =	simm.s32 $0x0  }
.LBB2_4:
0x12: {  	s15 =	sshll.u32 s14, $0xB  }
0x13: {  	s15 =	sadd.s32 s5, s15  }
0x14: {  	s15 =	sshrl.u32 s15, $0x3  }
0x15: {  	s16 =	sadd.s32 s3, s15  }
0x16: {  	[tilespmem:s13], [sflag:$0x1] =	stream.linear.gather [hbm4b:s16+s13], $0x800, $0x38;
	[tilespmem:$0x3800] =	vst v63  }
0x17: {  	_ =	swait.ge [sflag:s8], $0x800  }
0x18: {  	[sflag:s8] =	ssyncset.done $0x0  }
0x19: {  	s15 =	sadd.s32 s4, s15;
	[sflag:s8] =	ssyncadd.s32 $0xFFFFF800  }
0x1a: {  	[tilespmem:s9], [sflag:$0x1] =	stream.linear.gather [hbm4b:s15+s13], $0x800, $0x38;
	[tilespmem:$0x3800] =	vst v63  }
0x1b: {  	_ =	swait.ge [sflag:s8], $0x800  }
0x1c: {  	[sflag:s8] =	ssyncset.done $0x0  }
0x1d: {  	s16 =	simm.s32 $0x0;
	s15 =	simm.s32 $0x40;
	[sflag:s8] =	ssyncadd.s32 $0xFFFFF800  }
.LBB2_5:
0x1e: {  	p0 =	sne.s32 s15, $0x1FC0;
	v1 =	vld [tilespmem:s16+$0x0];
	_ =	sdelay $0x2  }
0x1f: {  	v2 =	vld [tilespmem:s16+$0x800]  }
.Ltmp1:
0x20: {  	(pc) =	sbr.rel @p0 .LBB2_5-.Ltmp1, $2  }
0x21: {  	_ =	sdelay $0x2  }
0x22: {  	s16 =	sshra.s32 s15, $0x2;
	s15 =	sadd.s32 $0x40, s15;
	[tilespmem:v1+s10+$0x0] =	vst.idx.add.f32.msk $0xffff, v2  }
0x23: {  	v1 =	vld [tilespmem:s16+$0x0];
	_ =	sdelay $0x1  }
0x24: {  	s14 =	sadd.s32 $0x1, s14  }
0x25: {  	v2 =	vld [tilespmem:s16+$0x800];
	p0 =	sne.s32 s14, $0x5  }
.Ltmp2:
0x26: {  	_ = 	snop;
	(pc) =	sbr.rel @p0 .LBB2_4-.Ltmp2, $2  }
0x27: {  	_ =	sdelay $0x2  }
0x28: {  	[tilespmem:v1+s10+$0x0] =	vst.idx.add.f32.msk $0xffff, v2  }
0x29: {  	s2 =	sadd.s32 $0x1, s2  }
0x2a: {  	p0 =	sne.s32 s2, s7  }
.Ltmp3:
0x2b: {  	_ = 	snop;
	(pc) =	sbr.rel @p0 .LBB2_1-.Ltmp3, $4  }
0x2c: {  	[hbm4b:s6+s11] =	stream.strided.scatter [tilespmem:s10], [sflag:$0x1], $0x2800, s12, s11, $0x38;
	[tilespmem:$0x3800] =	vst v63  }
0x2d: {  	_ =	swait.ge [sflag:s8], $0x2800  }
0x2e: {  	[sflag:s8] =	ssyncset.done $0x0  }
0x2f: {  	[sflag:s8] =	ssyncadd.s32 $0xFFFFD800  }
0x30: {  	_ =	sfence.sel $0x180000  }
0x31: {  	[bflag:$0x0] =	sbarrier.arrive $0xFFFF  }
0x32: {  	p0 =	sne.s32 s0, $0x0;
	_ =	strace $0x90000047  }
0x33: {  	s0 =	sadd.s32 @!p0 $0x100000, s1;
	[bflag:$0x2] =	sbarrier.arrive $0xFFFF  }
0x34: {  	[sflag:s0] =	ssyncadd.tile.s32 @!p0 $0x1;
	_ =	shalt  }
.Lfunc_end2:
_tile_overlayer_lowered:
.L_overlay_start_2:
0x35: {  	(tag) =	ssettag $0x2  }
0x36: {  	s0 =	rddreg [dreg:$0x0];
	s2 =	stileid.u32  }
0x37: {  	s1 =	rddreg [dreg:$0x1];
	p0 =	sne.s32 s2, $0x0  }
0x38: {  	s3 =	rddreg [dreg:$0x2];
	[bflag:$0x3] =	sbarrier.arrive $0xFFFF;
	s2 =	simm.s32 @!p0 $0x1C01  }
0x39: {  	[timem:s3], [sflag:s2] =	dma.local @!p0 [hbm:s0], s1  }
0x3a: {  	s0 =	simm.s32 @!p0 $0x1  }
0x3b: {  	_ =	swait.ge @!p0 [sflag:s0], s1  }
0x3c: {  	s1 =	ssub.s32 @!p0 $0x0, s1;
	[sflag:s0] =	ssyncset.done @!p0 $0x0  }
0x3d: {  	[sflag:s0] =	ssyncadd.s32 @!p0 s1  }
0x3e: {  	[bflag:$0x3] =	sbarrier.arrive $0xFFFF  }
0x3f: {  	_ =	shalt  }

// kernel: kernel.13.cloned.1.call-start
scs
__scs_entry_jumppad:
0x0: {  	(pc) =	sbr.rel $0x88, $3  }
0x1: {  	(tag) =	ssettag $0x0;
	lr =	simm.s32 $0x1  }
0x2: {  	[smem:$0x3F94] =	sst lr;
	_ =	strace $0xD0000000  }
0x3: {  	_ = 	snop  }
0x4: {  	_ = 	snop  }
0x5: {  	_ = 	snop  }
0x6: {  	_ = 	snop  }
0x7: {  	_ = 	snop  }
__scs_overlays_trampoline_lowered:
0x8: {  	[smem:$0x3FA3] =	sst s0  }
0x9: {  	[smem:$0x3FA4] =	sst s1  }
0xa: {  	[smem:$0x3FA5] =	sst s2  }
0xb: {  	[smem:$0x3FA6] =	sst s3  }
0xc: {  	[smem:$0x3FA7] =	sst s4  }
0xd: {  	[smem:$0x3FA8] =	sst s5  }
0xe: {  	[smem:$0x3FA9] =	sst s6  }
0xf: {  	[smem:$0x3FAA] =	sst s7  }
0x10: {  	[smem:$0x3FAB] =	sst s8  }
0x11: {  	[smem:$0x3FAC] =	sst s9;
	s0 =	simm.s32 @!p0 $0x0  }
0x12: {  	s1 =	sld [smem:$0x3F92];
	s0 =	simm.s32 @p0 $0x1  }
0x13: {  	[smem:$0x3FAD] =	sst s0;
	s0 =	simm.s32 @!p1 $0x0  }
0x14: {  	s2 =	sld [smem:$0x3F91];
	s0 =	simm.s32 @p1 $0x1  }
0x15: {  	[smem:$0x3FAE] =	sst s0;
	s0 =	simm.s32 @!p2 $0x0  }
0x16: {  	s3 =	sld [smem:$0x3FDB];
	s0 =	simm.s32 @p2 $0x1  }
0x17: {  	s4 =	simm.s32 $0x1BF5;
	[smem:$0x3FB0] =	sst s0  }
0x18: {  	s0 =	sld [smem:$0x3F93];
	_ =	swait.ge [sflag:s4], $0x0  }
0x19: {  	s7 =	sld [smem:$0x3F94]  }
0x1a: {  	s8 =	sadd.s32 $0xFFFFE003, lr  }
0x1b: {  	s9 =	sadd.s32 $0xFFFFFEF7, lr;
	s5 =	simm.s32 $0xFFFFFFFF;
	p2 =	slt.u32 s8, $0xFFFFF086  }
0x1c: {  	p1 =	slt.u32 s9, $0xF7A;
	s5 =	simm.s32 @!p2 $0x0  }
0x1d: {  	s5 =	simm.s32 @p1 $0x1;
	p0 =	seq.s32 s7, s2  }
0x1e: {  	s7 =	smul.u32 @!p0 $0xF7A, s2;
	p2 =	seq.s32 @!p0 s5, $0x0  }
0x1f: {  	s9 =	smul.u32 $0xF7A, s1;
	s8 =	simm.s32 @!p0 $0x1BF5;
	p2 =	por !p2, p0  }
0x20: {  	[sflag:s8] =	ssyncset.s32 @!p0 $0xFFFFF086;
	s6 =	sadd.s32 @!p0 s3, s7;
	s7 =	simm.s32 @!p0 $0x108  }
0x21: {  	s3 =	sadd.s32 s3, s9;
	s6 =	sadd.s32 @!p0 $0x88, s6;
	s7 =	simm.s32 @p2 $0x1082  }
0x22: {  	[simem:s7], [sflag:s8] =	dma.local @!p0 [hbm:s6], $0xF7A  }
0x23: {  	s9 =	sor.u32 $0xD0000000, s2;
	s6 =	simm.s32 $0x108;
	_ =	swait.ge @!p0 [sflag:s8], $0x0  }
0x24: {  	s3 =	sadd.s32 $0x88, s3;
	s6 =	simm.s32 @!p1 $0x1082;
	[sflag:s4] =	ssyncset.s32 $0xFFFFF086  }
0x25: {  	[simem:s6], [sflag:s4] =	dma.local [hbm:s3], $0xF7A  }
0x26: {  	[smem:$0x3F94] =	sst s1;
	(tag) =	ssettag s2;
	_ =	strace s9  }
0x27: {  	s1 =	sld [smem:$0x3FA4]  }
0x28: {  	s2 =	sld [smem:$0x3FA5]  }
0x29: {  	s4 =	sld [smem:$0x3FA7]  }
0x2a: {  	p0 =	seq.s32 s5, $0x0;
	s5 =	sld [smem:$0x3FA8]  }
0x2b: {  	s6 =	sld [smem:$0x3FA9]  }
0x2c: {  	s7 =	sld [smem:$0x3FAA]  }
0x2d: {  	s3 =	simm.s32 $0x108;
	s8 =	sld [smem:$0x3FAB]  }
0x2e: {  	s3 =	simm.s32 @!p0 $0x1082;
	s9 =	sld [smem:$0x3FAC]  }
0x2f: {  	lr =	sadd.s32 s0, s3;
	s0 =	sld [smem:$0x3FA3]  }
0x30: {  	s3 =	sld [smem:$0x3FA6]  }
0x31: {  	[smem:$0x3FAF] =	sst s10  }
0x32: {  	s10 =	sld [smem:$0x3FAD];
	_ =	sdelay $0x3  }
0x33: {  	p0 =	seq.s32 s10, $0x1;
	s10 =	sld [smem:$0x3FAF];
	_ =	sdelay $0x3  }
0x34: {  	[smem:$0x3FAF] =	sst s10  }
0x35: {  	s10 =	sld [smem:$0x3FAE];
	_ =	sdelay $0x3  }
0x36: {  	p1 =	seq.s32 s10, $0x1;
	s10 =	sld [smem:$0x3FAF];
	_ =	sdelay $0x3  }
0x37: {  	[smem:$0x3FAF] =	sst s10  }
0x38: {  	s10 =	sld [smem:$0x3FB0]  }
0x39: {  	_ = 	snop;
	(pc) =	sbr.ind lr, $3  }
0x3a: {  	_ = 	snop  }
0x3b: {  	_ = 	snop  }
0x3c: {  	p2 =	seq.s32 s10, $0x1;
	s10 =	sld [smem:$0x3FAF]  }
0x3d: {  	_ =	shalt  }
0x3e: {  	_ =	shalt  }
0x3f: {  	_ =	shalt  }
0x40: {  	_ =	shalt  }
0x41: {  	_ =	shalt  }
0x42: {  	_ =	shalt  }
0x43: {  	_ =	shalt  }
0x44: {  	_ =	shalt  }
0x45: {  	_ =	shalt  }
0x46: {  	_ =	shalt  }
0x47: {  	_ =	shalt  }
0x48: {  	_ =	shalt  }
0x49: {  	_ =	shalt  }
0x4a: {  	_ =	shalt  }
0x4b: {  	_ =	shalt  }
0x4c: {  	_ =	shalt  }
0x4d: {  	_ =	shalt  }
0x4e: {  	_ =	shalt  }
0x4f: {  	_ =	shalt  }
0x50: {  	_ =	shalt  }
0x51: {  	_ =	shalt  }
0x52: {  	_ =	shalt  }
0x53: {  	_ =	shalt  }
0x54: {  	_ =	shalt  }
0x55: {  	_ =	shalt  }
0x56: {  	_ =	shalt  }
0x57: {  	_ =	shalt  }
0x58: {  	_ =	shalt  }
0x59: {  	_ =	shalt  }
0x5a: {  	_ =	shalt  }
0x5b: {  	_ =	shalt  }
0x5c: {  	_ =	shalt  }
0x5d: {  	_ =	shalt  }
0x5e: {  	_ =	shalt  }
0x5f: {  	_ =	shalt  }
0x60: {  	_ =	shalt  }
0x61: {  	_ =	shalt  }
0x62: {  	_ =	shalt  }
0x63: {  	_ =	shalt  }
0x64: {  	_ =	shalt  }
0x65: {  	_ =	shalt  }
0x66: {  	_ =	shalt  }
0x67: {  	_ =	shalt  }
0x68: {  	_ =	shalt  }
0x69: {  	_ =	shalt  }
0x6a: {  	_ =	shalt  }
0x6b: {  	_ =	shalt  }
0x6c: {  	_ =	shalt  }
0x6d: {  	_ =	shalt  }
0x6e: {  	_ =	shalt  }
0x6f: {  	_ =	shalt  }
0x70: {  	_ =	shalt  }
0x71: {  	_ =	shalt  }
0x72: {  	_ =	shalt  }
0x73: {  	_ =	shalt  }
0x74: {  	_ =	shalt  }
0x75: {  	_ =	shalt  }
0x76: {  	_ =	shalt  }
0x77: {  	_ =	shalt  }
0x78: {  	_ =	shalt  }
0x79: {  	_ =	shalt  }
0x7a: {  	_ =	shalt  }
0x7b: {  	_ =	shalt  }
0x7c: {  	_ =	shalt  }
0x7d: {  	_ =	shalt  }
0x7e: {  	_ =	shalt  }
0x7f: {  	_ =	shalt  }
0x80: {  	_ =	shalt  }
0x81: {  	_ =	shalt  }
0x82: {  	_ =	shalt  }
0x83: {  	_ =	shalt  }
0x84: {  	_ =	shalt  }
0x85: {  	_ =	shalt  }
0x86: {  	_ =	shalt  }
0x87: {  	_ =	shalt  }
.Lfunc_end0:
.L_simem_size_0:
called_computation.1_lowered:
.L_overlay_start_0:
0x88: {  	s2 =	sld [smem:$0x3FD9]  }
0x89: {  	s3 =	sld [smem:$0x3FFE];
	_ =	sdelay $0x1  }
0x8a: {  	s1 =	srdreg.scid  }
0x8b: {  	s0 =	sand.u32 $0x1, s1  }
0x8c: {  	s16 =	sshll.u32 s0, $0xA;
	s2 =	sadd.s32 s3, s2  }
0x8d: {  	s2 =	sadd.s32 s2, s16  }
0x8e: {  	[smem:$0x3FBB] =	sst s2  }
0x8f: {  	_ = 	snop  }
0x90: {  	(tm) =	ssettm $0x1  }
0x91: {  	s17 =	sld [smem:$0x3FFB];
	_ =	sdelay $0x3  }
0x92: {  	_ =	strace s17  }
0x93: {  	s2 =	sld [smem:$0x3FFC];
	_ =	sdelay $0x3  }
0x94: {  	_ =	strace s2  }
0x95: {  	s2 =	sld [smem:$0x3FFD];
	_ =	sdelay $0x3  }
0x96: {  	_ =	strace s2  }
0x97: {  	_ =	strace $0x8FFFFFFF  }
0x98: {  	s18 =	sld [smem:$0x3FDB];
	_ =	sdelay $0x1  }
0x99: {  	s19 =	simm.s32 $_scs_section_size  }
0x9a: {  	s4 =	simm.s32 $_size__tile_overlayer_lowered;
	s5 =	simm.s32 $_tile_overlayer_lowered  }
0x9b: {  	s22 =	simm.s32 $0x1BFF;
	s21 =	sshll.u32 s5, $0x1;
	s2 =	sadd.s32 s19, s18  }
0x9c: {  	s6 =	simm.s32 $0x0;
	s20 =	sshll.u32 s4, $0x1;
	s4 =	sadd.s32 s21, s2  }
0x9d: {  	[timem:s6], [sflag:s22] =	dma.local [hbm:s4], s20  }
0x9e: {  	_ =	swait.ge [sflag:s22], s20  }
0x9f: {  	s3 =	ssub.s32 $0x0, s20;
	[sflag:s22] =	ssyncset.done $0x0  }
0xa0: {  	[sflag:s22] =	ssyncadd.s32 s3;
	_ =	sdelay $0x1  }
0xa1: {  	s23 =	simm.s32 $0x1B8B  }
0xa2: {  	_ =	swait.ge [sflag:s23], $0x1  }
0xa3: {  	[sflag:s23] =	ssyncset.done $0x0  }
0xa4: {  	s25 =	simm.s32 $0x1B8E;
	s24 =	sld [smem:$0x3FFE];
	[sflag:s23] =	ssyncadd.s32 $0xFFFFFFFF  }
0xa5: {  	s26 =	simm.s32 $execute0_lowered;
	[smem:$0x3FD2] =	sst s25  }
0xa6: {  	s4 =	sshll.u32 s26, $0x1;
	_ =	strace $0x80000049;
	[dreg:$0x1] =	wrdreg $0xFFFFFFFF  }
0xa7: {  	s28 =	simm.s32 $_size_execute0_lowered;
	s2 =	sadd.s32 s2, s4;
	[dreg:$0x0] =	wrdreg $0x0  }
0xa8: {  	s4 =	sshll.u32 s28, $0x1;
	[dreg:$0x2] =	wrdreg s2  }
0xa9: {  	[dreg:$0x3] =	wrdreg s4  }
0xaa: {  	[dreg:$0x4] =	wrdreg $0xC0  }
0xab: {  	_ =	task [dreg:s6], $0x5FFFF  }
0xac: {  	[dreg:$0x1] =	wrdreg $0xFFFFFFFF  }
0xad: {  	[dreg:$0x0] =	wrdreg $0x60  }
0xae: {  	[dreg:$0x2] =	wrdreg s24  }
0xaf: {  	[dreg:$0x3] =	wrdreg $0x82000  }
0xb0: {  	[dreg:$0x4] =	wrdreg $0x9  }
0xb1: {  	_ =	task.clear_ibuf [dreg:s6], $0x5FFFF;
	_ =	strace $0x90000049  }
0xb2: {  	s29 =	simm.s32 $0x9;
	_ =	strace $0x8000004B  }
0xb3: {  	_ =	swait.ge [sflag:s29], $0x1  }
0xb4: {  	[sflag:s29] =	ssyncadd.s32 $0xFFFFFFFF  }
0xb5: {  	_ =	strace $0x9000004B  }
0xb6: {  	_ =	sfence  }
0xb7: {  	s30 =	sld [smem:$0x0];
	_ =	sdelay $0x2  }
0xb8: {  	s31 =	sshll.u32 s1, $0xD;
	s1 =	sshrl.u32 s1, $0x2  }
0xb9: {  	s3 =	sand.u32 $0x4000, s31;
	s1 =	sadd.s32 s1, s30  }
0xba: {  	s0 =	sor.u32 s3, s0;
	s1 =	sshll.u32 s1, $0x11  }
0xbb: {  	s0 =	sor.u32 s1, s0  }
0xbc: {  	s0 =	sadd.s32 $0x8F2B, s0  }
0xbd: {  	[sflag:s0] =	ssyncadd.remote.s32 $0x1  }
0xbe: {  	_ =	sfence.sel $0xFFFF  }
0xbf: {  	[dreg:$0x0] =	wrdreg $0xFFFFFFFF;
	(pc) =	sbr.abs _section_cstart, $3  }
0xc0: {  	[dreg:$0x1] =	wrdreg $0xFFFFFFFF  }
0xc1: {  	_ =	task.clear_ibuf [dreg:s6], $0x2FFFF;
	_ =	strace $0x9FFFFFFF  }
0xc2: {  	(tm) =	ssettm $0x7FFFFFFF  }
0xc3: {  	_ =	shalt  }
tec
execute0_lowered:
.L_overlay_start_1:
0x0: {  	(tag) =	ssettag $0x1  }
0x1: {  	s0 =	rddreg [dreg:$0x0]  }
0x2: {  	s2 =	rddreg [dreg:$0x1];
	s3 =	simm.s32 $0x0  }
0x3: {  	s14 =	stileid.u32;
	s5 =	srdreg.scid;
	s28 =	simm.s32 $0x2200  }
0x4: {  	s29 =	simm.s32 $0x8;
	s30 =	simm.s32 $0x6200;
	s31 =	simm.s32 $0x1  }
0x5: {  	[smem:$0x7FF] =	sst s3;
	s1 =	smul.u32 $0x14000, s14;
	s4 =	sadd.s32 $0x2BE00, s0  }
0x6: {  	s8 =	sand.u32 $0x1, s5;
	s5 =	sadd.s32 $0x21E00, s0;
	s6 =	sadd.s32 $0x3E00, s0  }
0x7: {  	s7 =	sadd.s32 $0x7A200, s0;
	s18 =	sshll.u32 s14, $0x1;
	s11 =	smul.u32 $0x50000, s14  }
0x8: {  	s20 =	sshll.u32 s14, $0x6;
	s10 =	smul.u32 $0x140000, s8;
	s12 =	ssub.s32 $0x2, s8  }
0x9: {  	_ =	strace $0x8000004A;
	s9 =	sshrl.u32 s1, $0x3;
	s13 =	sshrl.u32 s12, $0x1  }
0xa: {  	s11 =	sshrl.u32 s11, $0x2;
	s9 =	sadd.s32 s9, s0;
	s1 =	sadd.s32 s1, s10  }
0xb: {  	s10 =	sor.u32 s8, s18;
	s19 =	ssub.s32 s12, s13;
	s11 =	sadd.s32 s11, s2  }
0xc: {  	s12 =	simm.s32 $0x0;
	s1 =	sshrl.u32 s1, $0x3;
	s8 =	smul.u32 $0x2800, s10  }
0xd: {  	s22 =	smul.u32 $0x28000, s10;
	s9 =	sadd.s32 $0x57A200, s9;
	s10 =	sor.u32 $0x1C09, s20  }
0xe: {  	s26 =	smax.u32 s19, $0x1;
	s18 =	sshrl.u32 s11, $0x3;
	s19 =	simm.s32 $0x9  }
0xf: {  	s20 =	simm.s32 $0x100;
	s0 =	sadd.s32 s1, s0;
	[dreg:$0x3] =	wrdreg s9  }
0x10: {  	[dreg:$0x9] =	wrdreg s26;
	s26 =	simm.s32 $0x180;
	s1 =	simm.s32 $0x3  }
0x11: {  	s21 =	sshrl.u32 s8, $0x3;
	s25 =	sadd.s32 s7, s22;
	s15 =	sor.u32 $0xC0, s8  }
0x12: {  	s0 =	sadd.s32 $0x5A2200, s0;
	s23 =	sadd.s32 s5, s21;
	[dreg:$0x6] =	wrdreg s25  }
0x13: {  	s24 =	sadd.s32 s6, s21;
	[dreg:$0x8] =	wrdreg s0;
	s25 =	simm.s32 $0x80  }
0x14: {  	s0 =	simm.s32 $0x5;
	s21 =	simm.s32 $0x6;
	[dreg:$0x5] =	wrdreg s24  }
0x15: {  	[dreg:$0x4] =	wrdreg s23;
	s9 =	sadd.s32 $0x8, s23;
	s23 =	simm.s32 $0x40  }
0x16: {  	s24 =	simm.s32 $0x4200;
	[dreg:$0x7] =	wrdreg s9;
	s9 =	simm.s32 $0x4  }
.LBB2_1:
0x17: {  	s11 =	rddreg [dreg:$0x3]  }
0x18: {  	[spmem:s18], [sflag:s10] =	dma.local [hbm:s11], $0x2800  }
0x19: {  	_ =	swait.ge [sflag:s19], $0x2800  }
0x1a: {  	[sflag:s19] =	ssyncset.done $0x0  }
0x1b: {  	[sflag:s19] =	ssyncadd.s32 $0xFFFFD800  }
0x1c: {  	[bflag:$0x0] =	sbarrier.arrive $0xFFFF  }
0x1d: {  	s13 =	rddreg [dreg:$0x4]  }
0x1e: {  	[tilespmem:s3], [sflag:$0x7] =	stream.linear.gather [hbm4b:s13+s3], $0x40, $0x38;
	[tilespmem:$0x1C200] =	vst v63  }
0x1f: {  	s14 =	rddreg [dreg:$0x5]  }
0x20: {  	[tilespmem:s20], [sflag:$0x5] =	stream.linear.gather [hbm4b:s14+s3], $0x40, $0x38;
	[tilespmem:$0x1C200] =	vst v63  }
0x21: {  	s17 =	simm.s32 $0x7;
	s16 =	rddreg [dreg:$0x6];
	s13 =	simm.s32 $0x200  }
0x22: {  	[tilespmem:s13], [sflag:$0x5] =	stream.linear.gather [hbm4b:s16+s3], $0x2000, $0x38;
	[tilespmem:$0x1C200] =	vst v63  }
0x23: {  	_ =	swait.ge [sflag:s17], $0x40  }
0x24: {  	[sflag:s17] =	ssyncset.done $0x0  }
0x25: {  	[sflag:s17] =	ssyncadd.s32 $0xFFFFFFC0  }
0x26: {  	[tilespmem:s24], [sflag:$0x1] =	stream.indirect.gather [hbm4b:s4+s23], $0x80, s3, s23, $0xb8;
	[tilespmem:$0x1C200] =	vst v63  }
0x27: {  	s13 =	simm.s32 $0x0;
	s22 =	rddreg [dreg:$0x7]  }
0x28: {  	[tilespmem:s25], [sflag:$0x8] =	stream.linear.gather [hbm4b:s22+s3], $0x40, $0x38;
	[tilespmem:$0x1C200] =	vst v63  }
.LBB2_2:
0x29: {  	p0 =	seq.s32 s13, $0x0;
	s14 =	sshll.u32 s13, $0x7  }
0x2a: {  	s11 =	simm.s32 @!p0 $0x4;
	s16 =	sadd.s32 s14, s8  }
0x2b: {  	_ =	swait.ge @!p0 [sflag:s11], $0x2000;
	s16 =	sadd.s32 $0x40, s16  }
0x2c: {  	[sflag:s11] =	ssyncset.done @!p0 $0x0;
	s17 =	sshrl.u32 s16, $0x3  }
0x2d: {  	[sflag:s11] =	ssyncadd.s32 @!p0 $0xFFFFE000;
	s22 =	sadd.s32 s6, s17;
	s17 =	sshll.u32 s16, $0x4  }
0x2e: {  	[tilespmem:s26], [sflag:$0x6] =	stream.linear.gather [hbm4b:s22+s3], $0x40, $0x38;
	[tilespmem:$0x1C200] =	vst v63  }
0x2f: {  	s11 =	sadd.s32 s7, s17  }
0x30: {  	[tilespmem:s28], [sflag:$0x6] =	stream.linear.gather [hbm4b:s11+s3], $0x2000, $0x38;
	[tilespmem:$0x1C200] =	vst v63  }
0x31: {  	s22 =	sshll.u32 s13, $0x1;
	_ =	swait.ge [sflag:s29], $0x40  }
0x32: {  	p0 =	seq.s32 s13, $0x4F;
	s16 =	sadd.s32 $0x2, s22;
	[sflag:s29] =	ssyncset.done $0x0  }
0x33: {  	s11 =	sshll.u32 @!p0 s16, $0x6;
	[sflag:s29] =	ssyncadd.s32 $0xFFFFFFC0  }
0x34: {  	[tilespmem:s30], [sflag:$0x2] =	stream.indirect.gather [hbm4b:s4+s23], $0x80, s25, s23, $0xb8;
	[tilespmem:$0x1C200] =	vst v63  }
0x35: {  	s11 =	sadd.s32 @!p0 s8, s11;
	_ =	swait.ge [sflag:s31], $0x2000  }
0x36: {  	s11 =	sshrl.u32 @!p0 s11, $0x3;
	[sflag:s31] =	ssyncset.done $0x0  }
0x37: {  	s17 =	simm.s32 @!p0 $0x0;
	s11 =	sadd.s32 @!p0 s5, s11;
	[sflag:s31] =	ssyncadd.s32 $0xFFFFE000  }
0x38: {  	[tilespmem:s17], [sflag:$0x7] =	stream.linear.gather @!p0 [hbm4b:s11+s17], $0x40, $0x38;
	[tilespmem:$0x1C200] =	vst v63  }
0x39: {  	_ =	swait.ge [sflag:s0], $0x40  }
0x3a: {  	[sflag:s0] =	ssyncset.done $0x0  }
0x3b: {  	[sflag:s0] =	ssyncadd.s32 $0xFFFFFFC0  }
0x3c: {  	_ =	swait.ge [sflag:s0], $0x2000  }
0x3d: {  	[sflag:s0] =	ssyncset.done $0x0  }
0x3e: {  	s17 =	simm.s32 $0x0;
	[sflag:s0] =	ssyncadd.s32 $0xFFFFE000  }
0x3f: {  	v0 =	vld [tilespmem:s17+$0x200]  }
0x40: {  	v4 =	vld [tilespmem:s17+$0x4200]  }
0x41: {  	v6 =	vld [tilespmem:s17+$0x4210]  }
0x42: {  	v5 =	vld [tilespmem:s17+$0x4220]  }
0x43: {  	v3 =	vld [tilespmem:s17+$0x4230]  }
0x44: {  	v1 =	vld [tilespmem:s17+$0x4240]  }
0x45: {  	v2 =	vld [tilespmem:s17+$0x4250];
	v7 =	vmul.f32 v4, v0  }
0x46: {  	s11 =	simm.s32 $0x200;
	v6 =	vmul.f32 v6, v0;
	v4 =	vld [tilespmem:s17+$0x4260]  }
.LBB2_3:
0x47: {  	s22 =	sshra.s32 s11, $0x2;
	p0 =	sne.s32 s11, $0x7E00;
	[tilespmem:s17+$0x4200] =	vst v7;
	v5 =	vmul.f32 v5, v0;
	v7 =	vld [tilespmem:s17+$0x4270]  }
0x48: {  	v8 =	vld [tilespmem:s22+$0x200];
	[tilespmem:s17+$0x4210] =	vst v6;
	v3 =	vmul.f32 v3, v0  }
0x49: {  	v6 =	vld [tilespmem:s22+$0x4200];
	[tilespmem:s17+$0x4220] =	vst v5;
	v1 =	vmul.f32 v1, v0  }
0x4a: {  	v9 =	vld [tilespmem:s22+$0x4210];
	[tilespmem:s17+$0x4230] =	vst v3;
	v2 =	vmul.f32 v2, v0  }
.Ltmp0:
0x4b: {  	v5 =	vld [tilespmem:s22+$0x4220];
	[tilespmem:s17+$0x4240] =	vst v1;
	v4 =	vmul.f32 v4, v0;
	(pc) =	sbr.rel @p0 .LBB2_3-.Ltmp0, $4  }
0x4c: {  	v3 =	vld [tilespmem:s22+$0x4230];
	[tilespmem:s17+$0x4250] =	vst v2;
	v10 =	vmul.f32 v7, v0  }
0x4d: {  	v1 =	vld [tilespmem:s22+$0x4240];
	[tilespmem:s17+$0x4260] =	vst v4;
	v0 =	vmov v8  }
0x4e: {  	v7 =	vmul.f32 v6, v0;
	v2 =	vld [tilespmem:s22+$0x4250];
	[tilespmem:s17+$0x4270] =	vst v10;
	s17 =	smov.u32 s22  }
0x4f: {  	s11 =	sadd.s32 $0x200, s11;
	v6 =	vmul.f32 v9, v0;
	v4 =	vld [tilespmem:s17+$0x4260]  }
0x50: {  	[tilespmem:s17+$0x4200] =	vst v7;
	v5 =	vmul.f32 v5, v0;
	v7 =	vld [tilespmem:s17+$0x4270]  }
0x51: {  	[tilespmem:s17+$0x4210] =	vst v6;
	v3 =	vmul.f32 v3, v0  }
0x52: {  	[tilespmem:s17+$0x4220] =	vst v5;
	v1 =	vmul.f32 v1, v0  }
0x53: {  	[tilespmem:s17+$0x4230] =	vst v3;
	v2 =	vmul.f32 v2, v0  }
0x54: {  	[tilespmem:s17+$0x4240] =	vst v1;
	v1 =	vmul.f32 v4, v0  }
0x55: {  	[tilespmem:s17+$0x4250] =	vst v2;
	v0 =	vmul.f32 v7, v0  }
0x56: {  	p0 =	sne.s32 s13, $0x4F;
	[tilespmem:s17+$0x4260] =	vst v1  }
0x57: {  	s11 =	sshll.u32 @p0 s16, $0x6;
	[tilespmem:s17+$0x4270] =	vst v0  }
0x58: {  	[spmem:s2] =	stream.indirect.scatter.add.f32 [tilespmem:s24], [sflag:$0x3], $0x80, s20, s23, $0xb8;
	[tilespmem:$0x1C200] =	vst v63  }
0x59: {  	s22 =	simm.s32 @p0 $0x100;
	s11 =	sadd.s32 @p0 s8, s11;
	_ =	swait.ge [sflag:s1], $0x2000  }
0x5a: {  	s16 =	sshrl.u32 @p0 s11, $0x3;
	s11 =	sshll.u32 @p0 s11, $0x4;
	[sflag:s1] =	ssyncset.done $0x0  }
0x5b: {  	s16 =	sadd.s32 @p0 s6, s16;
	s17 =	simm.s32 @p0 $0x0;
	[sflag:s1] =	ssyncadd.s32 $0xFFFFE000  }
0x5c: {  	[tilespmem:s22], [sflag:$0x5] =	stream.linear.gather @p0 [hbm4b:s16+s17], $0x40, $0x38;
	[tilespmem:$0x1C200] =	vst v63  }
0x5d: {  	s11 =	sadd.s32 @p0 s7, s11;
	s16 =	simm.s32 @p0 $0x200  }
0x5e: {  	[tilespmem:s16], [sflag:$0x5] =	stream.linear.gather @p0 [hbm4b:s11+s17], $0x2000, $0x38;
	[tilespmem:$0x1C200] =	vst v63  }
0x5f: {  	s11 =	simm.s32 @p0 $0x7  }
0x60: {  	_ =	swait.ge @p0 [sflag:s11], $0x40  }
0x61: {  	[sflag:s11] =	ssyncset.done @p0 $0x0  }
0x62: {  	s16 =	simm.s32 @p0 $0x4200;
	[sflag:s11] =	ssyncadd.s32 @p0 $0xFFFFFFC0;
	s11 =	simm.s32 @p0 $0x40  }
0x63: {  	[tilespmem:s16], [sflag:$0x1] =	stream.indirect.gather @p0 [hbm4b:s4+s11], $0x80, s17, s11, $0xb8;
	[tilespmem:$0x1C200] =	vst v63  }
0x64: {  	s11 =	simm.s32 @p0 $0x2  }
0x65: {  	s14 =	sadd.s32 @p0 s14, s15;
	_ =	swait.ge @p0 [sflag:s11], $0x2000  }
0x66: {  	s14 =	sshrl.u32 @p0 s14, $0x3;
	[sflag:s11] =	ssyncset.done @p0 $0x0  }
0x67: {  	[sflag:s11] =	ssyncadd.s32 @p0 $0xFFFFE000;
	s11 =	sadd.s32 @p0 s5, s14;
	s14 =	simm.s32 @p0 $0x80  }
0x68: {  	[tilespmem:s14], [sflag:$0x8] =	stream.linear.gather @p0 [hbm4b:s11+s17], $0x40, $0x38;
	[tilespmem:$0x1C200] =	vst v63  }
0x69: {  	s11 =	simm.s32 @!p0 $0x2  }
0x6a: {  	_ =	swait.ge @!p0 [sflag:s11], $0x2000  }
0x6b: {  	[sflag:s11] =	ssyncset.done @!p0 $0x0  }
0x6c: {  	[sflag:s11] =	ssyncadd.s32 @!p0 $0xFFFFE000  }
0x6d: {  	_ =	swait.ge [sflag:s21], $0x40  }
0x6e: {  	[sflag:s21] =	ssyncset.done $0x0  }
0x6f: {  	[sflag:s21] =	ssyncadd.s32 $0xFFFFFFC0  }
0x70: {  	_ =	swait.ge [sflag:s21], $0x2000  }
0x71: {  	[sflag:s21] =	ssyncset.done $0x0  }
0x72: {  	s14 =	simm.s32 $0x0;
	[sflag:s21] =	ssyncadd.s32 $0xFFFFE000  }
0x73: {  	v0 =	vld [tilespmem:s14+$0x2200]  }
0x74: {  	v4 =	vld [tilespmem:s14+$0x6200]  }
0x75: {  	v6 =	vld [tilespmem:s14+$0x6210]  }
0x76: {  	v5 =	vld [tilespmem:s14+$0x6220]  }
0x77: {  	v3 =	vld [tilespmem:s14+$0x6230]  }
0x78: {  	v1 =	vld [tilespmem:s14+$0x6240]  }
0x79: {  	v2 =	vld [tilespmem:s14+$0x6250];
	v7 =	vmul.f32 v4, v0  }
0x7a: {  	s11 =	simm.s32 $0x200;
	v6 =	vmul.f32 v6, v0;
	v4 =	vld [tilespmem:s14+$0x6260]  }
.LBB2_5:
0x7b: {  	s16 =	sshra.s32 s11, $0x2;
	p0 =	sne.s32 s11, $0x7E00;
	[tilespmem:s14+$0x6200] =	vst v7;
	v5 =	vmul.f32 v5, v0;
	v7 =	vld [tilespmem:s14+$0x6270]  }
0x7c: {  	v8 =	vld [tilespmem:s16+$0x2200];
	[tilespmem:s14+$0x6210] =	vst v6;
	v3 =	vmul.f32 v3, v0  }
0x7d: {  	v6 =	vld [tilespmem:s16+$0x6200];
	[tilespmem:s14+$0x6220] =	vst v5;
	v1 =	vmul.f32 v1, v0  }
0x7e: {  	v9 =	vld [tilespmem:s16+$0x6210];
	[tilespmem:s14+$0x6230] =	vst v3;
	v2 =	vmul.f32 v2, v0  }
.Ltmp1:
0x7f: {  	v5 =	vld [tilespmem:s16+$0x6220];
	[tilespmem:s14+$0x6240] =	vst v1;
	v4 =	vmul.f32 v4, v0;
	(pc) =	sbr.rel @p0 .LBB2_5-.Ltmp1, $4  }
0x80: {  	v3 =	vld [tilespmem:s16+$0x6230];
	[tilespmem:s14+$0x6250] =	vst v2;
	v10 =	vmul.f32 v7, v0  }
0x81: {  	v1 =	vld [tilespmem:s16+$0x6240];
	[tilespmem:s14+$0x6260] =	vst v4;
	v0 =	vmov v8  }
0x82: {  	v7 =	vmul.f32 v6, v0;
	v2 =	vld [tilespmem:s16+$0x6250];
	[tilespmem:s14+$0x6270] =	vst v10;
	s14 =	smov.u32 s16  }
0x83: {  	s11 =	sadd.s32 $0x200, s11;
	v6 =	vmul.f32 v9, v0;
	v4 =	vld [tilespmem:s14+$0x6260]  }
0x84: {  	[tilespmem:s14+$0x6200] =	vst v7;
	v5 =	vmul.f32 v5, v0;
	v61 =	vld [tilespmem:s14+$0x6270]  }
0x85: {  	[tilespmem:s14+$0x6210] =	vst v6;
	v3 =	vmul.f32 v3, v0  }
0x86: {  	s13 =	sadd.s32 $0x1, s13;
	[tilespmem:s14+$0x6220] =	vst v5;
	v1 =	vmul.f32 v1, v0  }
0x87: {  	p0 =	sne.s32 s13, $0x50;
	[tilespmem:s14+$0x6230] =	vst v3;
	v2 =	vmul.f32 v2, v0  }
.Ltmp2:
0x88: {  	[tilespmem:s14+$0x6240] =	vst v1;
	v62 =	vmul.f32 v4, v0;
	(pc) =	sbr.rel @p0 .LBB2_2-.Ltmp2, $4  }
0x89: {  	[tilespmem:s14+$0x6250] =	vst v2;
	v63 =	vmul.f32 v61, v0  }
0x8a: {  	[tilespmem:s14+$0x6260] =	vst v62  }
0x8b: {  	[tilespmem:s14+$0x6270] =	vst v63  }
0x8c: {  	[spmem:s2] =	stream.indirect.scatter.add.f32 [tilespmem:s30], [sflag:$0x4], $0x80, s26, s23, $0xb8;
	[tilespmem:$0x1C200] =	vst v63  }
0x8d: {  	_ =	swait.ge [sflag:s9], $0x2000  }
0x8e: {  	[sflag:s9] =	ssyncset.done $0x0  }
0x8f: {  	[sflag:s9] =	ssyncadd.s32 $0xFFFFE000  }
0x90: {  	[bflag:$0x0] =	sbarrier.arrive $0xFFFF  }
0x91: {  	s11 =	rddreg [dreg:$0x8]  }
0x92: {  	[hbm:s11], [sflag:s10] =	dma.local [spmem:s18], $0x2800  }
0x93: {  	_ =	swait.ge [sflag:s19], $0x2800  }
0x94: {  	s12 =	sadd.s32 $0x1, s12;
	s22 =	rddreg [dreg:$0x9]  }
0x95: {  	p0 =	sne.s32 s12, s22  }
.Ltmp3:
0x96: {  	_ = 	snop;
	(pc) =	sbr.rel @p0 .LBB2_1-.Ltmp3, $3  }
0x97: {  	_ =	sdelay $0x1  }
0x98: {  	[sflag:s19] =	ssyncset.done $0x0  }
0x99: {  	[sflag:s19] =	ssyncadd.s32 $0xFFFFD800  }
0x9a: {  	_ =	sfence.sel $0x180000  }
0x9b: {  	[bflag:$0x0] =	sbarrier.arrive $0xFFFF  }
0x9c: {  	_ =	strace $0x9000004A  }
0x9d: {  	s0 =	stileid.u32;
	[bflag:$0x2] =	sbarrier.arrive $0xFFFF  }
0x9e: {  	p0 =	sne.s32 s0, $0x0;
	s0 =	rddreg [dreg:$0x2]  }
0x9f: {  	s0 =	sadd.s32 @!p0 $0x100000, s0  }
0xa0: {  	[sflag:s0] =	ssyncadd.tile.s32 @!p0 $0x1;
	_ =	shalt  }
.Lfunc_end2:
_tile_overlayer_lowered:
.L_overlay_start_2:
0xa1: {  	(tag) =	ssettag $0x2  }
0xa2: {  	s0 =	rddreg [dreg:$0x0];
	s2 =	stileid.u32  }
0xa3: {  	s1 =	rddreg [dreg:$0x1];
	p0 =	sne.s32 s2, $0x0  }
0xa4: {  	s3 =	rddreg [dreg:$0x2];
	[bflag:$0x3] =	sbarrier.arrive $0xFFFF;
	s2 =	simm.s32 @!p0 $0x1C09  }
0xa5: {  	[timem:s3], [sflag:s2] =	dma.local @!p0 [hbm:s0], s1  }
0xa6: {  	s0 =	simm.s32 @!p0 $0x9  }
0xa7: {  	_ =	swait.ge @!p0 [sflag:s0], s1  }
0xa8: {  	s1 =	ssub.s32 @!p0 $0x0, s1;
	[sflag:s0] =	ssyncset.done @!p0 $0x0  }
0xa9: {  	[sflag:s0] =	ssyncadd.s32 @!p0 s1  }
0xaa: {  	[bflag:$0x3] =	sbarrier.arrive $0xFFFF  }
0xab: {  	_ =	shalt  }

// kernel: kernel.16.cloned.1.call-start
scs
__scs_entry_jumppad:
0x0: {  	(pc) =	sbr.rel $0x88, $3  }
0x1: {  	(tag) =	ssettag $0x0;
	lr =	simm.s32 $0x1  }
0x2: {  	[smem:$0x3F94] =	sst lr;
	_ =	strace $0xD0000000  }
0x3: {  	_ = 	snop  }
0x4: {  	_ = 	snop  }
0x5: {  	_ = 	snop  }
0x6: {  	_ = 	snop  }
0x7: {  	_ = 	snop  }
__scs_overlays_trampoline_lowered:
0x8: {  	[smem:$0x3FA3] =	sst s0  }
0x9: {  	[smem:$0x3FA4] =	sst s1  }
0xa: {  	[smem:$0x3FA5] =	sst s2  }
0xb: {  	[smem:$0x3FA6] =	sst s3  }
0xc: {  	[smem:$0x3FA7] =	sst s4  }
0xd: {  	[smem:$0x3FA8] =	sst s5  }
0xe: {  	[smem:$0x3FA9] =	sst s6  }
0xf: {  	[smem:$0x3FAA] =	sst s7  }
0x10: {  	[smem:$0x3FAB] =	sst s8  }
0x11: {  	[smem:$0x3FAC] =	sst s9;
	s0 =	simm.s32 @!p0 $0x0  }
0x12: {  	s1 =	sld [smem:$0x3F92];
	s0 =	simm.s32 @p0 $0x1  }
0x13: {  	[smem:$0x3FAD] =	sst s0;
	s0 =	simm.s32 @!p1 $0x0  }
0x14: {  	s2 =	sld [smem:$0x3F91];
	s0 =	simm.s32 @p1 $0x1  }
0x15: {  	[smem:$0x3FAE] =	sst s0;
	s0 =	simm.s32 @!p2 $0x0  }
0x16: {  	s3 =	sld [smem:$0x3FDB];
	s0 =	simm.s32 @p2 $0x1  }
0x17: {  	s4 =	simm.s32 $0x1BF5;
	[smem:$0x3FB0] =	sst s0  }
0x18: {  	s0 =	sld [smem:$0x3F93];
	_ =	swait.ge [sflag:s4], $0x0  }
0x19: {  	s7 =	sld [smem:$0x3F94]  }
0x1a: {  	s8 =	sadd.s32 $0xFFFFE003, lr  }
0x1b: {  	s9 =	sadd.s32 $0xFFFFFEF7, lr;
	s5 =	simm.s32 $0xFFFFFFFF;
	p2 =	slt.u32 s8, $0xFFFFF086  }
0x1c: {  	p1 =	slt.u32 s9, $0xF7A;
	s5 =	simm.s32 @!p2 $0x0  }
0x1d: {  	s5 =	simm.s32 @p1 $0x1;
	p0 =	seq.s32 s7, s2  }
0x1e: {  	s7 =	smul.u32 @!p0 $0xF7A, s2;
	p2 =	seq.s32 @!p0 s5, $0x0  }
0x1f: {  	s9 =	smul.u32 $0xF7A, s1;
	s8 =	simm.s32 @!p0 $0x1BF5;
	p2 =	por !p2, p0  }
0x20: {  	[sflag:s8] =	ssyncset.s32 @!p0 $0xFFFFF086;
	s6 =	sadd.s32 @!p0 s3, s7;
	s7 =	simm.s32 @!p0 $0x108  }
0x21: {  	s3 =	sadd.s32 s3, s9;
	s6 =	sadd.s32 @!p0 $0x88, s6;
	s7 =	simm.s32 @p2 $0x1082  }
0x22: {  	[simem:s7], [sflag:s8] =	dma.local @!p0 [hbm:s6], $0xF7A  }
0x23: {  	s9 =	sor.u32 $0xD0000000, s2;
	s6 =	simm.s32 $0x108;
	_ =	swait.ge @!p0 [sflag:s8], $0x0  }
0x24: {  	s3 =	sadd.s32 $0x88, s3;
	s6 =	simm.s32 @!p1 $0x1082;
	[sflag:s4] =	ssyncset.s32 $0xFFFFF086  }
0x25: {  	[simem:s6], [sflag:s4] =	dma.local [hbm:s3], $0xF7A  }
0x26: {  	[smem:$0x3F94] =	sst s1;
	(tag) =	ssettag s2;
	_ =	strace s9  }
0x27: {  	s1 =	sld [smem:$0x3FA4]  }
0x28: {  	s2 =	sld [smem:$0x3FA5]  }
0x29: {  	s4 =	sld [smem:$0x3FA7]  }
0x2a: {  	p0 =	seq.s32 s5, $0x0;
	s5 =	sld [smem:$0x3FA8]  }
0x2b: {  	s6 =	sld [smem:$0x3FA9]  }
0x2c: {  	s7 =	sld [smem:$0x3FAA]  }
0x2d: {  	s3 =	simm.s32 $0x108;
	s8 =	sld [smem:$0x3FAB]  }
0x2e: {  	s3 =	simm.s32 @!p0 $0x1082;
	s9 =	sld [smem:$0x3FAC]  }
0x2f: {  	lr =	sadd.s32 s0, s3;
	s0 =	sld [smem:$0x3FA3]  }
0x30: {  	s3 =	sld [smem:$0x3FA6]  }
0x31: {  	[smem:$0x3FAF] =	sst s10  }
0x32: {  	s10 =	sld [smem:$0x3FAD];
	_ =	sdelay $0x3  }
0x33: {  	p0 =	seq.s32 s10, $0x1;
	s10 =	sld [smem:$0x3FAF];
	_ =	sdelay $0x3  }
0x34: {  	[smem:$0x3FAF] =	sst s10  }
0x35: {  	s10 =	sld [smem:$0x3FAE];
	_ =	sdelay $0x3  }
0x36: {  	p1 =	seq.s32 s10, $0x1;
	s10 =	sld [smem:$0x3FAF];
	_ =	sdelay $0x3  }
0x37: {  	[smem:$0x3FAF] =	sst s10  }
0x38: {  	s10 =	sld [smem:$0x3FB0]  }
0x39: {  	_ = 	snop;
	(pc) =	sbr.ind lr, $3  }
0x3a: {  	_ = 	snop  }
0x3b: {  	_ = 	snop  }
0x3c: {  	p2 =	seq.s32 s10, $0x1;
	s10 =	sld [smem:$0x3FAF]  }
0x3d: {  	_ =	shalt  }
0x3e: {  	_ =	shalt  }
0x3f: {  	_ =	shalt  }
0x40: {  	_ =	shalt  }
0x41: {  	_ =	shalt  }
0x42: {  	_ =	shalt  }
0x43: {  	_ =	shalt  }
0x44: {  	_ =	shalt  }
0x45: {  	_ =	shalt  }
0x46: {  	_ =	shalt  }
0x47: {  	_ =	shalt  }
0x48: {  	_ =	shalt  }
0x49: {  	_ =	shalt  }
0x4a: {  	_ =	shalt  }
0x4b: {  	_ =	shalt  }
0x4c: {  	_ =	shalt  }
0x4d: {  	_ =	shalt  }
0x4e: {  	_ =	shalt  }
0x4f: {  	_ =	shalt  }
0x50: {  	_ =	shalt  }
0x51: {  	_ =	shalt  }
0x52: {  	_ =	shalt  }
0x53: {  	_ =	shalt  }
0x54: {  	_ =	shalt  }
0x55: {  	_ =	shalt  }
0x56: {  	_ =	shalt  }
0x57: {  	_ =	shalt  }
0x58: {  	_ =	shalt  }
0x59: {  	_ =	shalt  }
0x5a: {  	_ =	shalt  }
0x5b: {  	_ =	shalt  }
0x5c: {  	_ =	shalt  }
0x5d: {  	_ =	shalt  }
0x5e: {  	_ =	shalt  }
0x5f: {  	_ =	shalt  }
0x60: {  	_ =	shalt  }
0x61: {  	_ =	shalt  }
0x62: {  	_ =	shalt  }
0x63: {  	_ =	shalt  }
0x64: {  	_ =	shalt  }
0x65: {  	_ =	shalt  }
0x66: {  	_ =	shalt  }
0x67: {  	_ =	shalt  }
0x68: {  	_ =	shalt  }
0x69: {  	_ =	shalt  }
0x6a: {  	_ =	shalt  }
0x6b: {  	_ =	shalt  }
0x6c: {  	_ =	shalt  }
0x6d: {  	_ =	shalt  }
0x6e: {  	_ =	shalt  }
0x6f: {  	_ =	shalt  }
0x70: {  	_ =	shalt  }
0x71: {  	_ =	shalt  }
0x72: {  	_ =	shalt  }
0x73: {  	_ =	shalt  }
0x74: {  	_ =	shalt  }
0x75: {  	_ =	shalt  }
0x76: {  	_ =	shalt  }
0x77: {  	_ =	shalt  }
0x78: {  	_ =	shalt  }
0x79: {  	_ =	shalt  }
0x7a: {  	_ =	shalt  }
0x7b: {  	_ =	shalt  }
0x7c: {  	_ =	shalt  }
0x7d: {  	_ =	shalt  }
0x7e: {  	_ =	shalt  }
0x7f: {  	_ =	shalt  }
0x80: {  	_ =	shalt  }
0x81: {  	_ =	shalt  }
0x82: {  	_ =	shalt  }
0x83: {  	_ =	shalt  }
0x84: {  	_ =	shalt  }
0x85: {  	_ =	shalt  }
0x86: {  	_ =	shalt  }
0x87: {  	_ =	shalt  }
.Lfunc_end0:
.L_simem_size_0:
called_computation.2_lowered:
.L_overlay_start_0:
0x88: {  	s2 =	sld [smem:$0x3FD9]  }
0x89: {  	s3 =	sld [smem:$0x3FFE];
	_ =	sdelay $0x1  }
0x8a: {  	s1 =	srdreg.scid  }
0x8b: {  	s0 =	sand.u32 $0x1, s1  }
0x8c: {  	s16 =	sshll.u32 s0, $0xA;
	s2 =	sadd.s32 s3, s2  }
0x8d: {  	s2 =	sadd.s32 s2, s16  }
0x8e: {  	[smem:$0x3FBB] =	sst s2  }
0x8f: {  	_ = 	snop  }
0x90: {  	(tm) =	ssettm $0x1  }
0x91: {  	s17 =	sld [smem:$0x3FFB];
	_ =	sdelay $0x3  }
0x92: {  	_ =	strace s17  }
0x93: {  	s2 =	sld [smem:$0x3FFC];
	_ =	sdelay $0x3  }
0x94: {  	_ =	strace s2  }
0x95: {  	s2 =	sld [smem:$0x3FFD];
	_ =	sdelay $0x3  }
0x96: {  	_ =	strace s2  }
0x97: {  	_ =	strace $0x8FFFFFFF  }
0x98: {  	s18 =	sld [smem:$0x3FDB];
	_ =	sdelay $0x1  }
0x99: {  	s19 =	simm.s32 $_scs_section_size  }
0x9a: {  	s4 =	simm.s32 $_size__tile_overlayer_lowered;
	s5 =	simm.s32 $_tile_overlayer_lowered  }
0x9b: {  	s22 =	simm.s32 $0x1BFF;
	s21 =	sshll.u32 s5, $0x1;
	s2 =	sadd.s32 s19, s18  }
0x9c: {  	s6 =	simm.s32 $0x0;
	s20 =	sshll.u32 s4, $0x1;
	s4 =	sadd.s32 s21, s2  }
0x9d: {  	[timem:s6], [sflag:s22] =	dma.local [hbm:s4], s20  }
0x9e: {  	_ =	swait.ge [sflag:s22], s20  }
0x9f: {  	s3 =	ssub.s32 $0x0, s20;
	[sflag:s22] =	ssyncset.done $0x0  }
0xa0: {  	[sflag:s22] =	ssyncadd.s32 s3;
	_ =	sdelay $0x1  }
0xa1: {  	s23 =	simm.s32 $0x1B8B  }
0xa2: {  	_ =	swait.ge [sflag:s23], $0x1  }
0xa3: {  	[sflag:s23] =	ssyncset.done $0x0  }
0xa4: {  	s25 =	simm.s32 $0x1B8E;
	s24 =	sld [smem:$0x3FFE];
	[sflag:s23] =	ssyncadd.s32 $0xFFFFFFFF  }
0xa5: {  	s26 =	simm.s32 $execute0_lowered;
	[smem:$0x3FD2] =	sst s25  }
0xa6: {  	s4 =	sshll.u32 s26, $0x1;
	_ =	strace $0x8000004C;
	[dreg:$0x1] =	wrdreg $0xFFFFFFFF  }
0xa7: {  	s28 =	simm.s32 $_size_execute0_lowered;
	s2 =	sadd.s32 s2, s4;
	[dreg:$0x0] =	wrdreg $0x0  }
0xa8: {  	s4 =	sshll.u32 s28, $0x1;
	[dreg:$0x2] =	wrdreg s2  }
0xa9: {  	[dreg:$0x3] =	wrdreg s4  }
0xaa: {  	[dreg:$0x4] =	wrdreg $0xC0  }
0xab: {  	_ =	task [dreg:s6], $0x5FFFF  }
0xac: {  	[dreg:$0x1] =	wrdreg $0xFFFFFFFF  }
0xad: {  	[dreg:$0x0] =	wrdreg $0x60  }
0xae: {  	[dreg:$0x2] =	wrdreg s24  }
0xaf: {  	[dreg:$0x3] =	wrdreg $0x82000  }
0xb0: {  	[dreg:$0x4] =	wrdreg $0x9  }
0xb1: {  	_ =	task.clear_ibuf [dreg:s6], $0x5FFFF;
	_ =	strace $0x9000004C  }
0xb2: {  	s29 =	simm.s32 $0x9;
	_ =	strace $0x8000004E  }
0xb3: {  	_ =	swait.ge [sflag:s29], $0x1  }
0xb4: {  	[sflag:s29] =	ssyncadd.s32 $0xFFFFFFFF  }
0xb5: {  	_ =	strace $0x9000004E  }
0xb6: {  	_ =	sfence  }
0xb7: {  	s30 =	sld [smem:$0x0];
	_ =	sdelay $0x2  }
0xb8: {  	s31 =	sshll.u32 s1, $0xD;
	s1 =	sshrl.u32 s1, $0x2  }
0xb9: {  	s3 =	sand.u32 $0x4000, s31;
	s1 =	sadd.s32 s1, s30  }
0xba: {  	s0 =	sor.u32 s3, s0;
	s1 =	sshll.u32 s1, $0x11  }
0xbb: {  	s0 =	sor.u32 s1, s0  }
0xbc: {  	s0 =	sadd.s32 $0x8F2B, s0  }
0xbd: {  	[sflag:s0] =	ssyncadd.remote.s32 $0x1  }
0xbe: {  	_ =	sfence.sel $0xFFFF  }
0xbf: {  	[dreg:$0x0] =	wrdreg $0xFFFFFFFF;
	(pc) =	sbr.abs _section_cstart, $3  }
0xc0: {  	[dreg:$0x1] =	wrdreg $0xFFFFFFFF  }
0xc1: {  	_ =	task.clear_ibuf [dreg:s6], $0x2FFFF;
	_ =	strace $0x9FFFFFFF  }
0xc2: {  	(tm) =	ssettm $0x7FFFFFFF  }
0xc3: {  	_ =	shalt  }
tec
execute0_lowered:
.L_overlay_start_1:
0x0: {  	(tag) =	ssettag $0x1  }
0x1: {  	s0 =	rddreg [dreg:$0x0]  }
0x2: {  	s2 =	rddreg [dreg:$0x1];
	s3 =	simm.s32 $0x0  }
0x3: {  	s14 =	stileid.u32;
	s5 =	srdreg.scid;
	s28 =	simm.s32 $0x2200  }
0x4: {  	s29 =	simm.s32 $0x8;
	s30 =	simm.s32 $0x6200;
	s31 =	simm.s32 $0x1  }
0x5: {  	[smem:$0x7FF] =	sst s3;
	s1 =	smul.u32 $0x14000, s14;
	s4 =	sadd.s32 $0x2BE00, s0  }
0x6: {  	s8 =	sand.u32 $0x1, s5;
	s5 =	sadd.s32 $0x21E00, s0;
	s6 =	sadd.s32 $0x3E00, s0  }
0x7: {  	s7 =	sadd.s32 $0x7A200, s0;
	s18 =	sshll.u32 s14, $0x1;
	s11 =	smul.u32 $0x50000, s14  }
0x8: {  	s20 =	sshll.u32 s14, $0x6;
	s10 =	smul.u32 $0x140000, s8;
	s12 =	ssub.s32 $0x2, s8  }
0x9: {  	_ =	strace $0x8000004D;
	s9 =	sshrl.u32 s1, $0x3;
	s13 =	sshrl.u32 s12, $0x1  }
0xa: {  	s11 =	sshrl.u32 s11, $0x2;
	s9 =	sadd.s32 s9, s0;
	s1 =	sadd.s32 s1, s10  }
0xb: {  	s10 =	sor.u32 s8, s18;
	s19 =	ssub.s32 s12, s13;
	s11 =	sadd.s32 s11, s2  }
0xc: {  	s12 =	simm.s32 $0x0;
	s1 =	sshrl.u32 s1, $0x3;
	s8 =	smul.u32 $0x2800, s10  }
0xd: {  	s22 =	smul.u32 $0x28000, s10;
	s9 =	sadd.s32 $0x57A200, s9;
	s10 =	sor.u32 $0x1C09, s20  }
0xe: {  	s26 =	smax.u32 s19, $0x1;
	s18 =	sshrl.u32 s11, $0x3;
	s19 =	simm.s32 $0x9  }
0xf: {  	s20 =	simm.s32 $0x100;
	s0 =	sadd.s32 s1, s0;
	[dreg:$0x3] =	wrdreg s9  }
0x10: {  	[dreg:$0x9] =	wrdreg s26;
	s26 =	simm.s32 $0x180;
	s1 =	simm.s32 $0x3  }
0x11: {  	s21 =	sshrl.u32 s8, $0x3;
	s25 =	sadd.s32 s7, s22;
	s15 =	sor.u32 $0xC0, s8  }
0x12: {  	s0 =	sadd.s32 $0x5A2200, s0;
	s23 =	sadd.s32 s5, s21;
	[dreg:$0x6] =	wrdreg s25  }
0x13: {  	s24 =	sadd.s32 s6, s21;
	[dreg:$0x8] =	wrdreg s0;
	s25 =	simm.s32 $0x80  }
0x14: {  	s0 =	simm.s32 $0x5;
	s21 =	simm.s32 $0x6;
	[dreg:$0x5] =	wrdreg s24  }
0x15: {  	[dreg:$0x4] =	wrdreg s23;
	s9 =	sadd.s32 $0x8, s23;
	s23 =	simm.s32 $0x40  }
0x16: {  	s24 =	simm.s32 $0x4200;
	[dreg:$0x7] =	wrdreg s9;
	s9 =	simm.s32 $0x4  }
.LBB2_1:
0x17: {  	s11 =	rddreg [dreg:$0x3]  }
0x18: {  	[spmem:s18], [sflag:s10] =	dma.local [hbm:s11], $0x2800  }
0x19: {  	_ =	swait.ge [sflag:s19], $0x2800  }
0x1a: {  	[sflag:s19] =	ssyncset.done $0x0  }
0x1b: {  	[sflag:s19] =	ssyncadd.s32 $0xFFFFD800  }
0x1c: {  	[bflag:$0x0] =	sbarrier.arrive $0xFFFF  }
0x1d: {  	s13 =	rddreg [dreg:$0x4]  }
0x1e: {  	[tilespmem:s3], [sflag:$0x7] =	stream.linear.gather [hbm4b:s13+s3], $0x40, $0x38;
	[tilespmem:$0x1C200] =	vst v63  }
0x1f: {  	s14 =	rddreg [dreg:$0x5]  }
0x20: {  	[tilespmem:s20], [sflag:$0x5] =	stream.linear.gather [hbm4b:s14+s3], $0x40, $0x38;
	[tilespmem:$0x1C200] =	vst v63  }
0x21: {  	s17 =	simm.s32 $0x7;
	s16 =	rddreg [dreg:$0x6];
	s13 =	simm.s32 $0x200  }
0x22: {  	[tilespmem:s13], [sflag:$0x5] =	stream.linear.gather [hbm4b:s16+s3], $0x2000, $0x38;
	[tilespmem:$0x1C200] =	vst v63  }
0x23: {  	_ =	swait.ge [sflag:s17], $0x40  }
0x24: {  	[sflag:s17] =	ssyncset.done $0x0  }
0x25: {  	[sflag:s17] =	ssyncadd.s32 $0xFFFFFFC0  }
0x26: {  	[tilespmem:s24], [sflag:$0x1] =	stream.indirect.gather [hbm4b:s4+s23], $0x80, s3, s23, $0xb8;
	[tilespmem:$0x1C200] =	vst v63  }
0x27: {  	s13 =	simm.s32 $0x0;
	s22 =	rddreg [dreg:$0x7]  }
0x28: {  	[tilespmem:s25], [sflag:$0x8] =	stream.linear.gather [hbm4b:s22+s3], $0x40, $0x38;
	[tilespmem:$0x1C200] =	vst v63  }
.LBB2_2:
0x29: {  	p0 =	seq.s32 s13, $0x0;
	s14 =	sshll.u32 s13, $0x7  }
0x2a: {  	s11 =	simm.s32 @!p0 $0x4;
	s16 =	sadd.s32 s14, s8  }
0x2b: {  	_ =	swait.ge @!p0 [sflag:s11], $0x2000;
	s16 =	sadd.s32 $0x40, s16  }
0x2c: {  	[sflag:s11] =	ssyncset.done @!p0 $0x0;
	s17 =	sshrl.u32 s16, $0x3  }
0x2d: {  	[sflag:s11] =	ssyncadd.s32 @!p0 $0xFFFFE000;
	s22 =	sadd.s32 s6, s17;
	s17 =	sshll.u32 s16, $0x4  }
0x2e: {  	[tilespmem:s26], [sflag:$0x6] =	stream.linear.gather [hbm4b:s22+s3], $0x40, $0x38;
	[tilespmem:$0x1C200] =	vst v63  }
0x2f: {  	s11 =	sadd.s32 s7, s17  }
0x30: {  	[tilespmem:s28], [sflag:$0x6] =	stream.linear.gather [hbm4b:s11+s3], $0x2000, $0x38;
	[tilespmem:$0x1C200] =	vst v63  }
0x31: {  	s22 =	sshll.u32 s13, $0x1;
	_ =	swait.ge [sflag:s29], $0x40  }
0x32: {  	p0 =	seq.s32 s13, $0x4F;
	s16 =	sadd.s32 $0x2, s22;
	[sflag:s29] =	ssyncset.done $0x0  }
0x33: {  	s11 =	sshll.u32 @!p0 s16, $0x6;
	[sflag:s29] =	ssyncadd.s32 $0xFFFFFFC0  }
0x34: {  	[tilespmem:s30], [sflag:$0x2] =	stream.indirect.gather [hbm4b:s4+s23], $0x80, s25, s23, $0xb8;
	[tilespmem:$0x1C200] =	vst v63  }
0x35: {  	s11 =	sadd.s32 @!p0 s8, s11;
	_ =	swait.ge [sflag:s31], $0x2000  }
0x36: {  	s11 =	sshrl.u32 @!p0 s11, $0x3;
	[sflag:s31] =	ssyncset.done $0x0  }
0x37: {  	s17 =	simm.s32 @!p0 $0x0;
	s11 =	sadd.s32 @!p0 s5, s11;
	[sflag:s31] =	ssyncadd.s32 $0xFFFFE000  }
0x38: {  	[tilespmem:s17], [sflag:$0x7] =	stream.linear.gather @!p0 [hbm4b:s11+s17], $0x40, $0x38;
	[tilespmem:$0x1C200] =	vst v63  }
0x39: {  	_ =	swait.ge [sflag:s0], $0x40  }
0x3a: {  	[sflag:s0] =	ssyncset.done $0x0  }
0x3b: {  	[sflag:s0] =	ssyncadd.s32 $0xFFFFFFC0  }
0x3c: {  	_ =	swait.ge [sflag:s0], $0x2000  }
0x3d: {  	[sflag:s0] =	ssyncset.done $0x0  }
0x3e: {  	s17 =	simm.s32 $0x0;
	[sflag:s0] =	ssyncadd.s32 $0xFFFFE000  }
0x3f: {  	v0 =	vld [tilespmem:s17+$0x200]  }
0x40: {  	v4 =	vld [tilespmem:s17+$0x4200]  }
0x41: {  	v6 =	vld [tilespmem:s17+$0x4210]  }
0x42: {  	v5 =	vld [tilespmem:s17+$0x4220]  }
0x43: {  	v3 =	vld [tilespmem:s17+$0x4230]  }
0x44: {  	v1 =	vld [tilespmem:s17+$0x4240]  }
0x45: {  	v2 =	vld [tilespmem:s17+$0x4250];
	v7 =	vmul.f32 v4, v0  }
0x46: {  	s11 =	simm.s32 $0x200;
	v6 =	vmul.f32 v6, v0;
	v4 =	vld [tilespmem:s17+$0x4260]  }
.LBB2_3:
0x47: {  	s22 =	sshra.s32 s11, $0x2;
	p0 =	sne.s32 s11, $0x7E00;
	[tilespmem:s17+$0x4200] =	vst v7;
	v5 =	vmul.f32 v5, v0;
	v7 =	vld [tilespmem:s17+$0x4270]  }
0x48: {  	v8 =	vld [tilespmem:s22+$0x200];
	[tilespmem:s17+$0x4210] =	vst v6;
	v3 =	vmul.f32 v3, v0  }
0x49: {  	v6 =	vld [tilespmem:s22+$0x4200];
	[tilespmem:s17+$0x4220] =	vst v5;
	v1 =	vmul.f32 v1, v0  }
0x4a: {  	v9 =	vld [tilespmem:s22+$0x4210];
	[tilespmem:s17+$0x4230] =	vst v3;
	v2 =	vmul.f32 v2, v0  }
.Ltmp0:
0x4b: {  	v5 =	vld [tilespmem:s22+$0x4220];
	[tilespmem:s17+$0x4240] =	vst v1;
	v4 =	vmul.f32 v4, v0;
	(pc) =	sbr.rel @p0 .LBB2_3-.Ltmp0, $4  }
0x4c: {  	v3 =	vld [tilespmem:s22+$0x4230];
	[tilespmem:s17+$0x4250] =	vst v2;
	v10 =	vmul.f32 v7, v0  }
0x4d: {  	v1 =	vld [tilespmem:s22+$0x4240];
	[tilespmem:s17+$0x4260] =	vst v4;
	v0 =	vmov v8  }
0x4e: {  	v7 =	vmul.f32 v6, v0;
	v2 =	vld [tilespmem:s22+$0x4250];
	[tilespmem:s17+$0x4270] =	vst v10;
	s17 =	smov.u32 s22  }
0x4f: {  	s11 =	sadd.s32 $0x200, s11;
	v6 =	vmul.f32 v9, v0;
	v4 =	vld [tilespmem:s17+$0x4260]  }
0x50: {  	[tilespmem:s17+$0x4200] =	vst v7;
	v5 =	vmul.f32 v5, v0;
	v7 =	vld [tilespmem:s17+$0x4270]  }
0x51: {  	[tilespmem:s17+$0x4210] =	vst v6;
	v3 =	vmul.f32 v3, v0  }
0x52: {  	[tilespmem:s17+$0x4220] =	vst v5;
	v1 =	vmul.f32 v1, v0  }
0x53: {  	[tilespmem:s17+$0x4230] =	vst v3;
	v2 =	vmul.f32 v2, v0  }
0x54: {  	[tilespmem:s17+$0x4240] =	vst v1;
	v1 =	vmul.f32 v4, v0  }
0x55: {  	[tilespmem:s17+$0x4250] =	vst v2;
	v0 =	vmul.f32 v7, v0  }
0x56: {  	p0 =	sne.s32 s13, $0x4F;
	[tilespmem:s17+$0x4260] =	vst v1  }
0x57: {  	s11 =	sshll.u32 @p0 s16, $0x6;
	[tilespmem:s17+$0x4270] =	vst v0  }
0x58: {  	[spmem:s2] =	stream.indirect.scatter.add.f32 [tilespmem:s24], [sflag:$0x3], $0x80, s20, s23, $0xb8;
	[tilespmem:$0x1C200] =	vst v63  }
0x59: {  	s22 =	simm.s32 @p0 $0x100;
	s11 =	sadd.s32 @p0 s8, s11;
	_ =	swait.ge [sflag:s1], $0x2000  }
0x5a: {  	s16 =	sshrl.u32 @p0 s11, $0x3;
	s11 =	sshll.u32 @p0 s11, $0x4;
	[sflag:s1] =	ssyncset.done $0x0  }
0x5b: {  	s16 =	sadd.s32 @p0 s6, s16;
	s17 =	simm.s32 @p0 $0x0;
	[sflag:s1] =	ssyncadd.s32 $0xFFFFE000  }
0x5c: {  	[tilespmem:s22], [sflag:$0x5] =	stream.linear.gather @p0 [hbm4b:s16+s17], $0x40, $0x38;
	[tilespmem:$0x1C200] =	vst v63  }
0x5d: {  	s11 =	sadd.s32 @p0 s7, s11;
	s16 =	simm.s32 @p0 $0x200  }
0x5e: {  	[tilespmem:s16], [sflag:$0x5] =	stream.linear.gather @p0 [hbm4b:s11+s17], $0x2000, $0x38;
	[tilespmem:$0x1C200] =	vst v63  }
0x5f: {  	s11 =	simm.s32 @p0 $0x7  }
0x60: {  	_ =	swait.ge @p0 [sflag:s11], $0x40  }
0x61: {  	[sflag:s11] =	ssyncset.done @p0 $0x0  }
0x62: {  	s16 =	simm.s32 @p0 $0x4200;
	[sflag:s11] =	ssyncadd.s32 @p0 $0xFFFFFFC0;
	s11 =	simm.s32 @p0 $0x40  }
0x63: {  	[tilespmem:s16], [sflag:$0x1] =	stream.indirect.gather @p0 [hbm4b:s4+s11], $0x80, s17, s11, $0xb8;
	[tilespmem:$0x1C200] =	vst v63  }
0x64: {  	s11 =	simm.s32 @p0 $0x2  }
0x65: {  	s14 =	sadd.s32 @p0 s14, s15;
	_ =	swait.ge @p0 [sflag:s11], $0x2000  }
0x66: {  	s14 =	sshrl.u32 @p0 s14, $0x3;
	[sflag:s11] =	ssyncset.done @p0 $0x0  }
0x67: {  	[sflag:s11] =	ssyncadd.s32 @p0 $0xFFFFE000;
	s11 =	sadd.s32 @p0 s5, s14;
	s14 =	simm.s32 @p0 $0x80  }
0x68: {  	[tilespmem:s14], [sflag:$0x8] =	stream.linear.gather @p0 [hbm4b:s11+s17], $0x40, $0x38;
	[tilespmem:$0x1C200] =	vst v63  }
0x69: {  	s11 =	simm.s32 @!p0 $0x2  }
0x6a: {  	_ =	swait.ge @!p0 [sflag:s11], $0x2000  }
0x6b: {  	[sflag:s11] =	ssyncset.done @!p0 $0x0  }
0x6c: {  	[sflag:s11] =	ssyncadd.s32 @!p0 $0xFFFFE000  }
0x6d: {  	_ =	swait.ge [sflag:s21], $0x40  }
0x6e: {  	[sflag:s21] =	ssyncset.done $0x0  }
0x6f: {  	[sflag:s21] =	ssyncadd.s32 $0xFFFFFFC0  }
0x70: {  	_ =	swait.ge [sflag:s21], $0x2000  }
0x71: {  	[sflag:s21] =	ssyncset.done $0x0  }
0x72: {  	s14 =	simm.s32 $0x0;
	[sflag:s21] =	ssyncadd.s32 $0xFFFFE000  }
0x73: {  	v0 =	vld [tilespmem:s14+$0x2200]  }
0x74: {  	v4 =	vld [tilespmem:s14+$0x6200]  }
0x75: {  	v6 =	vld [tilespmem:s14+$0x6210]  }
0x76: {  	v5 =	vld [tilespmem:s14+$0x6220]  }
0x77: {  	v3 =	vld [tilespmem:s14+$0x6230]  }
0x78: {  	v1 =	vld [tilespmem:s14+$0x6240]  }
0x79: {  	v2 =	vld [tilespmem:s14+$0x6250];
	v7 =	vmul.f32 v4, v0  }
0x7a: {  	s11 =	simm.s32 $0x200;
	v6 =	vmul.f32 v6, v0;
	v4 =	vld [tilespmem:s14+$0x6260]  }
.LBB2_5:
0x7b: {  	s16 =	sshra.s32 s11, $0x2;
	p0 =	sne.s32 s11, $0x7E00;
	[tilespmem:s14+$0x6200] =	vst v7;
	v5 =	vmul.f32 v5, v0;
	v7 =	vld [tilespmem:s14+$0x6270]  }
0x7c: {  	v8 =	vld [tilespmem:s16+$0x2200];
	[tilespmem:s14+$0x6210] =	vst v6;
	v3 =	vmul.f32 v3, v0  }
0x7d: {  	v6 =	vld [tilespmem:s16+$0x6200];
	[tilespmem:s14+$0x6220] =	vst v5;
	v1 =	vmul.f32 v1, v0  }
0x7e: {  	v9 =	vld [tilespmem:s16+$0x6210];
	[tilespmem:s14+$0x6230] =	vst v3;
	v2 =	vmul.f32 v2, v0  }
.Ltmp1:
0x7f: {  	v5 =	vld [tilespmem:s16+$0x6220];
	[tilespmem:s14+$0x6240] =	vst v1;
	v4 =	vmul.f32 v4, v0;
	(pc) =	sbr.rel @p0 .LBB2_5-.Ltmp1, $4  }
0x80: {  	v3 =	vld [tilespmem:s16+$0x6230];
	[tilespmem:s14+$0x6250] =	vst v2;
	v10 =	vmul.f32 v7, v0  }
0x81: {  	v1 =	vld [tilespmem:s16+$0x6240];
	[tilespmem:s14+$0x6260] =	vst v4;
	v0 =	vmov v8  }
0x82: {  	v7 =	vmul.f32 v6, v0;
	v2 =	vld [tilespmem:s16+$0x6250];
	[tilespmem:s14+$0x6270] =	vst v10;
	s14 =	smov.u32 s16  }
0x83: {  	s11 =	sadd.s32 $0x200, s11;
	v6 =	vmul.f32 v9, v0;
	v4 =	vld [tilespmem:s14+$0x6260]  }
0x84: {  	[tilespmem:s14+$0x6200] =	vst v7;
	v5 =	vmul.f32 v5, v0;
	v61 =	vld [tilespmem:s14+$0x6270]  }
0x85: {  	[tilespmem:s14+$0x6210] =	vst v6;
	v3 =	vmul.f32 v3, v0  }
0x86: {  	s13 =	sadd.s32 $0x1, s13;
	[tilespmem:s14+$0x6220] =	vst v5;
	v1 =	vmul.f32 v1, v0  }
0x87: {  	p0 =	sne.s32 s13, $0x50;
	[tilespmem:s14+$0x6230] =	vst v3;
	v2 =	vmul.f32 v2, v0  }
.Ltmp2:
0x88: {  	[tilespmem:s14+$0x6240] =	vst v1;
	v62 =	vmul.f32 v4, v0;
	(pc) =	sbr.rel @p0 .LBB2_2-.Ltmp2, $4  }
0x89: {  	[tilespmem:s14+$0x6250] =	vst v2;
	v63 =	vmul.f32 v61, v0  }
0x8a: {  	[tilespmem:s14+$0x6260] =	vst v62  }
0x8b: {  	[tilespmem:s14+$0x6270] =	vst v63  }
0x8c: {  	[spmem:s2] =	stream.indirect.scatter.add.f32 [tilespmem:s30], [sflag:$0x4], $0x80, s26, s23, $0xb8;
	[tilespmem:$0x1C200] =	vst v63  }
0x8d: {  	_ =	swait.ge [sflag:s9], $0x2000  }
0x8e: {  	[sflag:s9] =	ssyncset.done $0x0  }
0x8f: {  	[sflag:s9] =	ssyncadd.s32 $0xFFFFE000  }
0x90: {  	[bflag:$0x0] =	sbarrier.arrive $0xFFFF  }
0x91: {  	s11 =	rddreg [dreg:$0x8]  }
0x92: {  	[hbm:s11], [sflag:s10] =	dma.local [spmem:s18], $0x2800  }
0x93: {  	_ =	swait.ge [sflag:s19], $0x2800  }
0x94: {  	s12 =	sadd.s32 $0x1, s12;
	s22 =	rddreg [dreg:$0x9]  }
0x95: {  	p0 =	sne.s32 s12, s22  }
.Ltmp3:
0x96: {  	_ = 	snop;
	(pc) =	sbr.rel @p0 .LBB2_1-.Ltmp3, $3  }
0x97: {  	_ =	sdelay $0x1  }
0x98: {  	[sflag:s19] =	ssyncset.done $0x0  }
0x99: {  	[sflag:s19] =	ssyncadd.s32 $0xFFFFD800  }
0x9a: {  	_ =	sfence.sel $0x180000  }
0x9b: {  	[bflag:$0x0] =	sbarrier.arrive $0xFFFF  }
0x9c: {  	_ =	strace $0x9000004D  }
0x9d: {  	s0 =	stileid.u32;
	[bflag:$0x2] =	sbarrier.arrive $0xFFFF  }
0x9e: {  	p0 =	sne.s32 s0, $0x0;
	s0 =	rddreg [dreg:$0x2]  }
0x9f: {  	s0 =	sadd.s32 @!p0 $0x100000, s0  }
0xa0: {  	[sflag:s0] =	ssyncadd.tile.s32 @!p0 $0x1;
	_ =	shalt  }
.Lfunc_end2:
_tile_overlayer_lowered:
.L_overlay_start_2:
0xa1: {  	(tag) =	ssettag $0x2  }
0xa2: {  	s0 =	rddreg [dreg:$0x0];
	s2 =	stileid.u32  }
0xa3: {  	s1 =	rddreg [dreg:$0x1];
	p0 =	sne.s32 s2, $0x0  }
0xa4: {  	s3 =	rddreg [dreg:$0x2];
	[bflag:$0x3] =	sbarrier.arrive $0xFFFF;
	s2 =	simm.s32 @!p0 $0x1C09  }
0xa5: {  	[timem:s3], [sflag:s2] =	dma.local @!p0 [hbm:s0], s1  }
0xa6: {  	s0 =	simm.s32 @!p0 $0x9  }
0xa7: {  	_ =	swait.ge @!p0 [sflag:s0], s1  }
0xa8: {  	s1 =	ssub.s32 @!p0 $0x0, s1;
	[sflag:s0] =	ssyncset.done @!p0 $0x0  }
0xa9: {  	[sflag:s0] =	ssyncadd.s32 @!p0 s1  }
0xaa: {  	[bflag:$0x3] =	sbarrier.arrive $0xFFFF  }
0xab: {  	_ =	shalt  }

// kernel: kernel.19.cloned.1.call-start
scs
__scs_entry_jumppad:
0x0: {  	(pc) =	sbr.rel $0x88, $3  }
0x1: {  	(tag) =	ssettag $0x0;
	lr =	simm.s32 $0x1  }
0x2: {  	[smem:$0x3F94] =	sst lr;
	_ =	strace $0xD0000000  }
0x3: {  	_ = 	snop  }
0x4: {  	_ = 	snop  }
0x5: {  	_ = 	snop  }
0x6: {  	_ = 	snop  }
0x7: {  	_ = 	snop  }
__scs_overlays_trampoline_lowered:
0x8: {  	[smem:$0x3FA3] =	sst s0  }
0x9: {  	[smem:$0x3FA4] =	sst s1  }
0xa: {  	[smem:$0x3FA5] =	sst s2  }
0xb: {  	[smem:$0x3FA6] =	sst s3  }
0xc: {  	[smem:$0x3FA7] =	sst s4  }
0xd: {  	[smem:$0x3FA8] =	sst s5  }
0xe: {  	[smem:$0x3FA9] =	sst s6  }
0xf: {  	[smem:$0x3FAA] =	sst s7  }
0x10: {  	[smem:$0x3FAB] =	sst s8  }
0x11: {  	[smem:$0x3FAC] =	sst s9;
	s0 =	simm.s32 @!p0 $0x0  }
0x12: {  	s1 =	sld [smem:$0x3F92];
	s0 =	simm.s32 @p0 $0x1  }
0x13: {  	[smem:$0x3FAD] =	sst s0;
	s0 =	simm.s32 @!p1 $0x0  }
0x14: {  	s2 =	sld [smem:$0x3F91];
	s0 =	simm.s32 @p1 $0x1  }
0x15: {  	[smem:$0x3FAE] =	sst s0;
	s0 =	simm.s32 @!p2 $0x0  }
0x16: {  	s3 =	sld [smem:$0x3FDB];
	s0 =	simm.s32 @p2 $0x1  }
0x17: {  	s4 =	simm.s32 $0x1BF5;
	[smem:$0x3FB0] =	sst s0  }
0x18: {  	s0 =	sld [smem:$0x3F93];
	_ =	swait.ge [sflag:s4], $0x0  }
0x19: {  	s7 =	sld [smem:$0x3F94]  }
0x1a: {  	s8 =	sadd.s32 $0xFFFFE003, lr  }
0x1b: {  	s9 =	sadd.s32 $0xFFFFFEF7, lr;
	s5 =	simm.s32 $0xFFFFFFFF;
	p2 =	slt.u32 s8, $0xFFFFF086  }
0x1c: {  	p1 =	slt.u32 s9, $0xF7A;
	s5 =	simm.s32 @!p2 $0x0  }
0x1d: {  	s5 =	simm.s32 @p1 $0x1;
	p0 =	seq.s32 s7, s2  }
0x1e: {  	s7 =	smul.u32 @!p0 $0xF7A, s2;
	p2 =	seq.s32 @!p0 s5, $0x0  }
0x1f: {  	s9 =	smul.u32 $0xF7A, s1;
	s8 =	simm.s32 @!p0 $0x1BF5;
	p2 =	por !p2, p0  }
0x20: {  	[sflag:s8] =	ssyncset.s32 @!p0 $0xFFFFF086;
	s6 =	sadd.s32 @!p0 s3, s7;
	s7 =	simm.s32 @!p0 $0x108  }
0x21: {  	s3 =	sadd.s32 s3, s9;
	s6 =	sadd.s32 @!p0 $0x88, s6;
	s7 =	simm.s32 @p2 $0x1082  }
0x22: {  	[simem:s7], [sflag:s8] =	dma.local @!p0 [hbm:s6], $0xF7A  }
0x23: {  	s9 =	sor.u32 $0xD0000000, s2;
	s6 =	simm.s32 $0x108;
	_ =	swait.ge @!p0 [sflag:s8], $0x0  }
0x24: {  	s3 =	sadd.s32 $0x88, s3;
	s6 =	simm.s32 @!p1 $0x1082;
	[sflag:s4] =	ssyncset.s32 $0xFFFFF086  }
0x25: {  	[simem:s6], [sflag:s4] =	dma.local [hbm:s3], $0xF7A  }
0x26: {  	[smem:$0x3F94] =	sst s1;
	(tag) =	ssettag s2;
	_ =	strace s9  }
0x27: {  	s1 =	sld [smem:$0x3FA4]  }
0x28: {  	s2 =	sld [smem:$0x3FA5]  }
0x29: {  	s4 =	sld [smem:$0x3FA7]  }
0x2a: {  	p0 =	seq.s32 s5, $0x0;
	s5 =	sld [smem:$0x3FA8]  }
0x2b: {  	s6 =	sld [smem:$0x3FA9]  }
0x2c: {  	s7 =	sld [smem:$0x3FAA]  }
0x2d: {  	s3 =	simm.s32 $0x108;
	s8 =	sld [smem:$0x3FAB]  }
0x2e: {  	s3 =	simm.s32 @!p0 $0x1082;
	s9 =	sld [smem:$0x3FAC]  }
0x2f: {  	lr =	sadd.s32 s0, s3;
	s0 =	sld [smem:$0x3FA3]  }
0x30: {  	s3 =	sld [smem:$0x3FA6]  }
0x31: {  	[smem:$0x3FAF] =	sst s10  }
0x32: {  	s10 =	sld [smem:$0x3FAD];
	_ =	sdelay $0x3  }
0x33: {  	p0 =	seq.s32 s10, $0x1;
	s10 =	sld [smem:$0x3FAF];
	_ =	sdelay $0x3  }
0x34: {  	[smem:$0x3FAF] =	sst s10  }
0x35: {  	s10 =	sld [smem:$0x3FAE];
	_ =	sdelay $0x3  }
0x36: {  	p1 =	seq.s32 s10, $0x1;
	s10 =	sld [smem:$0x3FAF];
	_ =	sdelay $0x3  }
0x37: {  	[smem:$0x3FAF] =	sst s10  }
0x38: {  	s10 =	sld [smem:$0x3FB0]  }
0x39: {  	_ = 	snop;
	(pc) =	sbr.ind lr, $3  }
0x3a: {  	_ = 	snop  }
0x3b: {  	_ = 	snop  }
0x3c: {  	p2 =	seq.s32 s10, $0x1;
	s10 =	sld [smem:$0x3FAF]  }
0x3d: {  	_ =	shalt  }
0x3e: {  	_ =	shalt  }
0x3f: {  	_ =	shalt  }
0x40: {  	_ =	shalt  }
0x41: {  	_ =	shalt  }
0x42: {  	_ =	shalt  }
0x43: {  	_ =	shalt  }
0x44: {  	_ =	shalt  }
0x45: {  	_ =	shalt  }
0x46: {  	_ =	shalt  }
0x47: {  	_ =	shalt  }
0x48: {  	_ =	shalt  }
0x49: {  	_ =	shalt  }
0x4a: {  	_ =	shalt  }
0x4b: {  	_ =	shalt  }
0x4c: {  	_ =	shalt  }
0x4d: {  	_ =	shalt  }
0x4e: {  	_ =	shalt  }
0x4f: {  	_ =	shalt  }
0x50: {  	_ =	shalt  }
0x51: {  	_ =	shalt  }
0x52: {  	_ =	shalt  }
0x53: {  	_ =	shalt  }
0x54: {  	_ =	shalt  }
0x55: {  	_ =	shalt  }
0x56: {  	_ =	shalt  }
0x57: {  	_ =	shalt  }
0x58: {  	_ =	shalt  }
0x59: {  	_ =	shalt  }
0x5a: {  	_ =	shalt  }
0x5b: {  	_ =	shalt  }
0x5c: {  	_ =	shalt  }
0x5d: {  	_ =	shalt  }
0x5e: {  	_ =	shalt  }
0x5f: {  	_ =	shalt  }
0x60: {  	_ =	shalt  }
0x61: {  	_ =	shalt  }
0x62: {  	_ =	shalt  }
0x63: {  	_ =	shalt  }
0x64: {  	_ =	shalt  }
0x65: {  	_ =	shalt  }
0x66: {  	_ =	shalt  }
0x67: {  	_ =	shalt  }
0x68: {  	_ =	shalt  }
0x69: {  	_ =	shalt  }
0x6a: {  	_ =	shalt  }
0x6b: {  	_ =	shalt  }
0x6c: {  	_ =	shalt  }
0x6d: {  	_ =	shalt  }
0x6e: {  	_ =	shalt  }
0x6f: {  	_ =	shalt  }
0x70: {  	_ =	shalt  }
0x71: {  	_ =	shalt  }
0x72: {  	_ =	shalt  }
0x73: {  	_ =	shalt  }
0x74: {  	_ =	shalt  }
0x75: {  	_ =	shalt  }
0x76: {  	_ =	shalt  }
0x77: {  	_ =	shalt  }
0x78: {  	_ =	shalt  }
0x79: {  	_ =	shalt  }
0x7a: {  	_ =	shalt  }
0x7b: {  	_ =	shalt  }
0x7c: {  	_ =	shalt  }
0x7d: {  	_ =	shalt  }
0x7e: {  	_ =	shalt  }
0x7f: {  	_ =	shalt  }
0x80: {  	_ =	shalt  }
0x81: {  	_ =	shalt  }
0x82: {  	_ =	shalt  }
0x83: {  	_ =	shalt  }
0x84: {  	_ =	shalt  }
0x85: {  	_ =	shalt  }
0x86: {  	_ =	shalt  }
0x87: {  	_ =	shalt  }
.Lfunc_end0:
.L_simem_size_0:
called_computation.3_lowered:
.L_overlay_start_0:
0x88: {  	s2 =	sld [smem:$0x3FD9]  }
0x89: {  	s3 =	sld [smem:$0x3FFE];
	_ =	sdelay $0x1  }
0x8a: {  	s1 =	srdreg.scid  }
0x8b: {  	s0 =	sand.u32 $0x1, s1  }
0x8c: {  	s16 =	sshll.u32 s0, $0xA;
	s2 =	sadd.s32 s3, s2  }
0x8d: {  	s2 =	sadd.s32 s2, s16  }
0x8e: {  	[smem:$0x3FBB] =	sst s2  }
0x8f: {  	_ = 	snop  }
0x90: {  	(tm) =	ssettm $0x1  }
0x91: {  	s17 =	sld [smem:$0x3FFB];
	_ =	sdelay $0x3  }
0x92: {  	_ =	strace s17  }
0x93: {  	s2 =	sld [smem:$0x3FFC];
	_ =	sdelay $0x3  }
0x94: {  	_ =	strace s2  }
0x95: {  	s2 =	sld [smem:$0x3FFD];
	_ =	sdelay $0x3  }
0x96: {  	_ =	strace s2  }
0x97: {  	_ =	strace $0x8FFFFFFF  }
0x98: {  	s18 =	sld [smem:$0x3FDB];
	_ =	sdelay $0x1  }
0x99: {  	s19 =	simm.s32 $_scs_section_size  }
0x9a: {  	s4 =	simm.s32 $_size__tile_overlayer_lowered;
	s5 =	simm.s32 $_tile_overlayer_lowered  }
0x9b: {  	s22 =	simm.s32 $0x1BFF;
	s21 =	sshll.u32 s5, $0x1;
	s2 =	sadd.s32 s19, s18  }
0x9c: {  	s6 =	simm.s32 $0x0;
	s20 =	sshll.u32 s4, $0x1;
	s4 =	sadd.s32 s21, s2  }
0x9d: {  	[timem:s6], [sflag:s22] =	dma.local [hbm:s4], s20  }
0x9e: {  	_ =	swait.ge [sflag:s22], s20  }
0x9f: {  	s3 =	ssub.s32 $0x0, s20;
	[sflag:s22] =	ssyncset.done $0x0  }
0xa0: {  	[sflag:s22] =	ssyncadd.s32 s3;
	_ =	sdelay $0x1  }
0xa1: {  	s23 =	simm.s32 $0x1B8B  }
0xa2: {  	_ =	swait.ge [sflag:s23], $0x1  }
0xa3: {  	[sflag:s23] =	ssyncset.done $0x0  }
0xa4: {  	s25 =	simm.s32 $0x1B8E;
	s24 =	sld [smem:$0x3FFE];
	[sflag:s23] =	ssyncadd.s32 $0xFFFFFFFF  }
0xa5: {  	s26 =	simm.s32 $execute0_lowered;
	[smem:$0x3FD2] =	sst s25  }
0xa6: {  	s4 =	sshll.u32 s26, $0x1;
	_ =	strace $0x8000004F;
	[dreg:$0x1] =	wrdreg $0xFFFFFFFF  }
0xa7: {  	s28 =	simm.s32 $_size_execute0_lowered;
	s2 =	sadd.s32 s2, s4;
	[dreg:$0x0] =	wrdreg $0x0  }
0xa8: {  	s4 =	sshll.u32 s28, $0x1;
	[dreg:$0x2] =	wrdreg s2  }
0xa9: {  	[dreg:$0x3] =	wrdreg s4  }
0xaa: {  	[dreg:$0x4] =	wrdreg $0xC0  }
0xab: {  	_ =	task [dreg:s6], $0x5FFFF  }
0xac: {  	[dreg:$0x1] =	wrdreg $0xFFFFFFFF  }
0xad: {  	[dreg:$0x0] =	wrdreg $0x60  }
0xae: {  	[dreg:$0x2] =	wrdreg s24  }
0xaf: {  	[dreg:$0x3] =	wrdreg $0x82000  }
0xb0: {  	[dreg:$0x4] =	wrdreg $0x9  }
0xb1: {  	_ =	task.clear_ibuf [dreg:s6], $0x5FFFF;
	_ =	strace $0x9000004F  }
0xb2: {  	s29 =	simm.s32 $0x9;
	_ =	strace $0x80000051  }
0xb3: {  	_ =	swait.ge [sflag:s29], $0x1  }
0xb4: {  	[sflag:s29] =	ssyncadd.s32 $0xFFFFFFFF  }
0xb5: {  	_ =	strace $0x90000051  }
0xb6: {  	_ =	sfence  }
0xb7: {  	s30 =	sld [smem:$0x0];
	_ =	sdelay $0x2  }
0xb8: {  	s31 =	sshll.u32 s1, $0xD;
	s1 =	sshrl.u32 s1, $0x2  }
0xb9: {  	s3 =	sand.u32 $0x4000, s31;
	s1 =	sadd.s32 s1, s30  }
0xba: {  	s0 =	sor.u32 s3, s0;
	s1 =	sshll.u32 s1, $0x11  }
0xbb: {  	s0 =	sor.u32 s1, s0  }
0xbc: {  	s0 =	sadd.s32 $0x8F2B, s0  }
0xbd: {  	[sflag:s0] =	ssyncadd.remote.s32 $0x1  }
0xbe: {  	_ =	sfence.sel $0xFFFF  }
0xbf: {  	[dreg:$0x0] =	wrdreg $0xFFFFFFFF;
	(pc) =	sbr.abs _section_cstart, $3  }
0xc0: {  	[dreg:$0x1] =	wrdreg $0xFFFFFFFF  }
0xc1: {  	_ =	task.clear_ibuf [dreg:s6], $0x2FFFF;
	_ =	strace $0x9FFFFFFF  }
0xc2: {  	(tm) =	ssettm $0x7FFFFFFF  }
0xc3: {  	_ =	shalt  }
tec
execute0_lowered:
.L_overlay_start_1:
0x0: {  	(tag) =	ssettag $0x1  }
0x1: {  	s0 =	rddreg [dreg:$0x0]  }
0x2: {  	s2 =	rddreg [dreg:$0x1];
	s3 =	simm.s32 $0x0  }
0x3: {  	s14 =	stileid.u32;
	s5 =	srdreg.scid;
	s28 =	simm.s32 $0x2200  }
0x4: {  	s29 =	simm.s32 $0x8;
	s30 =	simm.s32 $0x6200;
	s31 =	simm.s32 $0x1  }
0x5: {  	[smem:$0x7FF] =	sst s3;
	s1 =	smul.u32 $0x14000, s14;
	s4 =	sadd.s32 $0x2BE00, s0  }
0x6: {  	s8 =	sand.u32 $0x1, s5;
	s5 =	sadd.s32 $0x21E00, s0;
	s6 =	sadd.s32 $0x3E00, s0  }
0x7: {  	s7 =	sadd.s32 $0x7A200, s0;
	s18 =	sshll.u32 s14, $0x1;
	s11 =	smul.u32 $0x50000, s14  }
0x8: {  	s20 =	sshll.u32 s14, $0x6;
	s10 =	smul.u32 $0x140000, s8;
	s12 =	ssub.s32 $0x2, s8  }
0x9: {  	_ =	strace $0x80000050;
	s9 =	sshrl.u32 s1, $0x3;
	s13 =	sshrl.u32 s12, $0x1  }
0xa: {  	s11 =	sshrl.u32 s11, $0x2;
	s9 =	sadd.s32 s9, s0;
	s1 =	sadd.s32 s1, s10  }
0xb: {  	s10 =	sor.u32 s8, s18;
	s19 =	ssub.s32 s12, s13;
	s11 =	sadd.s32 s11, s2  }
0xc: {  	s12 =	simm.s32 $0x0;
	s1 =	sshrl.u32 s1, $0x3;
	s8 =	smul.u32 $0x2800, s10  }
0xd: {  	s22 =	smul.u32 $0x28000, s10;
	s9 =	sadd.s32 $0x57A200, s9;
	s10 =	sor.u32 $0x1C09, s20  }
0xe: {  	s26 =	smax.u32 s19, $0x1;
	s18 =	sshrl.u32 s11, $0x3;
	s19 =	simm.s32 $0x9  }
0xf: {  	s20 =	simm.s32 $0x100;
	s0 =	sadd.s32 s1, s0;
	[dreg:$0x3] =	wrdreg s9  }
0x10: {  	[dreg:$0x9] =	wrdreg s26;
	s26 =	simm.s32 $0x180;
	s1 =	simm.s32 $0x3  }
0x11: {  	s21 =	sshrl.u32 s8, $0x3;
	s25 =	sadd.s32 s7, s22;
	s15 =	sor.u32 $0xC0, s8  }
0x12: {  	s0 =	sadd.s32 $0x5A2200, s0;
	s23 =	sadd.s32 s5, s21;
	[dreg:$0x6] =	wrdreg s25  }
0x13: {  	s24 =	sadd.s32 s6, s21;
	[dreg:$0x8] =	wrdreg s0;
	s25 =	simm.s32 $0x80  }
0x14: {  	s0 =	simm.s32 $0x5;
	s21 =	simm.s32 $0x6;
	[dreg:$0x5] =	wrdreg s24  }
0x15: {  	[dreg:$0x4] =	wrdreg s23;
	s9 =	sadd.s32 $0x8, s23;
	s23 =	simm.s32 $0x40  }
0x16: {  	s24 =	simm.s32 $0x4200;
	[dreg:$0x7] =	wrdreg s9;
	s9 =	simm.s32 $0x4  }
.LBB2_1:
0x17: {  	s11 =	rddreg [dreg:$0x3]  }
0x18: {  	[spmem:s18], [sflag:s10] =	dma.local [hbm:s11], $0x2800  }
0x19: {  	_ =	swait.ge [sflag:s19], $0x2800  }
0x1a: {  	[sflag:s19] =	ssyncset.done $0x0  }
0x1b: {  	[sflag:s19] =	ssyncadd.s32 $0xFFFFD800  }
0x1c: {  	[bflag:$0x0] =	sbarrier.arrive $0xFFFF  }
0x1d: {  	s13 =	rddreg [dreg:$0x4]  }
0x1e: {  	[tilespmem:s3], [sflag:$0x7] =	stream.linear.gather [hbm4b:s13+s3], $0x40, $0x38;
	[tilespmem:$0x1C200] =	vst v63  }
0x1f: {  	s14 =	rddreg [dreg:$0x5]  }
0x20: {  	[tilespmem:s20], [sflag:$0x5] =	stream.linear.gather [hbm4b:s14+s3], $0x40, $0x38;
	[tilespmem:$0x1C200] =	vst v63  }
0x21: {  	s17 =	simm.s32 $0x7;
	s16 =	rddreg [dreg:$0x6];
	s13 =	simm.s32 $0x200  }
0x22: {  	[tilespmem:s13], [sflag:$0x5] =	stream.linear.gather [hbm4b:s16+s3], $0x2000, $0x38;
	[tilespmem:$0x1C200] =	vst v63  }
0x23: {  	_ =	swait.ge [sflag:s17], $0x40  }
0x24: {  	[sflag:s17] =	ssyncset.done $0x0  }
0x25: {  	[sflag:s17] =	ssyncadd.s32 $0xFFFFFFC0  }
0x26: {  	[tilespmem:s24], [sflag:$0x1] =	stream.indirect.gather [hbm4b:s4+s23], $0x80, s3, s23, $0xb8;
	[tilespmem:$0x1C200] =	vst v63  }
0x27: {  	s13 =	simm.s32 $0x0;
	s22 =	rddreg [dreg:$0x7]  }
0x28: {  	[tilespmem:s25], [sflag:$0x8] =	stream.linear.gather [hbm4b:s22+s3], $0x40, $0x38;
	[tilespmem:$0x1C200] =	vst v63  }
.LBB2_2:
0x29: {  	p0 =	seq.s32 s13, $0x0;
	s14 =	sshll.u32 s13, $0x7  }
0x2a: {  	s11 =	simm.s32 @!p0 $0x4;
	s16 =	sadd.s32 s14, s8  }
0x2b: {  	_ =	swait.ge @!p0 [sflag:s11], $0x2000;
	s16 =	sadd.s32 $0x40, s16  }
0x2c: {  	[sflag:s11] =	ssyncset.done @!p0 $0x0;
	s17 =	sshrl.u32 s16, $0x3  }
0x2d: {  	[sflag:s11] =	ssyncadd.s32 @!p0 $0xFFFFE000;
	s22 =	sadd.s32 s6, s17;
	s17 =	sshll.u32 s16, $0x4  }
0x2e: {  	[tilespmem:s26], [sflag:$0x6] =	stream.linear.gather [hbm4b:s22+s3], $0x40, $0x38;
	[tilespmem:$0x1C200] =	vst v63  }
0x2f: {  	s11 =	sadd.s32 s7, s17  }
0x30: {  	[tilespmem:s28], [sflag:$0x6] =	stream.linear.gather [hbm4b:s11+s3], $0x2000, $0x38;
	[tilespmem:$0x1C200] =	vst v63  }
0x31: {  	s22 =	sshll.u32 s13, $0x1;
	_ =	swait.ge [sflag:s29], $0x40  }
0x32: {  	p0 =	seq.s32 s13, $0x4F;
	s16 =	sadd.s32 $0x2, s22;
	[sflag:s29] =	ssyncset.done $0x0  }
0x33: {  	s11 =	sshll.u32 @!p0 s16, $0x6;
	[sflag:s29] =	ssyncadd.s32 $0xFFFFFFC0  }
0x34: {  	[tilespmem:s30], [sflag:$0x2] =	stream.indirect.gather [hbm4b:s4+s23], $0x80, s25, s23, $0xb8;
	[tilespmem:$0x1C200] =	vst v63  }
0x35: {  	s11 =	sadd.s32 @!p0 s8, s11;
	_ =	swait.ge [sflag:s31], $0x2000  }
0x36: {  	s11 =	sshrl.u32 @!p0 s11, $0x3;
	[sflag:s31] =	ssyncset.done $0x0  }
0x37: {  	s17 =	simm.s32 @!p0 $0x0;
	s11 =	sadd.s32 @!p0 s5, s11;
	[sflag:s31] =	ssyncadd.s32 $0xFFFFE000  }
0x38: {  	[tilespmem:s17], [sflag:$0x7] =	stream.linear.gather @!p0 [hbm4b:s11+s17], $0x40, $0x38;
	[tilespmem:$0x1C200] =	vst v63  }
0x39: {  	_ =	swait.ge [sflag:s0], $0x40  }
0x3a: {  	[sflag:s0] =	ssyncset.done $0x0  }
0x3b: {  	[sflag:s0] =	ssyncadd.s32 $0xFFFFFFC0  }
0x3c: {  	_ =	swait.ge [sflag:s0], $0x2000  }
0x3d: {  	[sflag:s0] =	ssyncset.done $0x0  }
0x3e: {  	s17 =	simm.s32 $0x0;
	[sflag:s0] =	ssyncadd.s32 $0xFFFFE000  }
0x3f: {  	v0 =	vld [tilespmem:s17+$0x200]  }
0x40: {  	v4 =	vld [tilespmem:s17+$0x4200]  }
0x41: {  	v6 =	vld [tilespmem:s17+$0x4210]  }
0x42: {  	v5 =	vld [tilespmem:s17+$0x4220]  }
0x43: {  	v3 =	vld [tilespmem:s17+$0x4230]  }
0x44: {  	v1 =	vld [tilespmem:s17+$0x4240]  }
0x45: {  	v2 =	vld [tilespmem:s17+$0x4250];
	v7 =	vmul.f32 v4, v0  }
0x46: {  	s11 =	simm.s32 $0x200;
	v6 =	vmul.f32 v6, v0;
	v4 =	vld [tilespmem:s17+$0x4260]  }
.LBB2_3:
0x47: {  	s22 =	sshra.s32 s11, $0x2;
	p0 =	sne.s32 s11, $0x7E00;
	[tilespmem:s17+$0x4200] =	vst v7;
	v5 =	vmul.f32 v5, v0;
	v7 =	vld [tilespmem:s17+$0x4270]  }
0x48: {  	v8 =	vld [tilespmem:s22+$0x200];
	[tilespmem:s17+$0x4210] =	vst v6;
	v3 =	vmul.f32 v3, v0  }
0x49: {  	v6 =	vld [tilespmem:s22+$0x4200];
	[tilespmem:s17+$0x4220] =	vst v5;
	v1 =	vmul.f32 v1, v0  }
0x4a: {  	v9 =	vld [tilespmem:s22+$0x4210];
	[tilespmem:s17+$0x4230] =	vst v3;
	v2 =	vmul.f32 v2, v0  }
.Ltmp0:
0x4b: {  	v5 =	vld [tilespmem:s22+$0x4220];
	[tilespmem:s17+$0x4240] =	vst v1;
	v4 =	vmul.f32 v4, v0;
	(pc) =	sbr.rel @p0 .LBB2_3-.Ltmp0, $4  }
0x4c: {  	v3 =	vld [tilespmem:s22+$0x4230];
	[tilespmem:s17+$0x4250] =	vst v2;
	v10 =	vmul.f32 v7, v0  }
0x4d: {  	v1 =	vld [tilespmem:s22+$0x4240];
	[tilespmem:s17+$0x4260] =	vst v4;
	v0 =	vmov v8  }
0x4e: {  	v7 =	vmul.f32 v6, v0;
	v2 =	vld [tilespmem:s22+$0x4250];
	[tilespmem:s17+$0x4270] =	vst v10;
	s17 =	smov.u32 s22  }
0x4f: {  	s11 =	sadd.s32 $0x200, s11;
	v6 =	vmul.f32 v9, v0;
	v4 =	vld [tilespmem:s17+$0x4260]  }
0x50: {  	[tilespmem:s17+$0x4200] =	vst v7;
	v5 =	vmul.f32 v5, v0;
	v7 =	vld [tilespmem:s17+$0x4270]  }
0x51: {  	[tilespmem:s17+$0x4210] =	vst v6;
	v3 =	vmul.f32 v3, v0  }
0x52: {  	[tilespmem:s17+$0x4220] =	vst v5;
	v1 =	vmul.f32 v1, v0  }
0x53: {  	[tilespmem:s17+$0x4230] =	vst v3;
	v2 =	vmul.f32 v2, v0  }
0x54: {  	[tilespmem:s17+$0x4240] =	vst v1;
	v1 =	vmul.f32 v4, v0  }
0x55: {  	[tilespmem:s17+$0x4250] =	vst v2;
	v0 =	vmul.f32 v7, v0  }
0x56: {  	p0 =	sne.s32 s13, $0x4F;
	[tilespmem:s17+$0x4260] =	vst v1  }
0x57: {  	s11 =	sshll.u32 @p0 s16, $0x6;
	[tilespmem:s17+$0x4270] =	vst v0  }
0x58: {  	[spmem:s2] =	stream.indirect.scatter.add.f32 [tilespmem:s24], [sflag:$0x3], $0x80, s20, s23, $0xb8;
	[tilespmem:$0x1C200] =	vst v63  }
0x59: {  	s22 =	simm.s32 @p0 $0x100;
	s11 =	sadd.s32 @p0 s8, s11;
	_ =	swait.ge [sflag:s1], $0x2000  }
0x5a: {  	s16 =	sshrl.u32 @p0 s11, $0x3;
	s11 =	sshll.u32 @p0 s11, $0x4;
	[sflag:s1] =	ssyncset.done $0x0  }
0x5b: {  	s16 =	sadd.s32 @p0 s6, s16;
	s17 =	simm.s32 @p0 $0x0;
	[sflag:s1] =	ssyncadd.s32 $0xFFFFE000  }
0x5c: {  	[tilespmem:s22], [sflag:$0x5] =	stream.linear.gather @p0 [hbm4b:s16+s17], $0x40, $0x38;
	[tilespmem:$0x1C200] =	vst v63  }
0x5d: {  	s11 =	sadd.s32 @p0 s7, s11;
	s16 =	simm.s32 @p0 $0x200  }
0x5e: {  	[tilespmem:s16], [sflag:$0x5] =	stream.linear.gather @p0 [hbm4b:s11+s17], $0x2000, $0x38;
	[tilespmem:$0x1C200] =	vst v63  }
0x5f: {  	s11 =	simm.s32 @p0 $0x7  }
0x60: {  	_ =	swait.ge @p0 [sflag:s11], $0x40  }
0x61: {  	[sflag:s11] =	ssyncset.done @p0 $0x0  }
0x62: {  	s16 =	simm.s32 @p0 $0x4200;
	[sflag:s11] =	ssyncadd.s32 @p0 $0xFFFFFFC0;
	s11 =	simm.s32 @p0 $0x40  }
0x63: {  	[tilespmem:s16], [sflag:$0x1] =	stream.indirect.gather @p0 [hbm4b:s4+s11], $0x80, s17, s11, $0xb8;
	[tilespmem:$0x1C200] =	vst v63  }
0x64: {  	s11 =	simm.s32 @p0 $0x2  }
0x65: {  	s14 =	sadd.s32 @p0 s14, s15;
	_ =	swait.ge @p0 [sflag:s11], $0x2000  }
0x66: {  	s14 =	sshrl.u32 @p0 s14, $0x3;
	[sflag:s11] =	ssyncset.done @p0 $0x0  }
0x67: {  	[sflag:s11] =	ssyncadd.s32 @p0 $0xFFFFE000;
	s11 =	sadd.s32 @p0 s5, s14;
	s14 =	simm.s32 @p0 $0x80  }
0x68: {  	[tilespmem:s14], [sflag:$0x8] =	stream.linear.gather @p0 [hbm4b:s11+s17], $0x40, $0x38;
	[tilespmem:$0x1C200] =	vst v63  }
0x69: {  	s11 =	simm.s32 @!p0 $0x2  }
0x6a: {  	_ =	swait.ge @!p0 [sflag:s11], $0x2000  }
0x6b: {  	[sflag:s11] =	ssyncset.done @!p0 $0x0  }
0x6c: {  	[sflag:s11] =	ssyncadd.s32 @!p0 $0xFFFFE000  }
0x6d: {  	_ =	swait.ge [sflag:s21], $0x40  }
0x6e: {  	[sflag:s21] =	ssyncset.done $0x0  }
0x6f: {  	[sflag:s21] =	ssyncadd.s32 $0xFFFFFFC0  }
0x70: {  	_ =	swait.ge [sflag:s21], $0x2000  }
0x71: {  	[sflag:s21] =	ssyncset.done $0x0  }
0x72: {  	s14 =	simm.s32 $0x0;
	[sflag:s21] =	ssyncadd.s32 $0xFFFFE000  }
0x73: {  	v0 =	vld [tilespmem:s14+$0x2200]  }
0x74: {  	v4 =	vld [tilespmem:s14+$0x6200]  }
0x75: {  	v6 =	vld [tilespmem:s14+$0x6210]  }
0x76: {  	v5 =	vld [tilespmem:s14+$0x6220]  }
0x77: {  	v3 =	vld [tilespmem:s14+$0x6230]  }
0x78: {  	v1 =	vld [tilespmem:s14+$0x6240]  }
0x79: {  	v2 =	vld [tilespmem:s14+$0x6250];
	v7 =	vmul.f32 v4, v0  }
0x7a: {  	s11 =	simm.s32 $0x200;
	v6 =	vmul.f32 v6, v0;
	v4 =	vld [tilespmem:s14+$0x6260]  }
.LBB2_5:
0x7b: {  	s16 =	sshra.s32 s11, $0x2;
	p0 =	sne.s32 s11, $0x7E00;
	[tilespmem:s14+$0x6200] =	vst v7;
	v5 =	vmul.f32 v5, v0;
	v7 =	vld [tilespmem:s14+$0x6270]  }
0x7c: {  	v8 =	vld [tilespmem:s16+$0x2200];
	[tilespmem:s14+$0x6210] =	vst v6;
	v3 =	vmul.f32 v3, v0  }
0x7d: {  	v6 =	vld [tilespmem:s16+$0x6200];
	[tilespmem:s14+$0x6220] =	vst v5;
	v1 =	vmul.f32 v1, v0  }
0x7e: {  	v9 =	vld [tilespmem:s16+$0x6210];
	[tilespmem:s14+$0x6230] =	vst v3;
	v2 =	vmul.f32 v2, v0  }
.Ltmp1:
0x7f: {  	v5 =	vld [tilespmem:s16+$0x6220];
	[tilespmem:s14+$0x6240] =	vst v1;
	v4 =	vmul.f32 v4, v0;
	(pc) =	sbr.rel @p0 .LBB2_5-.Ltmp1, $4  }
0x80: {  	v3 =	vld [tilespmem:s16+$0x6230];
	[tilespmem:s14+$0x6250] =	vst v2;
	v10 =	vmul.f32 v7, v0  }
0x81: {  	v1 =	vld [tilespmem:s16+$0x6240];
	[tilespmem:s14+$0x6260] =	vst v4;
	v0 =	vmov v8  }
0x82: {  	v7 =	vmul.f32 v6, v0;
	v2 =	vld [tilespmem:s16+$0x6250];
	[tilespmem:s14+$0x6270] =	vst v10;
	s14 =	smov.u32 s16  }
0x83: {  	s11 =	sadd.s32 $0x200, s11;
	v6 =	vmul.f32 v9, v0;
	v4 =	vld [tilespmem:s14+$0x6260]  }
0x84: {  	[tilespmem:s14+$0x6200] =	vst v7;
	v5 =	vmul.f32 v5, v0;
	v61 =	vld [tilespmem:s14+$0x6270]  }
0x85: {  	[tilespmem:s14+$0x6210] =	vst v6;
	v3 =	vmul.f32 v3, v0  }
0x86: {  	s13 =	sadd.s32 $0x1, s13;
	[tilespmem:s14+$0x6220] =	vst v5;
	v1 =	vmul.f32 v1, v0  }
0x87: {  	p0 =	sne.s32 s13, $0x50;
	[tilespmem:s14+$0x6230] =	vst v3;
	v2 =	vmul.f32 v2, v0  }
.Ltmp2:
0x88: {  	[tilespmem:s14+$0x6240] =	vst v1;
	v62 =	vmul.f32 v4, v0;
	(pc) =	sbr.rel @p0 .LBB2_2-.Ltmp2, $4  }
0x89: {  	[tilespmem:s14+$0x6250] =	vst v2;
	v63 =	vmul.f32 v61, v0  }
0x8a: {  	[tilespmem:s14+$0x6260] =	vst v62  }
0x8b: {  	[tilespmem:s14+$0x6270] =	vst v63  }
0x8c: {  	[spmem:s2] =	stream.indirect.scatter.add.f32 [tilespmem:s30], [sflag:$0x4], $0x80, s26, s23, $0xb8;
	[tilespmem:$0x1C200] =	vst v63  }
0x8d: {  	_ =	swait.ge [sflag:s9], $0x2000  }
0x8e: {  	[sflag:s9] =	ssyncset.done $0x0  }
0x8f: {  	[sflag:s9] =	ssyncadd.s32 $0xFFFFE000  }
0x90: {  	[bflag:$0x0] =	sbarrier.arrive $0xFFFF  }
0x91: {  	s11 =	rddreg [dreg:$0x8]  }
0x92: {  	[hbm:s11], [sflag:s10] =	dma.local [spmem:s18], $0x2800  }
0x93: {  	_ =	swait.ge [sflag:s19], $0x2800  }
0x94: {  	s12 =	sadd.s32 $0x1, s12;
	s22 =	rddreg [dreg:$0x9]  }
0x95: {  	p0 =	sne.s32 s12, s22  }
.Ltmp3:
0x96: {  	_ = 	snop;
	(pc) =	sbr.rel @p0 .LBB2_1-.Ltmp3, $3  }
0x97: {  	_ =	sdelay $0x1  }
0x98: {  	[sflag:s19] =	ssyncset.done $0x0  }
0x99: {  	[sflag:s19] =	ssyncadd.s32 $0xFFFFD800  }
0x9a: {  	_ =	sfence.sel $0x180000  }
0x9b: {  	[bflag:$0x0] =	sbarrier.arrive $0xFFFF  }
0x9c: {  	_ =	strace $0x90000050  }
0x9d: {  	s0 =	stileid.u32;
	[bflag:$0x2] =	sbarrier.arrive $0xFFFF  }
0x9e: {  	p0 =	sne.s32 s0, $0x0;
	s0 =	rddreg [dreg:$0x2]  }
0x9f: {  	s0 =	sadd.s32 @!p0 $0x100000, s0  }
0xa0: {  	[sflag:s0] =	ssyncadd.tile.s32 @!p0 $0x1;
	_ =	shalt  }
.Lfunc_end2:
_tile_overlayer_lowered:
.L_overlay_start_2:
0xa1: {  	(tag) =	ssettag $0x2  }
0xa2: {  	s0 =	rddreg [dreg:$0x0];
	s2 =	stileid.u32  }
0xa3: {  	s1 =	rddreg [dreg:$0x1];
	p0 =	sne.s32 s2, $0x0  }
0xa4: {  	s3 =	rddreg [dreg:$0x2];
	[bflag:$0x3] =	sbarrier.arrive $0xFFFF;
	s2 =	simm.s32 @!p0 $0x1C09  }
0xa5: {  	[timem:s3], [sflag:s2] =	dma.local @!p0 [hbm:s0], s1  }
0xa6: {  	s0 =	simm.s32 @!p0 $0x9  }
0xa7: {  	_ =	swait.ge @!p0 [sflag:s0], s1  }
0xa8: {  	s1 =	ssub.s32 @!p0 $0x0, s1;
	[sflag:s0] =	ssyncset.done @!p0 $0x0  }
0xa9: {  	[sflag:s0] =	ssyncadd.s32 @!p0 s1  }
0xaa: {  	[bflag:$0x3] =	sbarrier.arrive $0xFFFF  }
0xab: {  	_ =	shalt  }

</sc_bundles>
